<compile_context>
chip_gen: v7x
topology: tpu7x:2x2x1
jax: 0.10.2.dev20260603
libtpu: 0.0.44.dev20260713+nightly
codegen_flags: <defaults>
</compile_context>

<pallas_src>
import math

import jax
import jax.numpy as jnp
from jax import lax
from jax.experimental import pallas as pl
from jax.experimental.pallas import tpu as pltpu
from jax.experimental.pallas import tpu_sc as plsc

_INFO = plsc.get_sparse_core_info()
_NC = _INFO.num_cores
_NS = _INFO.num_subcores
_NW = _NC * _NS

_CHUNK = 8
_NBUF = 3


def _make_sc_kernel(B, S, V, D):
    assert S % _NW == 0
    seq_per_w = S // _NW
    chunk = _CHUNK
    nbuf = _NBUF
    assert seq_per_w % chunk == 0
    nchunk = seq_per_w // chunk
    rows_per_chunk = B * chunk
    scale = float(math.sqrt(D))
    jblocks = D // 16
    jshift = jblocks.bit_length() - 1
    scratch = (
        [pltpu.VMEM((rows_per_chunk,), jnp.int32)] * nchunk
        + [pltpu.VMEM((rows_per_chunk, D), jnp.float32)] * nbuf
        + [pltpu.VMEM((chunk, D), jnp.float32)] * nbuf
        + [pltpu.SemaphoreType.DMA] * (3 * nbuf + nchunk)
    )
    mesh = plsc.VectorSubcoreMesh(core_axis_name="c", subcore_axis_name="s")

    def body(tok_perm_hbm, table_hbm, pe_hbm, out_hbm, *bufs):
        idx_refs = bufs[:nchunk]
        bufs = bufs[nchunk:]
        rows = bufs[:nbuf]
        peb = bufs[nbuf:2 * nbuf]
        gsem = bufs[2 * nbuf:3 * nbuf]
        psem = bufs[3 * nbuf:4 * nbuf]
        osem = bufs[4 * nbuf:5 * nbuf]
        isem = bufs[5 * nbuf:5 * nbuf + nchunk]
        wid = lax.axis_index("s") * _NC + lax.axis_index("c")
        sbase0 = pl.multiple_of(wid * seq_per_w, seq_per_w)

        idx_cps = [
            pltpu.async_copy(tok_perm_hbm.at[wid, p], idx_refs[p], isem[p])
            for p in range(nchunk)
        ]

        def start_in(p):
            s = p % nbuf
            g = pltpu.async_copy(table_hbm.at[idx_refs[p]], rows[s], gsem[s])
            q = pltpu.async_copy(
                pe_hbm.at[pl.ds(pl.multiple_of(sbase0 + p * chunk, chunk),
                                chunk)],
                peb[s], psem[s])
            return g, q

        def start_out(p):
            s = p % nbuf
            return [
                pltpu.async_copy(
                    rows[s].at[pl.ds(b * chunk, chunk)],
                    out_hbm.at[pl.ds(
                        pl.multiple_of(b * S + sbase0 + p * chunk, chunk),
                        chunk)],
                    osem[s])
                for b in range(B)
            ]

        depth = nbuf - 1
        pending_in = {}
        for p in range(min(depth, nchunk)):
            idx_cps[p].wait()
            pending_in[p] = start_in(p)
        pending_out = {}
        for p in range(nchunk):
            s = p % nbuf
            g, q = pending_in.pop(p)
            g.wait()
            q.wait()

            @plsc.parallel_loop(0, chunk * jblocks, unroll=8)
            def _(i):
                r = i >> jshift
                o = pl.multiple_of((i & (jblocks - 1)) * 16, 16)
                pec = peb[s][r, pl.ds(o, 16)]
                for b in range(B):
                    rows[s][b * chunk + r, pl.ds(o, 16)] = (
                        rows[s][b * chunk + r, pl.ds(o, 16)] * scale + pec)

            pending_out[p] = start_out(p)
            nxt = p + depth
            if nxt < nchunk:
                prev = nxt - nbuf
                if prev in pending_out:
                    for cp in pending_out.pop(prev):
                        cp.wait()
                idx_cps[nxt].wait()
                pending_in[nxt] = start_in(nxt)
        for p in sorted(pending_out):
            for cp in pending_out.pop(p):
                cp.wait()

    return pl.kernel(
        body,
        out_type=jax.ShapeDtypeStruct((B * S, D), jnp.float32),
        mesh=mesh,
        scratch_types=scratch,
    )


def kernel(token_tensor, emb_table, pe):
    B, S = token_tensor.shape
    V, D = emb_table.shape
    seq_per_w = S // _NW
    nchunk = seq_per_w // _CHUNK
    tok_perm = (token_tensor.astype(jnp.int32)
                .reshape(B, _NW, nchunk, _CHUNK)
                .transpose(1, 2, 0, 3)
                .reshape(_NW, nchunk, B * _CHUNK))
    out = _make_sc_kernel(B, S, V, D)(tok_perm, emb_table, pe)
    return out.reshape(B, S, D)

# --- scband reference (transcript-rebuilt; emitter-appended) ---
"""Pipeline reference for scband-embedding-layer-45277545234972 (READ-ONLY COPY).

The authoritative reference and input builder live on the scoring server;
editing this copy changes nothing except your own understanding.
"""

import jax, jax.numpy as jnp
import numpy as np
import math

VOCAB = 100000
D_MODEL = 1024
MAX_LEN = 2048
BATCH = 4
PAD_IDX = 0


def make_sinusoidal(max_len, d):
    pe = np.zeros((max_len, d), dtype=np.float32)
    even_max = (d + 1) // 2
    odd_max = d // 2
    pos = np.arange(max_len, dtype=np.float32)[:, None]
    ne = np.arange(even_max, dtype=np.float32)[None, :]
    pe[:, 0::2] = np.sin(pos / np.power(10000.0, 2.0 * ne / d))
    no = np.arange(odd_max, dtype=np.float32)[None, :]
    pe[:, 1::2] = np.cos(pos / np.power(10000.0, 2.0 * no / d))
    return jnp.asarray(pe)


def setup_inputs(seed: int = 0) -> dict:
    key = jax.random.key(seed)
    k1, k2 = jax.random.split(key)
    token_tensor = jax.random.randint(k1, (BATCH, MAX_LEN), 0, VOCAB)
    emb_table = jax.random.normal(k2, (VOCAB, D_MODEL), dtype=jnp.float32)
    # nn.Embedding with padding_idx initializes that row to zeros
    emb_table = emb_table.at[PAD_IDX].set(0.0)
    pe = make_sinusoidal(MAX_LEN, D_MODEL)
    return {"token_tensor": token_tensor, "emb_table": emb_table, "pe": pe}


def reference(token_tensor, emb_table, pe):
    d = emb_table.shape[1]
    tok = jnp.take(emb_table, token_tensor, axis=0) * math.sqrt(d)
    out = tok + pe  # broadcast add of positional embedding [max_len, d]
    return out

if __name__ == "__main__":
    import jax
    _d = setup_inputs()
    print(jax.jit(kernel)(*tuple(_d.values())))

</pallas_src>

<mosaic_0001>
#map = affine_map<(d0, d1) -> (0, 0, 0)>
#map1 = affine_map<(d0, d1) -> (0, 0)>
module attributes {stable_mosaic.version = 14 : i64} {
  func.func @body(%arg0: i32, %arg1: i32, %arg2: memref<32x8x32xi32, #tpu.memory_space<hbm>>, %arg3: memref<100000x1024xf32, #tpu.memory_space<hbm>>, %arg4: memref<2048x1024xf32, #tpu.memory_space<hbm>>, %arg5: memref<8192x1024xf32, #tpu.memory_space<hbm>>, %arg6: memref<32xi32, #tpu.memory_space<vmem>>, %arg7: memref<32xi32, #tpu.memory_space<vmem>>, %arg8: memref<32xi32, #tpu.memory_space<vmem>>, %arg9: memref<32xi32, #tpu.memory_space<vmem>>, %arg10: memref<32xi32, #tpu.memory_space<vmem>>, %arg11: memref<32xi32, #tpu.memory_space<vmem>>, %arg12: memref<32xi32, #tpu.memory_space<vmem>>, %arg13: memref<32xi32, #tpu.memory_space<vmem>>, %arg14: memref<32x1024xf32, #tpu.memory_space<vmem>>, %arg15: memref<32x1024xf32, #tpu.memory_space<vmem>>, %arg16: memref<32x1024xf32, #tpu.memory_space<vmem>>, %arg17: memref<8x1024xf32, #tpu.memory_space<vmem>>, %arg18: memref<8x1024xf32, #tpu.memory_space<vmem>>, %arg19: memref<8x1024xf32, #tpu.memory_space<vmem>>, %arg20: memref<!tpu.dma_semaphore, #tpu.memory_space<semaphore_mem>>, %arg21: memref<!tpu.dma_semaphore, #tpu.memory_space<semaphore_mem>>, %arg22: memref<!tpu.dma_semaphore, #tpu.memory_space<semaphore_mem>>, %arg23: memref<!tpu.dma_semaphore, #tpu.memory_space<semaphore_mem>>, %arg24: memref<!tpu.dma_semaphore, #tpu.memory_space<semaphore_mem>>, %arg25: memref<!tpu.dma_semaphore, #tpu.memory_space<semaphore_mem>>, %arg26: memref<!tpu.dma_semaphore, #tpu.memory_space<semaphore_mem>>, %arg27: memref<!tpu.dma_semaphore, #tpu.memory_space<semaphore_mem>>, %arg28: memref<!tpu.dma_semaphore, #tpu.memory_space<semaphore_mem>>, %arg29: memref<!tpu.dma_semaphore, #tpu.memory_space<semaphore_mem>>, %arg30: memref<!tpu.dma_semaphore, #tpu.memory_space<semaphore_mem>>, %arg31: memref<!tpu.dma_semaphore, #tpu.memory_space<semaphore_mem>>, %arg32: memref<!tpu.dma_semaphore, #tpu.memory_space<semaphore_mem>>, %arg33: memref<!tpu.dma_semaphore, #tpu.memory_space<semaphore_mem>>, %arg34: memref<!tpu.dma_semaphore, #tpu.memory_space<semaphore_mem>>, %arg35: memref<!tpu.dma_semaphore, #tpu.memory_space<semaphore_mem>>, %arg36: memref<!tpu.dma_semaphore, #tpu.memory_space<semaphore_mem>>) attributes {dimension_semantics = [#tpu.dimension_semantics<core_parallel>, #tpu.dimension_semantics<subcore_parallel>], iteration_bounds = array<i64: 2, 16>, scalar_prefetch = 0 : i64, scratch_operands = 31 : i64, tpu.core_type = #tpu.core_type<sc_vector_subcore>, window_params = [{transform_indices = #map}, {transform_indices = #map1}, {transform_indices = #map1}, {transform_indices = #map1}]} {
    %mul3A = arith.constant 2 : i32
    %mul3A_0 = arith.muli %arg1, %mul3A : i32
    %add3A = arith.addi %mul3A_0, %arg0 : i32
    %mul3A_1 = arith.constant 64 : i32
    %mul3A_2 = arith.muli %add3A, %mul3A_1 : i32
    %multiple_of3A = tpu.assume_multiple %mul3A_2, 64 : i32
    %dma_start3A = arith.constant 0 : i32
    %dma_start3A_3 = arith.constant 0 : i32
    %dma_start3A_4 = tpu.memref_slice %arg2[%add3A, %dma_start3A, %dma_start3A_3] : memref<32x8x32xi32, #tpu.memory_space<hbm>> -> memref<1x1x32xi32, #tpu.memory_space<hbm>>
    %dma_start3A_5 = tpu.memref_squeeze %dma_start3A_4 : memref<1x1x32xi32, #tpu.memory_space<hbm>> -> memref<32xi32, #tpu.memory_space<hbm>>
    %dma_start3A_6 = arith.constant 0 : i32
    %dma_start3A_7 = tpu.memref_slice %arg2[%add3A, %dma_start3A, %dma_start3A_6] : memref<32x8x32xi32, #tpu.memory_space<hbm>> -> memref<1x1x32xi32, #tpu.memory_space<hbm>>
    %dma_start3A_8 = tpu.memref_squeeze %dma_start3A_7 : memref<1x1x32xi32, #tpu.memory_space<hbm>> -> memref<32xi32, #tpu.memory_space<hbm>>
    tpu.enqueue_dma source(%dma_start3A_8 : memref<32xi32, #tpu.memory_space<hbm>>) target(%arg6 : memref<32xi32, #tpu.memory_space<vmem>>) target_semaphore(%arg29 : memref<!tpu.dma_semaphore, #tpu.memory_space<semaphore_mem>>)
    %dma_start3A_9 = arith.constant 1 : i32
    %dma_start3A_10 = arith.constant 0 : i32
    %dma_start3A_11 = tpu.memref_slice %arg2[%add3A, %dma_start3A_9, %dma_start3A_10] : memref<32x8x32xi32, #tpu.memory_space<hbm>> -> memref<1x1x32xi32, #tpu.memory_space<hbm>>
    %dma_start3A_12 = tpu.memref_squeeze %dma_start3A_11 : memref<1x1x32xi32, #tpu.memory_space<hbm>> -> memref<32xi32, #tpu.memory_space<hbm>>
    %dma_start3A_13 = arith.constant 0 : i32
    %dma_start3A_14 = tpu.memref_slice %arg2[%add3A, %dma_start3A_9, %dma_start3A_13] : memref<32x8x32xi32, #tpu.memory_space<hbm>> -> memref<1x1x32xi32, #tpu.memory_space<hbm>>
    %dma_start3A_15 = tpu.memref_squeeze %dma_start3A_14 : memref<1x1x32xi32, #tpu.memory_space<hbm>> -> memref<32xi32, #tpu.memory_space<hbm>>
    tpu.enqueue_dma source(%dma_start3A_15 : memref<32xi32, #tpu.memory_space<hbm>>) target(%arg7 : memref<32xi32, #tpu.memory_space<vmem>>) target_semaphore(%arg30 : memref<!tpu.dma_semaphore, #tpu.memory_space<semaphore_mem>>)
    %dma_start3A_16 = arith.constant 2 : i32
    %dma_start3A_17 = arith.constant 0 : i32
    %dma_start3A_18 = tpu.memref_slice %arg2[%add3A, %dma_start3A_16, %dma_start3A_17] : memref<32x8x32xi32, #tpu.memory_space<hbm>> -> memref<1x1x32xi32, #tpu.memory_space<hbm>>
    %dma_start3A_19 = tpu.memref_squeeze %dma_start3A_18 : memref<1x1x32xi32, #tpu.memory_space<hbm>> -> memref<32xi32, #tpu.memory_space<hbm>>
    %dma_start3A_20 = arith.constant 0 : i32
    %dma_start3A_21 = tpu.memref_slice %arg2[%add3A, %dma_start3A_16, %dma_start3A_20] : memref<32x8x32xi32, #tpu.memory_space<hbm>> -> memref<1x1x32xi32, #tpu.memory_space<hbm>>
    %dma_start3A_22 = tpu.memref_squeeze %dma_start3A_21 : memref<1x1x32xi32, #tpu.memory_space<hbm>> -> memref<32xi32, #tpu.memory_space<hbm>>
    tpu.enqueue_dma source(%dma_start3A_22 : memref<32xi32, #tpu.memory_space<hbm>>) target(%arg8 : memref<32xi32, #tpu.memory_space<vmem>>) target_semaphore(%arg31 : memref<!tpu.dma_semaphore, #tpu.memory_space<semaphore_mem>>)
    %dma_start3A_23 = arith.constant 3 : i32
    %dma_start3A_24 = arith.constant 0 : i32
    %dma_start3A_25 = tpu.memref_slice %arg2[%add3A, %dma_start3A_23, %dma_start3A_24] : memref<32x8x32xi32, #tpu.memory_space<hbm>> -> memref<1x1x32xi32, #tpu.memory_space<hbm>>
    %dma_start3A_26 = tpu.memref_squeeze %dma_start3A_25 : memref<1x1x32xi32, #tpu.memory_space<hbm>> -> memref<32xi32, #tpu.memory_space<hbm>>
    %dma_start3A_27 = arith.constant 0 : i32
    %dma_start3A_28 = tpu.memref_slice %arg2[%add3A, %dma_start3A_23, %dma_start3A_27] : memref<32x8x32xi32, #tpu.memory_space<hbm>> -> memref<1x1x32xi32, #tpu.memory_space<hbm>>
    %dma_start3A_29 = tpu.memref_squeeze %dma_start3A_28 : memref<1x1x32xi32, #tpu.memory_space<hbm>> -> memref<32xi32, #tpu.memory_space<hbm>>
    tpu.enqueue_dma source(%dma_start3A_29 : memref<32xi32, #tpu.memory_space<hbm>>) target(%arg9 : memref<32xi32, #tpu.memory_space<vmem>>) target_semaphore(%arg32 : memref<!tpu.dma_semaphore, #tpu.memory_space<semaphore_mem>>)
    %dma_start3A_30 = arith.constant 4 : i32
    %dma_start3A_31 = arith.constant 0 : i32
    %dma_start3A_32 = tpu.memref_slice %arg2[%add3A, %dma_start3A_30, %dma_start3A_31] : memref<32x8x32xi32, #tpu.memory_space<hbm>> -> memref<1x1x32xi32, #tpu.memory_space<hbm>>
    %dma_start3A_33 = tpu.memref_squeeze %dma_start3A_32 : memref<1x1x32xi32, #tpu.memory_space<hbm>> -> memref<32xi32, #tpu.memory_space<hbm>>
    %dma_start3A_34 = arith.constant 0 : i32
    %dma_start3A_35 = tpu.memref_slice %arg2[%add3A, %dma_start3A_30, %dma_start3A_34] : memref<32x8x32xi32, #tpu.memory_space<hbm>> -> memref<1x1x32xi32, #tpu.memory_space<hbm>>
    %dma_start3A_36 = tpu.memref_squeeze %dma_start3A_35 : memref<1x1x32xi32, #tpu.memory_space<hbm>> -> memref<32xi32, #tpu.memory_space<hbm>>
    tpu.enqueue_dma source(%dma_start3A_36 : memref<32xi32, #tpu.memory_space<hbm>>) target(%arg10 : memref<32xi32, #tpu.memory_space<vmem>>) target_semaphore(%arg33 : memref<!tpu.dma_semaphore, #tpu.memory_space<semaphore_mem>>)
    %dma_start3A_37 = arith.constant 5 : i32
    %dma_start3A_38 = arith.constant 0 : i32
    %dma_start3A_39 = tpu.memref_slice %arg2[%add3A, %dma_start3A_37, %dma_start3A_38] : memref<32x8x32xi32, #tpu.memory_space<hbm>> -> memref<1x1x32xi32, #tpu.memory_space<hbm>>
    %dma_start3A_40 = tpu.memref_squeeze %dma_start3A_39 : memref<1x1x32xi32, #tpu.memory_space<hbm>> -> memref<32xi32, #tpu.memory_space<hbm>>
    %dma_start3A_41 = arith.constant 0 : i32
    %dma_start3A_42 = tpu.memref_slice %arg2[%add3A, %dma_start3A_37, %dma_start3A_41] : memref<32x8x32xi32, #tpu.memory_space<hbm>> -> memref<1x1x32xi32, #tpu.memory_space<hbm>>
    %dma_start3A_43 = tpu.memref_squeeze %dma_start3A_42 : memref<1x1x32xi32, #tpu.memory_space<hbm>> -> memref<32xi32, #tpu.memory_space<hbm>>
    tpu.enqueue_dma source(%dma_start3A_43 : memref<32xi32, #tpu.memory_space<hbm>>) target(%arg11 : memref<32xi32, #tpu.memory_space<vmem>>) target_semaphore(%arg34 : memref<!tpu.dma_semaphore, #tpu.memory_space<semaphore_mem>>)
    %dma_start3A_44 = arith.constant 6 : i32
    %dma_start3A_45 = arith.constant 0 : i32
    %dma_start3A_46 = tpu.memref_slice %arg2[%add3A, %dma_start3A_44, %dma_start3A_45] : memref<32x8x32xi32, #tpu.memory_space<hbm>> -> memref<1x1x32xi32, #tpu.memory_space<hbm>>
    %dma_start3A_47 = tpu.memref_squeeze %dma_start3A_46 : memref<1x1x32xi32, #tpu.memory_space<hbm>> -> memref<32xi32, #tpu.memory_space<hbm>>
    %dma_start3A_48 = arith.constant 0 : i32
    %dma_start3A_49 = tpu.memref_slice %arg2[%add3A, %dma_start3A_44, %dma_start3A_48] : memref<32x8x32xi32, #tpu.memory_space<hbm>> -> memref<1x1x32xi32, #tpu.memory_space<hbm>>
    %dma_start3A_50 = tpu.memref_squeeze %dma_start3A_49 : memref<1x1x32xi32, #tpu.memory_space<hbm>> -> memref<32xi32, #tpu.memory_space<hbm>>
    tpu.enqueue_dma source(%dma_start3A_50 : memref<32xi32, #tpu.memory_space<hbm>>) target(%arg12 : memref<32xi32, #tpu.memory_space<vmem>>) target_semaphore(%arg35 : memref<!tpu.dma_semaphore, #tpu.memory_space<semaphore_mem>>)
    %dma_start3A_51 = arith.constant 7 : i32
    %dma_start3A_52 = arith.constant 0 : i32
    %dma_start3A_53 = tpu.memref_slice %arg2[%add3A, %dma_start3A_51, %dma_start3A_52] : memref<32x8x32xi32, #tpu.memory_space<hbm>> -> memref<1x1x32xi32, #tpu.memory_space<hbm>>
    %dma_start3A_54 = tpu.memref_squeeze %dma_start3A_53 : memref<1x1x32xi32, #tpu.memory_space<hbm>> -> memref<32xi32, #tpu.memory_space<hbm>>
    %dma_start3A_55 = arith.constant 0 : i32
    %dma_start3A_56 = tpu.memref_slice %arg2[%add3A, %dma_start3A_51, %dma_start3A_55] : memref<32x8x32xi32, #tpu.memory_space<hbm>> -> memref<1x1x32xi32, #tpu.memory_space<hbm>>
    %dma_start3A_57 = tpu.memref_squeeze %dma_start3A_56 : memref<1x1x32xi32, #tpu.memory_space<hbm>> -> memref<32xi32, #tpu.memory_space<hbm>>
    tpu.enqueue_dma source(%dma_start3A_57 : memref<32xi32, #tpu.memory_space<hbm>>) target(%arg13 : memref<32xi32, #tpu.memory_space<vmem>>) target_semaphore(%arg36 : memref<!tpu.dma_semaphore, #tpu.memory_space<semaphore_mem>>)
    %dma_wait3A = arith.constant 0 : i32
    %dma_wait3A_58 = arith.constant 0 : i32
    %dma_wait3A_59 = tpu.memref_slice %arg2[%add3A, %dma_wait3A, %dma_wait3A_58] : memref<32x8x32xi32, #tpu.memory_space<hbm>> -> memref<1x1x32xi32, #tpu.memory_space<hbm>>
    %dma_wait3A_60 = tpu.memref_squeeze %dma_wait3A_59 : memref<1x1x32xi32, #tpu.memory_space<hbm>> -> memref<32xi32, #tpu.memory_space<hbm>>
    %dma_wait3A_61 = arith.constant 0 : i32
    %dma_wait3A_62 = tpu.memref_slice %arg2[%add3A, %dma_wait3A, %dma_wait3A_61] : memref<32x8x32xi32, #tpu.memory_space<hbm>> -> memref<1x1x32xi32, #tpu.memory_space<hbm>>
    %dma_wait3A_63 = tpu.memref_squeeze %dma_wait3A_62 : memref<1x1x32xi32, #tpu.memory_space<hbm>> -> memref<32xi32, #tpu.memory_space<hbm>>
    tpu.wait_dma2 semaphore(%arg29 : memref<!tpu.dma_semaphore, #tpu.memory_space<semaphore_mem>>) src(%dma_wait3A_63 : memref<32xi32, #tpu.memory_space<hbm>>) dst(%arg6 : memref<32xi32, #tpu.memory_space<vmem>>)
    %dma_start3A_64 = arith.constant 0 : i32
    %dma_start3A_65 = arith.constant 0 : i32
    %dma_start3A_66 = tpu.memref_slice %arg3[%dma_start3A_64, %dma_start3A_65] : memref<100000x1024xf32, #tpu.memory_space<hbm>> -> memref<100000x1024xf32, #tpu.memory_space<hbm>>
    tpu.enqueue_indirect_dma source(%dma_start3A_66 : memref<100000x1024xf32, #tpu.memory_space<hbm>>) target(%arg14 : memref<32x1024xf32, #tpu.memory_space<vmem>>) offsets(%arg6 : memref<32xi32, #tpu.memory_space<vmem>>) semaphore(%arg20 : memref<!tpu.dma_semaphore, #tpu.memory_space<semaphore_mem>>)
    %add3A_67 = arith.constant 0 : i32
    %add3A_68 = arith.addi %multiple_of3A, %add3A_67 : i32
    %multiple_of3A_69 = tpu.assume_multiple %add3A_68, 8 : i32
    %dma_start3A_70 = arith.constant 0 : i32
    %dma_start3A_71 = tpu.memref_slice %arg4[%multiple_of3A_69, %dma_start3A_70] : memref<2048x1024xf32, #tpu.memory_space<hbm>> -> memref<8x1024xf32, #tpu.memory_space<hbm>>
    %dma_start3A_72 = arith.constant 0 : i32
    %dma_start3A_73 = tpu.memref_slice %arg4[%multiple_of3A_69, %dma_start3A_72] : memref<2048x1024xf32, #tpu.memory_space<hbm>> -> memref<8x1024xf32, #tpu.memory_space<hbm>>
    tpu.enqueue_dma source(%dma_start3A_73 : memref<8x1024xf32, #tpu.memory_space<hbm>>) target(%arg17 : memref<8x1024xf32, #tpu.memory_space<vmem>>) target_semaphore(%arg23 : memref<!tpu.dma_semaphore, #tpu.memory_space<semaphore_mem>>)
    %dma_wait3A_74 = arith.constant 1 : i32
    %dma_wait3A_75 = arith.constant 0 : i32
    %dma_wait3A_76 = tpu.memref_slice %arg2[%add3A, %dma_wait3A_74, %dma_wait3A_75] : memref<32x8x32xi32, #tpu.memory_space<hbm>> -> memref<1x1x32xi32, #tpu.memory_space<hbm>>
    %dma_wait3A_77 = tpu.memref_squeeze %dma_wait3A_76 : memref<1x1x32xi32, #tpu.memory_space<hbm>> -> memref<32xi32, #tpu.memory_space<hbm>>
    %dma_wait3A_78 = arith.constant 0 : i32
    %dma_wait3A_79 = tpu.memref_slice %arg2[%add3A, %dma_wait3A_74, %dma_wait3A_78] : memref<32x8x32xi32, #tpu.memory_space<hbm>> -> memref<1x1x32xi32, #tpu.memory_space<hbm>>
    %dma_wait3A_80 = tpu.memref_squeeze %dma_wait3A_79 : memref<1x1x32xi32, #tpu.memory_space<hbm>> -> memref<32xi32, #tpu.memory_space<hbm>>
    tpu.wait_dma2 semaphore(%arg30 : memref<!tpu.dma_semaphore, #tpu.memory_space<semaphore_mem>>) src(%dma_wait3A_80 : memref<32xi32, #tpu.memory_space<hbm>>) dst(%arg7 : memref<32xi32, #tpu.memory_space<vmem>>)
    %dma_start3A_81 = arith.constant 0 : i32
    %dma_start3A_82 = arith.constant 0 : i32
    %dma_start3A_83 = tpu.memref_slice %arg3[%dma_start3A_81, %dma_start3A_82] : memref<100000x1024xf32, #tpu.memory_space<hbm>> -> memref<100000x1024xf32, #tpu.memory_space<hbm>>
    tpu.enqueue_indirect_dma source(%dma_start3A_83 : memref<100000x1024xf32, #tpu.memory_space<hbm>>) target(%arg15 : memref<32x1024xf32, #tpu.memory_space<vmem>>) offsets(%arg7 : memref<32xi32, #tpu.memory_space<vmem>>) semaphore(%arg21 : memref<!tpu.dma_semaphore, #tpu.memory_space<semaphore_mem>>)
    %add3A_84 = arith.constant 8 : i32
    %add3A_85 = arith.addi %multiple_of3A, %add3A_84 : i32
    %multiple_of3A_86 = tpu.assume_multiple %add3A_85, 8 : i32
    %dma_start3A_87 = arith.constant 0 : i32
    %dma_start3A_88 = tpu.memref_slice %arg4[%multiple_of3A_86, %dma_start3A_87] : memref<2048x1024xf32, #tpu.memory_space<hbm>> -> memref<8x1024xf32, #tpu.memory_space<hbm>>
    %dma_start3A_89 = arith.constant 0 : i32
    %dma_start3A_90 = tpu.memref_slice %arg4[%multiple_of3A_86, %dma_start3A_89] : memref<2048x1024xf32, #tpu.memory_space<hbm>> -> memref<8x1024xf32, #tpu.memory_space<hbm>>
    tpu.enqueue_dma source(%dma_start3A_90 : memref<8x1024xf32, #tpu.memory_space<hbm>>) target(%arg18 : memref<8x1024xf32, #tpu.memory_space<vmem>>) target_semaphore(%arg24 : memref<!tpu.dma_semaphore, #tpu.memory_space<semaphore_mem>>)
    %dma_wait3A_91 = arith.constant 0 : i32
    %dma_wait3A_92 = arith.constant 0 : i32
    %dma_wait3A_93 = tpu.memref_slice %arg3[%dma_wait3A_91, %dma_wait3A_92] : memref<100000x1024xf32, #tpu.memory_space<hbm>> -> memref<100000x1024xf32, #tpu.memory_space<hbm>>
    tpu.wait_indirect_dma semaphore(%arg20 : memref<!tpu.dma_semaphore, #tpu.memory_space<semaphore_mem>>) src(%dma_wait3A_93 : memref<100000x1024xf32, #tpu.memory_space<hbm>>) dst(%arg14 : memref<32x1024xf32, #tpu.memory_space<vmem>>)
    %dma_wait3A_94 = arith.constant 0 : i32
    %dma_wait3A_95 = tpu.memref_slice %arg4[%multiple_of3A_69, %dma_wait3A_94] : memref<2048x1024xf32, #tpu.memory_space<hbm>> -> memref<8x1024xf32, #tpu.memory_space<hbm>>
    %dma_wait3A_96 = arith.constant 0 : i32
    %dma_wait3A_97 = tpu.memref_slice %arg4[%multiple_of3A_69, %dma_wait3A_96] : memref<2048x1024xf32, #tpu.memory_space<hbm>> -> memref<8x1024xf32, #tpu.memory_space<hbm>>
    tpu.wait_dma2 semaphore(%arg23 : memref<!tpu.dma_semaphore, #tpu.memory_space<semaphore_mem>>) src(%dma_wait3A_97 : memref<8x1024xf32, #tpu.memory_space<hbm>>) dst(%arg17 : memref<8x1024xf32, #tpu.memory_space<vmem>>)
    %parallel_loop3A = arith.constant 0 : i32
    %parallel_loop3A_98 = arith.constant 512 : i32
    %parallel_loop3A_99 = arith.constant 1 : i32
    scf.for %parallel_loop3A_1072 = %parallel_loop3A to %parallel_loop3A_98 step %parallel_loop3A_99  : i32 {
      %parallel_loop3A_1073 = arith.constant 6 : i32
      %parallel_loop3A_1074 = arith.shrsi %parallel_loop3A_1072, %parallel_loop3A_1073 : i32
      %parallel_loop3A_1075 = arith.constant 63 : i32
      %parallel_loop3A_1076 = arith.andi %parallel_loop3A_1072, %parallel_loop3A_1075 : i32
      %parallel_loop3A_1077 = arith.constant 16 : i32
      %parallel_loop3A_1078 = arith.muli %parallel_loop3A_1076, %parallel_loop3A_1077 : i32
      %parallel_loop3A_1079 = tpu.assume_multiple %parallel_loop3A_1078, 16 : i32
      %parallel_loop3A_1080 = arith.index_cast %parallel_loop3A_1074 : i32 to index
      %parallel_loop3A_1081 = arith.index_cast %parallel_loop3A_1079 : i32 to index
      %parallel_loop3A_1082 = tpu.vector_load %arg17[%parallel_loop3A_1080, %parallel_loop3A_1081] {strides = array<i32>} : memref<8x1024xf32, #tpu.memory_space<vmem>>, vector<1x16xf32>,
      %parallel_loop3A_1083 = vector.shape_cast %parallel_loop3A_1082 : vector<1x16xf32> to vector<16xf32>
      %parallel_loop3A_1084 = arith.constant 0 : i32
      %parallel_loop3A_1085 = arith.addi %parallel_loop3A_1084, %parallel_loop3A_1074 : i32
      %parallel_loop3A_1086 = arith.index_cast %parallel_loop3A_1085 : i32 to index
      %parallel_loop3A_1087 = arith.index_cast %parallel_loop3A_1079 : i32 to index
      %parallel_loop3A_1088 = tpu.vector_load %arg14[%parallel_loop3A_1086, %parallel_loop3A_1087] {strides = array<i32>} : memref<32x1024xf32, #tpu.memory_space<vmem>>, vector<1x16xf32>,
      %parallel_loop3A_1089 = vector.shape_cast %parallel_loop3A_1088 : vector<1x16xf32> to vector<16xf32>
      %parallel_loop3A_1090 = arith.constant 3.200000e+01 : f32
      %parallel_loop3A_1091 = vector.broadcast %parallel_loop3A_1090 : f32 to vector<16xf32>
      %parallel_loop3A_1092 = arith.mulf %parallel_loop3A_1089, %parallel_loop3A_1091 : vector<16xf32>
      %parallel_loop3A_1093 = arith.addf %parallel_loop3A_1092, %parallel_loop3A_1083 : vector<16xf32>
      %parallel_loop3A_1094 = arith.constant 0 : i32
      %parallel_loop3A_1095 = arith.addi %parallel_loop3A_1094, %parallel_loop3A_1074 : i32
      %parallel_loop3A_1096 = arith.index_cast %parallel_loop3A_1095 : i32 to index
      %parallel_loop3A_1097 = arith.index_cast %parallel_loop3A_1079 : i32 to index
      %parallel_loop3A_1098 = tpu.vector_load %arg14[%parallel_loop3A_1096, %parallel_loop3A_1097] {strides = array<i32>} : memref<32x1024xf32, #tpu.memory_space<vmem>>, vector<1x16xf32>,
      %parallel_loop3A_1099 = vector.shape_cast %parallel_loop3A_1098 : vector<1x16xf32> to vector<16xf32>
      %parallel_loop3A_1100 = vector.shape_cast %parallel_loop3A_1093 : vector<16xf32> to vector<1x16xf32>
      tpu.vector_store %arg14[%parallel_loop3A_1096, %parallel_loop3A_1097], %parallel_loop3A_1100 {strides = array<i32>} : memref<32x1024xf32, #tpu.memory_space<vmem>>, vector<1x16xf32>,
      %parallel_loop3A_1101 = arith.constant 8 : i32
      %parallel_loop3A_1102 = arith.addi %parallel_loop3A_1101, %parallel_loop3A_1074 : i32
      %parallel_loop3A_1103 = arith.index_cast %parallel_loop3A_1102 : i32 to index
      %parallel_loop3A_1104 = arith.index_cast %parallel_loop3A_1079 : i32 to index
      %parallel_loop3A_1105 = tpu.vector_load %arg14[%parallel_loop3A_1103, %parallel_loop3A_1104] {strides = array<i32>} : memref<32x1024xf32, #tpu.memory_space<vmem>>, vector<1x16xf32>,
      %parallel_loop3A_1106 = vector.shape_cast %parallel_loop3A_1105 : vector<1x16xf32> to vector<16xf32>
      %parallel_loop3A_1107 = arith.constant 3.200000e+01 : f32
      %parallel_loop3A_1108 = vector.broadcast %parallel_loop3A_1107 : f32 to vector<16xf32>
      %parallel_loop3A_1109 = arith.mulf %parallel_loop3A_1106, %parallel_loop3A_1108 : vector<16xf32>
      %parallel_loop3A_1110 = arith.addf %parallel_loop3A_1109, %parallel_loop3A_1083 : vector<16xf32>
      %parallel_loop3A_1111 = arith.constant 8 : i32
      %parallel_loop3A_1112 = arith.addi %parallel_loop3A_1111, %parallel_loop3A_1074 : i32
      %parallel_loop3A_1113 = arith.index_cast %parallel_loop3A_1112 : i32 to index
      %parallel_loop3A_1114 = arith.index_cast %parallel_loop3A_1079 : i32 to index
      %parallel_loop3A_1115 = tpu.vector_load %arg14[%parallel_loop3A_1113, %parallel_loop3A_1114] {strides = array<i32>} : memref<32x1024xf32, #tpu.memory_space<vmem>>, vector<1x16xf32>,
      %parallel_loop3A_1116 = vector.shape_cast %parallel_loop3A_1115 : vector<1x16xf32> to vector<16xf32>
      %parallel_loop3A_1117 = vector.shape_cast %parallel_loop3A_1110 : vector<16xf32> to vector<1x16xf32>
      tpu.vector_store %arg14[%parallel_loop3A_1113, %parallel_loop3A_1114], %parallel_loop3A_1117 {strides = array<i32>} : memref<32x1024xf32, #tpu.memory_space<vmem>>, vector<1x16xf32>,
      %parallel_loop3A_1118 = arith.constant 16 : i32
      %parallel_loop3A_1119 = arith.addi %parallel_loop3A_1118, %parallel_loop3A_1074 : i32
      %parallel_loop3A_1120 = arith.index_cast %parallel_loop3A_1119 : i32 to index
      %parallel_loop3A_1121 = arith.index_cast %parallel_loop3A_1079 : i32 to index
      %parallel_loop3A_1122 = tpu.vector_load %arg14[%parallel_loop3A_1120, %parallel_loop3A_1121] {strides = array<i32>} : memref<32x1024xf32, #tpu.memory_space<vmem>>, vector<1x16xf32>,
      %parallel_loop3A_1123 = vector.shape_cast %parallel_loop3A_1122 : vector<1x16xf32> to vector<16xf32>
      %parallel_loop3A_1124 = arith.constant 3.200000e+01 : f32
      %parallel_loop3A_1125 = vector.broadcast %parallel_loop3A_1124 : f32 to vector<16xf32>
      %parallel_loop3A_1126 = arith.mulf %parallel_loop3A_1123, %parallel_loop3A_1125 : vector<16xf32>
      %parallel_loop3A_1127 = arith.addf %parallel_loop3A_1126, %parallel_loop3A_1083 : vector<16xf32>
      %parallel_loop3A_1128 = arith.constant 16 : i32
      %parallel_loop3A_1129 = arith.addi %parallel_loop3A_1128, %parallel_loop3A_1074 : i32
      %parallel_loop3A_1130 = arith.index_cast %parallel_loop3A_1129 : i32 to index
      %parallel_loop3A_1131 = arith.index_cast %parallel_loop3A_1079 : i32 to index
      %parallel_loop3A_1132 = tpu.vector_load %arg14[%parallel_loop3A_1130, %parallel_loop3A_1131] {strides = array<i32>} : memref<32x1024xf32, #tpu.memory_space<vmem>>, vector<1x16xf32>,
      %parallel_loop3A_1133 = vector.shape_cast %parallel_loop3A_1132 : vector<1x16xf32> to vector<16xf32>
      %parallel_loop3A_1134 = vector.shape_cast %parallel_loop3A_1127 : vector<16xf32> to vector<1x16xf32>
      tpu.vector_store %arg14[%parallel_loop3A_1130, %parallel_loop3A_1131], %parallel_loop3A_1134 {strides = array<i32>} : memref<32x1024xf32, #tpu.memory_space<vmem>>, vector<1x16xf32>,
      %parallel_loop3A_1135 = arith.constant 24 : i32
      %parallel_loop3A_1136 = arith.addi %parallel_loop3A_1135, %parallel_loop3A_1074 : i32
      %parallel_loop3A_1137 = arith.index_cast %parallel_loop3A_1136 : i32 to index
      %parallel_loop3A_1138 = arith.index_cast %parallel_loop3A_1079 : i32 to index
      %parallel_loop3A_1139 = tpu.vector_load %arg14[%parallel_loop3A_1137, %parallel_loop3A_1138] {strides = array<i32>} : memref<32x1024xf32, #tpu.memory_space<vmem>>, vector<1x16xf32>,
      %parallel_loop3A_1140 = vector.shape_cast %parallel_loop3A_1139 : vector<1x16xf32> to vector<16xf32>
      %parallel_loop3A_1141 = arith.constant 3.200000e+01 : f32
      %parallel_loop3A_1142 = vector.broadcast %parallel_loop3A_1141 : f32 to vector<16xf32>
      %parallel_loop3A_1143 = arith.mulf %parallel_loop3A_1140, %parallel_loop3A_1142 : vector<16xf32>
      %parallel_loop3A_1144 = arith.addf %parallel_loop3A_1143, %parallel_loop3A_1083 : vector<16xf32>
      %parallel_loop3A_1145 = arith.constant 24 : i32
      %parallel_loop3A_1146 = arith.addi %parallel_loop3A_1145, %parallel_loop3A_1074 : i32
      %parallel_loop3A_1147 = arith.index_cast %parallel_loop3A_1146 : i32 to index
      %parallel_loop3A_1148 = arith.index_cast %parallel_loop3A_1079 : i32 to index
      %parallel_loop3A_1149 = tpu.vector_load %arg14[%parallel_loop3A_1147, %parallel_loop3A_1148] {strides = array<i32>} : memref<32x1024xf32, #tpu.memory_space<vmem>>, vector<1x16xf32>,
      %parallel_loop3A_1150 = vector.shape_cast %parallel_loop3A_1149 : vector<1x16xf32> to vector<16xf32>
      %parallel_loop3A_1151 = vector.shape_cast %parallel_loop3A_1144 : vector<16xf32> to vector<1x16xf32>
      tpu.vector_store %arg14[%parallel_loop3A_1147, %parallel_loop3A_1148], %parallel_loop3A_1151 {strides = array<i32>} : memref<32x1024xf32, #tpu.memory_space<vmem>>, vector<1x16xf32>,
    } {sc.loop_unroll_factor = 8 : i64, sc.parallel_access}
    %add3A_100 = arith.constant 0 : i32
    %add3A_101 = arith.addi %add3A_100, %multiple_of3A : i32
    %add3A_102 = arith.constant 0 : i32
    %add3A_103 = arith.addi %add3A_101, %add3A_102 : i32
    %multiple_of3A_104 = tpu.assume_multiple %add3A_103, 8 : i32
    %dma_start3A_105 = arith.constant 0 : i32
    %dma_start3A_106 = arith.constant 0 : i32
    %dma_start3A_107 = tpu.memref_slice %arg14[%dma_start3A_105, %dma_start3A_106] : memref<32x1024xf32, #tpu.memory_space<vmem>> -> memref<8x1024xf32, #tpu.memory_space<vmem>>
    %dma_start3A_108 = arith.constant 0 : i32
    %dma_start3A_109 = tpu.memref_slice %arg5[%multiple_of3A_104, %dma_start3A_108] : memref<8192x1024xf32, #tpu.memory_space<hbm>> -> memref<8x1024xf32, #tpu.memory_space<hbm>>
    %dma_start3A_110 = arith.constant 0 : i32
    %dma_start3A_111 = tpu.memref_slice %arg5[%multiple_of3A_104, %dma_start3A_110] : memref<8192x1024xf32, #tpu.memory_space<hbm>> -> memref<8x1024xf32, #tpu.memory_space<hbm>>
    %dma_start3A_112 = arith.constant 0 : i32
    %dma_start3A_113 = arith.constant 0 : i32
    %dma_start3A_114 = tpu.memref_slice %arg14[%dma_start3A_112, %dma_start3A_113] : memref<32x1024xf32, #tpu.memory_space<vmem>> -> memref<8x1024xf32, #tpu.memory_space<vmem>>
    tpu.enqueue_dma source(%dma_start3A_114 : memref<8x1024xf32, #tpu.memory_space<vmem>>) target(%dma_start3A_111 : memref<8x1024xf32, #tpu.memory_space<hbm>>) target_semaphore(%arg26 : memref<!tpu.dma_semaphore, #tpu.memory_space<semaphore_mem>>)
    %add3A_115 = arith.constant 2048 : i32
    %add3A_116 = arith.addi %add3A_115, %multiple_of3A : i32
    %add3A_117 = arith.constant 0 : i32
    %add3A_118 = arith.addi %add3A_116, %add3A_117 : i32
    %multiple_of3A_119 = tpu.assume_multiple %add3A_118, 8 : i32
    %dma_start3A_120 = arith.constant 8 : i32
    %dma_start3A_121 = arith.constant 0 : i32
    %dma_start3A_122 = tpu.memref_slice %arg14[%dma_start3A_120, %dma_start3A_121] : memref<32x1024xf32, #tpu.memory_space<vmem>> -> memref<8x1024xf32, #tpu.memory_space<vmem>>
    %dma_start3A_123 = arith.constant 0 : i32
    %dma_start3A_124 = tpu.memref_slice %arg5[%multiple_of3A_119, %dma_start3A_123] : memref<8192x1024xf32, #tpu.memory_space<hbm>> -> memref<8x1024xf32, #tpu.memory_space<hbm>>
    %dma_start3A_125 = arith.constant 0 : i32
    %dma_start3A_126 = tpu.memref_slice %arg5[%multiple_of3A_119, %dma_start3A_125] : memref<8192x1024xf32, #tpu.memory_space<hbm>> -> memref<8x1024xf32, #tpu.memory_space<hbm>>
    %dma_start3A_127 = arith.constant 8 : i32
    %dma_start3A_128 = arith.constant 0 : i32
    %dma_start3A_129 = tpu.memref_slice %arg14[%dma_start3A_127, %dma_start3A_128] : memref<32x1024xf32, #tpu.memory_space<vmem>> -> memref<8x1024xf32, #tpu.memory_space<vmem>>
    tpu.enqueue_dma source(%dma_start3A_129 : memref<8x1024xf32, #tpu.memory_space<vmem>>) target(%dma_start3A_126 : memref<8x1024xf32, #tpu.memory_space<hbm>>) target_semaphore(%arg26 : memref<!tpu.dma_semaphore, #tpu.memory_space<semaphore_mem>>)
    %add3A_130 = arith.constant 4096 : i32
    %add3A_131 = arith.addi %add3A_130, %multiple_of3A : i32
    %add3A_132 = arith.constant 0 : i32
    %add3A_133 = arith.addi %add3A_131, %add3A_132 : i32
    %multiple_of3A_134 = tpu.assume_multiple %add3A_133, 8 : i32
    %dma_start3A_135 = arith.constant 16 : i32
    %dma_start3A_136 = arith.constant 0 : i32
    %dma_start3A_137 = tpu.memref_slice %arg14[%dma_start3A_135, %dma_start3A_136] : memref<32x1024xf32, #tpu.memory_space<vmem>> -> memref<8x1024xf32, #tpu.memory_space<vmem>>
    %dma_start3A_138 = arith.constant 0 : i32
    %dma_start3A_139 = tpu.memref_slice %arg5[%multiple_of3A_134, %dma_start3A_138] : memref<8192x1024xf32, #tpu.memory_space<hbm>> -> memref<8x1024xf32, #tpu.memory_space<hbm>>
    %dma_start3A_140 = arith.constant 0 : i32
    %dma_start3A_141 = tpu.memref_slice %arg5[%multiple_of3A_134, %dma_start3A_140] : memref<8192x1024xf32, #tpu.memory_space<hbm>> -> memref<8x1024xf32, #tpu.memory_space<hbm>>
    %dma_start3A_142 = arith.constant 16 : i32
    %dma_start3A_143 = arith.constant 0 : i32
    %dma_start3A_144 = tpu.memref_slice %arg14[%dma_start3A_142, %dma_start3A_143] : memref<32x1024xf32, #tpu.memory_space<vmem>> -> memref<8x1024xf32, #tpu.memory_space<vmem>>
    tpu.enqueue_dma source(%dma_start3A_144 : memref<8x1024xf32, #tpu.memory_space<vmem>>) target(%dma_start3A_141 : memref<8x1024xf32, #tpu.memory_space<hbm>>) target_semaphore(%arg26 : memref<!tpu.dma_semaphore, #tpu.memory_space<semaphore_mem>>)
    %add3A_145 = arith.constant 6144 : i32
    %add3A_146 = arith.addi %add3A_145, %multiple_of3A : i32
    %add3A_147 = arith.constant 0 : i32
    %add3A_148 = arith.addi %add3A_146, %add3A_147 : i32
    %multiple_of3A_149 = tpu.assume_multiple %add3A_148, 8 : i32
    %dma_start3A_150 = arith.constant 24 : i32
    %dma_start3A_151 = arith.constant 0 : i32
    %dma_start3A_152 = tpu.memref_slice %arg14[%dma_start3A_150, %dma_start3A_151] : memref<32x1024xf32, #tpu.memory_space<vmem>> -> memref<8x1024xf32, #tpu.memory_space<vmem>>
    %dma_start3A_153 = arith.constant 0 : i32
    %dma_start3A_154 = tpu.memref_slice %arg5[%multiple_of3A_149, %dma_start3A_153] : memref<8192x1024xf32, #tpu.memory_space<hbm>> -> memref<8x1024xf32, #tpu.memory_space<hbm>>
    %dma_start3A_155 = arith.constant 0 : i32
    %dma_start3A_156 = tpu.memref_slice %arg5[%multiple_of3A_149, %dma_start3A_155] : memref<8192x1024xf32, #tpu.memory_space<hbm>> -> memref<8x1024xf32, #tpu.memory_space<hbm>>
    %dma_start3A_157 = arith.constant 24 : i32
    %dma_start3A_158 = arith.constant 0 : i32
    %dma_start3A_159 = tpu.memref_slice %arg14[%dma_start3A_157, %dma_start3A_158] : memref<32x1024xf32, #tpu.memory_space<vmem>> -> memref<8x1024xf32, #tpu.memory_space<vmem>>
    tpu.enqueue_dma source(%dma_start3A_159 : memref<8x1024xf32, #tpu.memory_space<vmem>>) target(%dma_start3A_156 : memref<8x1024xf32, #tpu.memory_space<hbm>>) target_semaphore(%arg26 : memref<!tpu.dma_semaphore, #tpu.memory_space<semaphore_mem>>)
    %dma_wait3A_160 = arith.constant 2 : i32
    %dma_wait3A_161 = arith.constant 0 : i32
    %dma_wait3A_162 = tpu.memref_slice %arg2[%add3A, %dma_wait3A_160, %dma_wait3A_161] : memref<32x8x32xi32, #tpu.memory_space<hbm>> -> memref<1x1x32xi32, #tpu.memory_space<hbm>>
    %dma_wait3A_163 = tpu.memref_squeeze %dma_wait3A_162 : memref<1x1x32xi32, #tpu.memory_space<hbm>> -> memref<32xi32, #tpu.memory_space<hbm>>
    %dma_wait3A_164 = arith.constant 0 : i32
    %dma_wait3A_165 = tpu.memref_slice %arg2[%add3A, %dma_wait3A_160, %dma_wait3A_164] : memref<32x8x32xi32, #tpu.memory_space<hbm>> -> memref<1x1x32xi32, #tpu.memory_space<hbm>>
    %dma_wait3A_166 = tpu.memref_squeeze %dma_wait3A_165 : memref<1x1x32xi32, #tpu.memory_space<hbm>> -> memref<32xi32, #tpu.memory_space<hbm>>
    tpu.wait_dma2 semaphore(%arg31 : memref<!tpu.dma_semaphore, #tpu.memory_space<semaphore_mem>>) src(%dma_wait3A_166 : memref<32xi32, #tpu.memory_space<hbm>>) dst(%arg8 : memref<32xi32, #tpu.memory_space<vmem>>)
    %dma_start3A_167 = arith.constant 0 : i32
    %dma_start3A_168 = arith.constant 0 : i32
    %dma_start3A_169 = tpu.memref_slice %arg3[%dma_start3A_167, %dma_start3A_168] : memref<100000x1024xf32, #tpu.memory_space<hbm>> -> memref<100000x1024xf32, #tpu.memory_space<hbm>>
    tpu.enqueue_indirect_dma source(%dma_start3A_169 : memref<100000x1024xf32, #tpu.memory_space<hbm>>) target(%arg16 : memref<32x1024xf32, #tpu.memory_space<vmem>>) offsets(%arg8 : memref<32xi32, #tpu.memory_space<vmem>>) semaphore(%arg22 : memref<!tpu.dma_semaphore, #tpu.memory_space<semaphore_mem>>)
    %add3A_170 = arith.constant 16 : i32
    %add3A_171 = arith.addi %multiple_of3A, %add3A_170 : i32
    %multiple_of3A_172 = tpu.assume_multiple %add3A_171, 8 : i32
    %dma_start3A_173 = arith.constant 0 : i32
    %dma_start3A_174 = tpu.memref_slice %arg4[%multiple_of3A_172, %dma_start3A_173] : memref<2048x1024xf32, #tpu.memory_space<hbm>> -> memref<8x1024xf32, #tpu.memory_space<hbm>>
    %dma_start3A_175 = arith.constant 0 : i32
    %dma_start3A_176 = tpu.memref_slice %arg4[%multiple_of3A_172, %dma_start3A_175] : memref<2048x1024xf32, #tpu.memory_space<hbm>> -> memref<8x1024xf32, #tpu.memory_space<hbm>>
    tpu.enqueue_dma source(%dma_start3A_176 : memref<8x1024xf32, #tpu.memory_space<hbm>>) target(%arg19 : memref<8x1024xf32, #tpu.memory_space<vmem>>) target_semaphore(%arg25 : memref<!tpu.dma_semaphore, #tpu.memory_space<semaphore_mem>>)
    %dma_wait3A_177 = arith.constant 0 : i32
    %dma_wait3A_178 = arith.constant 0 : i32
    %dma_wait3A_179 = tpu.memref_slice %arg3[%dma_wait3A_177, %dma_wait3A_178] : memref<100000x1024xf32, #tpu.memory_space<hbm>> -> memref<100000x1024xf32, #tpu.memory_space<hbm>>
    tpu.wait_indirect_dma semaphore(%arg21 : memref<!tpu.dma_semaphore, #tpu.memory_space<semaphore_mem>>) src(%dma_wait3A_179 : memref<100000x1024xf32, #tpu.memory_space<hbm>>) dst(%arg15 : memref<32x1024xf32, #tpu.memory_space<vmem>>)
    %dma_wait3A_180 = arith.constant 0 : i32
    %dma_wait3A_181 = tpu.memref_slice %arg4[%multiple_of3A_86, %dma_wait3A_180] : memref<2048x1024xf32, #tpu.memory_space<hbm>> -> memref<8x1024xf32, #tpu.memory_space<hbm>>
    %dma_wait3A_182 = arith.constant 0 : i32
    %dma_wait3A_183 = tpu.memref_slice %arg4[%multiple_of3A_86, %dma_wait3A_182] : memref<2048x1024xf32, #tpu.memory_space<hbm>> -> memref<8x1024xf32, #tpu.memory_space<hbm>>
    tpu.wait_dma2 semaphore(%arg24 : memref<!tpu.dma_semaphore, #tpu.memory_space<semaphore_mem>>) src(%dma_wait3A_183 : memref<8x1024xf32, #tpu.memory_space<hbm>>) dst(%arg18 : memref<8x1024xf32, #tpu.memory_space<vmem>>)
    %parallel_loop3A_184 = arith.constant 0 : i32
    %parallel_loop3A_185 = arith.constant 512 : i32
    %parallel_loop3A_186 = arith.constant 1 : i32
    scf.for %parallel_loop3A_1072 = %parallel_loop3A_184 to %parallel_loop3A_185 step %parallel_loop3A_186  : i32 {
      %parallel_loop3A_1073 = arith.constant 6 : i32
      %parallel_loop3A_1074 = arith.shrsi %parallel_loop3A_1072, %parallel_loop3A_1073 : i32
      %parallel_loop3A_1075 = arith.constant 63 : i32
      %parallel_loop3A_1076 = arith.andi %parallel_loop3A_1072, %parallel_loop3A_1075 : i32
      %parallel_loop3A_1077 = arith.constant 16 : i32
      %parallel_loop3A_1078 = arith.muli %parallel_loop3A_1076, %parallel_loop3A_1077 : i32
      %parallel_loop3A_1079 = tpu.assume_multiple %parallel_loop3A_1078, 16 : i32
      %parallel_loop3A_1080 = arith.index_cast %parallel_loop3A_1074 : i32 to index
      %parallel_loop3A_1081 = arith.index_cast %parallel_loop3A_1079 : i32 to index
      %parallel_loop3A_1082 = tpu.vector_load %arg18[%parallel_loop3A_1080, %parallel_loop3A_1081] {strides = array<i32>} : memref<8x1024xf32, #tpu.memory_space<vmem>>, vector<1x16xf32>,
      %parallel_loop3A_1083 = vector.shape_cast %parallel_loop3A_1082 : vector<1x16xf32> to vector<16xf32>
      %parallel_loop3A_1084 = arith.constant 0 : i32
      %parallel_loop3A_1085 = arith.addi %parallel_loop3A_1084, %parallel_loop3A_1074 : i32
      %parallel_loop3A_1086 = arith.index_cast %parallel_loop3A_1085 : i32 to index
      %parallel_loop3A_1087 = arith.index_cast %parallel_loop3A_1079 : i32 to index
      %parallel_loop3A_1088 = tpu.vector_load %arg15[%parallel_loop3A_1086, %parallel_loop3A_1087] {strides = array<i32>} : memref<32x1024xf32, #tpu.memory_space<vmem>>, vector<1x16xf32>,
      %parallel_loop3A_1089 = vector.shape_cast %parallel_loop3A_1088 : vector<1x16xf32> to vector<16xf32>
      %parallel_loop3A_1090 = arith.constant 3.200000e+01 : f32
      %parallel_loop3A_1091 = vector.broadcast %parallel_loop3A_1090 : f32 to vector<16xf32>
      %parallel_loop3A_1092 = arith.mulf %parallel_loop3A_1089, %parallel_loop3A_1091 : vector<16xf32>
      %parallel_loop3A_1093 = arith.addf %parallel_loop3A_1092, %parallel_loop3A_1083 : vector<16xf32>
      %parallel_loop3A_1094 = arith.constant 0 : i32
      %parallel_loop3A_1095 = arith.addi %parallel_loop3A_1094, %parallel_loop3A_1074 : i32
      %parallel_loop3A_1096 = arith.index_cast %parallel_loop3A_1095 : i32 to index
      %parallel_loop3A_1097 = arith.index_cast %parallel_loop3A_1079 : i32 to index
      %parallel_loop3A_1098 = tpu.vector_load %arg15[%parallel_loop3A_1096, %parallel_loop3A_1097] {strides = array<i32>} : memref<32x1024xf32, #tpu.memory_space<vmem>>, vector<1x16xf32>,
      %parallel_loop3A_1099 = vector.shape_cast %parallel_loop3A_1098 : vector<1x16xf32> to vector<16xf32>
      %parallel_loop3A_1100 = vector.shape_cast %parallel_loop3A_1093 : vector<16xf32> to vector<1x16xf32>
      tpu.vector_store %arg15[%parallel_loop3A_1096, %parallel_loop3A_1097], %parallel_loop3A_1100 {strides = array<i32>} : memref<32x1024xf32, #tpu.memory_space<vmem>>, vector<1x16xf32>,
      %parallel_loop3A_1101 = arith.constant 8 : i32
      %parallel_loop3A_1102 = arith.addi %parallel_loop3A_1101, %parallel_loop3A_1074 : i32
      %parallel_loop3A_1103 = arith.index_cast %parallel_loop3A_1102 : i32 to index
      %parallel_loop3A_1104 = arith.index_cast %parallel_loop3A_1079 : i32 to index
      %parallel_loop3A_1105 = tpu.vector_load %arg15[%parallel_loop3A_1103, %parallel_loop3A_1104] {strides = array<i32>} : memref<32x1024xf32, #tpu.memory_space<vmem>>, vector<1x16xf32>,
      %parallel_loop3A_1106 = vector.shape_cast %parallel_loop3A_1105 : vector<1x16xf32> to vector<16xf32>
      %parallel_loop3A_1107 = arith.constant 3.200000e+01 : f32
      %parallel_loop3A_1108 = vector.broadcast %parallel_loop3A_1107 : f32 to vector<16xf32>
      %parallel_loop3A_1109 = arith.mulf %parallel_loop3A_1106, %parallel_loop3A_1108 : vector<16xf32>
      %parallel_loop3A_1110 = arith.addf %parallel_loop3A_1109, %parallel_loop3A_1083 : vector<16xf32>
      %parallel_loop3A_1111 = arith.constant 8 : i32
      %parallel_loop3A_1112 = arith.addi %parallel_loop3A_1111, %parallel_loop3A_1074 : i32
      %parallel_loop3A_1113 = arith.index_cast %parallel_loop3A_1112 : i32 to index
      %parallel_loop3A_1114 = arith.index_cast %parallel_loop3A_1079 : i32 to index
      %parallel_loop3A_1115 = tpu.vector_load %arg15[%parallel_loop3A_1113, %parallel_loop3A_1114] {strides = array<i32>} : memref<32x1024xf32, #tpu.memory_space<vmem>>, vector<1x16xf32>,
      %parallel_loop3A_1116 = vector.shape_cast %parallel_loop3A_1115 : vector<1x16xf32> to vector<16xf32>
      %parallel_loop3A_1117 = vector.shape_cast %parallel_loop3A_1110 : vector<16xf32> to vector<1x16xf32>
      tpu.vector_store %arg15[%parallel_loop3A_1113, %parallel_loop3A_1114], %parallel_loop3A_1117 {strides = array<i32>} : memref<32x1024xf32, #tpu.memory_space<vmem>>, vector<1x16xf32>,
      %parallel_loop3A_1118 = arith.constant 16 : i32
      %parallel_loop3A_1119 = arith.addi %parallel_loop3A_1118, %parallel_loop3A_1074 : i32
      %parallel_loop3A_1120 = arith.index_cast %parallel_loop3A_1119 : i32 to index
      %parallel_loop3A_1121 = arith.index_cast %parallel_loop3A_1079 : i32 to index
      %parallel_loop3A_1122 = tpu.vector_load %arg15[%parallel_loop3A_1120, %parallel_loop3A_1121] {strides = array<i32>} : memref<32x1024xf32, #tpu.memory_space<vmem>>, vector<1x16xf32>,
      %parallel_loop3A_1123 = vector.shape_cast %parallel_loop3A_1122 : vector<1x16xf32> to vector<16xf32>
      %parallel_loop3A_1124 = arith.constant 3.200000e+01 : f32
      %parallel_loop3A_1125 = vector.broadcast %parallel_loop3A_1124 : f32 to vector<16xf32>
      %parallel_loop3A_1126 = arith.mulf %parallel_loop3A_1123, %parallel_loop3A_1125 : vector<16xf32>
      %parallel_loop3A_1127 = arith.addf %parallel_loop3A_1126, %parallel_loop3A_1083 : vector<16xf32>
      %parallel_loop3A_1128 = arith.constant 16 : i32
      %parallel_loop3A_1129 = arith.addi %parallel_loop3A_1128, %parallel_loop3A_1074 : i32
      %parallel_loop3A_1130 = arith.index_cast %parallel_loop3A_1129 : i32 to index
      %parallel_loop3A_1131 = arith.index_cast %parallel_loop3A_1079 : i32 to index
      %parallel_loop3A_1132 = tpu.vector_load %arg15[%parallel_loop3A_1130, %parallel_loop3A_1131] {strides = array<i32>} : memref<32x1024xf32, #tpu.memory_space<vmem>>, vector<1x16xf32>,
      %parallel_loop3A_1133 = vector.shape_cast %parallel_loop3A_1132 : vector<1x16xf32> to vector<16xf32>
      %parallel_loop3A_1134 = vector.shape_cast %parallel_loop3A_1127 : vector<16xf32> to vector<1x16xf32>
      tpu.vector_store %arg15[%parallel_loop3A_1130, %parallel_loop3A_1131], %parallel_loop3A_1134 {strides = array<i32>} : memref<32x1024xf32, #tpu.memory_space<vmem>>, vector<1x16xf32>,
      %parallel_loop3A_1135 = arith.constant 24 : i32
      %parallel_loop3A_1136 = arith.addi %parallel_loop3A_1135, %parallel_loop3A_1074 : i32
      %parallel_loop3A_1137 = arith.index_cast %parallel_loop3A_1136 : i32 to index
      %parallel_loop3A_1138 = arith.index_cast %parallel_loop3A_1079 : i32 to index
      %parallel_loop3A_1139 = tpu.vector_load %arg15[%parallel_loop3A_1137, %parallel_loop3A_1138] {strides = array<i32>} : memref<32x1024xf32, #tpu.memory_space<vmem>>, vector<1x16xf32>,
      %parallel_loop3A_1140 = vector.shape_cast %parallel_loop3A_1139 : vector<1x16xf32> to vector<16xf32>
      %parallel_loop3A_1141 = arith.constant 3.200000e+01 : f32
      %parallel_loop3A_1142 = vector.broadcast %parallel_loop3A_1141 : f32 to vector<16xf32>
      %parallel_loop3A_1143 = arith.mulf %parallel_loop3A_1140, %parallel_loop3A_1142 : vector<16xf32>
      %parallel_loop3A_1144 = arith.addf %parallel_loop3A_1143, %parallel_loop3A_1083 : vector<16xf32>
      %parallel_loop3A_1145 = arith.constant 24 : i32
      %parallel_loop3A_1146 = arith.addi %parallel_loop3A_1145, %parallel_loop3A_1074 : i32
      %parallel_loop3A_1147 = arith.index_cast %parallel_loop3A_1146 : i32 to index
      %parallel_loop3A_1148 = arith.index_cast %parallel_loop3A_1079 : i32 to index
      %parallel_loop3A_1149 = tpu.vector_load %arg15[%parallel_loop3A_1147, %parallel_loop3A_1148] {strides = array<i32>} : memref<32x1024xf32, #tpu.memory_space<vmem>>, vector<1x16xf32>,
      %parallel_loop3A_1150 = vector.shape_cast %parallel_loop3A_1149 : vector<1x16xf32> to vector<16xf32>
      %parallel_loop3A_1151 = vector.shape_cast %parallel_loop3A_1144 : vector<16xf32> to vector<1x16xf32>
      tpu.vector_store %arg15[%parallel_loop3A_1147, %parallel_loop3A_1148], %parallel_loop3A_1151 {strides = array<i32>} : memref<32x1024xf32, #tpu.memory_space<vmem>>, vector<1x16xf32>,
    } {sc.loop_unroll_factor = 8 : i64, sc.parallel_access}
    %add3A_187 = arith.constant 0 : i32
    %add3A_188 = arith.addi %add3A_187, %multiple_of3A : i32
    %add3A_189 = arith.constant 8 : i32
    %add3A_190 = arith.addi %add3A_188, %add3A_189 : i32
    %multiple_of3A_191 = tpu.assume_multiple %add3A_190, 8 : i32
    %dma_start3A_192 = arith.constant 0 : i32
    %dma_start3A_193 = arith.constant 0 : i32
    %dma_start3A_194 = tpu.memref_slice %arg15[%dma_start3A_192, %dma_start3A_193] : memref<32x1024xf32, #tpu.memory_space<vmem>> -> memref<8x1024xf32, #tpu.memory_space<vmem>>
    %dma_start3A_195 = arith.constant 0 : i32
    %dma_start3A_196 = tpu.memref_slice %arg5[%multiple_of3A_191, %dma_start3A_195] : memref<8192x1024xf32, #tpu.memory_space<hbm>> -> memref<8x1024xf32, #tpu.memory_space<hbm>>
    %dma_start3A_197 = arith.constant 0 : i32
    %dma_start3A_198 = tpu.memref_slice %arg5[%multiple_of3A_191, %dma_start3A_197] : memref<8192x1024xf32, #tpu.memory_space<hbm>> -> memref<8x1024xf32, #tpu.memory_space<hbm>>
    %dma_start3A_199 = arith.constant 0 : i32
    %dma_start3A_200 = arith.constant 0 : i32
    %dma_start3A_201 = tpu.memref_slice %arg15[%dma_start3A_199, %dma_start3A_200] : memref<32x1024xf32, #tpu.memory_space<vmem>> -> memref<8x1024xf32, #tpu.memory_space<vmem>>
    tpu.enqueue_dma source(%dma_start3A_201 : memref<8x1024xf32, #tpu.memory_space<vmem>>) target(%dma_start3A_198 : memref<8x1024xf32, #tpu.memory_space<hbm>>) target_semaphore(%arg27 : memref<!tpu.dma_semaphore, #tpu.memory_space<semaphore_mem>>)
    %add3A_202 = arith.constant 2048 : i32
    %add3A_203 = arith.addi %add3A_202, %multiple_of3A : i32
    %add3A_204 = arith.constant 8 : i32
    %add3A_205 = arith.addi %add3A_203, %add3A_204 : i32
    %multiple_of3A_206 = tpu.assume_multiple %add3A_205, 8 : i32
    %dma_start3A_207 = arith.constant 8 : i32
    %dma_start3A_208 = arith.constant 0 : i32
    %dma_start3A_209 = tpu.memref_slice %arg15[%dma_start3A_207, %dma_start3A_208] : memref<32x1024xf32, #tpu.memory_space<vmem>> -> memref<8x1024xf32, #tpu.memory_space<vmem>>
    %dma_start3A_210 = arith.constant 0 : i32
    %dma_start3A_211 = tpu.memref_slice %arg5[%multiple_of3A_206, %dma_start3A_210] : memref<8192x1024xf32, #tpu.memory_space<hbm>> -> memref<8x1024xf32, #tpu.memory_space<hbm>>
    %dma_start3A_212 = arith.constant 0 : i32
    %dma_start3A_213 = tpu.memref_slice %arg5[%multiple_of3A_206, %dma_start3A_212] : memref<8192x1024xf32, #tpu.memory_space<hbm>> -> memref<8x1024xf32, #tpu.memory_space<hbm>>
    %dma_start3A_214 = arith.constant 8 : i32
    %dma_start3A_215 = arith.constant 0 : i32
    %dma_start3A_216 = tpu.memref_slice %arg15[%dma_start3A_214, %dma_start3A_215] : memref<32x1024xf32, #tpu.memory_space<vmem>> -> memref<8x1024xf32, #tpu.memory_space<vmem>>
    tpu.enqueue_dma source(%dma_start3A_216 : memref<8x1024xf32, #tpu.memory_space<vmem>>) target(%dma_start3A_213 : memref<8x1024xf32, #tpu.memory_space<hbm>>) target_semaphore(%arg27 : memref<!tpu.dma_semaphore, #tpu.memory_space<semaphore_mem>>)
    %add3A_217 = arith.constant 4096 : i32
    %add3A_218 = arith.addi %add3A_217, %multiple_of3A : i32
    %add3A_219 = arith.constant 8 : i32
    %add3A_220 = arith.addi %add3A_218, %add3A_219 : i32
    %multiple_of3A_221 = tpu.assume_multiple %add3A_220, 8 : i32
    %dma_start3A_222 = arith.constant 16 : i32
    %dma_start3A_223 = arith.constant 0 : i32
    %dma_start3A_224 = tpu.memref_slice %arg15[%dma_start3A_222, %dma_start3A_223] : memref<32x1024xf32, #tpu.memory_space<vmem>> -> memref<8x1024xf32, #tpu.memory_space<vmem>>
    %dma_start3A_225 = arith.constant 0 : i32
    %dma_start3A_226 = tpu.memref_slice %arg5[%multiple_of3A_221, %dma_start3A_225] : memref<8192x1024xf32, #tpu.memory_space<hbm>> -> memref<8x1024xf32, #tpu.memory_space<hbm>>
    %dma_start3A_227 = arith.constant 0 : i32
    %dma_start3A_228 = tpu.memref_slice %arg5[%multiple_of3A_221, %dma_start3A_227] : memref<8192x1024xf32, #tpu.memory_space<hbm>> -> memref<8x1024xf32, #tpu.memory_space<hbm>>
    %dma_start3A_229 = arith.constant 16 : i32
    %dma_start3A_230 = arith.constant 0 : i32
    %dma_start3A_231 = tpu.memref_slice %arg15[%dma_start3A_229, %dma_start3A_230] : memref<32x1024xf32, #tpu.memory_space<vmem>> -> memref<8x1024xf32, #tpu.memory_space<vmem>>
    tpu.enqueue_dma source(%dma_start3A_231 : memref<8x1024xf32, #tpu.memory_space<vmem>>) target(%dma_start3A_228 : memref<8x1024xf32, #tpu.memory_space<hbm>>) target_semaphore(%arg27 : memref<!tpu.dma_semaphore, #tpu.memory_space<semaphore_mem>>)
    %add3A_232 = arith.constant 6144 : i32
    %add3A_233 = arith.addi %add3A_232, %multiple_of3A : i32
    %add3A_234 = arith.constant 8 : i32
    %add3A_235 = arith.addi %add3A_233, %add3A_234 : i32
    %multiple_of3A_236 = tpu.assume_multiple %add3A_235, 8 : i32
    %dma_start3A_237 = arith.constant 24 : i32
    %dma_start3A_238 = arith.constant 0 : i32
    %dma_start3A_239 = tpu.memref_slice %arg15[%dma_start3A_237, %dma_start3A_238] : memref<32x1024xf32, #tpu.memory_space<vmem>> -> memref<8x1024xf32, #tpu.memory_space<vmem>>
    %dma_start3A_240 = arith.constant 0 : i32
    %dma_start3A_241 = tpu.memref_slice %arg5[%multiple_of3A_236, %dma_start3A_240] : memref<8192x1024xf32, #tpu.memory_space<hbm>> -> memref<8x1024xf32, #tpu.memory_space<hbm>>
    %dma_start3A_242 = arith.constant 0 : i32
    %dma_start3A_243 = tpu.memref_slice %arg5[%multiple_of3A_236, %dma_start3A_242] : memref<8192x1024xf32, #tpu.memory_space<hbm>> -> memref<8x1024xf32, #tpu.memory_space<hbm>>
    %dma_start3A_244 = arith.constant 24 : i32
    %dma_start3A_245 = arith.constant 0 : i32
    %dma_start3A_246 = tpu.memref_slice %arg15[%dma_start3A_244, %dma_start3A_245] : memref<32x1024xf32, #tpu.memory_space<vmem>> -> memref<8x1024xf32, #tpu.memory_space<vmem>>
    tpu.enqueue_dma source(%dma_start3A_246 : memref<8x1024xf32, #tpu.memory_space<vmem>>) target(%dma_start3A_243 : memref<8x1024xf32, #tpu.memory_space<hbm>>) target_semaphore(%arg27 : memref<!tpu.dma_semaphore, #tpu.memory_space<semaphore_mem>>)
    %dma_wait3A_247 = arith.constant 0 : i32
    %dma_wait3A_248 = arith.constant 0 : i32
    %dma_wait3A_249 = tpu.memref_slice %arg14[%dma_wait3A_247, %dma_wait3A_248] : memref<32x1024xf32, #tpu.memory_space<vmem>> -> memref<8x1024xf32, #tpu.memory_space<vmem>>
    %dma_wait3A_250 = arith.constant 0 : i32
    %dma_wait3A_251 = tpu.memref_slice %arg5[%multiple_of3A_104, %dma_wait3A_250] : memref<8192x1024xf32, #tpu.memory_space<hbm>> -> memref<8x1024xf32, #tpu.memory_space<hbm>>
    %dma_wait3A_252 = arith.constant 0 : i32
    %dma_wait3A_253 = tpu.memref_slice %arg5[%multiple_of3A_104, %dma_wait3A_252] : memref<8192x1024xf32, #tpu.memory_space<hbm>> -> memref<8x1024xf32, #tpu.memory_space<hbm>>
    %dma_wait3A_254 = arith.constant 0 : i32
    %dma_wait3A_255 = arith.constant 0 : i32
    %dma_wait3A_256 = tpu.memref_slice %arg14[%dma_wait3A_254, %dma_wait3A_255] : memref<32x1024xf32, #tpu.memory_space<vmem>> -> memref<8x1024xf32, #tpu.memory_space<vmem>>
    tpu.wait_dma2 semaphore(%arg26 : memref<!tpu.dma_semaphore, #tpu.memory_space<semaphore_mem>>) src(%dma_wait3A_256 : memref<8x1024xf32, #tpu.memory_space<vmem>>) dst(%dma_wait3A_253 : memref<8x1024xf32, #tpu.memory_space<hbm>>)
    %dma_wait3A_257 = arith.constant 8 : i32
    %dma_wait3A_258 = arith.constant 0 : i32
    %dma_wait3A_259 = tpu.memref_slice %arg14[%dma_wait3A_257, %dma_wait3A_258] : memref<32x1024xf32, #tpu.memory_space<vmem>> -> memref<8x1024xf32, #tpu.memory_space<vmem>>
    %dma_wait3A_260 = arith.constant 0 : i32
    %dma_wait3A_261 = tpu.memref_slice %arg5[%multiple_of3A_119, %dma_wait3A_260] : memref<8192x1024xf32, #tpu.memory_space<hbm>> -> memref<8x1024xf32, #tpu.memory_space<hbm>>
    %dma_wait3A_262 = arith.constant 0 : i32
    %dma_wait3A_263 = tpu.memref_slice %arg5[%multiple_of3A_119, %dma_wait3A_262] : memref<8192x1024xf32, #tpu.memory_space<hbm>> -> memref<8x1024xf32, #tpu.memory_space<hbm>>
    %dma_wait3A_264 = arith.constant 8 : i32
    %dma_wait3A_265 = arith.constant 0 : i32
    %dma_wait3A_266 = tpu.memref_slice %arg14[%dma_wait3A_264, %dma_wait3A_265] : memref<32x1024xf32, #tpu.memory_space<vmem>> -> memref<8x1024xf32, #tpu.memory_space<vmem>>
    tpu.wait_dma2 semaphore(%arg26 : memref<!tpu.dma_semaphore, #tpu.memory_space<semaphore_mem>>) src(%dma_wait3A_266 : memref<8x1024xf32, #tpu.memory_space<vmem>>) dst(%dma_wait3A_263 : memref<8x1024xf32, #tpu.memory_space<hbm>>)
    %dma_wait3A_267 = arith.constant 16 : i32
    %dma_wait3A_268 = arith.constant 0 : i32
    %dma_wait3A_269 = tpu.memref_slice %arg14[%dma_wait3A_267, %dma_wait3A_268] : memref<32x1024xf32, #tpu.memory_space<vmem>> -> memref<8x1024xf32, #tpu.memory_space<vmem>>
    %dma_wait3A_270 = arith.constant 0 : i32
    %dma_wait3A_271 = tpu.memref_slice %arg5[%multiple_of3A_134, %dma_wait3A_270] : memref<8192x1024xf32, #tpu.memory_space<hbm>> -> memref<8x1024xf32, #tpu.memory_space<hbm>>
    %dma_wait3A_272 = arith.constant 0 : i32
    %dma_wait3A_273 = tpu.memref_slice %arg5[%multiple_of3A_134, %dma_wait3A_272] : memref<8192x1024xf32, #tpu.memory_space<hbm>> -> memref<8x1024xf32, #tpu.memory_space<hbm>>
    %dma_wait3A_274 = arith.constant 16 : i32
    %dma_wait3A_275 = arith.constant 0 : i32
    %dma_wait3A_276 = tpu.memref_slice %arg14[%dma_wait3A_274, %dma_wait3A_275] : memref<32x1024xf32, #tpu.memory_space<vmem>> -> memref<8x1024xf32, #tpu.memory_space<vmem>>
    tpu.wait_dma2 semaphore(%arg26 : memref<!tpu.dma_semaphore, #tpu.memory_space<semaphore_mem>>) src(%dma_wait3A_276 : memref<8x1024xf32, #tpu.memory_space<vmem>>) dst(%dma_wait3A_273 : memref<8x1024xf32, #tpu.memory_space<hbm>>)
    %dma_wait3A_277 = arith.constant 24 : i32
    %dma_wait3A_278 = arith.constant 0 : i32
    %dma_wait3A_279 = tpu.memref_slice %arg14[%dma_wait3A_277, %dma_wait3A_278] : memref<32x1024xf32, #tpu.memory_space<vmem>> -> memref<8x1024xf32, #tpu.memory_space<vmem>>
    %dma_wait3A_280 = arith.constant 0 : i32
    %dma_wait3A_281 = tpu.memref_slice %arg5[%multiple_of3A_149, %dma_wait3A_280] : memref<8192x1024xf32, #tpu.memory_space<hbm>> -> memref<8x1024xf32, #tpu.memory_space<hbm>>
    %dma_wait3A_282 = arith.constant 0 : i32
    %dma_wait3A_283 = tpu.memref_slice %arg5[%multiple_of3A_149, %dma_wait3A_282] : memref<8192x1024xf32, #tpu.memory_space<hbm>> -> memref<8x1024xf32, #tpu.memory_space<hbm>>
    %dma_wait3A_284 = arith.constant 24 : i32
    %dma_wait3A_285 = arith.constant 0 : i32
    %dma_wait3A_286 = tpu.memref_slice %arg14[%dma_wait3A_284, %dma_wait3A_285] : memref<32x1024xf32, #tpu.memory_space<vmem>> -> memref<8x1024xf32, #tpu.memory_space<vmem>>
    tpu.wait_dma2 semaphore(%arg26 : memref<!tpu.dma_semaphore, #tpu.memory_space<semaphore_mem>>) src(%dma_wait3A_286 : memref<8x1024xf32, #tpu.memory_space<vmem>>) dst(%dma_wait3A_283 : memref<8x1024xf32, #tpu.memory_space<hbm>>)
    %dma_wait3A_287 = arith.constant 3 : i32
    %dma_wait3A_288 = arith.constant 0 : i32
    %dma_wait3A_289 = tpu.memref_slice %arg2[%add3A, %dma_wait3A_287, %dma_wait3A_288] : memref<32x8x32xi32, #tpu.memory_space<hbm>> -> memref<1x1x32xi32, #tpu.memory_space<hbm>>
    %dma_wait3A_290 = tpu.memref_squeeze %dma_wait3A_289 : memref<1x1x32xi32, #tpu.memory_space<hbm>> -> memref<32xi32, #tpu.memory_space<hbm>>
    %dma_wait3A_291 = arith.constant 0 : i32
    %dma_wait3A_292 = tpu.memref_slice %arg2[%add3A, %dma_wait3A_287, %dma_wait3A_291] : memref<32x8x32xi32, #tpu.memory_space<hbm>> -> memref<1x1x32xi32, #tpu.memory_space<hbm>>
    %dma_wait3A_293 = tpu.memref_squeeze %dma_wait3A_292 : memref<1x1x32xi32, #tpu.memory_space<hbm>> -> memref<32xi32, #tpu.memory_space<hbm>>
    tpu.wait_dma2 semaphore(%arg32 : memref<!tpu.dma_semaphore, #tpu.memory_space<semaphore_mem>>) src(%dma_wait3A_293 : memref<32xi32, #tpu.memory_space<hbm>>) dst(%arg9 : memref<32xi32, #tpu.memory_space<vmem>>)
    %dma_start3A_294 = arith.constant 0 : i32
    %dma_start3A_295 = arith.constant 0 : i32
    %dma_start3A_296 = tpu.memref_slice %arg3[%dma_start3A_294, %dma_start3A_295] : memref<100000x1024xf32, #tpu.memory_space<hbm>> -> memref<100000x1024xf32, #tpu.memory_space<hbm>>
    tpu.enqueue_indirect_dma source(%dma_start3A_296 : memref<100000x1024xf32, #tpu.memory_space<hbm>>) target(%arg14 : memref<32x1024xf32, #tpu.memory_space<vmem>>) offsets(%arg9 : memref<32xi32, #tpu.memory_space<vmem>>) semaphore(%arg20 : memref<!tpu.dma_semaphore, #tpu.memory_space<semaphore_mem>>)
    %add3A_297 = arith.constant 24 : i32
    %add3A_298 = arith.addi %multiple_of3A, %add3A_297 : i32
    %multiple_of3A_299 = tpu.assume_multiple %add3A_298, 8 : i32
    %dma_start3A_300 = arith.constant 0 : i32
    %dma_start3A_301 = tpu.memref_slice %arg4[%multiple_of3A_299, %dma_start3A_300] : memref<2048x1024xf32, #tpu.memory_space<hbm>> -> memref<8x1024xf32, #tpu.memory_space<hbm>>
    %dma_start3A_302 = arith.constant 0 : i32
    %dma_start3A_303 = tpu.memref_slice %arg4[%multiple_of3A_299, %dma_start3A_302] : memref<2048x1024xf32, #tpu.memory_space<hbm>> -> memref<8x1024xf32, #tpu.memory_space<hbm>>
    tpu.enqueue_dma source(%dma_start3A_303 : memref<8x1024xf32, #tpu.memory_space<hbm>>) target(%arg17 : memref<8x1024xf32, #tpu.memory_space<vmem>>) target_semaphore(%arg23 : memref<!tpu.dma_semaphore, #tpu.memory_space<semaphore_mem>>)
    %dma_wait3A_304 = arith.constant 0 : i32
    %dma_wait3A_305 = arith.constant 0 : i32
    %dma_wait3A_306 = tpu.memref_slice %arg3[%dma_wait3A_304, %dma_wait3A_305] : memref<100000x1024xf32, #tpu.memory_space<hbm>> -> memref<100000x1024xf32, #tpu.memory_space<hbm>>
    tpu.wait_indirect_dma semaphore(%arg22 : memref<!tpu.dma_semaphore, #tpu.memory_space<semaphore_mem>>) src(%dma_wait3A_306 : memref<100000x1024xf32, #tpu.memory_space<hbm>>) dst(%arg16 : memref<32x1024xf32, #tpu.memory_space<vmem>>)
    %dma_wait3A_307 = arith.constant 0 : i32
    %dma_wait3A_308 = tpu.memref_slice %arg4[%multiple_of3A_172, %dma_wait3A_307] : memref<2048x1024xf32, #tpu.memory_space<hbm>> -> memref<8x1024xf32, #tpu.memory_space<hbm>>
    %dma_wait3A_309 = arith.constant 0 : i32
    %dma_wait3A_310 = tpu.memref_slice %arg4[%multiple_of3A_172, %dma_wait3A_309] : memref<2048x1024xf32, #tpu.memory_space<hbm>> -> memref<8x1024xf32, #tpu.memory_space<hbm>>
    tpu.wait_dma2 semaphore(%arg25 : memref<!tpu.dma_semaphore, #tpu.memory_space<semaphore_mem>>) src(%dma_wait3A_310 : memref<8x1024xf32, #tpu.memory_space<hbm>>) dst(%arg19 : memref<8x1024xf32, #tpu.memory_space<vmem>>)
    %parallel_loop3A_311 = arith.constant 0 : i32
    %parallel_loop3A_312 = arith.constant 512 : i32
    %parallel_loop3A_313 = arith.constant 1 : i32
    scf.for %parallel_loop3A_1072 = %parallel_loop3A_311 to %parallel_loop3A_312 step %parallel_loop3A_313  : i32 {
      %parallel_loop3A_1073 = arith.constant 6 : i32
      %parallel_loop3A_1074 = arith.shrsi %parallel_loop3A_1072, %parallel_loop3A_1073 : i32
      %parallel_loop3A_1075 = arith.constant 63 : i32
      %parallel_loop3A_1076 = arith.andi %parallel_loop3A_1072, %parallel_loop3A_1075 : i32
      %parallel_loop3A_1077 = arith.constant 16 : i32
      %parallel_loop3A_1078 = arith.muli %parallel_loop3A_1076, %parallel_loop3A_1077 : i32
      %parallel_loop3A_1079 = tpu.assume_multiple %parallel_loop3A_1078, 16 : i32
      %parallel_loop3A_1080 = arith.index_cast %parallel_loop3A_1074 : i32 to index
      %parallel_loop3A_1081 = arith.index_cast %parallel_loop3A_1079 : i32 to index
      %parallel_loop3A_1082 = tpu.vector_load %arg19[%parallel_loop3A_1080, %parallel_loop3A_1081] {strides = array<i32>} : memref<8x1024xf32, #tpu.memory_space<vmem>>, vector<1x16xf32>,
      %parallel_loop3A_1083 = vector.shape_cast %parallel_loop3A_1082 : vector<1x16xf32> to vector<16xf32>
      %parallel_loop3A_1084 = arith.constant 0 : i32
      %parallel_loop3A_1085 = arith.addi %parallel_loop3A_1084, %parallel_loop3A_1074 : i32
      %parallel_loop3A_1086 = arith.index_cast %parallel_loop3A_1085 : i32 to index
      %parallel_loop3A_1087 = arith.index_cast %parallel_loop3A_1079 : i32 to index
      %parallel_loop3A_1088 = tpu.vector_load %arg16[%parallel_loop3A_1086, %parallel_loop3A_1087] {strides = array<i32>} : memref<32x1024xf32, #tpu.memory_space<vmem>>, vector<1x16xf32>,
      %parallel_loop3A_1089 = vector.shape_cast %parallel_loop3A_1088 : vector<1x16xf32> to vector<16xf32>
      %parallel_loop3A_1090 = arith.constant 3.200000e+01 : f32
      %parallel_loop3A_1091 = vector.broadcast %parallel_loop3A_1090 : f32 to vector<16xf32>
      %parallel_loop3A_1092 = arith.mulf %parallel_loop3A_1089, %parallel_loop3A_1091 : vector<16xf32>
      %parallel_loop3A_1093 = arith.addf %parallel_loop3A_1092, %parallel_loop3A_1083 : vector<16xf32>
      %parallel_loop3A_1094 = arith.constant 0 : i32
      %parallel_loop3A_1095 = arith.addi %parallel_loop3A_1094, %parallel_loop3A_1074 : i32
      %parallel_loop3A_1096 = arith.index_cast %parallel_loop3A_1095 : i32 to index
      %parallel_loop3A_1097 = arith.index_cast %parallel_loop3A_1079 : i32 to index
      %parallel_loop3A_1098 = tpu.vector_load %arg16[%parallel_loop3A_1096, %parallel_loop3A_1097] {strides = array<i32>} : memref<32x1024xf32, #tpu.memory_space<vmem>>, vector<1x16xf32>,
      %parallel_loop3A_1099 = vector.shape_cast %parallel_loop3A_1098 : vector<1x16xf32> to vector<16xf32>
      %parallel_loop3A_1100 = vector.shape_cast %parallel_loop3A_1093 : vector<16xf32> to vector<1x16xf32>
      tpu.vector_store %arg16[%parallel_loop3A_1096, %parallel_loop3A_1097], %parallel_loop3A_1100 {strides = array<i32>} : memref<32x1024xf32, #tpu.memory_space<vmem>>, vector<1x16xf32>,
      %parallel_loop3A_1101 = arith.constant 8 : i32
      %parallel_loop3A_1102 = arith.addi %parallel_loop3A_1101, %parallel_loop3A_1074 : i32
      %parallel_loop3A_1103 = arith.index_cast %parallel_loop3A_1102 : i32 to index
      %parallel_loop3A_1104 = arith.index_cast %parallel_loop3A_1079 : i32 to index
      %parallel_loop3A_1105 = tpu.vector_load %arg16[%parallel_loop3A_1103, %parallel_loop3A_1104] {strides = array<i32>} : memref<32x1024xf32, #tpu.memory_space<vmem>>, vector<1x16xf32>,
      %parallel_loop3A_1106 = vector.shape_cast %parallel_loop3A_1105 : vector<1x16xf32> to vector<16xf32>
      %parallel_loop3A_1107 = arith.constant 3.200000e+01 : f32
      %parallel_loop3A_1108 = vector.broadcast %parallel_loop3A_1107 : f32 to vector<16xf32>
      %parallel_loop3A_1109 = arith.mulf %parallel_loop3A_1106, %parallel_loop3A_1108 : vector<16xf32>
      %parallel_loop3A_1110 = arith.addf %parallel_loop3A_1109, %parallel_loop3A_1083 : vector<16xf32>
      %parallel_loop3A_1111 = arith.constant 8 : i32
      %parallel_loop3A_1112 = arith.addi %parallel_loop3A_1111, %parallel_loop3A_1074 : i32
      %parallel_loop3A_1113 = arith.index_cast %parallel_loop3A_1112 : i32 to index
      %parallel_loop3A_1114 = arith.index_cast %parallel_loop3A_1079 : i32 to index
      %parallel_loop3A_1115 = tpu.vector_load %arg16[%parallel_loop3A_1113, %parallel_loop3A_1114] {strides = array<i32>} : memref<32x1024xf32, #tpu.memory_space<vmem>>, vector<1x16xf32>,
      %parallel_loop3A_1116 = vector.shape_cast %parallel_loop3A_1115 : vector<1x16xf32> to vector<16xf32>
      %parallel_loop3A_1117 = vector.shape_cast %parallel_loop3A_1110 : vector<16xf32> to vector<1x16xf32>
      tpu.vector_store %arg16[%parallel_loop3A_1113, %parallel_loop3A_1114], %parallel_loop3A_1117 {strides = array<i32>} : memref<32x1024xf32, #tpu.memory_space<vmem>>, vector<1x16xf32>,
      %parallel_loop3A_1118 = arith.constant 16 : i32
      %parallel_loop3A_1119 = arith.addi %parallel_loop3A_1118, %parallel_loop3A_1074 : i32
      %parallel_loop3A_1120 = arith.index_cast %parallel_loop3A_1119 : i32 to index
      %parallel_loop3A_1121 = arith.index_cast %parallel_loop3A_1079 : i32 to index
      %parallel_loop3A_1122 = tpu.vector_load %arg16[%parallel_loop3A_1120, %parallel_loop3A_1121] {strides = array<i32>} : memref<32x1024xf32, #tpu.memory_space<vmem>>, vector<1x16xf32>,
      %parallel_loop3A_1123 = vector.shape_cast %parallel_loop3A_1122 : vector<1x16xf32> to vector<16xf32>
      %parallel_loop3A_1124 = arith.constant 3.200000e+01 : f32
      %parallel_loop3A_1125 = vector.broadcast %parallel_loop3A_1124 : f32 to vector<16xf32>
      %parallel_loop3A_1126 = arith.mulf %parallel_loop3A_1123, %parallel_loop3A_1125 : vector<16xf32>
      %parallel_loop3A_1127 = arith.addf %parallel_loop3A_1126, %parallel_loop3A_1083 : vector<16xf32>
      %parallel_loop3A_1128 = arith.constant 16 : i32
      %parallel_loop3A_1129 = arith.addi %parallel_loop3A_1128, %parallel_loop3A_1074 : i32
      %parallel_loop3A_1130 = arith.index_cast %parallel_loop3A_1129 : i32 to index
      %parallel_loop3A_1131 = arith.index_cast %parallel_loop3A_1079 : i32 to index
      %parallel_loop3A_1132 = tpu.vector_load %arg16[%parallel_loop3A_1130, %parallel_loop3A_1131] {strides = array<i32>} : memref<32x1024xf32, #tpu.memory_space<vmem>>, vector<1x16xf32>,
      %parallel_loop3A_1133 = vector.shape_cast %parallel_loop3A_1132 : vector<1x16xf32> to vector<16xf32>
      %parallel_loop3A_1134 = vector.shape_cast %parallel_loop3A_1127 : vector<16xf32> to vector<1x16xf32>
      tpu.vector_store %arg16[%parallel_loop3A_1130, %parallel_loop3A_1131], %parallel_loop3A_1134 {strides = array<i32>} : memref<32x1024xf32, #tpu.memory_space<vmem>>, vector<1x16xf32>,
      %parallel_loop3A_1135 = arith.constant 24 : i32
      %parallel_loop3A_1136 = arith.addi %parallel_loop3A_1135, %parallel_loop3A_1074 : i32
      %parallel_loop3A_1137 = arith.index_cast %parallel_loop3A_1136 : i32 to index
      %parallel_loop3A_1138 = arith.index_cast %parallel_loop3A_1079 : i32 to index
      %parallel_loop3A_1139 = tpu.vector_load %arg16[%parallel_loop3A_1137, %parallel_loop3A_1138] {strides = array<i32>} : memref<32x1024xf32, #tpu.memory_space<vmem>>, vector<1x16xf32>,
      %parallel_loop3A_1140 = vector.shape_cast %parallel_loop3A_1139 : vector<1x16xf32> to vector<16xf32>
      %parallel_loop3A_1141 = arith.constant 3.200000e+01 : f32
      %parallel_loop3A_1142 = vector.broadcast %parallel_loop3A_1141 : f32 to vector<16xf32>
      %parallel_loop3A_1143 = arith.mulf %parallel_loop3A_1140, %parallel_loop3A_1142 : vector<16xf32>
      %parallel_loop3A_1144 = arith.addf %parallel_loop3A_1143, %parallel_loop3A_1083 : vector<16xf32>
      %parallel_loop3A_1145 = arith.constant 24 : i32
      %parallel_loop3A_1146 = arith.addi %parallel_loop3A_1145, %parallel_loop3A_1074 : i32
      %parallel_loop3A_1147 = arith.index_cast %parallel_loop3A_1146 : i32 to index
      %parallel_loop3A_1148 = arith.index_cast %parallel_loop3A_1079 : i32 to index
      %parallel_loop3A_1149 = tpu.vector_load %arg16[%parallel_loop3A_1147, %parallel_loop3A_1148] {strides = array<i32>} : memref<32x1024xf32, #tpu.memory_space<vmem>>, vector<1x16xf32>,
      %parallel_loop3A_1150 = vector.shape_cast %parallel_loop3A_1149 : vector<1x16xf32> to vector<16xf32>
      %parallel_loop3A_1151 = vector.shape_cast %parallel_loop3A_1144 : vector<16xf32> to vector<1x16xf32>
      tpu.vector_store %arg16[%parallel_loop3A_1147, %parallel_loop3A_1148], %parallel_loop3A_1151 {strides = array<i32>} : memref<32x1024xf32, #tpu.memory_space<vmem>>, vector<1x16xf32>,
    } {sc.loop_unroll_factor = 8 : i64, sc.parallel_access}
    %add3A_314 = arith.constant 0 : i32
    %add3A_315 = arith.addi %add3A_314, %multiple_of3A : i32
    %add3A_316 = arith.constant 16 : i32
    %add3A_317 = arith.addi %add3A_315, %add3A_316 : i32
    %multiple_of3A_318 = tpu.assume_multiple %add3A_317, 8 : i32
    %dma_start3A_319 = arith.constant 0 : i32
    %dma_start3A_320 = arith.constant 0 : i32
    %dma_start3A_321 = tpu.memref_slice %arg16[%dma_start3A_319, %dma_start3A_320] : memref<32x1024xf32, #tpu.memory_space<vmem>> -> memref<8x1024xf32, #tpu.memory_space<vmem>>
    %dma_start3A_322 = arith.constant 0 : i32
    %dma_start3A_323 = tpu.memref_slice %arg5[%multiple_of3A_318, %dma_start3A_322] : memref<8192x1024xf32, #tpu.memory_space<hbm>> -> memref<8x1024xf32, #tpu.memory_space<hbm>>
    %dma_start3A_324 = arith.constant 0 : i32
    %dma_start3A_325 = tpu.memref_slice %arg5[%multiple_of3A_318, %dma_start3A_324] : memref<8192x1024xf32, #tpu.memory_space<hbm>> -> memref<8x1024xf32, #tpu.memory_space<hbm>>
    %dma_start3A_326 = arith.constant 0 : i32
    %dma_start3A_327 = arith.constant 0 : i32
    %dma_start3A_328 = tpu.memref_slice %arg16[%dma_start3A_326, %dma_start3A_327] : memref<32x1024xf32, #tpu.memory_space<vmem>> -> memref<8x1024xf32, #tpu.memory_space<vmem>>
    tpu.enqueue_dma source(%dma_start3A_328 : memref<8x1024xf32, #tpu.memory_space<vmem>>) target(%dma_start3A_325 : memref<8x1024xf32, #tpu.memory_space<hbm>>) target_semaphore(%arg28 : memref<!tpu.dma_semaphore, #tpu.memory_space<semaphore_mem>>)
    %add3A_329 = arith.constant 2048 : i32
    %add3A_330 = arith.addi %add3A_329, %multiple_of3A : i32
    %add3A_331 = arith.constant 16 : i32
    %add3A_332 = arith.addi %add3A_330, %add3A_331 : i32
    %multiple_of3A_333 = tpu.assume_multiple %add3A_332, 8 : i32
    %dma_start3A_334 = arith.constant 8 : i32
    %dma_start3A_335 = arith.constant 0 : i32
    %dma_start3A_336 = tpu.memref_slice %arg16[%dma_start3A_334, %dma_start3A_335] : memref<32x1024xf32, #tpu.memory_space<vmem>> -> memref<8x1024xf32, #tpu.memory_space<vmem>>
    %dma_start3A_337 = arith.constant 0 : i32
    %dma_start3A_338 = tpu.memref_slice %arg5[%multiple_of3A_333, %dma_start3A_337] : memref<8192x1024xf32, #tpu.memory_space<hbm>> -> memref<8x1024xf32, #tpu.memory_space<hbm>>
    %dma_start3A_339 = arith.constant 0 : i32
    %dma_start3A_340 = tpu.memref_slice %arg5[%multiple_of3A_333, %dma_start3A_339] : memref<8192x1024xf32, #tpu.memory_space<hbm>> -> memref<8x1024xf32, #tpu.memory_space<hbm>>
    %dma_start3A_341 = arith.constant 8 : i32
    %dma_start3A_342 = arith.constant 0 : i32
    %dma_start3A_343 = tpu.memref_slice %arg16[%dma_start3A_341, %dma_start3A_342] : memref<32x1024xf32, #tpu.memory_space<vmem>> -> memref<8x1024xf32, #tpu.memory_space<vmem>>
    tpu.enqueue_dma source(%dma_start3A_343 : memref<8x1024xf32, #tpu.memory_space<vmem>>) target(%dma_start3A_340 : memref<8x1024xf32, #tpu.memory_space<hbm>>) target_semaphore(%arg28 : memref<!tpu.dma_semaphore, #tpu.memory_space<semaphore_mem>>)
    %add3A_344 = arith.constant 4096 : i32
    %add3A_345 = arith.addi %add3A_344, %multiple_of3A : i32
    %add3A_346 = arith.constant 16 : i32
    %add3A_347 = arith.addi %add3A_345, %add3A_346 : i32
    %multiple_of3A_348 = tpu.assume_multiple %add3A_347, 8 : i32
    %dma_start3A_349 = arith.constant 16 : i32
    %dma_start3A_350 = arith.constant 0 : i32
    %dma_start3A_351 = tpu.memref_slice %arg16[%dma_start3A_349, %dma_start3A_350] : memref<32x1024xf32, #tpu.memory_space<vmem>> -> memref<8x1024xf32, #tpu.memory_space<vmem>>
    %dma_start3A_352 = arith.constant 0 : i32
    %dma_start3A_353 = tpu.memref_slice %arg5[%multiple_of3A_348, %dma_start3A_352] : memref<8192x1024xf32, #tpu.memory_space<hbm>> -> memref<8x1024xf32, #tpu.memory_space<hbm>>
    %dma_start3A_354 = arith.constant 0 : i32
    %dma_start3A_355 = tpu.memref_slice %arg5[%multiple_of3A_348, %dma_start3A_354] : memref<8192x1024xf32, #tpu.memory_space<hbm>> -> memref<8x1024xf32, #tpu.memory_space<hbm>>
    %dma_start3A_356 = arith.constant 16 : i32
    %dma_start3A_357 = arith.constant 0 : i32
    %dma_start3A_358 = tpu.memref_slice %arg16[%dma_start3A_356, %dma_start3A_357] : memref<32x1024xf32, #tpu.memory_space<vmem>> -> memref<8x1024xf32, #tpu.memory_space<vmem>>
    tpu.enqueue_dma source(%dma_start3A_358 : memref<8x1024xf32, #tpu.memory_space<vmem>>) target(%dma_start3A_355 : memref<8x1024xf32, #tpu.memory_space<hbm>>) target_semaphore(%arg28 : memref<!tpu.dma_semaphore, #tpu.memory_space<semaphore_mem>>)
    %add3A_359 = arith.constant 6144 : i32
    %add3A_360 = arith.addi %add3A_359, %multiple_of3A : i32
    %add3A_361 = arith.constant 16 : i32
    %add3A_362 = arith.addi %add3A_360, %add3A_361 : i32
    %multiple_of3A_363 = tpu.assume_multiple %add3A_362, 8 : i32
    %dma_start3A_364 = arith.constant 24 : i32
    %dma_start3A_365 = arith.constant 0 : i32
    %dma_start3A_366 = tpu.memref_slice %arg16[%dma_start3A_364, %dma_start3A_365] : memref<32x1024xf32, #tpu.memory_space<vmem>> -> memref<8x1024xf32, #tpu.memory_space<vmem>>
    %dma_start3A_367 = arith.constant 0 : i32
    %dma_start3A_368 = tpu.memref_slice %arg5[%multiple_of3A_363, %dma_start3A_367] : memref<8192x1024xf32, #tpu.memory_space<hbm>> -> memref<8x1024xf32, #tpu.memory_space<hbm>>
    %dma_start3A_369 = arith.constant 0 : i32
    %dma_start3A_370 = tpu.memref_slice %arg5[%multiple_of3A_363, %dma_start3A_369] : memref<8192x1024xf32, #tpu.memory_space<hbm>> -> memref<8x1024xf32, #tpu.memory_space<hbm>>
    %dma_start3A_371 = arith.constant 24 : i32
    %dma_start3A_372 = arith.constant 0 : i32
    %dma_start3A_373 = tpu.memref_slice %arg16[%dma_start3A_371, %dma_start3A_372] : memref<32x1024xf32, #tpu.memory_space<vmem>> -> memref<8x1024xf32, #tpu.memory_space<vmem>>
    tpu.enqueue_dma source(%dma_start3A_373 : memref<8x1024xf32, #tpu.memory_space<vmem>>) target(%dma_start3A_370 : memref<8x1024xf32, #tpu.memory_space<hbm>>) target_semaphore(%arg28 : memref<!tpu.dma_semaphore, #tpu.memory_space<semaphore_mem>>)
    %dma_wait3A_374 = arith.constant 0 : i32
    %dma_wait3A_375 = arith.constant 0 : i32
    %dma_wait3A_376 = tpu.memref_slice %arg15[%dma_wait3A_374, %dma_wait3A_375] : memref<32x1024xf32, #tpu.memory_space<vmem>> -> memref<8x1024xf32, #tpu.memory_space<vmem>>
    %dma_wait3A_377 = arith.constant 0 : i32
    %dma_wait3A_378 = tpu.memref_slice %arg5[%multiple_of3A_191, %dma_wait3A_377] : memref<8192x1024xf32, #tpu.memory_space<hbm>> -> memref<8x1024xf32, #tpu.memory_space<hbm>>
    %dma_wait3A_379 = arith.constant 0 : i32
    %dma_wait3A_380 = tpu.memref_slice %arg5[%multiple_of3A_191, %dma_wait3A_379] : memref<8192x1024xf32, #tpu.memory_space<hbm>> -> memref<8x1024xf32, #tpu.memory_space<hbm>>
    %dma_wait3A_381 = arith.constant 0 : i32
    %dma_wait3A_382 = arith.constant 0 : i32
    %dma_wait3A_383 = tpu.memref_slice %arg15[%dma_wait3A_381, %dma_wait3A_382] : memref<32x1024xf32, #tpu.memory_space<vmem>> -> memref<8x1024xf32, #tpu.memory_space<vmem>>
    tpu.wait_dma2 semaphore(%arg27 : memref<!tpu.dma_semaphore, #tpu.memory_space<semaphore_mem>>) src(%dma_wait3A_383 : memref<8x1024xf32, #tpu.memory_space<vmem>>) dst(%dma_wait3A_380 : memref<8x1024xf32, #tpu.memory_space<hbm>>)
    %dma_wait3A_384 = arith.constant 8 : i32
    %dma_wait3A_385 = arith.constant 0 : i32
    %dma_wait3A_386 = tpu.memref_slice %arg15[%dma_wait3A_384, %dma_wait3A_385] : memref<32x1024xf32, #tpu.memory_space<vmem>> -> memref<8x1024xf32, #tpu.memory_space<vmem>>
    %dma_wait3A_387 = arith.constant 0 : i32
    %dma_wait3A_388 = tpu.memref_slice %arg5[%multiple_of3A_206, %dma_wait3A_387] : memref<8192x1024xf32, #tpu.memory_space<hbm>> -> memref<8x1024xf32, #tpu.memory_space<hbm>>
    %dma_wait3A_389 = arith.constant 0 : i32
    %dma_wait3A_390 = tpu.memref_slice %arg5[%multiple_of3A_206, %dma_wait3A_389] : memref<8192x1024xf32, #tpu.memory_space<hbm>> -> memref<8x1024xf32, #tpu.memory_space<hbm>>
    %dma_wait3A_391 = arith.constant 8 : i32
    %dma_wait3A_392 = arith.constant 0 : i32
    %dma_wait3A_393 = tpu.memref_slice %arg15[%dma_wait3A_391, %dma_wait3A_392] : memref<32x1024xf32, #tpu.memory_space<vmem>> -> memref<8x1024xf32, #tpu.memory_space<vmem>>
    tpu.wait_dma2 semaphore(%arg27 : memref<!tpu.dma_semaphore, #tpu.memory_space<semaphore_mem>>) src(%dma_wait3A_393 : memref<8x1024xf32, #tpu.memory_space<vmem>>) dst(%dma_wait3A_390 : memref<8x1024xf32, #tpu.memory_space<hbm>>)
    %dma_wait3A_394 = arith.constant 16 : i32
    %dma_wait3A_395 = arith.constant 0 : i32
    %dma_wait3A_396 = tpu.memref_slice %arg15[%dma_wait3A_394, %dma_wait3A_395] : memref<32x1024xf32, #tpu.memory_space<vmem>> -> memref<8x1024xf32, #tpu.memory_space<vmem>>
    %dma_wait3A_397 = arith.constant 0 : i32
    %dma_wait3A_398 = tpu.memref_slice %arg5[%multiple_of3A_221, %dma_wait3A_397] : memref<8192x1024xf32, #tpu.memory_space<hbm>> -> memref<8x1024xf32, #tpu.memory_space<hbm>>
    %dma_wait3A_399 = arith.constant 0 : i32
    %dma_wait3A_400 = tpu.memref_slice %arg5[%multiple_of3A_221, %dma_wait3A_399] : memref<8192x1024xf32, #tpu.memory_space<hbm>> -> memref<8x1024xf32, #tpu.memory_space<hbm>>
    %dma_wait3A_401 = arith.constant 16 : i32
    %dma_wait3A_402 = arith.constant 0 : i32
    %dma_wait3A_403 = tpu.memref_slice %arg15[%dma_wait3A_401, %dma_wait3A_402] : memref<32x1024xf32, #tpu.memory_space<vmem>> -> memref<8x1024xf32, #tpu.memory_space<vmem>>
    tpu.wait_dma2 semaphore(%arg27 : memref<!tpu.dma_semaphore, #tpu.memory_space<semaphore_mem>>) src(%dma_wait3A_403 : memref<8x1024xf32, #tpu.memory_space<vmem>>) dst(%dma_wait3A_400 : memref<8x1024xf32, #tpu.memory_space<hbm>>)
    %dma_wait3A_404 = arith.constant 24 : i32
    %dma_wait3A_405 = arith.constant 0 : i32
    %dma_wait3A_406 = tpu.memref_slice %arg15[%dma_wait3A_404, %dma_wait3A_405] : memref<32x1024xf32, #tpu.memory_space<vmem>> -> memref<8x1024xf32, #tpu.memory_space<vmem>>
    %dma_wait3A_407 = arith.constant 0 : i32
    %dma_wait3A_408 = tpu.memref_slice %arg5[%multiple_of3A_236, %dma_wait3A_407] : memref<8192x1024xf32, #tpu.memory_space<hbm>> -> memref<8x1024xf32, #tpu.memory_space<hbm>>
    %dma_wait3A_409 = arith.constant 0 : i32
    %dma_wait3A_410 = tpu.memref_slice %arg5[%multiple_of3A_236, %dma_wait3A_409] : memref<8192x1024xf32, #tpu.memory_space<hbm>> -> memref<8x1024xf32, #tpu.memory_space<hbm>>
    %dma_wait3A_411 = arith.constant 24 : i32
    %dma_wait3A_412 = arith.constant 0 : i32
    %dma_wait3A_413 = tpu.memref_slice %arg15[%dma_wait3A_411, %dma_wait3A_412] : memref<32x1024xf32, #tpu.memory_space<vmem>> -> memref<8x1024xf32, #tpu.memory_space<vmem>>
    tpu.wait_dma2 semaphore(%arg27 : memref<!tpu.dma_semaphore, #tpu.memory_space<semaphore_mem>>) src(%dma_wait3A_413 : memref<8x1024xf32, #tpu.memory_space<vmem>>) dst(%dma_wait3A_410 : memref<8x1024xf32, #tpu.memory_space<hbm>>)
    %dma_wait3A_414 = arith.constant 4 : i32
    %dma_wait3A_415 = arith.constant 0 : i32
    %dma_wait3A_416 = tpu.memref_slice %arg2[%add3A, %dma_wait3A_414, %dma_wait3A_415] : memref<32x8x32xi32, #tpu.memory_space<hbm>> -> memref<1x1x32xi32, #tpu.memory_space<hbm>>
    %dma_wait3A_417 = tpu.memref_squeeze %dma_wait3A_416 : memref<1x1x32xi32, #tpu.memory_space<hbm>> -> memref<32xi32, #tpu.memory_space<hbm>>
    %dma_wait3A_418 = arith.constant 0 : i32
    %dma_wait3A_419 = tpu.memref_slice %arg2[%add3A, %dma_wait3A_414, %dma_wait3A_418] : memref<32x8x32xi32, #tpu.memory_space<hbm>> -> memref<1x1x32xi32, #tpu.memory_space<hbm>>
    %dma_wait3A_420 = tpu.memref_squeeze %dma_wait3A_419 : memref<1x1x32xi32, #tpu.memory_space<hbm>> -> memref<32xi32, #tpu.memory_space<hbm>>
    tpu.wait_dma2 semaphore(%arg33 : memref<!tpu.dma_semaphore, #tpu.memory_space<semaphore_mem>>) src(%dma_wait3A_420 : memref<32xi32, #tpu.memory_space<hbm>>) dst(%arg10 : memref<32xi32, #tpu.memory_space<vmem>>)
    %dma_start3A_421 = arith.constant 0 : i32
    %dma_start3A_422 = arith.constant 0 : i32
    %dma_start3A_423 = tpu.memref_slice %arg3[%dma_start3A_421, %dma_start3A_422] : memref<100000x1024xf32, #tpu.memory_space<hbm>> -> memref<100000x1024xf32, #tpu.memory_space<hbm>>
    tpu.enqueue_indirect_dma source(%dma_start3A_423 : memref<100000x1024xf32, #tpu.memory_space<hbm>>) target(%arg15 : memref<32x1024xf32, #tpu.memory_space<vmem>>) offsets(%arg10 : memref<32xi32, #tpu.memory_space<vmem>>) semaphore(%arg21 : memref<!tpu.dma_semaphore, #tpu.memory_space<semaphore_mem>>)
    %add3A_424 = arith.constant 32 : i32
    %add3A_425 = arith.addi %multiple_of3A, %add3A_424 : i32
    %multiple_of3A_426 = tpu.assume_multiple %add3A_425, 8 : i32
    %dma_start3A_427 = arith.constant 0 : i32
    %dma_start3A_428 = tpu.memref_slice %arg4[%multiple_of3A_426, %dma_start3A_427] : memref<2048x1024xf32, #tpu.memory_space<hbm>> -> memref<8x1024xf32, #tpu.memory_space<hbm>>
    %dma_start3A_429 = arith.constant 0 : i32
    %dma_start3A_430 = tpu.memref_slice %arg4[%multiple_of3A_426, %dma_start3A_429] : memref<2048x1024xf32, #tpu.memory_space<hbm>> -> memref<8x1024xf32, #tpu.memory_space<hbm>>
    tpu.enqueue_dma source(%dma_start3A_430 : memref<8x1024xf32, #tpu.memory_space<hbm>>) target(%arg18 : memref<8x1024xf32, #tpu.memory_space<vmem>>) target_semaphore(%arg24 : memref<!tpu.dma_semaphore, #tpu.memory_space<semaphore_mem>>)
    %dma_wait3A_431 = arith.constant 0 : i32
    %dma_wait3A_432 = arith.constant 0 : i32
    %dma_wait3A_433 = tpu.memref_slice %arg3[%dma_wait3A_431, %dma_wait3A_432] : memref<100000x1024xf32, #tpu.memory_space<hbm>> -> memref<100000x1024xf32, #tpu.memory_space<hbm>>
    tpu.wait_indirect_dma semaphore(%arg20 : memref<!tpu.dma_semaphore, #tpu.memory_space<semaphore_mem>>) src(%dma_wait3A_433 : memref<100000x1024xf32, #tpu.memory_space<hbm>>) dst(%arg14 : memref<32x1024xf32, #tpu.memory_space<vmem>>)
    %dma_wait3A_434 = arith.constant 0 : i32
    %dma_wait3A_435 = tpu.memref_slice %arg4[%multiple_of3A_299, %dma_wait3A_434] : memref<2048x1024xf32, #tpu.memory_space<hbm>> -> memref<8x1024xf32, #tpu.memory_space<hbm>>
    %dma_wait3A_436 = arith.constant 0 : i32
    %dma_wait3A_437 = tpu.memref_slice %arg4[%multiple_of3A_299, %dma_wait3A_436] : memref<2048x1024xf32, #tpu.memory_space<hbm>> -> memref<8x1024xf32, #tpu.memory_space<hbm>>
    tpu.wait_dma2 semaphore(%arg23 : memref<!tpu.dma_semaphore, #tpu.memory_space<semaphore_mem>>) src(%dma_wait3A_437 : memref<8x1024xf32, #tpu.memory_space<hbm>>) dst(%arg17 : memref<8x1024xf32, #tpu.memory_space<vmem>>)
    %parallel_loop3A_438 = arith.constant 0 : i32
    %parallel_loop3A_439 = arith.constant 512 : i32
    %parallel_loop3A_440 = arith.constant 1 : i32
    scf.for %parallel_loop3A_1072 = %parallel_loop3A_438 to %parallel_loop3A_439 step %parallel_loop3A_440  : i32 {
      %parallel_loop3A_1073 = arith.constant 6 : i32
      %parallel_loop3A_1074 = arith.shrsi %parallel_loop3A_1072, %parallel_loop3A_1073 : i32
      %parallel_loop3A_1075 = arith.constant 63 : i32
      %parallel_loop3A_1076 = arith.andi %parallel_loop3A_1072, %parallel_loop3A_1075 : i32
      %parallel_loop3A_1077 = arith.constant 16 : i32
      %parallel_loop3A_1078 = arith.muli %parallel_loop3A_1076, %parallel_loop3A_1077 : i32
      %parallel_loop3A_1079 = tpu.assume_multiple %parallel_loop3A_1078, 16 : i32
      %parallel_loop3A_1080 = arith.index_cast %parallel_loop3A_1074 : i32 to index
      %parallel_loop3A_1081 = arith.index_cast %parallel_loop3A_1079 : i32 to index
      %parallel_loop3A_1082 = tpu.vector_load %arg17[%parallel_loop3A_1080, %parallel_loop3A_1081] {strides = array<i32>} : memref<8x1024xf32, #tpu.memory_space<vmem>>, vector<1x16xf32>,
      %parallel_loop3A_1083 = vector.shape_cast %parallel_loop3A_1082 : vector<1x16xf32> to vector<16xf32>
      %parallel_loop3A_1084 = arith.constant 0 : i32
      %parallel_loop3A_1085 = arith.addi %parallel_loop3A_1084, %parallel_loop3A_1074 : i32
      %parallel_loop3A_1086 = arith.index_cast %parallel_loop3A_1085 : i32 to index
      %parallel_loop3A_1087 = arith.index_cast %parallel_loop3A_1079 : i32 to index
      %parallel_loop3A_1088 = tpu.vector_load %arg14[%parallel_loop3A_1086, %parallel_loop3A_1087] {strides = array<i32>} : memref<32x1024xf32, #tpu.memory_space<vmem>>, vector<1x16xf32>,
      %parallel_loop3A_1089 = vector.shape_cast %parallel_loop3A_1088 : vector<1x16xf32> to vector<16xf32>
      %parallel_loop3A_1090 = arith.constant 3.200000e+01 : f32
      %parallel_loop3A_1091 = vector.broadcast %parallel_loop3A_1090 : f32 to vector<16xf32>
      %parallel_loop3A_1092 = arith.mulf %parallel_loop3A_1089, %parallel_loop3A_1091 : vector<16xf32>
      %parallel_loop3A_1093 = arith.addf %parallel_loop3A_1092, %parallel_loop3A_1083 : vector<16xf32>
      %parallel_loop3A_1094 = arith.constant 0 : i32
      %parallel_loop3A_1095 = arith.addi %parallel_loop3A_1094, %parallel_loop3A_1074 : i32
      %parallel_loop3A_1096 = arith.index_cast %parallel_loop3A_1095 : i32 to index
      %parallel_loop3A_1097 = arith.index_cast %parallel_loop3A_1079 : i32 to index
      %parallel_loop3A_1098 = tpu.vector_load %arg14[%parallel_loop3A_1096, %parallel_loop3A_1097] {strides = array<i32>} : memref<32x1024xf32, #tpu.memory_space<vmem>>, vector<1x16xf32>,
      %parallel_loop3A_1099 = vector.shape_cast %parallel_loop3A_1098 : vector<1x16xf32> to vector<16xf32>
      %parallel_loop3A_1100 = vector.shape_cast %parallel_loop3A_1093 : vector<16xf32> to vector<1x16xf32>
      tpu.vector_store %arg14[%parallel_loop3A_1096, %parallel_loop3A_1097], %parallel_loop3A_1100 {strides = array<i32>} : memref<32x1024xf32, #tpu.memory_space<vmem>>, vector<1x16xf32>,
      %parallel_loop3A_1101 = arith.constant 8 : i32
      %parallel_loop3A_1102 = arith.addi %parallel_loop3A_1101, %parallel_loop3A_1074 : i32
      %parallel_loop3A_1103 = arith.index_cast %parallel_loop3A_1102 : i32 to index
      %parallel_loop3A_1104 = arith.index_cast %parallel_loop3A_1079 : i32 to index
      %parallel_loop3A_1105 = tpu.vector_load %arg14[%parallel_loop3A_1103, %parallel_loop3A_1104] {strides = array<i32>} : memref<32x1024xf32, #tpu.memory_space<vmem>>, vector<1x16xf32>,
      %parallel_loop3A_1106 = vector.shape_cast %parallel_loop3A_1105 : vector<1x16xf32> to vector<16xf32>
      %parallel_loop3A_1107 = arith.constant 3.200000e+01 : f32
      %parallel_loop3A_1108 = vector.broadcast %parallel_loop3A_1107 : f32 to vector<16xf32>
      %parallel_loop3A_1109 = arith.mulf %parallel_loop3A_1106, %parallel_loop3A_1108 : vector<16xf32>
      %parallel_loop3A_1110 = arith.addf %parallel_loop3A_1109, %parallel_loop3A_1083 : vector<16xf32>
      %parallel_loop3A_1111 = arith.constant 8 : i32
      %parallel_loop3A_1112 = arith.addi %parallel_loop3A_1111, %parallel_loop3A_1074 : i32
      %parallel_loop3A_1113 = arith.index_cast %parallel_loop3A_1112 : i32 to index
      %parallel_loop3A_1114 = arith.index_cast %parallel_loop3A_1079 : i32 to index
      %parallel_loop3A_1115 = tpu.vector_load %arg14[%parallel_loop3A_1113, %parallel_loop3A_1114] {strides = array<i32>} : memref<32x1024xf32, #tpu.memory_space<vmem>>, vector<1x16xf32>,
      %parallel_loop3A_1116 = vector.shape_cast %parallel_loop3A_1115 : vector<1x16xf32> to vector<16xf32>
      %parallel_loop3A_1117 = vector.shape_cast %parallel_loop3A_1110 : vector<16xf32> to vector<1x16xf32>
      tpu.vector_store %arg14[%parallel_loop3A_1113, %parallel_loop3A_1114], %parallel_loop3A_1117 {strides = array<i32>} : memref<32x1024xf32, #tpu.memory_space<vmem>>, vector<1x16xf32>,
      %parallel_loop3A_1118 = arith.constant 16 : i32
      %parallel_loop3A_1119 = arith.addi %parallel_loop3A_1118, %parallel_loop3A_1074 : i32
      %parallel_loop3A_1120 = arith.index_cast %parallel_loop3A_1119 : i32 to index
      %parallel_loop3A_1121 = arith.index_cast %parallel_loop3A_1079 : i32 to index
      %parallel_loop3A_1122 = tpu.vector_load %arg14[%parallel_loop3A_1120, %parallel_loop3A_1121] {strides = array<i32>} : memref<32x1024xf32, #tpu.memory_space<vmem>>, vector<1x16xf32>,
      %parallel_loop3A_1123 = vector.shape_cast %parallel_loop3A_1122 : vector<1x16xf32> to vector<16xf32>
      %parallel_loop3A_1124 = arith.constant 3.200000e+01 : f32
      %parallel_loop3A_1125 = vector.broadcast %parallel_loop3A_1124 : f32 to vector<16xf32>
      %parallel_loop3A_1126 = arith.mulf %parallel_loop3A_1123, %parallel_loop3A_1125 : vector<16xf32>
      %parallel_loop3A_1127 = arith.addf %parallel_loop3A_1126, %parallel_loop3A_1083 : vector<16xf32>
      %parallel_loop3A_1128 = arith.constant 16 : i32
      %parallel_loop3A_1129 = arith.addi %parallel_loop3A_1128, %parallel_loop3A_1074 : i32
      %parallel_loop3A_1130 = arith.index_cast %parallel_loop3A_1129 : i32 to index
      %parallel_loop3A_1131 = arith.index_cast %parallel_loop3A_1079 : i32 to index
      %parallel_loop3A_1132 = tpu.vector_load %arg14[%parallel_loop3A_1130, %parallel_loop3A_1131] {strides = array<i32>} : memref<32x1024xf32, #tpu.memory_space<vmem>>, vector<1x16xf32>,
      %parallel_loop3A_1133 = vector.shape_cast %parallel_loop3A_1132 : vector<1x16xf32> to vector<16xf32>
      %parallel_loop3A_1134 = vector.shape_cast %parallel_loop3A_1127 : vector<16xf32> to vector<1x16xf32>
      tpu.vector_store %arg14[%parallel_loop3A_1130, %parallel_loop3A_1131], %parallel_loop3A_1134 {strides = array<i32>} : memref<32x1024xf32, #tpu.memory_space<vmem>>, vector<1x16xf32>,
      %parallel_loop3A_1135 = arith.constant 24 : i32
      %parallel_loop3A_1136 = arith.addi %parallel_loop3A_1135, %parallel_loop3A_1074 : i32
      %parallel_loop3A_1137 = arith.index_cast %parallel_loop3A_1136 : i32 to index
      %parallel_loop3A_1138 = arith.index_cast %parallel_loop3A_1079 : i32 to index
      %parallel_loop3A_1139 = tpu.vector_load %arg14[%parallel_loop3A_1137, %parallel_loop3A_1138] {strides = array<i32>} : memref<32x1024xf32, #tpu.memory_space<vmem>>, vector<1x16xf32>,
      %parallel_loop3A_1140 = vector.shape_cast %parallel_loop3A_1139 : vector<1x16xf32> to vector<16xf32>
      %parallel_loop3A_1141 = arith.constant 3.200000e+01 : f32
      %parallel_loop3A_1142 = vector.broadcast %parallel_loop3A_1141 : f32 to vector<16xf32>
      %parallel_loop3A_1143 = arith.mulf %parallel_loop3A_1140, %parallel_loop3A_1142 : vector<16xf32>
      %parallel_loop3A_1144 = arith.addf %parallel_loop3A_1143, %parallel_loop3A_1083 : vector<16xf32>
      %parallel_loop3A_1145 = arith.constant 24 : i32
      %parallel_loop3A_1146 = arith.addi %parallel_loop3A_1145, %parallel_loop3A_1074 : i32
      %parallel_loop3A_1147 = arith.index_cast %parallel_loop3A_1146 : i32 to index
      %parallel_loop3A_1148 = arith.index_cast %parallel_loop3A_1079 : i32 to index
      %parallel_loop3A_1149 = tpu.vector_load %arg14[%parallel_loop3A_1147, %parallel_loop3A_1148] {strides = array<i32>} : memref<32x1024xf32, #tpu.memory_space<vmem>>, vector<1x16xf32>,
      %parallel_loop3A_1150 = vector.shape_cast %parallel_loop3A_1149 : vector<1x16xf32> to vector<16xf32>
      %parallel_loop3A_1151 = vector.shape_cast %parallel_loop3A_1144 : vector<16xf32> to vector<1x16xf32>
      tpu.vector_store %arg14[%parallel_loop3A_1147, %parallel_loop3A_1148], %parallel_loop3A_1151 {strides = array<i32>} : memref<32x1024xf32, #tpu.memory_space<vmem>>, vector<1x16xf32>,
    } {sc.loop_unroll_factor = 8 : i64, sc.parallel_access}
    %add3A_441 = arith.constant 0 : i32
    %add3A_442 = arith.addi %add3A_441, %multiple_of3A : i32
    %add3A_443 = arith.constant 24 : i32
    %add3A_444 = arith.addi %add3A_442, %add3A_443 : i32
    %multiple_of3A_445 = tpu.assume_multiple %add3A_444, 8 : i32
    %dma_start3A_446 = arith.constant 0 : i32
    %dma_start3A_447 = arith.constant 0 : i32
    %dma_start3A_448 = tpu.memref_slice %arg14[%dma_start3A_446, %dma_start3A_447] : memref<32x1024xf32, #tpu.memory_space<vmem>> -> memref<8x1024xf32, #tpu.memory_space<vmem>>
    %dma_start3A_449 = arith.constant 0 : i32
    %dma_start3A_450 = tpu.memref_slice %arg5[%multiple_of3A_445, %dma_start3A_449] : memref<8192x1024xf32, #tpu.memory_space<hbm>> -> memref<8x1024xf32, #tpu.memory_space<hbm>>
    %dma_start3A_451 = arith.constant 0 : i32
    %dma_start3A_452 = tpu.memref_slice %arg5[%multiple_of3A_445, %dma_start3A_451] : memref<8192x1024xf32, #tpu.memory_space<hbm>> -> memref<8x1024xf32, #tpu.memory_space<hbm>>
    %dma_start3A_453 = arith.constant 0 : i32
    %dma_start3A_454 = arith.constant 0 : i32
    %dma_start3A_455 = tpu.memref_slice %arg14[%dma_start3A_453, %dma_start3A_454] : memref<32x1024xf32, #tpu.memory_space<vmem>> -> memref<8x1024xf32, #tpu.memory_space<vmem>>
    tpu.enqueue_dma source(%dma_start3A_455 : memref<8x1024xf32, #tpu.memory_space<vmem>>) target(%dma_start3A_452 : memref<8x1024xf32, #tpu.memory_space<hbm>>) target_semaphore(%arg26 : memref<!tpu.dma_semaphore, #tpu.memory_space<semaphore_mem>>)
    %add3A_456 = arith.constant 2048 : i32
    %add3A_457 = arith.addi %add3A_456, %multiple_of3A : i32
    %add3A_458 = arith.constant 24 : i32
    %add3A_459 = arith.addi %add3A_457, %add3A_458 : i32
    %multiple_of3A_460 = tpu.assume_multiple %add3A_459, 8 : i32
    %dma_start3A_461 = arith.constant 8 : i32
    %dma_start3A_462 = arith.constant 0 : i32
    %dma_start3A_463 = tpu.memref_slice %arg14[%dma_start3A_461, %dma_start3A_462] : memref<32x1024xf32, #tpu.memory_space<vmem>> -> memref<8x1024xf32, #tpu.memory_space<vmem>>
    %dma_start3A_464 = arith.constant 0 : i32
    %dma_start3A_465 = tpu.memref_slice %arg5[%multiple_of3A_460, %dma_start3A_464] : memref<8192x1024xf32, #tpu.memory_space<hbm>> -> memref<8x1024xf32, #tpu.memory_space<hbm>>
    %dma_start3A_466 = arith.constant 0 : i32
    %dma_start3A_467 = tpu.memref_slice %arg5[%multiple_of3A_460, %dma_start3A_466] : memref<8192x1024xf32, #tpu.memory_space<hbm>> -> memref<8x1024xf32, #tpu.memory_space<hbm>>
    %dma_start3A_468 = arith.constant 8 : i32
    %dma_start3A_469 = arith.constant 0 : i32
    %dma_start3A_470 = tpu.memref_slice %arg14[%dma_start3A_468, %dma_start3A_469] : memref<32x1024xf32, #tpu.memory_space<vmem>> -> memref<8x1024xf32, #tpu.memory_space<vmem>>
    tpu.enqueue_dma source(%dma_start3A_470 : memref<8x1024xf32, #tpu.memory_space<vmem>>) target(%dma_start3A_467 : memref<8x1024xf32, #tpu.memory_space<hbm>>) target_semaphore(%arg26 : memref<!tpu.dma_semaphore, #tpu.memory_space<semaphore_mem>>)
    %add3A_471 = arith.constant 4096 : i32
    %add3A_472 = arith.addi %add3A_471, %multiple_of3A : i32
    %add3A_473 = arith.constant 24 : i32
    %add3A_474 = arith.addi %add3A_472, %add3A_473 : i32
    %multiple_of3A_475 = tpu.assume_multiple %add3A_474, 8 : i32
    %dma_start3A_476 = arith.constant 16 : i32
    %dma_start3A_477 = arith.constant 0 : i32
    %dma_start3A_478 = tpu.memref_slice %arg14[%dma_start3A_476, %dma_start3A_477] : memref<32x1024xf32, #tpu.memory_space<vmem>> -> memref<8x1024xf32, #tpu.memory_space<vmem>>
    %dma_start3A_479 = arith.constant 0 : i32
    %dma_start3A_480 = tpu.memref_slice %arg5[%multiple_of3A_475, %dma_start3A_479] : memref<8192x1024xf32, #tpu.memory_space<hbm>> -> memref<8x1024xf32, #tpu.memory_space<hbm>>
    %dma_start3A_481 = arith.constant 0 : i32
    %dma_start3A_482 = tpu.memref_slice %arg5[%multiple_of3A_475, %dma_start3A_481] : memref<8192x1024xf32, #tpu.memory_space<hbm>> -> memref<8x1024xf32, #tpu.memory_space<hbm>>
    %dma_start3A_483 = arith.constant 16 : i32
    %dma_start3A_484 = arith.constant 0 : i32
    %dma_start3A_485 = tpu.memref_slice %arg14[%dma_start3A_483, %dma_start3A_484] : memref<32x1024xf32, #tpu.memory_space<vmem>> -> memref<8x1024xf32, #tpu.memory_space<vmem>>
    tpu.enqueue_dma source(%dma_start3A_485 : memref<8x1024xf32, #tpu.memory_space<vmem>>) target(%dma_start3A_482 : memref<8x1024xf32, #tpu.memory_space<hbm>>) target_semaphore(%arg26 : memref<!tpu.dma_semaphore, #tpu.memory_space<semaphore_mem>>)
    %add3A_486 = arith.constant 6144 : i32
    %add3A_487 = arith.addi %add3A_486, %multiple_of3A : i32
    %add3A_488 = arith.constant 24 : i32
    %add3A_489 = arith.addi %add3A_487, %add3A_488 : i32
    %multiple_of3A_490 = tpu.assume_multiple %add3A_489, 8 : i32
    %dma_start3A_491 = arith.constant 24 : i32
    %dma_start3A_492 = arith.constant 0 : i32
    %dma_start3A_493 = tpu.memref_slice %arg14[%dma_start3A_491, %dma_start3A_492] : memref<32x1024xf32, #tpu.memory_space<vmem>> -> memref<8x1024xf32, #tpu.memory_space<vmem>>
    %dma_start3A_494 = arith.constant 0 : i32
    %dma_start3A_495 = tpu.memref_slice %arg5[%multiple_of3A_490, %dma_start3A_494] : memref<8192x1024xf32, #tpu.memory_space<hbm>> -> memref<8x1024xf32, #tpu.memory_space<hbm>>
    %dma_start3A_496 = arith.constant 0 : i32
    %dma_start3A_497 = tpu.memref_slice %arg5[%multiple_of3A_490, %dma_start3A_496] : memref<8192x1024xf32, #tpu.memory_space<hbm>> -> memref<8x1024xf32, #tpu.memory_space<hbm>>
    %dma_start3A_498 = arith.constant 24 : i32
    %dma_start3A_499 = arith.constant 0 : i32
    %dma_start3A_500 = tpu.memref_slice %arg14[%dma_start3A_498, %dma_start3A_499] : memref<32x1024xf32, #tpu.memory_space<vmem>> -> memref<8x1024xf32, #tpu.memory_space<vmem>>
    tpu.enqueue_dma source(%dma_start3A_500 : memref<8x1024xf32, #tpu.memory_space<vmem>>) target(%dma_start3A_497 : memref<8x1024xf32, #tpu.memory_space<hbm>>) target_semaphore(%arg26 : memref<!tpu.dma_semaphore, #tpu.memory_space<semaphore_mem>>)
    %dma_wait3A_501 = arith.constant 0 : i32
    %dma_wait3A_502 = arith.constant 0 : i32
    %dma_wait3A_503 = tpu.memref_slice %arg16[%dma_wait3A_501, %dma_wait3A_502] : memref<32x1024xf32, #tpu.memory_space<vmem>> -> memref<8x1024xf32, #tpu.memory_space<vmem>>
    %dma_wait3A_504 = arith.constant 0 : i32
    %dma_wait3A_505 = tpu.memref_slice %arg5[%multiple_of3A_318, %dma_wait3A_504] : memref<8192x1024xf32, #tpu.memory_space<hbm>> -> memref<8x1024xf32, #tpu.memory_space<hbm>>
    %dma_wait3A_506 = arith.constant 0 : i32
    %dma_wait3A_507 = tpu.memref_slice %arg5[%multiple_of3A_318, %dma_wait3A_506] : memref<8192x1024xf32, #tpu.memory_space<hbm>> -> memref<8x1024xf32, #tpu.memory_space<hbm>>
    %dma_wait3A_508 = arith.constant 0 : i32
    %dma_wait3A_509 = arith.constant 0 : i32
    %dma_wait3A_510 = tpu.memref_slice %arg16[%dma_wait3A_508, %dma_wait3A_509] : memref<32x1024xf32, #tpu.memory_space<vmem>> -> memref<8x1024xf32, #tpu.memory_space<vmem>>
    tpu.wait_dma2 semaphore(%arg28 : memref<!tpu.dma_semaphore, #tpu.memory_space<semaphore_mem>>) src(%dma_wait3A_510 : memref<8x1024xf32, #tpu.memory_space<vmem>>) dst(%dma_wait3A_507 : memref<8x1024xf32, #tpu.memory_space<hbm>>)
    %dma_wait3A_511 = arith.constant 8 : i32
    %dma_wait3A_512 = arith.constant 0 : i32
    %dma_wait3A_513 = tpu.memref_slice %arg16[%dma_wait3A_511, %dma_wait3A_512] : memref<32x1024xf32, #tpu.memory_space<vmem>> -> memref<8x1024xf32, #tpu.memory_space<vmem>>
    %dma_wait3A_514 = arith.constant 0 : i32
    %dma_wait3A_515 = tpu.memref_slice %arg5[%multiple_of3A_333, %dma_wait3A_514] : memref<8192x1024xf32, #tpu.memory_space<hbm>> -> memref<8x1024xf32, #tpu.memory_space<hbm>>
    %dma_wait3A_516 = arith.constant 0 : i32
    %dma_wait3A_517 = tpu.memref_slice %arg5[%multiple_of3A_333, %dma_wait3A_516] : memref<8192x1024xf32, #tpu.memory_space<hbm>> -> memref<8x1024xf32, #tpu.memory_space<hbm>>
    %dma_wait3A_518 = arith.constant 8 : i32
    %dma_wait3A_519 = arith.constant 0 : i32
    %dma_wait3A_520 = tpu.memref_slice %arg16[%dma_wait3A_518, %dma_wait3A_519] : memref<32x1024xf32, #tpu.memory_space<vmem>> -> memref<8x1024xf32, #tpu.memory_space<vmem>>
    tpu.wait_dma2 semaphore(%arg28 : memref<!tpu.dma_semaphore, #tpu.memory_space<semaphore_mem>>) src(%dma_wait3A_520 : memref<8x1024xf32, #tpu.memory_space<vmem>>) dst(%dma_wait3A_517 : memref<8x1024xf32, #tpu.memory_space<hbm>>)
    %dma_wait3A_521 = arith.constant 16 : i32
    %dma_wait3A_522 = arith.constant 0 : i32
    %dma_wait3A_523 = tpu.memref_slice %arg16[%dma_wait3A_521, %dma_wait3A_522] : memref<32x1024xf32, #tpu.memory_space<vmem>> -> memref<8x1024xf32, #tpu.memory_space<vmem>>
    %dma_wait3A_524 = arith.constant 0 : i32
    %dma_wait3A_525 = tpu.memref_slice %arg5[%multiple_of3A_348, %dma_wait3A_524] : memref<8192x1024xf32, #tpu.memory_space<hbm>> -> memref<8x1024xf32, #tpu.memory_space<hbm>>
    %dma_wait3A_526 = arith.constant 0 : i32
    %dma_wait3A_527 = tpu.memref_slice %arg5[%multiple_of3A_348, %dma_wait3A_526] : memref<8192x1024xf32, #tpu.memory_space<hbm>> -> memref<8x1024xf32, #tpu.memory_space<hbm>>
    %dma_wait3A_528 = arith.constant 16 : i32
    %dma_wait3A_529 = arith.constant 0 : i32
    %dma_wait3A_530 = tpu.memref_slice %arg16[%dma_wait3A_528, %dma_wait3A_529] : memref<32x1024xf32, #tpu.memory_space<vmem>> -> memref<8x1024xf32, #tpu.memory_space<vmem>>
    tpu.wait_dma2 semaphore(%arg28 : memref<!tpu.dma_semaphore, #tpu.memory_space<semaphore_mem>>) src(%dma_wait3A_530 : memref<8x1024xf32, #tpu.memory_space<vmem>>) dst(%dma_wait3A_527 : memref<8x1024xf32, #tpu.memory_space<hbm>>)
    %dma_wait3A_531 = arith.constant 24 : i32
    %dma_wait3A_532 = arith.constant 0 : i32
    %dma_wait3A_533 = tpu.memref_slice %arg16[%dma_wait3A_531, %dma_wait3A_532] : memref<32x1024xf32, #tpu.memory_space<vmem>> -> memref<8x1024xf32, #tpu.memory_space<vmem>>
    %dma_wait3A_534 = arith.constant 0 : i32
    %dma_wait3A_535 = tpu.memref_slice %arg5[%multiple_of3A_363, %dma_wait3A_534] : memref<8192x1024xf32, #tpu.memory_space<hbm>> -> memref<8x1024xf32, #tpu.memory_space<hbm>>
    %dma_wait3A_536 = arith.constant 0 : i32
    %dma_wait3A_537 = tpu.memref_slice %arg5[%multiple_of3A_363, %dma_wait3A_536] : memref<8192x1024xf32, #tpu.memory_space<hbm>> -> memref<8x1024xf32, #tpu.memory_space<hbm>>
    %dma_wait3A_538 = arith.constant 24 : i32
    %dma_wait3A_539 = arith.constant 0 : i32
    %dma_wait3A_540 = tpu.memref_slice %arg16[%dma_wait3A_538, %dma_wait3A_539] : memref<32x1024xf32, #tpu.memory_space<vmem>> -> memref<8x1024xf32, #tpu.memory_space<vmem>>
    tpu.wait_dma2 semaphore(%arg28 : memref<!tpu.dma_semaphore, #tpu.memory_space<semaphore_mem>>) src(%dma_wait3A_540 : memref<8x1024xf32, #tpu.memory_space<vmem>>) dst(%dma_wait3A_537 : memref<8x1024xf32, #tpu.memory_space<hbm>>)
    %dma_wait3A_541 = arith.constant 5 : i32
    %dma_wait3A_542 = arith.constant 0 : i32
    %dma_wait3A_543 = tpu.memref_slice %arg2[%add3A, %dma_wait3A_541, %dma_wait3A_542] : memref<32x8x32xi32, #tpu.memory_space<hbm>> -> memref<1x1x32xi32, #tpu.memory_space<hbm>>
    %dma_wait3A_544 = tpu.memref_squeeze %dma_wait3A_543 : memref<1x1x32xi32, #tpu.memory_space<hbm>> -> memref<32xi32, #tpu.memory_space<hbm>>
    %dma_wait3A_545 = arith.constant 0 : i32
    %dma_wait3A_546 = tpu.memref_slice %arg2[%add3A, %dma_wait3A_541, %dma_wait3A_545] : memref<32x8x32xi32, #tpu.memory_space<hbm>> -> memref<1x1x32xi32, #tpu.memory_space<hbm>>
    %dma_wait3A_547 = tpu.memref_squeeze %dma_wait3A_546 : memref<1x1x32xi32, #tpu.memory_space<hbm>> -> memref<32xi32, #tpu.memory_space<hbm>>
    tpu.wait_dma2 semaphore(%arg34 : memref<!tpu.dma_semaphore, #tpu.memory_space<semaphore_mem>>) src(%dma_wait3A_547 : memref<32xi32, #tpu.memory_space<hbm>>) dst(%arg11 : memref<32xi32, #tpu.memory_space<vmem>>)
    %dma_start3A_548 = arith.constant 0 : i32
    %dma_start3A_549 = arith.constant 0 : i32
    %dma_start3A_550 = tpu.memref_slice %arg3[%dma_start3A_548, %dma_start3A_549] : memref<100000x1024xf32, #tpu.memory_space<hbm>> -> memref<100000x1024xf32, #tpu.memory_space<hbm>>
    tpu.enqueue_indirect_dma source(%dma_start3A_550 : memref<100000x1024xf32, #tpu.memory_space<hbm>>) target(%arg16 : memref<32x1024xf32, #tpu.memory_space<vmem>>) offsets(%arg11 : memref<32xi32, #tpu.memory_space<vmem>>) semaphore(%arg22 : memref<!tpu.dma_semaphore, #tpu.memory_space<semaphore_mem>>)
    %add3A_551 = arith.constant 40 : i32
    %add3A_552 = arith.addi %multiple_of3A, %add3A_551 : i32
    %multiple_of3A_553 = tpu.assume_multiple %add3A_552, 8 : i32
    %dma_start3A_554 = arith.constant 0 : i32
    %dma_start3A_555 = tpu.memref_slice %arg4[%multiple_of3A_553, %dma_start3A_554] : memref<2048x1024xf32, #tpu.memory_space<hbm>> -> memref<8x1024xf32, #tpu.memory_space<hbm>>
    %dma_start3A_556 = arith.constant 0 : i32
    %dma_start3A_557 = tpu.memref_slice %arg4[%multiple_of3A_553, %dma_start3A_556] : memref<2048x1024xf32, #tpu.memory_space<hbm>> -> memref<8x1024xf32, #tpu.memory_space<hbm>>
    tpu.enqueue_dma source(%dma_start3A_557 : memref<8x1024xf32, #tpu.memory_space<hbm>>) target(%arg19 : memref<8x1024xf32, #tpu.memory_space<vmem>>) target_semaphore(%arg25 : memref<!tpu.dma_semaphore, #tpu.memory_space<semaphore_mem>>)
    %dma_wait3A_558 = arith.constant 0 : i32
    %dma_wait3A_559 = arith.constant 0 : i32
    %dma_wait3A_560 = tpu.memref_slice %arg3[%dma_wait3A_558, %dma_wait3A_559] : memref<100000x1024xf32, #tpu.memory_space<hbm>> -> memref<100000x1024xf32, #tpu.memory_space<hbm>>
    tpu.wait_indirect_dma semaphore(%arg21 : memref<!tpu.dma_semaphore, #tpu.memory_space<semaphore_mem>>) src(%dma_wait3A_560 : memref<100000x1024xf32, #tpu.memory_space<hbm>>) dst(%arg15 : memref<32x1024xf32, #tpu.memory_space<vmem>>)
    %dma_wait3A_561 = arith.constant 0 : i32
    %dma_wait3A_562 = tpu.memref_slice %arg4[%multiple_of3A_426, %dma_wait3A_561] : memref<2048x1024xf32, #tpu.memory_space<hbm>> -> memref<8x1024xf32, #tpu.memory_space<hbm>>
    %dma_wait3A_563 = arith.constant 0 : i32
    %dma_wait3A_564 = tpu.memref_slice %arg4[%multiple_of3A_426, %dma_wait3A_563] : memref<2048x1024xf32, #tpu.memory_space<hbm>> -> memref<8x1024xf32, #tpu.memory_space<hbm>>
    tpu.wait_dma2 semaphore(%arg24 : memref<!tpu.dma_semaphore, #tpu.memory_space<semaphore_mem>>) src(%dma_wait3A_564 : memref<8x1024xf32, #tpu.memory_space<hbm>>) dst(%arg18 : memref<8x1024xf32, #tpu.memory_space<vmem>>)
    %parallel_loop3A_565 = arith.constant 0 : i32
    %parallel_loop3A_566 = arith.constant 512 : i32
    %parallel_loop3A_567 = arith.constant 1 : i32
    scf.for %parallel_loop3A_1072 = %parallel_loop3A_565 to %parallel_loop3A_566 step %parallel_loop3A_567  : i32 {
      %parallel_loop3A_1073 = arith.constant 6 : i32
      %parallel_loop3A_1074 = arith.shrsi %parallel_loop3A_1072, %parallel_loop3A_1073 : i32
      %parallel_loop3A_1075 = arith.constant 63 : i32
      %parallel_loop3A_1076 = arith.andi %parallel_loop3A_1072, %parallel_loop3A_1075 : i32
      %parallel_loop3A_1077 = arith.constant 16 : i32
      %parallel_loop3A_1078 = arith.muli %parallel_loop3A_1076, %parallel_loop3A_1077 : i32
      %parallel_loop3A_1079 = tpu.assume_multiple %parallel_loop3A_1078, 16 : i32
      %parallel_loop3A_1080 = arith.index_cast %parallel_loop3A_1074 : i32 to index
      %parallel_loop3A_1081 = arith.index_cast %parallel_loop3A_1079 : i32 to index
      %parallel_loop3A_1082 = tpu.vector_load %arg18[%parallel_loop3A_1080, %parallel_loop3A_1081] {strides = array<i32>} : memref<8x1024xf32, #tpu.memory_space<vmem>>, vector<1x16xf32>,
      %parallel_loop3A_1083 = vector.shape_cast %parallel_loop3A_1082 : vector<1x16xf32> to vector<16xf32>
      %parallel_loop3A_1084 = arith.constant 0 : i32
      %parallel_loop3A_1085 = arith.addi %parallel_loop3A_1084, %parallel_loop3A_1074 : i32
      %parallel_loop3A_1086 = arith.index_cast %parallel_loop3A_1085 : i32 to index
      %parallel_loop3A_1087 = arith.index_cast %parallel_loop3A_1079 : i32 to index
      %parallel_loop3A_1088 = tpu.vector_load %arg15[%parallel_loop3A_1086, %parallel_loop3A_1087] {strides = array<i32>} : memref<32x1024xf32, #tpu.memory_space<vmem>>, vector<1x16xf32>,
      %parallel_loop3A_1089 = vector.shape_cast %parallel_loop3A_1088 : vector<1x16xf32> to vector<16xf32>
      %parallel_loop3A_1090 = arith.constant 3.200000e+01 : f32
      %parallel_loop3A_1091 = vector.broadcast %parallel_loop3A_1090 : f32 to vector<16xf32>
      %parallel_loop3A_1092 = arith.mulf %parallel_loop3A_1089, %parallel_loop3A_1091 : vector<16xf32>
      %parallel_loop3A_1093 = arith.addf %parallel_loop3A_1092, %parallel_loop3A_1083 : vector<16xf32>
      %parallel_loop3A_1094 = arith.constant 0 : i32
      %parallel_loop3A_1095 = arith.addi %parallel_loop3A_1094, %parallel_loop3A_1074 : i32
      %parallel_loop3A_1096 = arith.index_cast %parallel_loop3A_1095 : i32 to index
      %parallel_loop3A_1097 = arith.index_cast %parallel_loop3A_1079 : i32 to index
      %parallel_loop3A_1098 = tpu.vector_load %arg15[%parallel_loop3A_1096, %parallel_loop3A_1097] {strides = array<i32>} : memref<32x1024xf32, #tpu.memory_space<vmem>>, vector<1x16xf32>,
      %parallel_loop3A_1099 = vector.shape_cast %parallel_loop3A_1098 : vector<1x16xf32> to vector<16xf32>
      %parallel_loop3A_1100 = vector.shape_cast %parallel_loop3A_1093 : vector<16xf32> to vector<1x16xf32>
      tpu.vector_store %arg15[%parallel_loop3A_1096, %parallel_loop3A_1097], %parallel_loop3A_1100 {strides = array<i32>} : memref<32x1024xf32, #tpu.memory_space<vmem>>, vector<1x16xf32>,
      %parallel_loop3A_1101 = arith.constant 8 : i32
      %parallel_loop3A_1102 = arith.addi %parallel_loop3A_1101, %parallel_loop3A_1074 : i32
      %parallel_loop3A_1103 = arith.index_cast %parallel_loop3A_1102 : i32 to index
      %parallel_loop3A_1104 = arith.index_cast %parallel_loop3A_1079 : i32 to index
      %parallel_loop3A_1105 = tpu.vector_load %arg15[%parallel_loop3A_1103, %parallel_loop3A_1104] {strides = array<i32>} : memref<32x1024xf32, #tpu.memory_space<vmem>>, vector<1x16xf32>,
      %parallel_loop3A_1106 = vector.shape_cast %parallel_loop3A_1105 : vector<1x16xf32> to vector<16xf32>
      %parallel_loop3A_1107 = arith.constant 3.200000e+01 : f32
      %parallel_loop3A_1108 = vector.broadcast %parallel_loop3A_1107 : f32 to vector<16xf32>
      %parallel_loop3A_1109 = arith.mulf %parallel_loop3A_1106, %parallel_loop3A_1108 : vector<16xf32>
      %parallel_loop3A_1110 = arith.addf %parallel_loop3A_1109, %parallel_loop3A_1083 : vector<16xf32>
      %parallel_loop3A_1111 = arith.constant 8 : i32
      %parallel_loop3A_1112 = arith.addi %parallel_loop3A_1111, %parallel_loop3A_1074 : i32
      %parallel_loop3A_1113 = arith.index_cast %parallel_loop3A_1112 : i32 to index
      %parallel_loop3A_1114 = arith.index_cast %parallel_loop3A_1079 : i32 to index
      %parallel_loop3A_1115 = tpu.vector_load %arg15[%parallel_loop3A_1113, %parallel_loop3A_1114] {strides = array<i32>} : memref<32x1024xf32, #tpu.memory_space<vmem>>, vector<1x16xf32>,
      %parallel_loop3A_1116 = vector.shape_cast %parallel_loop3A_1115 : vector<1x16xf32> to vector<16xf32>
      %parallel_loop3A_1117 = vector.shape_cast %parallel_loop3A_1110 : vector<16xf32> to vector<1x16xf32>
      tpu.vector_store %arg15[%parallel_loop3A_1113, %parallel_loop3A_1114], %parallel_loop3A_1117 {strides = array<i32>} : memref<32x1024xf32, #tpu.memory_space<vmem>>, vector<1x16xf32>,
      %parallel_loop3A_1118 = arith.constant 16 : i32
      %parallel_loop3A_1119 = arith.addi %parallel_loop3A_1118, %parallel_loop3A_1074 : i32
      %parallel_loop3A_1120 = arith.index_cast %parallel_loop3A_1119 : i32 to index
      %parallel_loop3A_1121 = arith.index_cast %parallel_loop3A_1079 : i32 to index
      %parallel_loop3A_1122 = tpu.vector_load %arg15[%parallel_loop3A_1120, %parallel_loop3A_1121] {strides = array<i32>} : memref<32x1024xf32, #tpu.memory_space<vmem>>, vector<1x16xf32>,
      %parallel_loop3A_1123 = vector.shape_cast %parallel_loop3A_1122 : vector<1x16xf32> to vector<16xf32>
      %parallel_loop3A_1124 = arith.constant 3.200000e+01 : f32
      %parallel_loop3A_1125 = vector.broadcast %parallel_loop3A_1124 : f32 to vector<16xf32>
      %parallel_loop3A_1126 = arith.mulf %parallel_loop3A_1123, %parallel_loop3A_1125 : vector<16xf32>
      %parallel_loop3A_1127 = arith.addf %parallel_loop3A_1126, %parallel_loop3A_1083 : vector<16xf32>
      %parallel_loop3A_1128 = arith.constant 16 : i32
      %parallel_loop3A_1129 = arith.addi %parallel_loop3A_1128, %parallel_loop3A_1074 : i32
      %parallel_loop3A_1130 = arith.index_cast %parallel_loop3A_1129 : i32 to index
      %parallel_loop3A_1131 = arith.index_cast %parallel_loop3A_1079 : i32 to index
      %parallel_loop3A_1132 = tpu.vector_load %arg15[%parallel_loop3A_1130, %parallel_loop3A_1131] {strides = array<i32>} : memref<32x1024xf32, #tpu.memory_space<vmem>>, vector<1x16xf32>,
      %parallel_loop3A_1133 = vector.shape_cast %parallel_loop3A_1132 : vector<1x16xf32> to vector<16xf32>
      %parallel_loop3A_1134 = vector.shape_cast %parallel_loop3A_1127 : vector<16xf32> to vector<1x16xf32>
      tpu.vector_store %arg15[%parallel_loop3A_1130, %parallel_loop3A_1131], %parallel_loop3A_1134 {strides = array<i32>} : memref<32x1024xf32, #tpu.memory_space<vmem>>, vector<1x16xf32>,
      %parallel_loop3A_1135 = arith.constant 24 : i32
      %parallel_loop3A_1136 = arith.addi %parallel_loop3A_1135, %parallel_loop3A_1074 : i32
      %parallel_loop3A_1137 = arith.index_cast %parallel_loop3A_1136 : i32 to index
      %parallel_loop3A_1138 = arith.index_cast %parallel_loop3A_1079 : i32 to index
      %parallel_loop3A_1139 = tpu.vector_load %arg15[%parallel_loop3A_1137, %parallel_loop3A_1138] {strides = array<i32>} : memref<32x1024xf32, #tpu.memory_space<vmem>>, vector<1x16xf32>,
      %parallel_loop3A_1140 = vector.shape_cast %parallel_loop3A_1139 : vector<1x16xf32> to vector<16xf32>
      %parallel_loop3A_1141 = arith.constant 3.200000e+01 : f32
      %parallel_loop3A_1142 = vector.broadcast %parallel_loop3A_1141 : f32 to vector<16xf32>
      %parallel_loop3A_1143 = arith.mulf %parallel_loop3A_1140, %parallel_loop3A_1142 : vector<16xf32>
      %parallel_loop3A_1144 = arith.addf %parallel_loop3A_1143, %parallel_loop3A_1083 : vector<16xf32>
      %parallel_loop3A_1145 = arith.constant 24 : i32
      %parallel_loop3A_1146 = arith.addi %parallel_loop3A_1145, %parallel_loop3A_1074 : i32
      %parallel_loop3A_1147 = arith.index_cast %parallel_loop3A_1146 : i32 to index
      %parallel_loop3A_1148 = arith.index_cast %parallel_loop3A_1079 : i32 to index
      %parallel_loop3A_1149 = tpu.vector_load %arg15[%parallel_loop3A_1147, %parallel_loop3A_1148] {strides = array<i32>} : memref<32x1024xf32, #tpu.memory_space<vmem>>, vector<1x16xf32>,
      %parallel_loop3A_1150 = vector.shape_cast %parallel_loop3A_1149 : vector<1x16xf32> to vector<16xf32>
      %parallel_loop3A_1151 = vector.shape_cast %parallel_loop3A_1144 : vector<16xf32> to vector<1x16xf32>
      tpu.vector_store %arg15[%parallel_loop3A_1147, %parallel_loop3A_1148], %parallel_loop3A_1151 {strides = array<i32>} : memref<32x1024xf32, #tpu.memory_space<vmem>>, vector<1x16xf32>,
    } {sc.loop_unroll_factor = 8 : i64, sc.parallel_access}
    %add3A_568 = arith.constant 0 : i32
    %add3A_569 = arith.addi %add3A_568, %multiple_of3A : i32
    %add3A_570 = arith.constant 32 : i32
    %add3A_571 = arith.addi %add3A_569, %add3A_570 : i32
    %multiple_of3A_572 = tpu.assume_multiple %add3A_571, 8 : i32
    %dma_start3A_573 = arith.constant 0 : i32
    %dma_start3A_574 = arith.constant 0 : i32
    %dma_start3A_575 = tpu.memref_slice %arg15[%dma_start3A_573, %dma_start3A_574] : memref<32x1024xf32, #tpu.memory_space<vmem>> -> memref<8x1024xf32, #tpu.memory_space<vmem>>
    %dma_start3A_576 = arith.constant 0 : i32
    %dma_start3A_577 = tpu.memref_slice %arg5[%multiple_of3A_572, %dma_start3A_576] : memref<8192x1024xf32, #tpu.memory_space<hbm>> -> memref<8x1024xf32, #tpu.memory_space<hbm>>
    %dma_start3A_578 = arith.constant 0 : i32
    %dma_start3A_579 = tpu.memref_slice %arg5[%multiple_of3A_572, %dma_start3A_578] : memref<8192x1024xf32, #tpu.memory_space<hbm>> -> memref<8x1024xf32, #tpu.memory_space<hbm>>
    %dma_start3A_580 = arith.constant 0 : i32
    %dma_start3A_581 = arith.constant 0 : i32
    %dma_start3A_582 = tpu.memref_slice %arg15[%dma_start3A_580, %dma_start3A_581] : memref<32x1024xf32, #tpu.memory_space<vmem>> -> memref<8x1024xf32, #tpu.memory_space<vmem>>
    tpu.enqueue_dma source(%dma_start3A_582 : memref<8x1024xf32, #tpu.memory_space<vmem>>) target(%dma_start3A_579 : memref<8x1024xf32, #tpu.memory_space<hbm>>) target_semaphore(%arg27 : memref<!tpu.dma_semaphore, #tpu.memory_space<semaphore_mem>>)
    %add3A_583 = arith.constant 2048 : i32
    %add3A_584 = arith.addi %add3A_583, %multiple_of3A : i32
    %add3A_585 = arith.constant 32 : i32
    %add3A_586 = arith.addi %add3A_584, %add3A_585 : i32
    %multiple_of3A_587 = tpu.assume_multiple %add3A_586, 8 : i32
    %dma_start3A_588 = arith.constant 8 : i32
    %dma_start3A_589 = arith.constant 0 : i32
    %dma_start3A_590 = tpu.memref_slice %arg15[%dma_start3A_588, %dma_start3A_589] : memref<32x1024xf32, #tpu.memory_space<vmem>> -> memref<8x1024xf32, #tpu.memory_space<vmem>>
    %dma_start3A_591 = arith.constant 0 : i32
    %dma_start3A_592 = tpu.memref_slice %arg5[%multiple_of3A_587, %dma_start3A_591] : memref<8192x1024xf32, #tpu.memory_space<hbm>> -> memref<8x1024xf32, #tpu.memory_space<hbm>>
    %dma_start3A_593 = arith.constant 0 : i32
    %dma_start3A_594 = tpu.memref_slice %arg5[%multiple_of3A_587, %dma_start3A_593] : memref<8192x1024xf32, #tpu.memory_space<hbm>> -> memref<8x1024xf32, #tpu.memory_space<hbm>>
    %dma_start3A_595 = arith.constant 8 : i32
    %dma_start3A_596 = arith.constant 0 : i32
    %dma_start3A_597 = tpu.memref_slice %arg15[%dma_start3A_595, %dma_start3A_596] : memref<32x1024xf32, #tpu.memory_space<vmem>> -> memref<8x1024xf32, #tpu.memory_space<vmem>>
    tpu.enqueue_dma source(%dma_start3A_597 : memref<8x1024xf32, #tpu.memory_space<vmem>>) target(%dma_start3A_594 : memref<8x1024xf32, #tpu.memory_space<hbm>>) target_semaphore(%arg27 : memref<!tpu.dma_semaphore, #tpu.memory_space<semaphore_mem>>)
    %add3A_598 = arith.constant 4096 : i32
    %add3A_599 = arith.addi %add3A_598, %multiple_of3A : i32
    %add3A_600 = arith.constant 32 : i32
    %add3A_601 = arith.addi %add3A_599, %add3A_600 : i32
    %multiple_of3A_602 = tpu.assume_multiple %add3A_601, 8 : i32
    %dma_start3A_603 = arith.constant 16 : i32
    %dma_start3A_604 = arith.constant 0 : i32
    %dma_start3A_605 = tpu.memref_slice %arg15[%dma_start3A_603, %dma_start3A_604] : memref<32x1024xf32, #tpu.memory_space<vmem>> -> memref<8x1024xf32, #tpu.memory_space<vmem>>
    %dma_start3A_606 = arith.constant 0 : i32
    %dma_start3A_607 = tpu.memref_slice %arg5[%multiple_of3A_602, %dma_start3A_606] : memref<8192x1024xf32, #tpu.memory_space<hbm>> -> memref<8x1024xf32, #tpu.memory_space<hbm>>
    %dma_start3A_608 = arith.constant 0 : i32
    %dma_start3A_609 = tpu.memref_slice %arg5[%multiple_of3A_602, %dma_start3A_608] : memref<8192x1024xf32, #tpu.memory_space<hbm>> -> memref<8x1024xf32, #tpu.memory_space<hbm>>
    %dma_start3A_610 = arith.constant 16 : i32
    %dma_start3A_611 = arith.constant 0 : i32
    %dma_start3A_612 = tpu.memref_slice %arg15[%dma_start3A_610, %dma_start3A_611] : memref<32x1024xf32, #tpu.memory_space<vmem>> -> memref<8x1024xf32, #tpu.memory_space<vmem>>
    tpu.enqueue_dma source(%dma_start3A_612 : memref<8x1024xf32, #tpu.memory_space<vmem>>) target(%dma_start3A_609 : memref<8x1024xf32, #tpu.memory_space<hbm>>) target_semaphore(%arg27 : memref<!tpu.dma_semaphore, #tpu.memory_space<semaphore_mem>>)
    %add3A_613 = arith.constant 6144 : i32
    %add3A_614 = arith.addi %add3A_613, %multiple_of3A : i32
    %add3A_615 = arith.constant 32 : i32
    %add3A_616 = arith.addi %add3A_614, %add3A_615 : i32
    %multiple_of3A_617 = tpu.assume_multiple %add3A_616, 8 : i32
    %dma_start3A_618 = arith.constant 24 : i32
    %dma_start3A_619 = arith.constant 0 : i32
    %dma_start3A_620 = tpu.memref_slice %arg15[%dma_start3A_618, %dma_start3A_619] : memref<32x1024xf32, #tpu.memory_space<vmem>> -> memref<8x1024xf32, #tpu.memory_space<vmem>>
    %dma_start3A_621 = arith.constant 0 : i32
    %dma_start3A_622 = tpu.memref_slice %arg5[%multiple_of3A_617, %dma_start3A_621] : memref<8192x1024xf32, #tpu.memory_space<hbm>> -> memref<8x1024xf32, #tpu.memory_space<hbm>>
    %dma_start3A_623 = arith.constant 0 : i32
    %dma_start3A_624 = tpu.memref_slice %arg5[%multiple_of3A_617, %dma_start3A_623] : memref<8192x1024xf32, #tpu.memory_space<hbm>> -> memref<8x1024xf32, #tpu.memory_space<hbm>>
    %dma_start3A_625 = arith.constant 24 : i32
    %dma_start3A_626 = arith.constant 0 : i32
    %dma_start3A_627 = tpu.memref_slice %arg15[%dma_start3A_625, %dma_start3A_626] : memref<32x1024xf32, #tpu.memory_space<vmem>> -> memref<8x1024xf32, #tpu.memory_space<vmem>>
    tpu.enqueue_dma source(%dma_start3A_627 : memref<8x1024xf32, #tpu.memory_space<vmem>>) target(%dma_start3A_624 : memref<8x1024xf32, #tpu.memory_space<hbm>>) target_semaphore(%arg27 : memref<!tpu.dma_semaphore, #tpu.memory_space<semaphore_mem>>)
    %dma_wait3A_628 = arith.constant 0 : i32
    %dma_wait3A_629 = arith.constant 0 : i32
    %dma_wait3A_630 = tpu.memref_slice %arg14[%dma_wait3A_628, %dma_wait3A_629] : memref<32x1024xf32, #tpu.memory_space<vmem>> -> memref<8x1024xf32, #tpu.memory_space<vmem>>
    %dma_wait3A_631 = arith.constant 0 : i32
    %dma_wait3A_632 = tpu.memref_slice %arg5[%multiple_of3A_445, %dma_wait3A_631] : memref<8192x1024xf32, #tpu.memory_space<hbm>> -> memref<8x1024xf32, #tpu.memory_space<hbm>>
    %dma_wait3A_633 = arith.constant 0 : i32
    %dma_wait3A_634 = tpu.memref_slice %arg5[%multiple_of3A_445, %dma_wait3A_633] : memref<8192x1024xf32, #tpu.memory_space<hbm>> -> memref<8x1024xf32, #tpu.memory_space<hbm>>
    %dma_wait3A_635 = arith.constant 0 : i32
    %dma_wait3A_636 = arith.constant 0 : i32
    %dma_wait3A_637 = tpu.memref_slice %arg14[%dma_wait3A_635, %dma_wait3A_636] : memref<32x1024xf32, #tpu.memory_space<vmem>> -> memref<8x1024xf32, #tpu.memory_space<vmem>>
    tpu.wait_dma2 semaphore(%arg26 : memref<!tpu.dma_semaphore, #tpu.memory_space<semaphore_mem>>) src(%dma_wait3A_637 : memref<8x1024xf32, #tpu.memory_space<vmem>>) dst(%dma_wait3A_634 : memref<8x1024xf32, #tpu.memory_space<hbm>>)
    %dma_wait3A_638 = arith.constant 8 : i32
    %dma_wait3A_639 = arith.constant 0 : i32
    %dma_wait3A_640 = tpu.memref_slice %arg14[%dma_wait3A_638, %dma_wait3A_639] : memref<32x1024xf32, #tpu.memory_space<vmem>> -> memref<8x1024xf32, #tpu.memory_space<vmem>>
    %dma_wait3A_641 = arith.constant 0 : i32
    %dma_wait3A_642 = tpu.memref_slice %arg5[%multiple_of3A_460, %dma_wait3A_641] : memref<8192x1024xf32, #tpu.memory_space<hbm>> -> memref<8x1024xf32, #tpu.memory_space<hbm>>
    %dma_wait3A_643 = arith.constant 0 : i32
    %dma_wait3A_644 = tpu.memref_slice %arg5[%multiple_of3A_460, %dma_wait3A_643] : memref<8192x1024xf32, #tpu.memory_space<hbm>> -> memref<8x1024xf32, #tpu.memory_space<hbm>>
    %dma_wait3A_645 = arith.constant 8 : i32
    %dma_wait3A_646 = arith.constant 0 : i32
    %dma_wait3A_647 = tpu.memref_slice %arg14[%dma_wait3A_645, %dma_wait3A_646] : memref<32x1024xf32, #tpu.memory_space<vmem>> -> memref<8x1024xf32, #tpu.memory_space<vmem>>
    tpu.wait_dma2 semaphore(%arg26 : memref<!tpu.dma_semaphore, #tpu.memory_space<semaphore_mem>>) src(%dma_wait3A_647 : memref<8x1024xf32, #tpu.memory_space<vmem>>) dst(%dma_wait3A_644 : memref<8x1024xf32, #tpu.memory_space<hbm>>)
    %dma_wait3A_648 = arith.constant 16 : i32
    %dma_wait3A_649 = arith.constant 0 : i32
    %dma_wait3A_650 = tpu.memref_slice %arg14[%dma_wait3A_648, %dma_wait3A_649] : memref<32x1024xf32, #tpu.memory_space<vmem>> -> memref<8x1024xf32, #tpu.memory_space<vmem>>
    %dma_wait3A_651 = arith.constant 0 : i32
    %dma_wait3A_652 = tpu.memref_slice %arg5[%multiple_of3A_475, %dma_wait3A_651] : memref<8192x1024xf32, #tpu.memory_space<hbm>> -> memref<8x1024xf32, #tpu.memory_space<hbm>>
    %dma_wait3A_653 = arith.constant 0 : i32
    %dma_wait3A_654 = tpu.memref_slice %arg5[%multiple_of3A_475, %dma_wait3A_653] : memref<8192x1024xf32, #tpu.memory_space<hbm>> -> memref<8x1024xf32, #tpu.memory_space<hbm>>
    %dma_wait3A_655 = arith.constant 16 : i32
    %dma_wait3A_656 = arith.constant 0 : i32
    %dma_wait3A_657 = tpu.memref_slice %arg14[%dma_wait3A_655, %dma_wait3A_656] : memref<32x1024xf32, #tpu.memory_space<vmem>> -> memref<8x1024xf32, #tpu.memory_space<vmem>>
    tpu.wait_dma2 semaphore(%arg26 : memref<!tpu.dma_semaphore, #tpu.memory_space<semaphore_mem>>) src(%dma_wait3A_657 : memref<8x1024xf32, #tpu.memory_space<vmem>>) dst(%dma_wait3A_654 : memref<8x1024xf32, #tpu.memory_space<hbm>>)
    %dma_wait3A_658 = arith.constant 24 : i32
    %dma_wait3A_659 = arith.constant 0 : i32
    %dma_wait3A_660 = tpu.memref_slice %arg14[%dma_wait3A_658, %dma_wait3A_659] : memref<32x1024xf32, #tpu.memory_space<vmem>> -> memref<8x1024xf32, #tpu.memory_space<vmem>>
    %dma_wait3A_661 = arith.constant 0 : i32
    %dma_wait3A_662 = tpu.memref_slice %arg5[%multiple_of3A_490, %dma_wait3A_661] : memref<8192x1024xf32, #tpu.memory_space<hbm>> -> memref<8x1024xf32, #tpu.memory_space<hbm>>
    %dma_wait3A_663 = arith.constant 0 : i32
    %dma_wait3A_664 = tpu.memref_slice %arg5[%multiple_of3A_490, %dma_wait3A_663] : memref<8192x1024xf32, #tpu.memory_space<hbm>> -> memref<8x1024xf32, #tpu.memory_space<hbm>>
    %dma_wait3A_665 = arith.constant 24 : i32
    %dma_wait3A_666 = arith.constant 0 : i32
    %dma_wait3A_667 = tpu.memref_slice %arg14[%dma_wait3A_665, %dma_wait3A_666] : memref<32x1024xf32, #tpu.memory_space<vmem>> -> memref<8x1024xf32, #tpu.memory_space<vmem>>
    tpu.wait_dma2 semaphore(%arg26 : memref<!tpu.dma_semaphore, #tpu.memory_space<semaphore_mem>>) src(%dma_wait3A_667 : memref<8x1024xf32, #tpu.memory_space<vmem>>) dst(%dma_wait3A_664 : memref<8x1024xf32, #tpu.memory_space<hbm>>)
    %dma_wait3A_668 = arith.constant 6 : i32
    %dma_wait3A_669 = arith.constant 0 : i32
    %dma_wait3A_670 = tpu.memref_slice %arg2[%add3A, %dma_wait3A_668, %dma_wait3A_669] : memref<32x8x32xi32, #tpu.memory_space<hbm>> -> memref<1x1x32xi32, #tpu.memory_space<hbm>>
    %dma_wait3A_671 = tpu.memref_squeeze %dma_wait3A_670 : memref<1x1x32xi32, #tpu.memory_space<hbm>> -> memref<32xi32, #tpu.memory_space<hbm>>
    %dma_wait3A_672 = arith.constant 0 : i32
    %dma_wait3A_673 = tpu.memref_slice %arg2[%add3A, %dma_wait3A_668, %dma_wait3A_672] : memref<32x8x32xi32, #tpu.memory_space<hbm>> -> memref<1x1x32xi32, #tpu.memory_space<hbm>>
    %dma_wait3A_674 = tpu.memref_squeeze %dma_wait3A_673 : memref<1x1x32xi32, #tpu.memory_space<hbm>> -> memref<32xi32, #tpu.memory_space<hbm>>
    tpu.wait_dma2 semaphore(%arg35 : memref<!tpu.dma_semaphore, #tpu.memory_space<semaphore_mem>>) src(%dma_wait3A_674 : memref<32xi32, #tpu.memory_space<hbm>>) dst(%arg12 : memref<32xi32, #tpu.memory_space<vmem>>)
    %dma_start3A_675 = arith.constant 0 : i32
    %dma_start3A_676 = arith.constant 0 : i32
    %dma_start3A_677 = tpu.memref_slice %arg3[%dma_start3A_675, %dma_start3A_676] : memref<100000x1024xf32, #tpu.memory_space<hbm>> -> memref<100000x1024xf32, #tpu.memory_space<hbm>>
    tpu.enqueue_indirect_dma source(%dma_start3A_677 : memref<100000x1024xf32, #tpu.memory_space<hbm>>) target(%arg14 : memref<32x1024xf32, #tpu.memory_space<vmem>>) offsets(%arg12 : memref<32xi32, #tpu.memory_space<vmem>>) semaphore(%arg20 : memref<!tpu.dma_semaphore, #tpu.memory_space<semaphore_mem>>)
    %add3A_678 = arith.constant 48 : i32
    %add3A_679 = arith.addi %multiple_of3A, %add3A_678 : i32
    %multiple_of3A_680 = tpu.assume_multiple %add3A_679, 8 : i32
    %dma_start3A_681 = arith.constant 0 : i32
    %dma_start3A_682 = tpu.memref_slice %arg4[%multiple_of3A_680, %dma_start3A_681] : memref<2048x1024xf32, #tpu.memory_space<hbm>> -> memref<8x1024xf32, #tpu.memory_space<hbm>>
    %dma_start3A_683 = arith.constant 0 : i32
    %dma_start3A_684 = tpu.memref_slice %arg4[%multiple_of3A_680, %dma_start3A_683] : memref<2048x1024xf32, #tpu.memory_space<hbm>> -> memref<8x1024xf32, #tpu.memory_space<hbm>>
    tpu.enqueue_dma source(%dma_start3A_684 : memref<8x1024xf32, #tpu.memory_space<hbm>>) target(%arg17 : memref<8x1024xf32, #tpu.memory_space<vmem>>) target_semaphore(%arg23 : memref<!tpu.dma_semaphore, #tpu.memory_space<semaphore_mem>>)
    %dma_wait3A_685 = arith.constant 0 : i32
    %dma_wait3A_686 = arith.constant 0 : i32
    %dma_wait3A_687 = tpu.memref_slice %arg3[%dma_wait3A_685, %dma_wait3A_686] : memref<100000x1024xf32, #tpu.memory_space<hbm>> -> memref<100000x1024xf32, #tpu.memory_space<hbm>>
    tpu.wait_indirect_dma semaphore(%arg22 : memref<!tpu.dma_semaphore, #tpu.memory_space<semaphore_mem>>) src(%dma_wait3A_687 : memref<100000x1024xf32, #tpu.memory_space<hbm>>) dst(%arg16 : memref<32x1024xf32, #tpu.memory_space<vmem>>)
    %dma_wait3A_688 = arith.constant 0 : i32
    %dma_wait3A_689 = tpu.memref_slice %arg4[%multiple_of3A_553, %dma_wait3A_688] : memref<2048x1024xf32, #tpu.memory_space<hbm>> -> memref<8x1024xf32, #tpu.memory_space<hbm>>
    %dma_wait3A_690 = arith.constant 0 : i32
    %dma_wait3A_691 = tpu.memref_slice %arg4[%multiple_of3A_553, %dma_wait3A_690] : memref<2048x1024xf32, #tpu.memory_space<hbm>> -> memref<8x1024xf32, #tpu.memory_space<hbm>>
    tpu.wait_dma2 semaphore(%arg25 : memref<!tpu.dma_semaphore, #tpu.memory_space<semaphore_mem>>) src(%dma_wait3A_691 : memref<8x1024xf32, #tpu.memory_space<hbm>>) dst(%arg19 : memref<8x1024xf32, #tpu.memory_space<vmem>>)
    %parallel_loop3A_692 = arith.constant 0 : i32
    %parallel_loop3A_693 = arith.constant 512 : i32
    %parallel_loop3A_694 = arith.constant 1 : i32
    scf.for %parallel_loop3A_1072 = %parallel_loop3A_692 to %parallel_loop3A_693 step %parallel_loop3A_694  : i32 {
      %parallel_loop3A_1073 = arith.constant 6 : i32
      %parallel_loop3A_1074 = arith.shrsi %parallel_loop3A_1072, %parallel_loop3A_1073 : i32
      %parallel_loop3A_1075 = arith.constant 63 : i32
      %parallel_loop3A_1076 = arith.andi %parallel_loop3A_1072, %parallel_loop3A_1075 : i32
      %parallel_loop3A_1077 = arith.constant 16 : i32
      %parallel_loop3A_1078 = arith.muli %parallel_loop3A_1076, %parallel_loop3A_1077 : i32
      %parallel_loop3A_1079 = tpu.assume_multiple %parallel_loop3A_1078, 16 : i32
      %parallel_loop3A_1080 = arith.index_cast %parallel_loop3A_1074 : i32 to index
      %parallel_loop3A_1081 = arith.index_cast %parallel_loop3A_1079 : i32 to index
      %parallel_loop3A_1082 = tpu.vector_load %arg19[%parallel_loop3A_1080, %parallel_loop3A_1081] {strides = array<i32>} : memref<8x1024xf32, #tpu.memory_space<vmem>>, vector<1x16xf32>,
      %parallel_loop3A_1083 = vector.shape_cast %parallel_loop3A_1082 : vector<1x16xf32> to vector<16xf32>
      %parallel_loop3A_1084 = arith.constant 0 : i32
      %parallel_loop3A_1085 = arith.addi %parallel_loop3A_1084, %parallel_loop3A_1074 : i32
      %parallel_loop3A_1086 = arith.index_cast %parallel_loop3A_1085 : i32 to index
      %parallel_loop3A_1087 = arith.index_cast %parallel_loop3A_1079 : i32 to index
      %parallel_loop3A_1088 = tpu.vector_load %arg16[%parallel_loop3A_1086, %parallel_loop3A_1087] {strides = array<i32>} : memref<32x1024xf32, #tpu.memory_space<vmem>>, vector<1x16xf32>,
      %parallel_loop3A_1089 = vector.shape_cast %parallel_loop3A_1088 : vector<1x16xf32> to vector<16xf32>
      %parallel_loop3A_1090 = arith.constant 3.200000e+01 : f32
      %parallel_loop3A_1091 = vector.broadcast %parallel_loop3A_1090 : f32 to vector<16xf32>
      %parallel_loop3A_1092 = arith.mulf %parallel_loop3A_1089, %parallel_loop3A_1091 : vector<16xf32>
      %parallel_loop3A_1093 = arith.addf %parallel_loop3A_1092, %parallel_loop3A_1083 : vector<16xf32>
      %parallel_loop3A_1094 = arith.constant 0 : i32
      %parallel_loop3A_1095 = arith.addi %parallel_loop3A_1094, %parallel_loop3A_1074 : i32
      %parallel_loop3A_1096 = arith.index_cast %parallel_loop3A_1095 : i32 to index
      %parallel_loop3A_1097 = arith.index_cast %parallel_loop3A_1079 : i32 to index
      %parallel_loop3A_1098 = tpu.vector_load %arg16[%parallel_loop3A_1096, %parallel_loop3A_1097] {strides = array<i32>} : memref<32x1024xf32, #tpu.memory_space<vmem>>, vector<1x16xf32>,
      %parallel_loop3A_1099 = vector.shape_cast %parallel_loop3A_1098 : vector<1x16xf32> to vector<16xf32>
      %parallel_loop3A_1100 = vector.shape_cast %parallel_loop3A_1093 : vector<16xf32> to vector<1x16xf32>
      tpu.vector_store %arg16[%parallel_loop3A_1096, %parallel_loop3A_1097], %parallel_loop3A_1100 {strides = array<i32>} : memref<32x1024xf32, #tpu.memory_space<vmem>>, vector<1x16xf32>,
      %parallel_loop3A_1101 = arith.constant 8 : i32
      %parallel_loop3A_1102 = arith.addi %parallel_loop3A_1101, %parallel_loop3A_1074 : i32
      %parallel_loop3A_1103 = arith.index_cast %parallel_loop3A_1102 : i32 to index
      %parallel_loop3A_1104 = arith.index_cast %parallel_loop3A_1079 : i32 to index
      %parallel_loop3A_1105 = tpu.vector_load %arg16[%parallel_loop3A_1103, %parallel_loop3A_1104] {strides = array<i32>} : memref<32x1024xf32, #tpu.memory_space<vmem>>, vector<1x16xf32>,
      %parallel_loop3A_1106 = vector.shape_cast %parallel_loop3A_1105 : vector<1x16xf32> to vector<16xf32>
      %parallel_loop3A_1107 = arith.constant 3.200000e+01 : f32
      %parallel_loop3A_1108 = vector.broadcast %parallel_loop3A_1107 : f32 to vector<16xf32>
      %parallel_loop3A_1109 = arith.mulf %parallel_loop3A_1106, %parallel_loop3A_1108 : vector<16xf32>
      %parallel_loop3A_1110 = arith.addf %parallel_loop3A_1109, %parallel_loop3A_1083 : vector<16xf32>
      %parallel_loop3A_1111 = arith.constant 8 : i32
      %parallel_loop3A_1112 = arith.addi %parallel_loop3A_1111, %parallel_loop3A_1074 : i32
      %parallel_loop3A_1113 = arith.index_cast %parallel_loop3A_1112 : i32 to index
      %parallel_loop3A_1114 = arith.index_cast %parallel_loop3A_1079 : i32 to index
      %parallel_loop3A_1115 = tpu.vector_load %arg16[%parallel_loop3A_1113, %parallel_loop3A_1114] {strides = array<i32>} : memref<32x1024xf32, #tpu.memory_space<vmem>>, vector<1x16xf32>,
      %parallel_loop3A_1116 = vector.shape_cast %parallel_loop3A_1115 : vector<1x16xf32> to vector<16xf32>
      %parallel_loop3A_1117 = vector.shape_cast %parallel_loop3A_1110 : vector<16xf32> to vector<1x16xf32>
      tpu.vector_store %arg16[%parallel_loop3A_1113, %parallel_loop3A_1114], %parallel_loop3A_1117 {strides = array<i32>} : memref<32x1024xf32, #tpu.memory_space<vmem>>, vector<1x16xf32>,
      %parallel_loop3A_1118 = arith.constant 16 : i32
      %parallel_loop3A_1119 = arith.addi %parallel_loop3A_1118, %parallel_loop3A_1074 : i32
      %parallel_loop3A_1120 = arith.index_cast %parallel_loop3A_1119 : i32 to index
      %parallel_loop3A_1121 = arith.index_cast %parallel_loop3A_1079 : i32 to index
      %parallel_loop3A_1122 = tpu.vector_load %arg16[%parallel_loop3A_1120, %parallel_loop3A_1121] {strides = array<i32>} : memref<32x1024xf32, #tpu.memory_space<vmem>>, vector<1x16xf32>,
      %parallel_loop3A_1123 = vector.shape_cast %parallel_loop3A_1122 : vector<1x16xf32> to vector<16xf32>
      %parallel_loop3A_1124 = arith.constant 3.200000e+01 : f32
      %parallel_loop3A_1125 = vector.broadcast %parallel_loop3A_1124 : f32 to vector<16xf32>
      %parallel_loop3A_1126 = arith.mulf %parallel_loop3A_1123, %parallel_loop3A_1125 : vector<16xf32>
      %parallel_loop3A_1127 = arith.addf %parallel_loop3A_1126, %parallel_loop3A_1083 : vector<16xf32>
      %parallel_loop3A_1128 = arith.constant 16 : i32
      %parallel_loop3A_1129 = arith.addi %parallel_loop3A_1128, %parallel_loop3A_1074 : i32
      %parallel_loop3A_1130 = arith.index_cast %parallel_loop3A_1129 : i32 to index
      %parallel_loop3A_1131 = arith.index_cast %parallel_loop3A_1079 : i32 to index
      %parallel_loop3A_1132 = tpu.vector_load %arg16[%parallel_loop3A_1130, %parallel_loop3A_1131] {strides = array<i32>} : memref<32x1024xf32, #tpu.memory_space<vmem>>, vector<1x16xf32>,
      %parallel_loop3A_1133 = vector.shape_cast %parallel_loop3A_1132 : vector<1x16xf32> to vector<16xf32>
      %parallel_loop3A_1134 = vector.shape_cast %parallel_loop3A_1127 : vector<16xf32> to vector<1x16xf32>
      tpu.vector_store %arg16[%parallel_loop3A_1130, %parallel_loop3A_1131], %parallel_loop3A_1134 {strides = array<i32>} : memref<32x1024xf32, #tpu.memory_space<vmem>>, vector<1x16xf32>,
      %parallel_loop3A_1135 = arith.constant 24 : i32
      %parallel_loop3A_1136 = arith.addi %parallel_loop3A_1135, %parallel_loop3A_1074 : i32
      %parallel_loop3A_1137 = arith.index_cast %parallel_loop3A_1136 : i32 to index
      %parallel_loop3A_1138 = arith.index_cast %parallel_loop3A_1079 : i32 to index
      %parallel_loop3A_1139 = tpu.vector_load %arg16[%parallel_loop3A_1137, %parallel_loop3A_1138] {strides = array<i32>} : memref<32x1024xf32, #tpu.memory_space<vmem>>, vector<1x16xf32>,
      %parallel_loop3A_1140 = vector.shape_cast %parallel_loop3A_1139 : vector<1x16xf32> to vector<16xf32>
      %parallel_loop3A_1141 = arith.constant 3.200000e+01 : f32
      %parallel_loop3A_1142 = vector.broadcast %parallel_loop3A_1141 : f32 to vector<16xf32>
      %parallel_loop3A_1143 = arith.mulf %parallel_loop3A_1140, %parallel_loop3A_1142 : vector<16xf32>
      %parallel_loop3A_1144 = arith.addf %parallel_loop3A_1143, %parallel_loop3A_1083 : vector<16xf32>
      %parallel_loop3A_1145 = arith.constant 24 : i32
      %parallel_loop3A_1146 = arith.addi %parallel_loop3A_1145, %parallel_loop3A_1074 : i32
      %parallel_loop3A_1147 = arith.index_cast %parallel_loop3A_1146 : i32 to index
      %parallel_loop3A_1148 = arith.index_cast %parallel_loop3A_1079 : i32 to index
      %parallel_loop3A_1149 = tpu.vector_load %arg16[%parallel_loop3A_1147, %parallel_loop3A_1148] {strides = array<i32>} : memref<32x1024xf32, #tpu.memory_space<vmem>>, vector<1x16xf32>,
      %parallel_loop3A_1150 = vector.shape_cast %parallel_loop3A_1149 : vector<1x16xf32> to vector<16xf32>
      %parallel_loop3A_1151 = vector.shape_cast %parallel_loop3A_1144 : vector<16xf32> to vector<1x16xf32>
      tpu.vector_store %arg16[%parallel_loop3A_1147, %parallel_loop3A_1148], %parallel_loop3A_1151 {strides = array<i32>} : memref<32x1024xf32, #tpu.memory_space<vmem>>, vector<1x16xf32>,
    } {sc.loop_unroll_factor = 8 : i64, sc.parallel_access}
    %add3A_695 = arith.constant 0 : i32
    %add3A_696 = arith.addi %add3A_695, %multiple_of3A : i32
    %add3A_697 = arith.constant 40 : i32
    %add3A_698 = arith.addi %add3A_696, %add3A_697 : i32
    %multiple_of3A_699 = tpu.assume_multiple %add3A_698, 8 : i32
    %dma_start3A_700 = arith.constant 0 : i32
    %dma_start3A_701 = arith.constant 0 : i32
    %dma_start3A_702 = tpu.memref_slice %arg16[%dma_start3A_700, %dma_start3A_701] : memref<32x1024xf32, #tpu.memory_space<vmem>> -> memref<8x1024xf32, #tpu.memory_space<vmem>>
    %dma_start3A_703 = arith.constant 0 : i32
    %dma_start3A_704 = tpu.memref_slice %arg5[%multiple_of3A_699, %dma_start3A_703] : memref<8192x1024xf32, #tpu.memory_space<hbm>> -> memref<8x1024xf32, #tpu.memory_space<hbm>>
    %dma_start3A_705 = arith.constant 0 : i32
    %dma_start3A_706 = tpu.memref_slice %arg5[%multiple_of3A_699, %dma_start3A_705] : memref<8192x1024xf32, #tpu.memory_space<hbm>> -> memref<8x1024xf32, #tpu.memory_space<hbm>>
    %dma_start3A_707 = arith.constant 0 : i32
    %dma_start3A_708 = arith.constant 0 : i32
    %dma_start3A_709 = tpu.memref_slice %arg16[%dma_start3A_707, %dma_start3A_708] : memref<32x1024xf32, #tpu.memory_space<vmem>> -> memref<8x1024xf32, #tpu.memory_space<vmem>>
    tpu.enqueue_dma source(%dma_start3A_709 : memref<8x1024xf32, #tpu.memory_space<vmem>>) target(%dma_start3A_706 : memref<8x1024xf32, #tpu.memory_space<hbm>>) target_semaphore(%arg28 : memref<!tpu.dma_semaphore, #tpu.memory_space<semaphore_mem>>)
    %add3A_710 = arith.constant 2048 : i32
    %add3A_711 = arith.addi %add3A_710, %multiple_of3A : i32
    %add3A_712 = arith.constant 40 : i32
    %add3A_713 = arith.addi %add3A_711, %add3A_712 : i32
    %multiple_of3A_714 = tpu.assume_multiple %add3A_713, 8 : i32
    %dma_start3A_715 = arith.constant 8 : i32
    %dma_start3A_716 = arith.constant 0 : i32
    %dma_start3A_717 = tpu.memref_slice %arg16[%dma_start3A_715, %dma_start3A_716] : memref<32x1024xf32, #tpu.memory_space<vmem>> -> memref<8x1024xf32, #tpu.memory_space<vmem>>
    %dma_start3A_718 = arith.constant 0 : i32
    %dma_start3A_719 = tpu.memref_slice %arg5[%multiple_of3A_714, %dma_start3A_718] : memref<8192x1024xf32, #tpu.memory_space<hbm>> -> memref<8x1024xf32, #tpu.memory_space<hbm>>
    %dma_start3A_720 = arith.constant 0 : i32
    %dma_start3A_721 = tpu.memref_slice %arg5[%multiple_of3A_714, %dma_start3A_720] : memref<8192x1024xf32, #tpu.memory_space<hbm>> -> memref<8x1024xf32, #tpu.memory_space<hbm>>
    %dma_start3A_722 = arith.constant 8 : i32
    %dma_start3A_723 = arith.constant 0 : i32
    %dma_start3A_724 = tpu.memref_slice %arg16[%dma_start3A_722, %dma_start3A_723] : memref<32x1024xf32, #tpu.memory_space<vmem>> -> memref<8x1024xf32, #tpu.memory_space<vmem>>
    tpu.enqueue_dma source(%dma_start3A_724 : memref<8x1024xf32, #tpu.memory_space<vmem>>) target(%dma_start3A_721 : memref<8x1024xf32, #tpu.memory_space<hbm>>) target_semaphore(%arg28 : memref<!tpu.dma_semaphore, #tpu.memory_space<semaphore_mem>>)
    %add3A_725 = arith.constant 4096 : i32
    %add3A_726 = arith.addi %add3A_725, %multiple_of3A : i32
    %add3A_727 = arith.constant 40 : i32
    %add3A_728 = arith.addi %add3A_726, %add3A_727 : i32
    %multiple_of3A_729 = tpu.assume_multiple %add3A_728, 8 : i32
    %dma_start3A_730 = arith.constant 16 : i32
    %dma_start3A_731 = arith.constant 0 : i32
    %dma_start3A_732 = tpu.memref_slice %arg16[%dma_start3A_730, %dma_start3A_731] : memref<32x1024xf32, #tpu.memory_space<vmem>> -> memref<8x1024xf32, #tpu.memory_space<vmem>>
    %dma_start3A_733 = arith.constant 0 : i32
    %dma_start3A_734 = tpu.memref_slice %arg5[%multiple_of3A_729, %dma_start3A_733] : memref<8192x1024xf32, #tpu.memory_space<hbm>> -> memref<8x1024xf32, #tpu.memory_space<hbm>>
    %dma_start3A_735 = arith.constant 0 : i32
    %dma_start3A_736 = tpu.memref_slice %arg5[%multiple_of3A_729, %dma_start3A_735] : memref<8192x1024xf32, #tpu.memory_space<hbm>> -> memref<8x1024xf32, #tpu.memory_space<hbm>>
    %dma_start3A_737 = arith.constant 16 : i32
    %dma_start3A_738 = arith.constant 0 : i32
    %dma_start3A_739 = tpu.memref_slice %arg16[%dma_start3A_737, %dma_start3A_738] : memref<32x1024xf32, #tpu.memory_space<vmem>> -> memref<8x1024xf32, #tpu.memory_space<vmem>>
    tpu.enqueue_dma source(%dma_start3A_739 : memref<8x1024xf32, #tpu.memory_space<vmem>>) target(%dma_start3A_736 : memref<8x1024xf32, #tpu.memory_space<hbm>>) target_semaphore(%arg28 : memref<!tpu.dma_semaphore, #tpu.memory_space<semaphore_mem>>)
    %add3A_740 = arith.constant 6144 : i32
    %add3A_741 = arith.addi %add3A_740, %multiple_of3A : i32
    %add3A_742 = arith.constant 40 : i32
    %add3A_743 = arith.addi %add3A_741, %add3A_742 : i32
    %multiple_of3A_744 = tpu.assume_multiple %add3A_743, 8 : i32
    %dma_start3A_745 = arith.constant 24 : i32
    %dma_start3A_746 = arith.constant 0 : i32
    %dma_start3A_747 = tpu.memref_slice %arg16[%dma_start3A_745, %dma_start3A_746] : memref<32x1024xf32, #tpu.memory_space<vmem>> -> memref<8x1024xf32, #tpu.memory_space<vmem>>
    %dma_start3A_748 = arith.constant 0 : i32
    %dma_start3A_749 = tpu.memref_slice %arg5[%multiple_of3A_744, %dma_start3A_748] : memref<8192x1024xf32, #tpu.memory_space<hbm>> -> memref<8x1024xf32, #tpu.memory_space<hbm>>
    %dma_start3A_750 = arith.constant 0 : i32
    %dma_start3A_751 = tpu.memref_slice %arg5[%multiple_of3A_744, %dma_start3A_750] : memref<8192x1024xf32, #tpu.memory_space<hbm>> -> memref<8x1024xf32, #tpu.memory_space<hbm>>
    %dma_start3A_752 = arith.constant 24 : i32
    %dma_start3A_753 = arith.constant 0 : i32
    %dma_start3A_754 = tpu.memref_slice %arg16[%dma_start3A_752, %dma_start3A_753] : memref<32x1024xf32, #tpu.memory_space<vmem>> -> memref<8x1024xf32, #tpu.memory_space<vmem>>
    tpu.enqueue_dma source(%dma_start3A_754 : memref<8x1024xf32, #tpu.memory_space<vmem>>) target(%dma_start3A_751 : memref<8x1024xf32, #tpu.memory_space<hbm>>) target_semaphore(%arg28 : memref<!tpu.dma_semaphore, #tpu.memory_space<semaphore_mem>>)
    %dma_wait3A_755 = arith.constant 0 : i32
    %dma_wait3A_756 = arith.constant 0 : i32
    %dma_wait3A_757 = tpu.memref_slice %arg15[%dma_wait3A_755, %dma_wait3A_756] : memref<32x1024xf32, #tpu.memory_space<vmem>> -> memref<8x1024xf32, #tpu.memory_space<vmem>>
    %dma_wait3A_758 = arith.constant 0 : i32
    %dma_wait3A_759 = tpu.memref_slice %arg5[%multiple_of3A_572, %dma_wait3A_758] : memref<8192x1024xf32, #tpu.memory_space<hbm>> -> memref<8x1024xf32, #tpu.memory_space<hbm>>
    %dma_wait3A_760 = arith.constant 0 : i32
    %dma_wait3A_761 = tpu.memref_slice %arg5[%multiple_of3A_572, %dma_wait3A_760] : memref<8192x1024xf32, #tpu.memory_space<hbm>> -> memref<8x1024xf32, #tpu.memory_space<hbm>>
    %dma_wait3A_762 = arith.constant 0 : i32
    %dma_wait3A_763 = arith.constant 0 : i32
    %dma_wait3A_764 = tpu.memref_slice %arg15[%dma_wait3A_762, %dma_wait3A_763] : memref<32x1024xf32, #tpu.memory_space<vmem>> -> memref<8x1024xf32, #tpu.memory_space<vmem>>
    tpu.wait_dma2 semaphore(%arg27 : memref<!tpu.dma_semaphore, #tpu.memory_space<semaphore_mem>>) src(%dma_wait3A_764 : memref<8x1024xf32, #tpu.memory_space<vmem>>) dst(%dma_wait3A_761 : memref<8x1024xf32, #tpu.memory_space<hbm>>)
    %dma_wait3A_765 = arith.constant 8 : i32
    %dma_wait3A_766 = arith.constant 0 : i32
    %dma_wait3A_767 = tpu.memref_slice %arg15[%dma_wait3A_765, %dma_wait3A_766] : memref<32x1024xf32, #tpu.memory_space<vmem>> -> memref<8x1024xf32, #tpu.memory_space<vmem>>
    %dma_wait3A_768 = arith.constant 0 : i32
    %dma_wait3A_769 = tpu.memref_slice %arg5[%multiple_of3A_587, %dma_wait3A_768] : memref<8192x1024xf32, #tpu.memory_space<hbm>> -> memref<8x1024xf32, #tpu.memory_space<hbm>>
    %dma_wait3A_770 = arith.constant 0 : i32
    %dma_wait3A_771 = tpu.memref_slice %arg5[%multiple_of3A_587, %dma_wait3A_770] : memref<8192x1024xf32, #tpu.memory_space<hbm>> -> memref<8x1024xf32, #tpu.memory_space<hbm>>
    %dma_wait3A_772 = arith.constant 8 : i32
    %dma_wait3A_773 = arith.constant 0 : i32
    %dma_wait3A_774 = tpu.memref_slice %arg15[%dma_wait3A_772, %dma_wait3A_773] : memref<32x1024xf32, #tpu.memory_space<vmem>> -> memref<8x1024xf32, #tpu.memory_space<vmem>>
    tpu.wait_dma2 semaphore(%arg27 : memref<!tpu.dma_semaphore, #tpu.memory_space<semaphore_mem>>) src(%dma_wait3A_774 : memref<8x1024xf32, #tpu.memory_space<vmem>>) dst(%dma_wait3A_771 : memref<8x1024xf32, #tpu.memory_space<hbm>>)
    %dma_wait3A_775 = arith.constant 16 : i32
    %dma_wait3A_776 = arith.constant 0 : i32
    %dma_wait3A_777 = tpu.memref_slice %arg15[%dma_wait3A_775, %dma_wait3A_776] : memref<32x1024xf32, #tpu.memory_space<vmem>> -> memref<8x1024xf32, #tpu.memory_space<vmem>>
    %dma_wait3A_778 = arith.constant 0 : i32
    %dma_wait3A_779 = tpu.memref_slice %arg5[%multiple_of3A_602, %dma_wait3A_778] : memref<8192x1024xf32, #tpu.memory_space<hbm>> -> memref<8x1024xf32, #tpu.memory_space<hbm>>
    %dma_wait3A_780 = arith.constant 0 : i32
    %dma_wait3A_781 = tpu.memref_slice %arg5[%multiple_of3A_602, %dma_wait3A_780] : memref<8192x1024xf32, #tpu.memory_space<hbm>> -> memref<8x1024xf32, #tpu.memory_space<hbm>>
    %dma_wait3A_782 = arith.constant 16 : i32
    %dma_wait3A_783 = arith.constant 0 : i32
    %dma_wait3A_784 = tpu.memref_slice %arg15[%dma_wait3A_782, %dma_wait3A_783] : memref<32x1024xf32, #tpu.memory_space<vmem>> -> memref<8x1024xf32, #tpu.memory_space<vmem>>
    tpu.wait_dma2 semaphore(%arg27 : memref<!tpu.dma_semaphore, #tpu.memory_space<semaphore_mem>>) src(%dma_wait3A_784 : memref<8x1024xf32, #tpu.memory_space<vmem>>) dst(%dma_wait3A_781 : memref<8x1024xf32, #tpu.memory_space<hbm>>)
    %dma_wait3A_785 = arith.constant 24 : i32
    %dma_wait3A_786 = arith.constant 0 : i32
    %dma_wait3A_787 = tpu.memref_slice %arg15[%dma_wait3A_785, %dma_wait3A_786] : memref<32x1024xf32, #tpu.memory_space<vmem>> -> memref<8x1024xf32, #tpu.memory_space<vmem>>
    %dma_wait3A_788 = arith.constant 0 : i32
    %dma_wait3A_789 = tpu.memref_slice %arg5[%multiple_of3A_617, %dma_wait3A_788] : memref<8192x1024xf32, #tpu.memory_space<hbm>> -> memref<8x1024xf32, #tpu.memory_space<hbm>>
    %dma_wait3A_790 = arith.constant 0 : i32
    %dma_wait3A_791 = tpu.memref_slice %arg5[%multiple_of3A_617, %dma_wait3A_790] : memref<8192x1024xf32, #tpu.memory_space<hbm>> -> memref<8x1024xf32, #tpu.memory_space<hbm>>
    %dma_wait3A_792 = arith.constant 24 : i32
    %dma_wait3A_793 = arith.constant 0 : i32
    %dma_wait3A_794 = tpu.memref_slice %arg15[%dma_wait3A_792, %dma_wait3A_793] : memref<32x1024xf32, #tpu.memory_space<vmem>> -> memref<8x1024xf32, #tpu.memory_space<vmem>>
    tpu.wait_dma2 semaphore(%arg27 : memref<!tpu.dma_semaphore, #tpu.memory_space<semaphore_mem>>) src(%dma_wait3A_794 : memref<8x1024xf32, #tpu.memory_space<vmem>>) dst(%dma_wait3A_791 : memref<8x1024xf32, #tpu.memory_space<hbm>>)
    %dma_wait3A_795 = arith.constant 7 : i32
    %dma_wait3A_796 = arith.constant 0 : i32
    %dma_wait3A_797 = tpu.memref_slice %arg2[%add3A, %dma_wait3A_795, %dma_wait3A_796] : memref<32x8x32xi32, #tpu.memory_space<hbm>> -> memref<1x1x32xi32, #tpu.memory_space<hbm>>
    %dma_wait3A_798 = tpu.memref_squeeze %dma_wait3A_797 : memref<1x1x32xi32, #tpu.memory_space<hbm>> -> memref<32xi32, #tpu.memory_space<hbm>>
    %dma_wait3A_799 = arith.constant 0 : i32
    %dma_wait3A_800 = tpu.memref_slice %arg2[%add3A, %dma_wait3A_795, %dma_wait3A_799] : memref<32x8x32xi32, #tpu.memory_space<hbm>> -> memref<1x1x32xi32, #tpu.memory_space<hbm>>
    %dma_wait3A_801 = tpu.memref_squeeze %dma_wait3A_800 : memref<1x1x32xi32, #tpu.memory_space<hbm>> -> memref<32xi32, #tpu.memory_space<hbm>>
    tpu.wait_dma2 semaphore(%arg36 : memref<!tpu.dma_semaphore, #tpu.memory_space<semaphore_mem>>) src(%dma_wait3A_801 : memref<32xi32, #tpu.memory_space<hbm>>) dst(%arg13 : memref<32xi32, #tpu.memory_space<vmem>>)
    %dma_start3A_802 = arith.constant 0 : i32
    %dma_start3A_803 = arith.constant 0 : i32
    %dma_start3A_804 = tpu.memref_slice %arg3[%dma_start3A_802, %dma_start3A_803] : memref<100000x1024xf32, #tpu.memory_space<hbm>> -> memref<100000x1024xf32, #tpu.memory_space<hbm>>
    tpu.enqueue_indirect_dma source(%dma_start3A_804 : memref<100000x1024xf32, #tpu.memory_space<hbm>>) target(%arg15 : memref<32x1024xf32, #tpu.memory_space<vmem>>) offsets(%arg13 : memref<32xi32, #tpu.memory_space<vmem>>) semaphore(%arg21 : memref<!tpu.dma_semaphore, #tpu.memory_space<semaphore_mem>>)
    %add3A_805 = arith.constant 56 : i32
    %add3A_806 = arith.addi %multiple_of3A, %add3A_805 : i32
    %multiple_of3A_807 = tpu.assume_multiple %add3A_806, 8 : i32
    %dma_start3A_808 = arith.constant 0 : i32
    %dma_start3A_809 = tpu.memref_slice %arg4[%multiple_of3A_807, %dma_start3A_808] : memref<2048x1024xf32, #tpu.memory_space<hbm>> -> memref<8x1024xf32, #tpu.memory_space<hbm>>
    %dma_start3A_810 = arith.constant 0 : i32
    %dma_start3A_811 = tpu.memref_slice %arg4[%multiple_of3A_807, %dma_start3A_810] : memref<2048x1024xf32, #tpu.memory_space<hbm>> -> memref<8x1024xf32, #tpu.memory_space<hbm>>
    tpu.enqueue_dma source(%dma_start3A_811 : memref<8x1024xf32, #tpu.memory_space<hbm>>) target(%arg18 : memref<8x1024xf32, #tpu.memory_space<vmem>>) target_semaphore(%arg24 : memref<!tpu.dma_semaphore, #tpu.memory_space<semaphore_mem>>)
    %dma_wait3A_812 = arith.constant 0 : i32
    %dma_wait3A_813 = arith.constant 0 : i32
    %dma_wait3A_814 = tpu.memref_slice %arg3[%dma_wait3A_812, %dma_wait3A_813] : memref<100000x1024xf32, #tpu.memory_space<hbm>> -> memref<100000x1024xf32, #tpu.memory_space<hbm>>
    tpu.wait_indirect_dma semaphore(%arg20 : memref<!tpu.dma_semaphore, #tpu.memory_space<semaphore_mem>>) src(%dma_wait3A_814 : memref<100000x1024xf32, #tpu.memory_space<hbm>>) dst(%arg14 : memref<32x1024xf32, #tpu.memory_space<vmem>>)
    %dma_wait3A_815 = arith.constant 0 : i32
    %dma_wait3A_816 = tpu.memref_slice %arg4[%multiple_of3A_680, %dma_wait3A_815] : memref<2048x1024xf32, #tpu.memory_space<hbm>> -> memref<8x1024xf32, #tpu.memory_space<hbm>>
    %dma_wait3A_817 = arith.constant 0 : i32
    %dma_wait3A_818 = tpu.memref_slice %arg4[%multiple_of3A_680, %dma_wait3A_817] : memref<2048x1024xf32, #tpu.memory_space<hbm>> -> memref<8x1024xf32, #tpu.memory_space<hbm>>
    tpu.wait_dma2 semaphore(%arg23 : memref<!tpu.dma_semaphore, #tpu.memory_space<semaphore_mem>>) src(%dma_wait3A_818 : memref<8x1024xf32, #tpu.memory_space<hbm>>) dst(%arg17 : memref<8x1024xf32, #tpu.memory_space<vmem>>)
    %parallel_loop3A_819 = arith.constant 0 : i32
    %parallel_loop3A_820 = arith.constant 512 : i32
    %parallel_loop3A_821 = arith.constant 1 : i32
    scf.for %parallel_loop3A_1072 = %parallel_loop3A_819 to %parallel_loop3A_820 step %parallel_loop3A_821  : i32 {
      %parallel_loop3A_1073 = arith.constant 6 : i32
      %parallel_loop3A_1074 = arith.shrsi %parallel_loop3A_1072, %parallel_loop3A_1073 : i32
      %parallel_loop3A_1075 = arith.constant 63 : i32
      %parallel_loop3A_1076 = arith.andi %parallel_loop3A_1072, %parallel_loop3A_1075 : i32
      %parallel_loop3A_1077 = arith.constant 16 : i32
      %parallel_loop3A_1078 = arith.muli %parallel_loop3A_1076, %parallel_loop3A_1077 : i32
      %parallel_loop3A_1079 = tpu.assume_multiple %parallel_loop3A_1078, 16 : i32
      %parallel_loop3A_1080 = arith.index_cast %parallel_loop3A_1074 : i32 to index
      %parallel_loop3A_1081 = arith.index_cast %parallel_loop3A_1079 : i32 to index
      %parallel_loop3A_1082 = tpu.vector_load %arg17[%parallel_loop3A_1080, %parallel_loop3A_1081] {strides = array<i32>} : memref<8x1024xf32, #tpu.memory_space<vmem>>, vector<1x16xf32>,
      %parallel_loop3A_1083 = vector.shape_cast %parallel_loop3A_1082 : vector<1x16xf32> to vector<16xf32>
      %parallel_loop3A_1084 = arith.constant 0 : i32
      %parallel_loop3A_1085 = arith.addi %parallel_loop3A_1084, %parallel_loop3A_1074 : i32
      %parallel_loop3A_1086 = arith.index_cast %parallel_loop3A_1085 : i32 to index
      %parallel_loop3A_1087 = arith.index_cast %parallel_loop3A_1079 : i32 to index
      %parallel_loop3A_1088 = tpu.vector_load %arg14[%parallel_loop3A_1086, %parallel_loop3A_1087] {strides = array<i32>} : memref<32x1024xf32, #tpu.memory_space<vmem>>, vector<1x16xf32>,
      %parallel_loop3A_1089 = vector.shape_cast %parallel_loop3A_1088 : vector<1x16xf32> to vector<16xf32>
      %parallel_loop3A_1090 = arith.constant 3.200000e+01 : f32
      %parallel_loop3A_1091 = vector.broadcast %parallel_loop3A_1090 : f32 to vector<16xf32>
      %parallel_loop3A_1092 = arith.mulf %parallel_loop3A_1089, %parallel_loop3A_1091 : vector<16xf32>
      %parallel_loop3A_1093 = arith.addf %parallel_loop3A_1092, %parallel_loop3A_1083 : vector<16xf32>
      %parallel_loop3A_1094 = arith.constant 0 : i32
      %parallel_loop3A_1095 = arith.addi %parallel_loop3A_1094, %parallel_loop3A_1074 : i32
      %parallel_loop3A_1096 = arith.index_cast %parallel_loop3A_1095 : i32 to index
      %parallel_loop3A_1097 = arith.index_cast %parallel_loop3A_1079 : i32 to index
      %parallel_loop3A_1098 = tpu.vector_load %arg14[%parallel_loop3A_1096, %parallel_loop3A_1097] {strides = array<i32>} : memref<32x1024xf32, #tpu.memory_space<vmem>>, vector<1x16xf32>,
      %parallel_loop3A_1099 = vector.shape_cast %parallel_loop3A_1098 : vector<1x16xf32> to vector<16xf32>
      %parallel_loop3A_1100 = vector.shape_cast %parallel_loop3A_1093 : vector<16xf32> to vector<1x16xf32>
      tpu.vector_store %arg14[%parallel_loop3A_1096, %parallel_loop3A_1097], %parallel_loop3A_1100 {strides = array<i32>} : memref<32x1024xf32, #tpu.memory_space<vmem>>, vector<1x16xf32>,
      %parallel_loop3A_1101 = arith.constant 8 : i32
      %parallel_loop3A_1102 = arith.addi %parallel_loop3A_1101, %parallel_loop3A_1074 : i32
      %parallel_loop3A_1103 = arith.index_cast %parallel_loop3A_1102 : i32 to index
      %parallel_loop3A_1104 = arith.index_cast %parallel_loop3A_1079 : i32 to index
      %parallel_loop3A_1105 = tpu.vector_load %arg14[%parallel_loop3A_1103, %parallel_loop3A_1104] {strides = array<i32>} : memref<32x1024xf32, #tpu.memory_space<vmem>>, vector<1x16xf32>,
      %parallel_loop3A_1106 = vector.shape_cast %parallel_loop3A_1105 : vector<1x16xf32> to vector<16xf32>
      %parallel_loop3A_1107 = arith.constant 3.200000e+01 : f32
      %parallel_loop3A_1108 = vector.broadcast %parallel_loop3A_1107 : f32 to vector<16xf32>
      %parallel_loop3A_1109 = arith.mulf %parallel_loop3A_1106, %parallel_loop3A_1108 : vector<16xf32>
      %parallel_loop3A_1110 = arith.addf %parallel_loop3A_1109, %parallel_loop3A_1083 : vector<16xf32>
      %parallel_loop3A_1111 = arith.constant 8 : i32
      %parallel_loop3A_1112 = arith.addi %parallel_loop3A_1111, %parallel_loop3A_1074 : i32
      %parallel_loop3A_1113 = arith.index_cast %parallel_loop3A_1112 : i32 to index
      %parallel_loop3A_1114 = arith.index_cast %parallel_loop3A_1079 : i32 to index
      %parallel_loop3A_1115 = tpu.vector_load %arg14[%parallel_loop3A_1113, %parallel_loop3A_1114] {strides = array<i32>} : memref<32x1024xf32, #tpu.memory_space<vmem>>, vector<1x16xf32>,
      %parallel_loop3A_1116 = vector.shape_cast %parallel_loop3A_1115 : vector<1x16xf32> to vector<16xf32>
      %parallel_loop3A_1117 = vector.shape_cast %parallel_loop3A_1110 : vector<16xf32> to vector<1x16xf32>
      tpu.vector_store %arg14[%parallel_loop3A_1113, %parallel_loop3A_1114], %parallel_loop3A_1117 {strides = array<i32>} : memref<32x1024xf32, #tpu.memory_space<vmem>>, vector<1x16xf32>,
      %parallel_loop3A_1118 = arith.constant 16 : i32
      %parallel_loop3A_1119 = arith.addi %parallel_loop3A_1118, %parallel_loop3A_1074 : i32
      %parallel_loop3A_1120 = arith.index_cast %parallel_loop3A_1119 : i32 to index
      %parallel_loop3A_1121 = arith.index_cast %parallel_loop3A_1079 : i32 to index
      %parallel_loop3A_1122 = tpu.vector_load %arg14[%parallel_loop3A_1120, %parallel_loop3A_1121] {strides = array<i32>} : memref<32x1024xf32, #tpu.memory_space<vmem>>, vector<1x16xf32>,
      %parallel_loop3A_1123 = vector.shape_cast %parallel_loop3A_1122 : vector<1x16xf32> to vector<16xf32>
      %parallel_loop3A_1124 = arith.constant 3.200000e+01 : f32
      %parallel_loop3A_1125 = vector.broadcast %parallel_loop3A_1124 : f32 to vector<16xf32>
      %parallel_loop3A_1126 = arith.mulf %parallel_loop3A_1123, %parallel_loop3A_1125 : vector<16xf32>
      %parallel_loop3A_1127 = arith.addf %parallel_loop3A_1126, %parallel_loop3A_1083 : vector<16xf32>
      %parallel_loop3A_1128 = arith.constant 16 : i32
      %parallel_loop3A_1129 = arith.addi %parallel_loop3A_1128, %parallel_loop3A_1074 : i32
      %parallel_loop3A_1130 = arith.index_cast %parallel_loop3A_1129 : i32 to index
      %parallel_loop3A_1131 = arith.index_cast %parallel_loop3A_1079 : i32 to index
      %parallel_loop3A_1132 = tpu.vector_load %arg14[%parallel_loop3A_1130, %parallel_loop3A_1131] {strides = array<i32>} : memref<32x1024xf32, #tpu.memory_space<vmem>>, vector<1x16xf32>,
      %parallel_loop3A_1133 = vector.shape_cast %parallel_loop3A_1132 : vector<1x16xf32> to vector<16xf32>
      %parallel_loop3A_1134 = vector.shape_cast %parallel_loop3A_1127 : vector<16xf32> to vector<1x16xf32>
      tpu.vector_store %arg14[%parallel_loop3A_1130, %parallel_loop3A_1131], %parallel_loop3A_1134 {strides = array<i32>} : memref<32x1024xf32, #tpu.memory_space<vmem>>, vector<1x16xf32>,
      %parallel_loop3A_1135 = arith.constant 24 : i32
      %parallel_loop3A_1136 = arith.addi %parallel_loop3A_1135, %parallel_loop3A_1074 : i32
      %parallel_loop3A_1137 = arith.index_cast %parallel_loop3A_1136 : i32 to index
      %parallel_loop3A_1138 = arith.index_cast %parallel_loop3A_1079 : i32 to index
      %parallel_loop3A_1139 = tpu.vector_load %arg14[%parallel_loop3A_1137, %parallel_loop3A_1138] {strides = array<i32>} : memref<32x1024xf32, #tpu.memory_space<vmem>>, vector<1x16xf32>,
      %parallel_loop3A_1140 = vector.shape_cast %parallel_loop3A_1139 : vector<1x16xf32> to vector<16xf32>
      %parallel_loop3A_1141 = arith.constant 3.200000e+01 : f32
      %parallel_loop3A_1142 = vector.broadcast %parallel_loop3A_1141 : f32 to vector<16xf32>
      %parallel_loop3A_1143 = arith.mulf %parallel_loop3A_1140, %parallel_loop3A_1142 : vector<16xf32>
      %parallel_loop3A_1144 = arith.addf %parallel_loop3A_1143, %parallel_loop3A_1083 : vector<16xf32>
      %parallel_loop3A_1145 = arith.constant 24 : i32
      %parallel_loop3A_1146 = arith.addi %parallel_loop3A_1145, %parallel_loop3A_1074 : i32
      %parallel_loop3A_1147 = arith.index_cast %parallel_loop3A_1146 : i32 to index
      %parallel_loop3A_1148 = arith.index_cast %parallel_loop3A_1079 : i32 to index
      %parallel_loop3A_1149 = tpu.vector_load %arg14[%parallel_loop3A_1147, %parallel_loop3A_1148] {strides = array<i32>} : memref<32x1024xf32, #tpu.memory_space<vmem>>, vector<1x16xf32>,
      %parallel_loop3A_1150 = vector.shape_cast %parallel_loop3A_1149 : vector<1x16xf32> to vector<16xf32>
      %parallel_loop3A_1151 = vector.shape_cast %parallel_loop3A_1144 : vector<16xf32> to vector<1x16xf32>
      tpu.vector_store %arg14[%parallel_loop3A_1147, %parallel_loop3A_1148], %parallel_loop3A_1151 {strides = array<i32>} : memref<32x1024xf32, #tpu.memory_space<vmem>>, vector<1x16xf32>,
    } {sc.loop_unroll_factor = 8 : i64, sc.parallel_access}
    %add3A_822 = arith.constant 0 : i32
    %add3A_823 = arith.addi %add3A_822, %multiple_of3A : i32
    %add3A_824 = arith.constant 48 : i32
    %add3A_825 = arith.addi %add3A_823, %add3A_824 : i32
    %multiple_of3A_826 = tpu.assume_multiple %add3A_825, 8 : i32
    %dma_start3A_827 = arith.constant 0 : i32
    %dma_start3A_828 = arith.constant 0 : i32
    %dma_start3A_829 = tpu.memref_slice %arg14[%dma_start3A_827, %dma_start3A_828] : memref<32x1024xf32, #tpu.memory_space<vmem>> -> memref<8x1024xf32, #tpu.memory_space<vmem>>
    %dma_start3A_830 = arith.constant 0 : i32
    %dma_start3A_831 = tpu.memref_slice %arg5[%multiple_of3A_826, %dma_start3A_830] : memref<8192x1024xf32, #tpu.memory_space<hbm>> -> memref<8x1024xf32, #tpu.memory_space<hbm>>
    %dma_start3A_832 = arith.constant 0 : i32
    %dma_start3A_833 = tpu.memref_slice %arg5[%multiple_of3A_826, %dma_start3A_832] : memref<8192x1024xf32, #tpu.memory_space<hbm>> -> memref<8x1024xf32, #tpu.memory_space<hbm>>
    %dma_start3A_834 = arith.constant 0 : i32
    %dma_start3A_835 = arith.constant 0 : i32
    %dma_start3A_836 = tpu.memref_slice %arg14[%dma_start3A_834, %dma_start3A_835] : memref<32x1024xf32, #tpu.memory_space<vmem>> -> memref<8x1024xf32, #tpu.memory_space<vmem>>
    tpu.enqueue_dma source(%dma_start3A_836 : memref<8x1024xf32, #tpu.memory_space<vmem>>) target(%dma_start3A_833 : memref<8x1024xf32, #tpu.memory_space<hbm>>) target_semaphore(%arg26 : memref<!tpu.dma_semaphore, #tpu.memory_space<semaphore_mem>>)
    %add3A_837 = arith.constant 2048 : i32
    %add3A_838 = arith.addi %add3A_837, %multiple_of3A : i32
    %add3A_839 = arith.constant 48 : i32
    %add3A_840 = arith.addi %add3A_838, %add3A_839 : i32
    %multiple_of3A_841 = tpu.assume_multiple %add3A_840, 8 : i32
    %dma_start3A_842 = arith.constant 8 : i32
    %dma_start3A_843 = arith.constant 0 : i32
    %dma_start3A_844 = tpu.memref_slice %arg14[%dma_start3A_842, %dma_start3A_843] : memref<32x1024xf32, #tpu.memory_space<vmem>> -> memref<8x1024xf32, #tpu.memory_space<vmem>>
    %dma_start3A_845 = arith.constant 0 : i32
    %dma_start3A_846 = tpu.memref_slice %arg5[%multiple_of3A_841, %dma_start3A_845] : memref<8192x1024xf32, #tpu.memory_space<hbm>> -> memref<8x1024xf32, #tpu.memory_space<hbm>>
    %dma_start3A_847 = arith.constant 0 : i32
    %dma_start3A_848 = tpu.memref_slice %arg5[%multiple_of3A_841, %dma_start3A_847] : memref<8192x1024xf32, #tpu.memory_space<hbm>> -> memref<8x1024xf32, #tpu.memory_space<hbm>>
    %dma_start3A_849 = arith.constant 8 : i32
    %dma_start3A_850 = arith.constant 0 : i32
    %dma_start3A_851 = tpu.memref_slice %arg14[%dma_start3A_849, %dma_start3A_850] : memref<32x1024xf32, #tpu.memory_space<vmem>> -> memref<8x1024xf32, #tpu.memory_space<vmem>>
    tpu.enqueue_dma source(%dma_start3A_851 : memref<8x1024xf32, #tpu.memory_space<vmem>>) target(%dma_start3A_848 : memref<8x1024xf32, #tpu.memory_space<hbm>>) target_semaphore(%arg26 : memref<!tpu.dma_semaphore, #tpu.memory_space<semaphore_mem>>)
    %add3A_852 = arith.constant 4096 : i32
    %add3A_853 = arith.addi %add3A_852, %multiple_of3A : i32
    %add3A_854 = arith.constant 48 : i32
    %add3A_855 = arith.addi %add3A_853, %add3A_854 : i32
    %multiple_of3A_856 = tpu.assume_multiple %add3A_855, 8 : i32
    %dma_start3A_857 = arith.constant 16 : i32
    %dma_start3A_858 = arith.constant 0 : i32
    %dma_start3A_859 = tpu.memref_slice %arg14[%dma_start3A_857, %dma_start3A_858] : memref<32x1024xf32, #tpu.memory_space<vmem>> -> memref<8x1024xf32, #tpu.memory_space<vmem>>
    %dma_start3A_860 = arith.constant 0 : i32
    %dma_start3A_861 = tpu.memref_slice %arg5[%multiple_of3A_856, %dma_start3A_860] : memref<8192x1024xf32, #tpu.memory_space<hbm>> -> memref<8x1024xf32, #tpu.memory_space<hbm>>
    %dma_start3A_862 = arith.constant 0 : i32
    %dma_start3A_863 = tpu.memref_slice %arg5[%multiple_of3A_856, %dma_start3A_862] : memref<8192x1024xf32, #tpu.memory_space<hbm>> -> memref<8x1024xf32, #tpu.memory_space<hbm>>
    %dma_start3A_864 = arith.constant 16 : i32
    %dma_start3A_865 = arith.constant 0 : i32
    %dma_start3A_866 = tpu.memref_slice %arg14[%dma_start3A_864, %dma_start3A_865] : memref<32x1024xf32, #tpu.memory_space<vmem>> -> memref<8x1024xf32, #tpu.memory_space<vmem>>
    tpu.enqueue_dma source(%dma_start3A_866 : memref<8x1024xf32, #tpu.memory_space<vmem>>) target(%dma_start3A_863 : memref<8x1024xf32, #tpu.memory_space<hbm>>) target_semaphore(%arg26 : memref<!tpu.dma_semaphore, #tpu.memory_space<semaphore_mem>>)
    %add3A_867 = arith.constant 6144 : i32
    %add3A_868 = arith.addi %add3A_867, %multiple_of3A : i32
    %add3A_869 = arith.constant 48 : i32
    %add3A_870 = arith.addi %add3A_868, %add3A_869 : i32
    %multiple_of3A_871 = tpu.assume_multiple %add3A_870, 8 : i32
    %dma_start3A_872 = arith.constant 24 : i32
    %dma_start3A_873 = arith.constant 0 : i32
    %dma_start3A_874 = tpu.memref_slice %arg14[%dma_start3A_872, %dma_start3A_873] : memref<32x1024xf32, #tpu.memory_space<vmem>> -> memref<8x1024xf32, #tpu.memory_space<vmem>>
    %dma_start3A_875 = arith.constant 0 : i32
    %dma_start3A_876 = tpu.memref_slice %arg5[%multiple_of3A_871, %dma_start3A_875] : memref<8192x1024xf32, #tpu.memory_space<hbm>> -> memref<8x1024xf32, #tpu.memory_space<hbm>>
    %dma_start3A_877 = arith.constant 0 : i32
    %dma_start3A_878 = tpu.memref_slice %arg5[%multiple_of3A_871, %dma_start3A_877] : memref<8192x1024xf32, #tpu.memory_space<hbm>> -> memref<8x1024xf32, #tpu.memory_space<hbm>>
    %dma_start3A_879 = arith.constant 24 : i32
    %dma_start3A_880 = arith.constant 0 : i32
    %dma_start3A_881 = tpu.memref_slice %arg14[%dma_start3A_879, %dma_start3A_880] : memref<32x1024xf32, #tpu.memory_space<vmem>> -> memref<8x1024xf32, #tpu.memory_space<vmem>>
    tpu.enqueue_dma source(%dma_start3A_881 : memref<8x1024xf32, #tpu.memory_space<vmem>>) target(%dma_start3A_878 : memref<8x1024xf32, #tpu.memory_space<hbm>>) target_semaphore(%arg26 : memref<!tpu.dma_semaphore, #tpu.memory_space<semaphore_mem>>)
    %dma_wait3A_882 = arith.constant 0 : i32
    %dma_wait3A_883 = arith.constant 0 : i32
    %dma_wait3A_884 = tpu.memref_slice %arg3[%dma_wait3A_882, %dma_wait3A_883] : memref<100000x1024xf32, #tpu.memory_space<hbm>> -> memref<100000x1024xf32, #tpu.memory_space<hbm>>
    tpu.wait_indirect_dma semaphore(%arg21 : memref<!tpu.dma_semaphore, #tpu.memory_space<semaphore_mem>>) src(%dma_wait3A_884 : memref<100000x1024xf32, #tpu.memory_space<hbm>>) dst(%arg15 : memref<32x1024xf32, #tpu.memory_space<vmem>>)
    %dma_wait3A_885 = arith.constant 0 : i32
    %dma_wait3A_886 = tpu.memref_slice %arg4[%multiple_of3A_807, %dma_wait3A_885] : memref<2048x1024xf32, #tpu.memory_space<hbm>> -> memref<8x1024xf32, #tpu.memory_space<hbm>>
    %dma_wait3A_887 = arith.constant 0 : i32
    %dma_wait3A_888 = tpu.memref_slice %arg4[%multiple_of3A_807, %dma_wait3A_887] : memref<2048x1024xf32, #tpu.memory_space<hbm>> -> memref<8x1024xf32, #tpu.memory_space<hbm>>
    tpu.wait_dma2 semaphore(%arg24 : memref<!tpu.dma_semaphore, #tpu.memory_space<semaphore_mem>>) src(%dma_wait3A_888 : memref<8x1024xf32, #tpu.memory_space<hbm>>) dst(%arg18 : memref<8x1024xf32, #tpu.memory_space<vmem>>)
    %parallel_loop3A_889 = arith.constant 0 : i32
    %parallel_loop3A_890 = arith.constant 512 : i32
    %parallel_loop3A_891 = arith.constant 1 : i32
    scf.for %parallel_loop3A_1072 = %parallel_loop3A_889 to %parallel_loop3A_890 step %parallel_loop3A_891  : i32 {
      %parallel_loop3A_1073 = arith.constant 6 : i32
      %parallel_loop3A_1074 = arith.shrsi %parallel_loop3A_1072, %parallel_loop3A_1073 : i32
      %parallel_loop3A_1075 = arith.constant 63 : i32
      %parallel_loop3A_1076 = arith.andi %parallel_loop3A_1072, %parallel_loop3A_1075 : i32
      %parallel_loop3A_1077 = arith.constant 16 : i32
      %parallel_loop3A_1078 = arith.muli %parallel_loop3A_1076, %parallel_loop3A_1077 : i32
      %parallel_loop3A_1079 = tpu.assume_multiple %parallel_loop3A_1078, 16 : i32
      %parallel_loop3A_1080 = arith.index_cast %parallel_loop3A_1074 : i32 to index
      %parallel_loop3A_1081 = arith.index_cast %parallel_loop3A_1079 : i32 to index
      %parallel_loop3A_1082 = tpu.vector_load %arg18[%parallel_loop3A_1080, %parallel_loop3A_1081] {strides = array<i32>} : memref<8x1024xf32, #tpu.memory_space<vmem>>, vector<1x16xf32>,
      %parallel_loop3A_1083 = vector.shape_cast %parallel_loop3A_1082 : vector<1x16xf32> to vector<16xf32>
      %parallel_loop3A_1084 = arith.constant 0 : i32
      %parallel_loop3A_1085 = arith.addi %parallel_loop3A_1084, %parallel_loop3A_1074 : i32
      %parallel_loop3A_1086 = arith.index_cast %parallel_loop3A_1085 : i32 to index
      %parallel_loop3A_1087 = arith.index_cast %parallel_loop3A_1079 : i32 to index
      %parallel_loop3A_1088 = tpu.vector_load %arg15[%parallel_loop3A_1086, %parallel_loop3A_1087] {strides = array<i32>} : memref<32x1024xf32, #tpu.memory_space<vmem>>, vector<1x16xf32>,
      %parallel_loop3A_1089 = vector.shape_cast %parallel_loop3A_1088 : vector<1x16xf32> to vector<16xf32>
      %parallel_loop3A_1090 = arith.constant 3.200000e+01 : f32
      %parallel_loop3A_1091 = vector.broadcast %parallel_loop3A_1090 : f32 to vector<16xf32>
      %parallel_loop3A_1092 = arith.mulf %parallel_loop3A_1089, %parallel_loop3A_1091 : vector<16xf32>
      %parallel_loop3A_1093 = arith.addf %parallel_loop3A_1092, %parallel_loop3A_1083 : vector<16xf32>
      %parallel_loop3A_1094 = arith.constant 0 : i32
      %parallel_loop3A_1095 = arith.addi %parallel_loop3A_1094, %parallel_loop3A_1074 : i32
      %parallel_loop3A_1096 = arith.index_cast %parallel_loop3A_1095 : i32 to index
      %parallel_loop3A_1097 = arith.index_cast %parallel_loop3A_1079 : i32 to index
      %parallel_loop3A_1098 = tpu.vector_load %arg15[%parallel_loop3A_1096, %parallel_loop3A_1097] {strides = array<i32>} : memref<32x1024xf32, #tpu.memory_space<vmem>>, vector<1x16xf32>,
      %parallel_loop3A_1099 = vector.shape_cast %parallel_loop3A_1098 : vector<1x16xf32> to vector<16xf32>
      %parallel_loop3A_1100 = vector.shape_cast %parallel_loop3A_1093 : vector<16xf32> to vector<1x16xf32>
      tpu.vector_store %arg15[%parallel_loop3A_1096, %parallel_loop3A_1097], %parallel_loop3A_1100 {strides = array<i32>} : memref<32x1024xf32, #tpu.memory_space<vmem>>, vector<1x16xf32>,
      %parallel_loop3A_1101 = arith.constant 8 : i32
      %parallel_loop3A_1102 = arith.addi %parallel_loop3A_1101, %parallel_loop3A_1074 : i32
      %parallel_loop3A_1103 = arith.index_cast %parallel_loop3A_1102 : i32 to index
      %parallel_loop3A_1104 = arith.index_cast %parallel_loop3A_1079 : i32 to index
      %parallel_loop3A_1105 = tpu.vector_load %arg15[%parallel_loop3A_1103, %parallel_loop3A_1104] {strides = array<i32>} : memref<32x1024xf32, #tpu.memory_space<vmem>>, vector<1x16xf32>,
      %parallel_loop3A_1106 = vector.shape_cast %parallel_loop3A_1105 : vector<1x16xf32> to vector<16xf32>
      %parallel_loop3A_1107 = arith.constant 3.200000e+01 : f32
      %parallel_loop3A_1108 = vector.broadcast %parallel_loop3A_1107 : f32 to vector<16xf32>
      %parallel_loop3A_1109 = arith.mulf %parallel_loop3A_1106, %parallel_loop3A_1108 : vector<16xf32>
      %parallel_loop3A_1110 = arith.addf %parallel_loop3A_1109, %parallel_loop3A_1083 : vector<16xf32>
      %parallel_loop3A_1111 = arith.constant 8 : i32
      %parallel_loop3A_1112 = arith.addi %parallel_loop3A_1111, %parallel_loop3A_1074 : i32
      %parallel_loop3A_1113 = arith.index_cast %parallel_loop3A_1112 : i32 to index
      %parallel_loop3A_1114 = arith.index_cast %parallel_loop3A_1079 : i32 to index
      %parallel_loop3A_1115 = tpu.vector_load %arg15[%parallel_loop3A_1113, %parallel_loop3A_1114] {strides = array<i32>} : memref<32x1024xf32, #tpu.memory_space<vmem>>, vector<1x16xf32>,
      %parallel_loop3A_1116 = vector.shape_cast %parallel_loop3A_1115 : vector<1x16xf32> to vector<16xf32>
      %parallel_loop3A_1117 = vector.shape_cast %parallel_loop3A_1110 : vector<16xf32> to vector<1x16xf32>
      tpu.vector_store %arg15[%parallel_loop3A_1113, %parallel_loop3A_1114], %parallel_loop3A_1117 {strides = array<i32>} : memref<32x1024xf32, #tpu.memory_space<vmem>>, vector<1x16xf32>,
      %parallel_loop3A_1118 = arith.constant 16 : i32
      %parallel_loop3A_1119 = arith.addi %parallel_loop3A_1118, %parallel_loop3A_1074 : i32
      %parallel_loop3A_1120 = arith.index_cast %parallel_loop3A_1119 : i32 to index
      %parallel_loop3A_1121 = arith.index_cast %parallel_loop3A_1079 : i32 to index
      %parallel_loop3A_1122 = tpu.vector_load %arg15[%parallel_loop3A_1120, %parallel_loop3A_1121] {strides = array<i32>} : memref<32x1024xf32, #tpu.memory_space<vmem>>, vector<1x16xf32>,
      %parallel_loop3A_1123 = vector.shape_cast %parallel_loop3A_1122 : vector<1x16xf32> to vector<16xf32>
      %parallel_loop3A_1124 = arith.constant 3.200000e+01 : f32
      %parallel_loop3A_1125 = vector.broadcast %parallel_loop3A_1124 : f32 to vector<16xf32>
      %parallel_loop3A_1126 = arith.mulf %parallel_loop3A_1123, %parallel_loop3A_1125 : vector<16xf32>
      %parallel_loop3A_1127 = arith.addf %parallel_loop3A_1126, %parallel_loop3A_1083 : vector<16xf32>
      %parallel_loop3A_1128 = arith.constant 16 : i32
      %parallel_loop3A_1129 = arith.addi %parallel_loop3A_1128, %parallel_loop3A_1074 : i32
      %parallel_loop3A_1130 = arith.index_cast %parallel_loop3A_1129 : i32 to index
      %parallel_loop3A_1131 = arith.index_cast %parallel_loop3A_1079 : i32 to index
      %parallel_loop3A_1132 = tpu.vector_load %arg15[%parallel_loop3A_1130, %parallel_loop3A_1131] {strides = array<i32>} : memref<32x1024xf32, #tpu.memory_space<vmem>>, vector<1x16xf32>,
      %parallel_loop3A_1133 = vector.shape_cast %parallel_loop3A_1132 : vector<1x16xf32> to vector<16xf32>
      %parallel_loop3A_1134 = vector.shape_cast %parallel_loop3A_1127 : vector<16xf32> to vector<1x16xf32>
      tpu.vector_store %arg15[%parallel_loop3A_1130, %parallel_loop3A_1131], %parallel_loop3A_1134 {strides = array<i32>} : memref<32x1024xf32, #tpu.memory_space<vmem>>, vector<1x16xf32>,
      %parallel_loop3A_1135 = arith.constant 24 : i32
      %parallel_loop3A_1136 = arith.addi %parallel_loop3A_1135, %parallel_loop3A_1074 : i32
      %parallel_loop3A_1137 = arith.index_cast %parallel_loop3A_1136 : i32 to index
      %parallel_loop3A_1138 = arith.index_cast %parallel_loop3A_1079 : i32 to index
      %parallel_loop3A_1139 = tpu.vector_load %arg15[%parallel_loop3A_1137, %parallel_loop3A_1138] {strides = array<i32>} : memref<32x1024xf32, #tpu.memory_space<vmem>>, vector<1x16xf32>,
      %parallel_loop3A_1140 = vector.shape_cast %parallel_loop3A_1139 : vector<1x16xf32> to vector<16xf32>
      %parallel_loop3A_1141 = arith.constant 3.200000e+01 : f32
      %parallel_loop3A_1142 = vector.broadcast %parallel_loop3A_1141 : f32 to vector<16xf32>
      %parallel_loop3A_1143 = arith.mulf %parallel_loop3A_1140, %parallel_loop3A_1142 : vector<16xf32>
      %parallel_loop3A_1144 = arith.addf %parallel_loop3A_1143, %parallel_loop3A_1083 : vector<16xf32>
      %parallel_loop3A_1145 = arith.constant 24 : i32
      %parallel_loop3A_1146 = arith.addi %parallel_loop3A_1145, %parallel_loop3A_1074 : i32
      %parallel_loop3A_1147 = arith.index_cast %parallel_loop3A_1146 : i32 to index
      %parallel_loop3A_1148 = arith.index_cast %parallel_loop3A_1079 : i32 to index
      %parallel_loop3A_1149 = tpu.vector_load %arg15[%parallel_loop3A_1147, %parallel_loop3A_1148] {strides = array<i32>} : memref<32x1024xf32, #tpu.memory_space<vmem>>, vector<1x16xf32>,
      %parallel_loop3A_1150 = vector.shape_cast %parallel_loop3A_1149 : vector<1x16xf32> to vector<16xf32>
      %parallel_loop3A_1151 = vector.shape_cast %parallel_loop3A_1144 : vector<16xf32> to vector<1x16xf32>
      tpu.vector_store %arg15[%parallel_loop3A_1147, %parallel_loop3A_1148], %parallel_loop3A_1151 {strides = array<i32>} : memref<32x1024xf32, #tpu.memory_space<vmem>>, vector<1x16xf32>,
    } {sc.loop_unroll_factor = 8 : i64, sc.parallel_access}
    %add3A_892 = arith.constant 0 : i32
    %add3A_893 = arith.addi %add3A_892, %multiple_of3A : i32
    %add3A_894 = arith.constant 56 : i32
    %add3A_895 = arith.addi %add3A_893, %add3A_894 : i32
    %multiple_of3A_896 = tpu.assume_multiple %add3A_895, 8 : i32
    %dma_start3A_897 = arith.constant 0 : i32
    %dma_start3A_898 = arith.constant 0 : i32
    %dma_start3A_899 = tpu.memref_slice %arg15[%dma_start3A_897, %dma_start3A_898] : memref<32x1024xf32, #tpu.memory_space<vmem>> -> memref<8x1024xf32, #tpu.memory_space<vmem>>
    %dma_start3A_900 = arith.constant 0 : i32
    %dma_start3A_901 = tpu.memref_slice %arg5[%multiple_of3A_896, %dma_start3A_900] : memref<8192x1024xf32, #tpu.memory_space<hbm>> -> memref<8x1024xf32, #tpu.memory_space<hbm>>
    %dma_start3A_902 = arith.constant 0 : i32
    %dma_start3A_903 = tpu.memref_slice %arg5[%multiple_of3A_896, %dma_start3A_902] : memref<8192x1024xf32, #tpu.memory_space<hbm>> -> memref<8x1024xf32, #tpu.memory_space<hbm>>
    %dma_start3A_904 = arith.constant 0 : i32
    %dma_start3A_905 = arith.constant 0 : i32
    %dma_start3A_906 = tpu.memref_slice %arg15[%dma_start3A_904, %dma_start3A_905] : memref<32x1024xf32, #tpu.memory_space<vmem>> -> memref<8x1024xf32, #tpu.memory_space<vmem>>
    tpu.enqueue_dma source(%dma_start3A_906 : memref<8x1024xf32, #tpu.memory_space<vmem>>) target(%dma_start3A_903 : memref<8x1024xf32, #tpu.memory_space<hbm>>) target_semaphore(%arg27 : memref<!tpu.dma_semaphore, #tpu.memory_space<semaphore_mem>>)
    %add3A_907 = arith.constant 2048 : i32
    %add3A_908 = arith.addi %add3A_907, %multiple_of3A : i32
    %add3A_909 = arith.constant 56 : i32
    %add3A_910 = arith.addi %add3A_908, %add3A_909 : i32
    %multiple_of3A_911 = tpu.assume_multiple %add3A_910, 8 : i32
    %dma_start3A_912 = arith.constant 8 : i32
    %dma_start3A_913 = arith.constant 0 : i32
    %dma_start3A_914 = tpu.memref_slice %arg15[%dma_start3A_912, %dma_start3A_913] : memref<32x1024xf32, #tpu.memory_space<vmem>> -> memref<8x1024xf32, #tpu.memory_space<vmem>>
    %dma_start3A_915 = arith.constant 0 : i32
    %dma_start3A_916 = tpu.memref_slice %arg5[%multiple_of3A_911, %dma_start3A_915] : memref<8192x1024xf32, #tpu.memory_space<hbm>> -> memref<8x1024xf32, #tpu.memory_space<hbm>>
    %dma_start3A_917 = arith.constant 0 : i32
    %dma_start3A_918 = tpu.memref_slice %arg5[%multiple_of3A_911, %dma_start3A_917] : memref<8192x1024xf32, #tpu.memory_space<hbm>> -> memref<8x1024xf32, #tpu.memory_space<hbm>>
    %dma_start3A_919 = arith.constant 8 : i32
    %dma_start3A_920 = arith.constant 0 : i32
    %dma_start3A_921 = tpu.memref_slice %arg15[%dma_start3A_919, %dma_start3A_920] : memref<32x1024xf32, #tpu.memory_space<vmem>> -> memref<8x1024xf32, #tpu.memory_space<vmem>>
    tpu.enqueue_dma source(%dma_start3A_921 : memref<8x1024xf32, #tpu.memory_space<vmem>>) target(%dma_start3A_918 : memref<8x1024xf32, #tpu.memory_space<hbm>>) target_semaphore(%arg27 : memref<!tpu.dma_semaphore, #tpu.memory_space<semaphore_mem>>)
    %add3A_922 = arith.constant 4096 : i32
    %add3A_923 = arith.addi %add3A_922, %multiple_of3A : i32
    %add3A_924 = arith.constant 56 : i32
    %add3A_925 = arith.addi %add3A_923, %add3A_924 : i32
    %multiple_of3A_926 = tpu.assume_multiple %add3A_925, 8 : i32
    %dma_start3A_927 = arith.constant 16 : i32
    %dma_start3A_928 = arith.constant 0 : i32
    %dma_start3A_929 = tpu.memref_slice %arg15[%dma_start3A_927, %dma_start3A_928] : memref<32x1024xf32, #tpu.memory_space<vmem>> -> memref<8x1024xf32, #tpu.memory_space<vmem>>
    %dma_start3A_930 = arith.constant 0 : i32
    %dma_start3A_931 = tpu.memref_slice %arg5[%multiple_of3A_926, %dma_start3A_930] : memref<8192x1024xf32, #tpu.memory_space<hbm>> -> memref<8x1024xf32, #tpu.memory_space<hbm>>
    %dma_start3A_932 = arith.constant 0 : i32
    %dma_start3A_933 = tpu.memref_slice %arg5[%multiple_of3A_926, %dma_start3A_932] : memref<8192x1024xf32, #tpu.memory_space<hbm>> -> memref<8x1024xf32, #tpu.memory_space<hbm>>
    %dma_start3A_934 = arith.constant 16 : i32
    %dma_start3A_935 = arith.constant 0 : i32
    %dma_start3A_936 = tpu.memref_slice %arg15[%dma_start3A_934, %dma_start3A_935] : memref<32x1024xf32, #tpu.memory_space<vmem>> -> memref<8x1024xf32, #tpu.memory_space<vmem>>
    tpu.enqueue_dma source(%dma_start3A_936 : memref<8x1024xf32, #tpu.memory_space<vmem>>) target(%dma_start3A_933 : memref<8x1024xf32, #tpu.memory_space<hbm>>) target_semaphore(%arg27 : memref<!tpu.dma_semaphore, #tpu.memory_space<semaphore_mem>>)
    %add3A_937 = arith.constant 6144 : i32
    %add3A_938 = arith.addi %add3A_937, %multiple_of3A : i32
    %add3A_939 = arith.constant 56 : i32
    %add3A_940 = arith.addi %add3A_938, %add3A_939 : i32
    %multiple_of3A_941 = tpu.assume_multiple %add3A_940, 8 : i32
    %dma_start3A_942 = arith.constant 24 : i32
    %dma_start3A_943 = arith.constant 0 : i32
    %dma_start3A_944 = tpu.memref_slice %arg15[%dma_start3A_942, %dma_start3A_943] : memref<32x1024xf32, #tpu.memory_space<vmem>> -> memref<8x1024xf32, #tpu.memory_space<vmem>>
    %dma_start3A_945 = arith.constant 0 : i32
    %dma_start3A_946 = tpu.memref_slice %arg5[%multiple_of3A_941, %dma_start3A_945] : memref<8192x1024xf32, #tpu.memory_space<hbm>> -> memref<8x1024xf32, #tpu.memory_space<hbm>>
    %dma_start3A_947 = arith.constant 0 : i32
    %dma_start3A_948 = tpu.memref_slice %arg5[%multiple_of3A_941, %dma_start3A_947] : memref<8192x1024xf32, #tpu.memory_space<hbm>> -> memref<8x1024xf32, #tpu.memory_space<hbm>>
    %dma_start3A_949 = arith.constant 24 : i32
    %dma_start3A_950 = arith.constant 0 : i32
    %dma_start3A_951 = tpu.memref_slice %arg15[%dma_start3A_949, %dma_start3A_950] : memref<32x1024xf32, #tpu.memory_space<vmem>> -> memref<8x1024xf32, #tpu.memory_space<vmem>>
    tpu.enqueue_dma source(%dma_start3A_951 : memref<8x1024xf32, #tpu.memory_space<vmem>>) target(%dma_start3A_948 : memref<8x1024xf32, #tpu.memory_space<hbm>>) target_semaphore(%arg27 : memref<!tpu.dma_semaphore, #tpu.memory_space<semaphore_mem>>)
    %dma_wait3A_952 = arith.constant 0 : i32
    %dma_wait3A_953 = arith.constant 0 : i32
    %dma_wait3A_954 = tpu.memref_slice %arg16[%dma_wait3A_952, %dma_wait3A_953] : memref<32x1024xf32, #tpu.memory_space<vmem>> -> memref<8x1024xf32, #tpu.memory_space<vmem>>
    %dma_wait3A_955 = arith.constant 0 : i32
    %dma_wait3A_956 = tpu.memref_slice %arg5[%multiple_of3A_699, %dma_wait3A_955] : memref<8192x1024xf32, #tpu.memory_space<hbm>> -> memref<8x1024xf32, #tpu.memory_space<hbm>>
    %dma_wait3A_957 = arith.constant 0 : i32
    %dma_wait3A_958 = tpu.memref_slice %arg5[%multiple_of3A_699, %dma_wait3A_957] : memref<8192x1024xf32, #tpu.memory_space<hbm>> -> memref<8x1024xf32, #tpu.memory_space<hbm>>
    %dma_wait3A_959 = arith.constant 0 : i32
    %dma_wait3A_960 = arith.constant 0 : i32
    %dma_wait3A_961 = tpu.memref_slice %arg16[%dma_wait3A_959, %dma_wait3A_960] : memref<32x1024xf32, #tpu.memory_space<vmem>> -> memref<8x1024xf32, #tpu.memory_space<vmem>>
    tpu.wait_dma2 semaphore(%arg28 : memref<!tpu.dma_semaphore, #tpu.memory_space<semaphore_mem>>) src(%dma_wait3A_961 : memref<8x1024xf32, #tpu.memory_space<vmem>>) dst(%dma_wait3A_958 : memref<8x1024xf32, #tpu.memory_space<hbm>>)
    %dma_wait3A_962 = arith.constant 8 : i32
    %dma_wait3A_963 = arith.constant 0 : i32
    %dma_wait3A_964 = tpu.memref_slice %arg16[%dma_wait3A_962, %dma_wait3A_963] : memref<32x1024xf32, #tpu.memory_space<vmem>> -> memref<8x1024xf32, #tpu.memory_space<vmem>>
    %dma_wait3A_965 = arith.constant 0 : i32
    %dma_wait3A_966 = tpu.memref_slice %arg5[%multiple_of3A_714, %dma_wait3A_965] : memref<8192x1024xf32, #tpu.memory_space<hbm>> -> memref<8x1024xf32, #tpu.memory_space<hbm>>
    %dma_wait3A_967 = arith.constant 0 : i32
    %dma_wait3A_968 = tpu.memref_slice %arg5[%multiple_of3A_714, %dma_wait3A_967] : memref<8192x1024xf32, #tpu.memory_space<hbm>> -> memref<8x1024xf32, #tpu.memory_space<hbm>>
    %dma_wait3A_969 = arith.constant 8 : i32
    %dma_wait3A_970 = arith.constant 0 : i32
    %dma_wait3A_971 = tpu.memref_slice %arg16[%dma_wait3A_969, %dma_wait3A_970] : memref<32x1024xf32, #tpu.memory_space<vmem>> -> memref<8x1024xf32, #tpu.memory_space<vmem>>
    tpu.wait_dma2 semaphore(%arg28 : memref<!tpu.dma_semaphore, #tpu.memory_space<semaphore_mem>>) src(%dma_wait3A_971 : memref<8x1024xf32, #tpu.memory_space<vmem>>) dst(%dma_wait3A_968 : memref<8x1024xf32, #tpu.memory_space<hbm>>)
    %dma_wait3A_972 = arith.constant 16 : i32
    %dma_wait3A_973 = arith.constant 0 : i32
    %dma_wait3A_974 = tpu.memref_slice %arg16[%dma_wait3A_972, %dma_wait3A_973] : memref<32x1024xf32, #tpu.memory_space<vmem>> -> memref<8x1024xf32, #tpu.memory_space<vmem>>
    %dma_wait3A_975 = arith.constant 0 : i32
    %dma_wait3A_976 = tpu.memref_slice %arg5[%multiple_of3A_729, %dma_wait3A_975] : memref<8192x1024xf32, #tpu.memory_space<hbm>> -> memref<8x1024xf32, #tpu.memory_space<hbm>>
    %dma_wait3A_977 = arith.constant 0 : i32
    %dma_wait3A_978 = tpu.memref_slice %arg5[%multiple_of3A_729, %dma_wait3A_977] : memref<8192x1024xf32, #tpu.memory_space<hbm>> -> memref<8x1024xf32, #tpu.memory_space<hbm>>
    %dma_wait3A_979 = arith.constant 16 : i32
    %dma_wait3A_980 = arith.constant 0 : i32
    %dma_wait3A_981 = tpu.memref_slice %arg16[%dma_wait3A_979, %dma_wait3A_980] : memref<32x1024xf32, #tpu.memory_space<vmem>> -> memref<8x1024xf32, #tpu.memory_space<vmem>>
    tpu.wait_dma2 semaphore(%arg28 : memref<!tpu.dma_semaphore, #tpu.memory_space<semaphore_mem>>) src(%dma_wait3A_981 : memref<8x1024xf32, #tpu.memory_space<vmem>>) dst(%dma_wait3A_978 : memref<8x1024xf32, #tpu.memory_space<hbm>>)
    %dma_wait3A_982 = arith.constant 24 : i32
    %dma_wait3A_983 = arith.constant 0 : i32
    %dma_wait3A_984 = tpu.memref_slice %arg16[%dma_wait3A_982, %dma_wait3A_983] : memref<32x1024xf32, #tpu.memory_space<vmem>> -> memref<8x1024xf32, #tpu.memory_space<vmem>>
    %dma_wait3A_985 = arith.constant 0 : i32
    %dma_wait3A_986 = tpu.memref_slice %arg5[%multiple_of3A_744, %dma_wait3A_985] : memref<8192x1024xf32, #tpu.memory_space<hbm>> -> memref<8x1024xf32, #tpu.memory_space<hbm>>
    %dma_wait3A_987 = arith.constant 0 : i32
    %dma_wait3A_988 = tpu.memref_slice %arg5[%multiple_of3A_744, %dma_wait3A_987] : memref<8192x1024xf32, #tpu.memory_space<hbm>> -> memref<8x1024xf32, #tpu.memory_space<hbm>>
    %dma_wait3A_989 = arith.constant 24 : i32
    %dma_wait3A_990 = arith.constant 0 : i32
    %dma_wait3A_991 = tpu.memref_slice %arg16[%dma_wait3A_989, %dma_wait3A_990] : memref<32x1024xf32, #tpu.memory_space<vmem>> -> memref<8x1024xf32, #tpu.memory_space<vmem>>
    tpu.wait_dma2 semaphore(%arg28 : memref<!tpu.dma_semaphore, #tpu.memory_space<semaphore_mem>>) src(%dma_wait3A_991 : memref<8x1024xf32, #tpu.memory_space<vmem>>) dst(%dma_wait3A_988 : memref<8x1024xf32, #tpu.memory_space<hbm>>)
    %dma_wait3A_992 = arith.constant 0 : i32
    %dma_wait3A_993 = arith.constant 0 : i32
    %dma_wait3A_994 = tpu.memref_slice %arg14[%dma_wait3A_992, %dma_wait3A_993] : memref<32x1024xf32, #tpu.memory_space<vmem>> -> memref<8x1024xf32, #tpu.memory_space<vmem>>
    %dma_wait3A_995 = arith.constant 0 : i32
    %dma_wait3A_996 = tpu.memref_slice %arg5[%multiple_of3A_826, %dma_wait3A_995] : memref<8192x1024xf32, #tpu.memory_space<hbm>> -> memref<8x1024xf32, #tpu.memory_space<hbm>>
    %dma_wait3A_997 = arith.constant 0 : i32
    %dma_wait3A_998 = tpu.memref_slice %arg5[%multiple_of3A_826, %dma_wait3A_997] : memref<8192x1024xf32, #tpu.memory_space<hbm>> -> memref<8x1024xf32, #tpu.memory_space<hbm>>
    %dma_wait3A_999 = arith.constant 0 : i32
    %dma_wait3A_1000 = arith.constant 0 : i32
    %dma_wait3A_1001 = tpu.memref_slice %arg14[%dma_wait3A_999, %dma_wait3A_1000] : memref<32x1024xf32, #tpu.memory_space<vmem>> -> memref<8x1024xf32, #tpu.memory_space<vmem>>
    tpu.wait_dma2 semaphore(%arg26 : memref<!tpu.dma_semaphore, #tpu.memory_space<semaphore_mem>>) src(%dma_wait3A_1001 : memref<8x1024xf32, #tpu.memory_space<vmem>>) dst(%dma_wait3A_998 : memref<8x1024xf32, #tpu.memory_space<hbm>>)
    %dma_wait3A_1002 = arith.constant 8 : i32
    %dma_wait3A_1003 = arith.constant 0 : i32
    %dma_wait3A_1004 = tpu.memref_slice %arg14[%dma_wait3A_1002, %dma_wait3A_1003] : memref<32x1024xf32, #tpu.memory_space<vmem>> -> memref<8x1024xf32, #tpu.memory_space<vmem>>
    %dma_wait3A_1005 = arith.constant 0 : i32
    %dma_wait3A_1006 = tpu.memref_slice %arg5[%multiple_of3A_841, %dma_wait3A_1005] : memref<8192x1024xf32, #tpu.memory_space<hbm>> -> memref<8x1024xf32, #tpu.memory_space<hbm>>
    %dma_wait3A_1007 = arith.constant 0 : i32
    %dma_wait3A_1008 = tpu.memref_slice %arg5[%multiple_of3A_841, %dma_wait3A_1007] : memref<8192x1024xf32, #tpu.memory_space<hbm>> -> memref<8x1024xf32, #tpu.memory_space<hbm>>
    %dma_wait3A_1009 = arith.constant 8 : i32
    %dma_wait3A_1010 = arith.constant 0 : i32
    %dma_wait3A_1011 = tpu.memref_slice %arg14[%dma_wait3A_1009, %dma_wait3A_1010] : memref<32x1024xf32, #tpu.memory_space<vmem>> -> memref<8x1024xf32, #tpu.memory_space<vmem>>
    tpu.wait_dma2 semaphore(%arg26 : memref<!tpu.dma_semaphore, #tpu.memory_space<semaphore_mem>>) src(%dma_wait3A_1011 : memref<8x1024xf32, #tpu.memory_space<vmem>>) dst(%dma_wait3A_1008 : memref<8x1024xf32, #tpu.memory_space<hbm>>)
    %dma_wait3A_1012 = arith.constant 16 : i32
    %dma_wait3A_1013 = arith.constant 0 : i32
    %dma_wait3A_1014 = tpu.memref_slice %arg14[%dma_wait3A_1012, %dma_wait3A_1013] : memref<32x1024xf32, #tpu.memory_space<vmem>> -> memref<8x1024xf32, #tpu.memory_space<vmem>>
    %dma_wait3A_1015 = arith.constant 0 : i32
    %dma_wait3A_1016 = tpu.memref_slice %arg5[%multiple_of3A_856, %dma_wait3A_1015] : memref<8192x1024xf32, #tpu.memory_space<hbm>> -> memref<8x1024xf32, #tpu.memory_space<hbm>>
    %dma_wait3A_1017 = arith.constant 0 : i32
    %dma_wait3A_1018 = tpu.memref_slice %arg5[%multiple_of3A_856, %dma_wait3A_1017] : memref<8192x1024xf32, #tpu.memory_space<hbm>> -> memref<8x1024xf32, #tpu.memory_space<hbm>>
    %dma_wait3A_1019 = arith.constant 16 : i32
    %dma_wait3A_1020 = arith.constant 0 : i32
    %dma_wait3A_1021 = tpu.memref_slice %arg14[%dma_wait3A_1019, %dma_wait3A_1020] : memref<32x1024xf32, #tpu.memory_space<vmem>> -> memref<8x1024xf32, #tpu.memory_space<vmem>>
    tpu.wait_dma2 semaphore(%arg26 : memref<!tpu.dma_semaphore, #tpu.memory_space<semaphore_mem>>) src(%dma_wait3A_1021 : memref<8x1024xf32, #tpu.memory_space<vmem>>) dst(%dma_wait3A_1018 : memref<8x1024xf32, #tpu.memory_space<hbm>>)
    %dma_wait3A_1022 = arith.constant 24 : i32
    %dma_wait3A_1023 = arith.constant 0 : i32
    %dma_wait3A_1024 = tpu.memref_slice %arg14[%dma_wait3A_1022, %dma_wait3A_1023] : memref<32x1024xf32, #tpu.memory_space<vmem>> -> memref<8x1024xf32, #tpu.memory_space<vmem>>
    %dma_wait3A_1025 = arith.constant 0 : i32
    %dma_wait3A_1026 = tpu.memref_slice %arg5[%multiple_of3A_871, %dma_wait3A_1025] : memref<8192x1024xf32, #tpu.memory_space<hbm>> -> memref<8x1024xf32, #tpu.memory_space<hbm>>
    %dma_wait3A_1027 = arith.constant 0 : i32
    %dma_wait3A_1028 = tpu.memref_slice %arg5[%multiple_of3A_871, %dma_wait3A_1027] : memref<8192x1024xf32, #tpu.memory_space<hbm>> -> memref<8x1024xf32, #tpu.memory_space<hbm>>
    %dma_wait3A_1029 = arith.constant 24 : i32
    %dma_wait3A_1030 = arith.constant 0 : i32
    %dma_wait3A_1031 = tpu.memref_slice %arg14[%dma_wait3A_1029, %dma_wait3A_1030] : memref<32x1024xf32, #tpu.memory_space<vmem>> -> memref<8x1024xf32, #tpu.memory_space<vmem>>
    tpu.wait_dma2 semaphore(%arg26 : memref<!tpu.dma_semaphore, #tpu.memory_space<semaphore_mem>>) src(%dma_wait3A_1031 : memref<8x1024xf32, #tpu.memory_space<vmem>>) dst(%dma_wait3A_1028 : memref<8x1024xf32, #tpu.memory_space<hbm>>)
    %dma_wait3A_1032 = arith.constant 0 : i32
    %dma_wait3A_1033 = arith.constant 0 : i32
    %dma_wait3A_1034 = tpu.memref_slice %arg15[%dma_wait3A_1032, %dma_wait3A_1033] : memref<32x1024xf32, #tpu.memory_space<vmem>> -> memref<8x1024xf32, #tpu.memory_space<vmem>>
    %dma_wait3A_1035 = arith.constant 0 : i32
    %dma_wait3A_1036 = tpu.memref_slice %arg5[%multiple_of3A_896, %dma_wait3A_1035] : memref<8192x1024xf32, #tpu.memory_space<hbm>> -> memref<8x1024xf32, #tpu.memory_space<hbm>>
    %dma_wait3A_1037 = arith.constant 0 : i32
    %dma_wait3A_1038 = tpu.memref_slice %arg5[%multiple_of3A_896, %dma_wait3A_1037] : memref<8192x1024xf32, #tpu.memory_space<hbm>> -> memref<8x1024xf32, #tpu.memory_space<hbm>>
    %dma_wait3A_1039 = arith.constant 0 : i32
    %dma_wait3A_1040 = arith.constant 0 : i32
    %dma_wait3A_1041 = tpu.memref_slice %arg15[%dma_wait3A_1039, %dma_wait3A_1040] : memref<32x1024xf32, #tpu.memory_space<vmem>> -> memref<8x1024xf32, #tpu.memory_space<vmem>>
    tpu.wait_dma2 semaphore(%arg27 : memref<!tpu.dma_semaphore, #tpu.memory_space<semaphore_mem>>) src(%dma_wait3A_1041 : memref<8x1024xf32, #tpu.memory_space<vmem>>) dst(%dma_wait3A_1038 : memref<8x1024xf32, #tpu.memory_space<hbm>>)
    %dma_wait3A_1042 = arith.constant 8 : i32
    %dma_wait3A_1043 = arith.constant 0 : i32
    %dma_wait3A_1044 = tpu.memref_slice %arg15[%dma_wait3A_1042, %dma_wait3A_1043] : memref<32x1024xf32, #tpu.memory_space<vmem>> -> memref<8x1024xf32, #tpu.memory_space<vmem>>
    %dma_wait3A_1045 = arith.constant 0 : i32
    %dma_wait3A_1046 = tpu.memref_slice %arg5[%multiple_of3A_911, %dma_wait3A_1045] : memref<8192x1024xf32, #tpu.memory_space<hbm>> -> memref<8x1024xf32, #tpu.memory_space<hbm>>
    %dma_wait3A_1047 = arith.constant 0 : i32
    %dma_wait3A_1048 = tpu.memref_slice %arg5[%multiple_of3A_911, %dma_wait3A_1047] : memref<8192x1024xf32, #tpu.memory_space<hbm>> -> memref<8x1024xf32, #tpu.memory_space<hbm>>
    %dma_wait3A_1049 = arith.constant 8 : i32
    %dma_wait3A_1050 = arith.constant 0 : i32
    %dma_wait3A_1051 = tpu.memref_slice %arg15[%dma_wait3A_1049, %dma_wait3A_1050] : memref<32x1024xf32, #tpu.memory_space<vmem>> -> memref<8x1024xf32, #tpu.memory_space<vmem>>
    tpu.wait_dma2 semaphore(%arg27 : memref<!tpu.dma_semaphore, #tpu.memory_space<semaphore_mem>>) src(%dma_wait3A_1051 : memref<8x1024xf32, #tpu.memory_space<vmem>>) dst(%dma_wait3A_1048 : memref<8x1024xf32, #tpu.memory_space<hbm>>)
    %dma_wait3A_1052 = arith.constant 16 : i32
    %dma_wait3A_1053 = arith.constant 0 : i32
    %dma_wait3A_1054 = tpu.memref_slice %arg15[%dma_wait3A_1052, %dma_wait3A_1053] : memref<32x1024xf32, #tpu.memory_space<vmem>> -> memref<8x1024xf32, #tpu.memory_space<vmem>>
    %dma_wait3A_1055 = arith.constant 0 : i32
    %dma_wait3A_1056 = tpu.memref_slice %arg5[%multiple_of3A_926, %dma_wait3A_1055] : memref<8192x1024xf32, #tpu.memory_space<hbm>> -> memref<8x1024xf32, #tpu.memory_space<hbm>>
    %dma_wait3A_1057 = arith.constant 0 : i32
    %dma_wait3A_1058 = tpu.memref_slice %arg5[%multiple_of3A_926, %dma_wait3A_1057] : memref<8192x1024xf32, #tpu.memory_space<hbm>> -> memref<8x1024xf32, #tpu.memory_space<hbm>>
    %dma_wait3A_1059 = arith.constant 16 : i32
    %dma_wait3A_1060 = arith.constant 0 : i32
    %dma_wait3A_1061 = tpu.memref_slice %arg15[%dma_wait3A_1059, %dma_wait3A_1060] : memref<32x1024xf32, #tpu.memory_space<vmem>> -> memref<8x1024xf32, #tpu.memory_space<vmem>>
    tpu.wait_dma2 semaphore(%arg27 : memref<!tpu.dma_semaphore, #tpu.memory_space<semaphore_mem>>) src(%dma_wait3A_1061 : memref<8x1024xf32, #tpu.memory_space<vmem>>) dst(%dma_wait3A_1058 : memref<8x1024xf32, #tpu.memory_space<hbm>>)
    %dma_wait3A_1062 = arith.constant 24 : i32
    %dma_wait3A_1063 = arith.constant 0 : i32
    %dma_wait3A_1064 = tpu.memref_slice %arg15[%dma_wait3A_1062, %dma_wait3A_1063] : memref<32x1024xf32, #tpu.memory_space<vmem>> -> memref<8x1024xf32, #tpu.memory_space<vmem>>
    %dma_wait3A_1065 = arith.constant 0 : i32
    %dma_wait3A_1066 = tpu.memref_slice %arg5[%multiple_of3A_941, %dma_wait3A_1065] : memref<8192x1024xf32, #tpu.memory_space<hbm>> -> memref<8x1024xf32, #tpu.memory_space<hbm>>
    %dma_wait3A_1067 = arith.constant 0 : i32
    %dma_wait3A_1068 = tpu.memref_slice %arg5[%multiple_of3A_941, %dma_wait3A_1067] : memref<8192x1024xf32, #tpu.memory_space<hbm>> -> memref<8x1024xf32, #tpu.memory_space<hbm>>
    %dma_wait3A_1069 = arith.constant 24 : i32
    %dma_wait3A_1070 = arith.constant 0 : i32
    %dma_wait3A_1071 = tpu.memref_slice %arg15[%dma_wait3A_1069, %dma_wait3A_1070] : memref<32x1024xf32, #tpu.memory_space<vmem>> -> memref<8x1024xf32, #tpu.memory_space<vmem>>
    tpu.wait_dma2 semaphore(%arg27 : memref<!tpu.dma_semaphore, #tpu.memory_space<semaphore_mem>>) src(%dma_wait3A_1071 : memref<8x1024xf32, #tpu.memory_space<vmem>>) dst(%dma_wait3A_1068 : memref<8x1024xf32, #tpu.memory_space<hbm>>)
    return
  }
}

</mosaic_0001>

<sc_bundles>
// kernel: kernel.3.cloned.1.call-start
scs
__scs_entry_jumppad:
0x0: {  	(pc) =	sbr.rel $0x88, $3  }
0x1: {  	(tag) =	ssettag $0x0;
	lr =	simm.s32 $0x1  }
0x2: {  	[smem:$0x3F9E] =	sst lr;
	_ =	strace $0xD0000000  }
0x3: {  	_ = 	snop  }
0x4: {  	_ = 	snop  }
0x5: {  	_ = 	snop  }
0x6: {  	_ = 	snop  }
0x7: {  	_ = 	snop  }
__scs_overlays_trampoline_lowered:
0x8: {  	[smem:$0x3FAD] =	sst s0  }
0x9: {  	[smem:$0x3FAE] =	sst s1  }
0xa: {  	[smem:$0x3FAF] =	sst s2  }
0xb: {  	[smem:$0x3FB0] =	sst s3  }
0xc: {  	[smem:$0x3FB1] =	sst s4  }
0xd: {  	[smem:$0x3FB2] =	sst s5  }
0xe: {  	[smem:$0x3FB3] =	sst s6  }
0xf: {  	[smem:$0x3FB4] =	sst s7  }
0x10: {  	[smem:$0x3FB5] =	sst s8  }
0x11: {  	[smem:$0x3FB6] =	sst s9;
	s0 =	simm.s32 @!p0 $0x0  }
0x12: {  	s1 =	sld [smem:$0x3F9C];
	s0 =	simm.s32 @p0 $0x1  }
0x13: {  	[smem:$0x3FB7] =	sst s0;
	s0 =	simm.s32 @!p1 $0x0  }
0x14: {  	s2 =	sld [smem:$0x3F9B];
	s0 =	simm.s32 @p1 $0x1  }
0x15: {  	[smem:$0x3FB8] =	sst s0;
	s0 =	simm.s32 @!p2 $0x0  }
0x16: {  	s3 =	sld [smem:$0x3FDB];
	s0 =	simm.s32 @p2 $0x1  }
0x17: {  	s4 =	simm.s32 $0x1BF5;
	[smem:$0x3FBA] =	sst s0  }
0x18: {  	s0 =	sld [smem:$0x3F9D];
	_ =	swait.ge [sflag:s4], $0x0  }
0x19: {  	s7 =	sld [smem:$0x3F9E]  }
0x1a: {  	s8 =	sadd.s32 $0xFFFFE003, lr  }
0x1b: {  	s9 =	sadd.s32 $0xFFFFFEF7, lr;
	s5 =	simm.s32 $0xFFFFFFFF;
	p2 =	slt.u32 s8, $0xFFFFF086  }
0x1c: {  	p1 =	slt.u32 s9, $0xF7A;
	s5 =	simm.s32 @!p2 $0x0  }
0x1d: {  	s5 =	simm.s32 @p1 $0x1;
	p0 =	seq.s32 s7, s2  }
0x1e: {  	s7 =	smul.u32 @!p0 $0xF7A, s2;
	p2 =	seq.s32 @!p0 s5, $0x0  }
0x1f: {  	s9 =	smul.u32 $0xF7A, s1;
	s8 =	simm.s32 @!p0 $0x1BF5;
	p2 =	por !p2, p0  }
0x20: {  	[sflag:s8] =	ssyncset.s32 @!p0 $0xFFFFF086;
	s6 =	sadd.s32 @!p0 s3, s7;
	s7 =	simm.s32 @!p0 $0x108  }
0x21: {  	s3 =	sadd.s32 s3, s9;
	s6 =	sadd.s32 @!p0 $0x88, s6;
	s7 =	simm.s32 @p2 $0x1082  }
0x22: {  	[simem:s7], [sflag:s8] =	dma.local @!p0 [hbm:s6], $0xF7A  }
0x23: {  	s9 =	sor.u32 $0xD0000000, s2;
	s6 =	simm.s32 $0x108;
	_ =	swait.ge @!p0 [sflag:s8], $0x0  }
0x24: {  	s3 =	sadd.s32 $0x88, s3;
	s6 =	simm.s32 @!p1 $0x1082;
	[sflag:s4] =	ssyncset.s32 $0xFFFFF086  }
0x25: {  	[simem:s6], [sflag:s4] =	dma.local [hbm:s3], $0xF7A  }
0x26: {  	[smem:$0x3F9E] =	sst s1;
	(tag) =	ssettag s2;
	_ =	strace s9  }
0x27: {  	s1 =	sld [smem:$0x3FAE]  }
0x28: {  	s2 =	sld [smem:$0x3FAF]  }
0x29: {  	s4 =	sld [smem:$0x3FB1]  }
0x2a: {  	p0 =	seq.s32 s5, $0x0;
	s5 =	sld [smem:$0x3FB2]  }
0x2b: {  	s6 =	sld [smem:$0x3FB3]  }
0x2c: {  	s7 =	sld [smem:$0x3FB4]  }
0x2d: {  	s3 =	simm.s32 $0x108;
	s8 =	sld [smem:$0x3FB5]  }
0x2e: {  	s3 =	simm.s32 @!p0 $0x1082;
	s9 =	sld [smem:$0x3FB6]  }
0x2f: {  	lr =	sadd.s32 s0, s3;
	s0 =	sld [smem:$0x3FAD]  }
0x30: {  	s3 =	sld [smem:$0x3FB0]  }
0x31: {  	[smem:$0x3FB9] =	sst s10  }
0x32: {  	s10 =	sld [smem:$0x3FB7];
	_ =	sdelay $0x3  }
0x33: {  	p0 =	seq.s32 s10, $0x1;
	s10 =	sld [smem:$0x3FB9];
	_ =	sdelay $0x3  }
0x34: {  	[smem:$0x3FB9] =	sst s10  }
0x35: {  	s10 =	sld [smem:$0x3FB8];
	_ =	sdelay $0x3  }
0x36: {  	p1 =	seq.s32 s10, $0x1;
	s10 =	sld [smem:$0x3FB9];
	_ =	sdelay $0x3  }
0x37: {  	[smem:$0x3FB9] =	sst s10  }
0x38: {  	s10 =	sld [smem:$0x3FBA]  }
0x39: {  	_ = 	snop;
	(pc) =	sbr.ind lr, $3  }
0x3a: {  	_ = 	snop  }
0x3b: {  	_ = 	snop  }
0x3c: {  	p2 =	seq.s32 s10, $0x1;
	s10 =	sld [smem:$0x3FB9]  }
0x3d: {  	_ =	shalt  }
0x3e: {  	_ =	shalt  }
0x3f: {  	_ =	shalt  }
0x40: {  	_ =	shalt  }
0x41: {  	_ =	shalt  }
0x42: {  	_ =	shalt  }
0x43: {  	_ =	shalt  }
0x44: {  	_ =	shalt  }
0x45: {  	_ =	shalt  }
0x46: {  	_ =	shalt  }
0x47: {  	_ =	shalt  }
0x48: {  	_ =	shalt  }
0x49: {  	_ =	shalt  }
0x4a: {  	_ =	shalt  }
0x4b: {  	_ =	shalt  }
0x4c: {  	_ =	shalt  }
0x4d: {  	_ =	shalt  }
0x4e: {  	_ =	shalt  }
0x4f: {  	_ =	shalt  }
0x50: {  	_ =	shalt  }
0x51: {  	_ =	shalt  }
0x52: {  	_ =	shalt  }
0x53: {  	_ =	shalt  }
0x54: {  	_ =	shalt  }
0x55: {  	_ =	shalt  }
0x56: {  	_ =	shalt  }
0x57: {  	_ =	shalt  }
0x58: {  	_ =	shalt  }
0x59: {  	_ =	shalt  }
0x5a: {  	_ =	shalt  }
0x5b: {  	_ =	shalt  }
0x5c: {  	_ =	shalt  }
0x5d: {  	_ =	shalt  }
0x5e: {  	_ =	shalt  }
0x5f: {  	_ =	shalt  }
0x60: {  	_ =	shalt  }
0x61: {  	_ =	shalt  }
0x62: {  	_ =	shalt  }
0x63: {  	_ =	shalt  }
0x64: {  	_ =	shalt  }
0x65: {  	_ =	shalt  }
0x66: {  	_ =	shalt  }
0x67: {  	_ =	shalt  }
0x68: {  	_ =	shalt  }
0x69: {  	_ =	shalt  }
0x6a: {  	_ =	shalt  }
0x6b: {  	_ =	shalt  }
0x6c: {  	_ =	shalt  }
0x6d: {  	_ =	shalt  }
0x6e: {  	_ =	shalt  }
0x6f: {  	_ =	shalt  }
0x70: {  	_ =	shalt  }
0x71: {  	_ =	shalt  }
0x72: {  	_ =	shalt  }
0x73: {  	_ =	shalt  }
0x74: {  	_ =	shalt  }
0x75: {  	_ =	shalt  }
0x76: {  	_ =	shalt  }
0x77: {  	_ =	shalt  }
0x78: {  	_ =	shalt  }
0x79: {  	_ =	shalt  }
0x7a: {  	_ =	shalt  }
0x7b: {  	_ =	shalt  }
0x7c: {  	_ =	shalt  }
0x7d: {  	_ =	shalt  }
0x7e: {  	_ =	shalt  }
0x7f: {  	_ =	shalt  }
0x80: {  	_ =	shalt  }
0x81: {  	_ =	shalt  }
0x82: {  	_ =	shalt  }
0x83: {  	_ =	shalt  }
0x84: {  	_ =	shalt  }
0x85: {  	_ =	shalt  }
0x86: {  	_ =	shalt  }
0x87: {  	_ =	shalt  }
.Lfunc_end0:
.L_simem_size_0:
called_computation_lowered:
.L_overlay_start_0:
0x88: {  	s2 =	sld [smem:$0x3FD9]  }
0x89: {  	s3 =	sld [smem:$0x3FFE];
	_ =	sdelay $0x1  }
0x8a: {  	s1 =	srdreg.scid  }
0x8b: {  	s0 =	sand.u32 $0x1, s1  }
0x8c: {  	s17 =	sshll.u32 s0, $0xA;
	s2 =	sadd.s32 s3, s2  }
0x8d: {  	s2 =	sadd.s32 s2, s17  }
0x8e: {  	[smem:$0x3FC5] =	sst s2  }
0x8f: {  	_ = 	snop  }
0x90: {  	s2 =	sld [smem:$0x3FC8]  }
0x91: {  	s18 =	sld [smem:$0x3FC7]  }
0x92: {  	s4 =	sld [smem:$0x3FD0];
	(tm) =	ssettm $0x1  }
0x93: {  	s5 =	sld [smem:$0x3FFB];
	_ =	sdelay $0x3  }
0x94: {  	_ =	strace s5  }
0x95: {  	s5 =	sld [smem:$0x3FFC];
	_ =	sdelay $0x3  }
0x96: {  	_ =	strace s5  }
0x97: {  	s5 =	sld [smem:$0x3FFD];
	_ =	sdelay $0x3  }
0x98: {  	_ =	strace s5  }
0x99: {  	_ =	strace $0x8FFFFFFF  }
0x9a: {  	s19 =	sld [smem:$0x3FDB];
	_ =	sdelay $0x1  }
0x9b: {  	s6 =	simm.s32 $_scs_section_size  }
0x9c: {  	s7 =	simm.s32 $_size__tile_overlayer_lowered;
	s8 =	simm.s32 $_tile_overlayer_lowered  }
0x9d: {  	s22 =	simm.s32 $0x1BFF;
	s21 =	sshll.u32 s8, $0x1;
	s5 =	sadd.s32 s6, s19  }
0x9e: {  	s9 =	simm.s32 $0x0;
	s20 =	sshll.u32 s7, $0x1;
	s7 =	sadd.s32 s21, s5  }
0x9f: {  	[timem:s9], [sflag:s22] =	dma.local [hbm:s7], s20  }
0xa0: {  	_ =	swait.ge [sflag:s22], s20  }
0xa1: {  	s6 =	ssub.s32 $0x0, s20;
	[sflag:s22] =	ssyncset.done $0x0  }
0xa2: {  	[sflag:s22] =	ssyncadd.s32 s6;
	_ =	sdelay $0x1  }
0xa3: {  	s23 =	simm.s32 $0x1B8B  }
0xa4: {  	_ =	swait.ge [sflag:s23], $0x1  }
0xa5: {  	[sflag:s23] =	ssyncset.done $0x0  }
0xa6: {  	s25 =	simm.s32 $0x1B8E;
	s24 =	sld [smem:$0x3FFE];
	[sflag:s23] =	ssyncadd.s32 $0xFFFFFFFF  }
0xa7: {  	s26 =	simm.s32 $execute0_lowered;
	[smem:$0x3FD2] =	sst s25  }
0xa8: {  	s7 =	sshll.u32 s26, $0x1;
	_ =	strace $0x80000046;
	[dreg:$0x1] =	wrdreg $0xFFFFFFFF  }
0xa9: {  	s28 =	simm.s32 $_size_execute0_lowered;
	s5 =	sadd.s32 s5, s7;
	[dreg:$0x0] =	wrdreg $0x0  }
0xaa: {  	s7 =	sshll.u32 s28, $0x1;
	[dreg:$0x2] =	wrdreg s5  }
0xab: {  	[dreg:$0x3] =	wrdreg s7  }
0xac: {  	[dreg:$0x4] =	wrdreg $0xC0  }
0xad: {  	_ =	task [dreg:s9], $0x5FFFF  }
0xae: {  	[dreg:$0x1] =	wrdreg $0xFFFFFFFF  }
0xaf: {  	[dreg:$0x0] =	wrdreg $0x60  }
0xb0: {  	[dreg:$0x2] =	wrdreg s24  }
0xb1: {  	[dreg:$0x3] =	wrdreg s2  }
0xb2: {  	[dreg:$0x4] =	wrdreg s18  }
0xb3: {  	[dreg:$0x5] =	wrdreg s4  }
0xb4: {  	[dreg:$0x6] =	wrdreg $0x9  }
0xb5: {  	_ =	task.clear_ibuf [dreg:s9], $0x7FFFF;
	_ =	strace $0x90000046  }
0xb6: {  	s29 =	simm.s32 $0x9;
	_ =	strace $0x80000048  }
0xb7: {  	_ =	swait.ge [sflag:s29], $0x1  }
0xb8: {  	[sflag:s29] =	ssyncadd.s32 $0xFFFFFFFF  }
0xb9: {  	_ =	strace $0x90000048  }
0xba: {  	_ =	sfence  }
0xbb: {  	s30 =	sld [smem:$0x0];
	_ =	sdelay $0x2  }
0xbc: {  	s31 =	sshll.u32 s1, $0xD;
	s1 =	sshrl.u32 s1, $0x2  }
0xbd: {  	s3 =	sand.u32 $0x4000, s31;
	s1 =	sadd.s32 s1, s30  }
0xbe: {  	s0 =	sor.u32 s3, s0;
	s1 =	sshll.u32 s1, $0x11  }
0xbf: {  	s0 =	sor.u32 s1, s0  }
0xc0: {  	s0 =	sadd.s32 $0x8F2B, s0  }
0xc1: {  	[sflag:s0] =	ssyncadd.remote.s32 $0x1  }
0xc2: {  	_ =	sfence.sel $0xFFFF  }
0xc3: {  	[dreg:$0x0] =	wrdreg $0xFFFFFFFF;
	(pc) =	sbr.abs _section_cstart, $3  }
0xc4: {  	[dreg:$0x1] =	wrdreg $0xFFFFFFFF  }
0xc5: {  	_ =	task.clear_ibuf [dreg:s9], $0x2FFFF;
	_ =	strace $0x9FFFFFFF  }
0xc6: {  	(tm) =	ssettm $0x7FFFFFFF  }
0xc7: {  	_ =	shalt  }
tec
execute0_lowered:
.L_overlay_start_1:
0x0: {  	(tag) =	ssettag $0x1  }
0x1: {  	s0 =	rddreg [dreg:$0x0]  }
0x2: {  	s5 =	srdreg.scid;
	s6 =	stileid.u32  }
0x3: {  	s1 =	rddreg [dreg:$0x1];
	s5 =	sand.u32 $0x1, s5;
	s6 =	sshll.u32 s6, $0x1  }
0x4: {  	s2 =	rddreg [dreg:$0x2];
	s3 =	simm.s32 $0x0;
	s6 =	sor.u32 s5, s6  }
0x5: {  	[smem:$0x7FF] =	sst s3;
	s7 =	sshll.u32 s6, $0x7;
	s6 =	sshll.u32 s6, $0xD  }
0x6: {  	s4 =	rddreg [dreg:$0x3];
	_ =	strace $0x80000047;
	s23 =	sadd.s32 s2, s6  }
0x7: {  	s0 =	sadd.s32 s7, s0;
	s10 =	sadd.s32 s4, s6;
	[dreg:$0x8] =	wrdreg s23  }
0x8: {  	s7 =	sadd.s32 $0x400, s0;
	[dreg:$0xa] =	wrdreg s10  }
0x9: {  	s5 =	ssub.s32 $0x2, s5;
	s20 =	sadd.s32 $0x410, s0;
	[dreg:$0x5] =	wrdreg s7  }
0xa: {  	s21 =	sor.u32 $0x400, s6;
	s22 =	sadd.s32 $0x420, s0;
	[dreg:$0x6] =	wrdreg s20  }
0xb: {  	s25 =	sor.u32 $0x800, s6;
	s24 =	sadd.s32 s2, s21;
	[dreg:$0x7] =	wrdreg s22  }
0xc: {  	s9 =	sor.u32 $0xC00, s6;
	s11 =	sadd.s32 s2, s25;
	[dreg:$0x9] =	wrdreg s24  }
0xd: {  	s12 =	sor.u32 $0x1000, s6;
	s26 =	sadd.s32 s2, s9;
	[dreg:$0xb] =	wrdreg s11  }
0xe: {  	s8 =	sshrl.u32 s5, $0x1;
	s14 =	sadd.s32 s2, s12;
	[dreg:$0xd] =	wrdreg s26  }
0xf: {  	s13 =	sor.u32 $0x1400, s6;
	s9 =	sadd.s32 s4, s9;
	[dreg:$0xf] =	wrdreg s14  }
0x10: {  	s16 =	sor.u32 $0x1800, s6;
	s15 =	sadd.s32 s2, s13;
	[dreg:$0x10] =	wrdreg s9  }
0x11: {  	s5 =	ssub.s32 s5, s8;
	s17 =	sadd.s32 s2, s16;
	[dreg:$0x11] =	wrdreg s15  }
0x12: {  	s6 =	sor.u32 $0x1C00, s6;
	s8 =	sadd.s32 s4, s13;
	[dreg:$0x13] =	wrdreg s17  }
0x13: {  	s2 =	sadd.s32 s2, s6;
	[dreg:$0x14] =	wrdreg s8  }
0x14: {  	s18 =	sadd.s32 s4, s16;
	[dreg:$0x15] =	wrdreg s2  }
0x15: {  	s19 =	sadd.s32 s4, s6;
	[dreg:$0x16] =	wrdreg s18  }
0x16: {  	s23 =	sadd.s32 $0x460, s0;
	[dreg:$0x17] =	wrdreg s19  }
0x17: {  	s6 =	sadd.s32 $0x80400, s10;
	[dreg:$0x1b] =	wrdreg s23  }
0x18: {  	s13 =	sadd.s32 $0x80C00, s10;
	[smem:$0x7EA] =	sst s6  }
0x19: {  	s16 =	sadd.s32 $0x81000, s10;
	[smem:$0x7F0] =	sst s13  }
0x1a: {  	s7 =	sadd.s32 s4, s21;
	[smem:$0x7F3] =	sst s16  }
0x1b: {  	s11 =	sadd.s32 s4, s25;
	[dreg:$0xc] =	wrdreg s7  }
0x1c: {  	s20 =	sadd.s32 $0x430, s0;
	[dreg:$0xe] =	wrdreg s11  }
0x1d: {  	s21 =	sadd.s32 $0x440, s0;
	[dreg:$0x18] =	wrdreg s20  }
0x1e: {  	s22 =	sadd.s32 $0x450, s0;
	[dreg:$0x19] =	wrdreg s21  }
0x1f: {  	s0 =	sadd.s32 $0x470, s0;
	[dreg:$0x1a] =	wrdreg s22  }
0x20: {  	s24 =	smax.u32 s5, $0x1;
	[dreg:$0x1c] =	wrdreg s0  }
0x21: {  	s25 =	sadd.s32 $0x40000, s10;
	[dreg:$0x1d] =	wrdreg s24  }
0x22: {  	s26 =	sadd.s32 $0x80000, s10;
	[dreg:$0x1e] =	wrdreg s25  }
0x23: {  	s5 =	sadd.s32 $0x40400, s10;
	[dreg:$0x1f] =	wrdreg s26  }
0x24: {  	s8 =	sadd.s32 $0x40800, s10;
	[smem:$0x7E9] =	sst s5  }
0x25: {  	s9 =	sadd.s32 $0x80800, s10;
	[smem:$0x7EC] =	sst s8  }
0x26: {  	s14 =	sadd.s32 $0xC0C00, s10;
	[smem:$0x7ED] =	sst s9  }
0x27: {  	s15 =	sadd.s32 $0x41000, s10;
	[smem:$0x7F1] =	sst s14  }
0x28: {  	s28 =	simm.s32 $0x2;
	s17 =	sadd.s32 $0xC1000, s10;
	[smem:$0x7F2] =	sst s15  }
0x29: {  	s29 =	simm.s32 $0x5;
	s18 =	sadd.s32 $0x41400, s10;
	[smem:$0x7F4] =	sst s17  }
0x2a: {  	s30 =	sadd.s32 $0x100, s1;
	s19 =	sadd.s32 $0x81400, s10;
	[smem:$0x7F5] =	sst s18  }
0x2b: {  	s31 =	sadd.s32 $0x200, s1;
	s23 =	sadd.s32 $0xC1800, s10;
	[smem:$0x7F6] =	sst s19  }
0x2c: {  	s2 =	simm.s32 $0x400;
	s7 =	sadd.s32 s4, s12;
	[smem:$0x7FA] =	sst s23  }
0x2d: {  	s16 =	simm.s32 $0x6400;
	s4 =	sadd.s32 $0xC0000, s10;
	[dreg:$0x12] =	wrdreg s7  }
0x2e: {  	s13 =	simm.s32 $0x8;
	s11 =	sadd.s32 $0xC0800, s10;
	[smem:$0x7E8] =	sst s4  }
0x2f: {  	s0 =	sadd.s32 $0x300, s1;
	s12 =	sadd.s32 $0x40C00, s10;
	[smem:$0x7EE] =	sst s11  }
0x30: {  	s20 =	sadd.s32 $0xC1400, s10;
	s21 =	sadd.s32 $0x41800, s10;
	[smem:$0x7EF] =	sst s12  }
0x31: {  	s22 =	sadd.s32 $0x81800, s10;
	s24 =	sadd.s32 $0x41C00, s10;
	[smem:$0x7F7] =	sst s20  }
0x32: {  	s25 =	sadd.s32 $0x81C00, s10;
	s26 =	sadd.s32 $0xC1C00, s10;
	[smem:$0x7F8] =	sst s21  }
0x33: {  	s5 =	simm.s32 $0xC400;
	s18 =	simm.s32 $0x1;
	[smem:$0x7F9] =	sst s22  }
0x34: {  	s19 =	simm.s32 $0x4;
	s8 =	simm.s32 $0x3;
	[smem:$0x7FB] =	sst s24  }
0x35: {  	s15 =	simm.s32 $0x9;
	s14 =	simm.s32 $0x0;
	[smem:$0x7FC] =	sst s25  }
0x36: {  	s7 =	sadd.s32 $0xC0400, s10;
	[smem:$0x7FD] =	sst s26;
	s12 =	simm.s32 $0x4400  }
0x37: {  	v2 =	vlaneseq.u32;
	s22 =	simm.s32 $0x8400;
	s26 =	simm.s32 $0xA400;
	s11 =	simm.s32 $0xE400  }
0x38: {  	vm0 =	vmmov $0xffff;
	v1 =	vshrl.u32 v2, $0x3;
	s24 =	simm.s32 $0x14400;
	s25 =	simm.s32 $0x16400;
	s4 =	simm.s32 $0x7  }
0x39: {  	v0 =	vand.u32 $0x7, v2;
	v2 =	vor.u32 $0x8, v2;
	v1 =	vmul.u32 $0x8, v1;
	s10 =	simm.s32 $0x6;
	[smem:$0x7EB] =	sst s7;
	s7 =	simm.s32 $0x2400  }
.LBB2_1:
0x3a: {  	s6 =	rddreg [dreg:$0x5]  }
0x3b: {  	[tilespmem:s3], [sflag:$0xA] =	stream.linear.gather [hbm4b:s6+s3], $0x80, $0x38;
	[tilespmem:$0x1E400] =	vst v63  }
0x3c: {  	s20 =	rddreg [dreg:$0x6];
	s9 =	simm.s32 $0x80  }
0x3d: {  	[tilespmem:s9], [sflag:$0xB] =	stream.linear.gather [hbm4b:s20+s3], $0x80, $0x38;
	[tilespmem:$0x1E400] =	vst v63  }
0x3e: {  	s21 =	rddreg [dreg:$0x7];
	s23 =	simm.s32 $0x100  }
0x3f: {  	[tilespmem:s23], [sflag:$0xC] =	stream.linear.gather [hbm4b:s21+s3], $0x80, $0x38;
	[tilespmem:$0x1E400] =	vst v63  }
0x40: {  	s17 =	rddreg [dreg:$0x18];
	s20 =	simm.s32 $0x180  }
0x41: {  	[tilespmem:s20], [sflag:$0xD] =	stream.linear.gather [hbm4b:s17+s3], $0x80, $0x38;
	[tilespmem:$0x1E400] =	vst v63  }
0x42: {  	s21 =	rddreg [dreg:$0x19];
	s23 =	simm.s32 $0x200  }
0x43: {  	[tilespmem:s23], [sflag:$0xE] =	stream.linear.gather [hbm4b:s21+s3], $0x80, $0x38;
	[tilespmem:$0x1E400] =	vst v63  }
0x44: {  	s17 =	rddreg [dreg:$0x1a];
	s20 =	simm.s32 $0x280  }
0x45: {  	[tilespmem:s20], [sflag:$0xF] =	stream.linear.gather [hbm4b:s17+s3], $0x80, $0x38;
	[tilespmem:$0x1E400] =	vst v63  }
0x46: {  	s21 =	rddreg [dreg:$0x1b];
	s23 =	simm.s32 $0x300  }
0x47: {  	[tilespmem:s23], [sflag:$0x10] =	stream.linear.gather [hbm4b:s21+s3], $0x80, $0x38;
	[tilespmem:$0x1E400] =	vst v63  }
0x48: {  	s17 =	rddreg [dreg:$0x1c];
	s20 =	simm.s32 $0x380;
	s21 =	simm.s32 $0xA  }
0x49: {  	[tilespmem:s20], [sflag:$0x11] =	stream.linear.gather [hbm4b:s17+s3], $0x80, $0x38;
	[tilespmem:$0x1E400] =	vst v63  }
0x4a: {  	_ =	swait.ge [sflag:s21], $0x80  }
0x4b: {  	[sflag:s21] =	ssyncset.done $0x0  }
0x4c: {  	[sflag:s21] =	ssyncadd.s32 $0xFFFFFF80  }
0x4d: {  	v3 =	vld [tilespmem:$0x0];
	_ =	sdelay $0x4  }
0x4e: {  	v4 =	vshll.u32 v3, $0x3  }
0x4f: {  	v3 =	vand.u32 $0x7, v3;
	v4 =	vand.u32 $0xFFFFFFC0, v4  }
0x50: {  	v3 =	vor.u32 v3, v4  }
0x51: {  	v4 =	vperm.xlane v3, v0;
	_ =	sdelay $0x1  }
0x52: {  	v4 =	vadd.s32 v1, v4;
	_ =	sdelay $0x4  }
0x53: {  	[tilespmem:s2], [sflag:$0x1] =	stream.indirect_vreg.gather [hbm4b:s1+s3], $0x80, v4, vm0, $0xb8;
	[tilespmem:$0x1E400] =	vst v63  }
0x54: {  	s23 =	simm.s32 $0xC00;
	v3 =	vperm.xlane v3, v2  }
0x55: {  	[tilespmem:s23], [sflag:$0x1] =	stream.indirect_vreg.gather [hbm4b:s30+s3], $0x80, v4, vm0, $0xb8;
	[tilespmem:$0x1E400] =	vst v63  }
0x56: {  	s9 =	simm.s32 $0x1400;
	v3 =	vadd.s32 v1, v3  }
0x57: {  	[tilespmem:s9], [sflag:$0x1] =	stream.indirect_vreg.gather [hbm4b:s31+s3], $0x80, v4, vm0, $0xb8;
	[tilespmem:$0x1E400] =	vst v63  }
0x58: {  	s17 =	simm.s32 $0x1C00  }
0x59: {  	[tilespmem:s17], [sflag:$0x1] =	stream.indirect_vreg.gather [hbm4b:s0+s3], $0x80, v4, vm0, $0xb8;
	[tilespmem:$0x1E400] =	vst v63  }
0x5a: {  	_ = 	snop  }
0x5b: {  	[tilespmem:s7], [sflag:$0x1] =	stream.indirect_vreg.gather [hbm4b:s1+s3], $0x80, v3, vm0, $0xb8;
	[tilespmem:$0x1E400] =	vst v63  }
0x5c: {  	s20 =	simm.s32 $0x2C00  }
0x5d: {  	[tilespmem:s20], [sflag:$0x1] =	stream.indirect_vreg.gather [hbm4b:s30+s3], $0x80, v3, vm0, $0xb8;
	[tilespmem:$0x1E400] =	vst v63  }
0x5e: {  	s21 =	simm.s32 $0x3400  }
0x5f: {  	[tilespmem:s21], [sflag:$0x1] =	stream.indirect_vreg.gather [hbm4b:s31+s3], $0x80, v3, vm0, $0xb8;
	[tilespmem:$0x1E400] =	vst v63  }
0x60: {  	s23 =	simm.s32 $0x3C00  }
0x61: {  	[tilespmem:s23], [sflag:$0x1] =	stream.indirect_vreg.gather [hbm4b:s0+s3], $0x80, v3, vm0, $0xb8;
	[tilespmem:$0x1E400] =	vst v63  }
0x62: {  	v3 =	vld [tilespmem:$0x10];
	_ =	sdelay $0x4  }
0x63: {  	v4 =	vshll.u32 v3, $0x3  }
0x64: {  	v3 =	vand.u32 $0x7, v3;
	v4 =	vand.u32 $0xFFFFFFC0, v4  }
0x65: {  	v3 =	vor.u32 v3, v4  }
0x66: {  	v4 =	vperm.xlane v3, v0;
	_ =	sdelay $0x1  }
0x67: {  	v4 =	vadd.s32 v1, v4;
	_ =	sdelay $0x4  }
0x68: {  	[tilespmem:s12], [sflag:$0x1] =	stream.indirect_vreg.gather [hbm4b:s1+s3], $0x80, v4, vm0, $0xb8;
	[tilespmem:$0x1E400] =	vst v63  }
0x69: {  	s9 =	simm.s32 $0x4C00;
	v3 =	vperm.xlane v3, v2  }
0x6a: {  	[tilespmem:s9], [sflag:$0x1] =	stream.indirect_vreg.gather [hbm4b:s30+s3], $0x80, v4, vm0, $0xb8;
	[tilespmem:$0x1E400] =	vst v63  }
0x6b: {  	s17 =	simm.s32 $0x5400;
	v3 =	vadd.s32 v1, v3  }
0x6c: {  	[tilespmem:s17], [sflag:$0x1] =	stream.indirect_vreg.gather [hbm4b:s31+s3], $0x80, v4, vm0, $0xb8;
	[tilespmem:$0x1E400] =	vst v63  }
0x6d: {  	s20 =	simm.s32 $0x5C00  }
0x6e: {  	[tilespmem:s20], [sflag:$0x1] =	stream.indirect_vreg.gather [hbm4b:s0+s3], $0x80, v4, vm0, $0xb8;
	[tilespmem:$0x1E400] =	vst v63  }
0x6f: {  	_ = 	snop  }
0x70: {  	[tilespmem:s16], [sflag:$0x1] =	stream.indirect_vreg.gather [hbm4b:s1+s3], $0x80, v3, vm0, $0xb8;
	[tilespmem:$0x1E400] =	vst v63  }
0x71: {  	s21 =	simm.s32 $0x6C00  }
0x72: {  	[tilespmem:s21], [sflag:$0x1] =	stream.indirect_vreg.gather [hbm4b:s30+s3], $0x80, v3, vm0, $0xb8;
	[tilespmem:$0x1E400] =	vst v63  }
0x73: {  	s23 =	simm.s32 $0x7400  }
0x74: {  	[tilespmem:s23], [sflag:$0x1] =	stream.indirect_vreg.gather [hbm4b:s31+s3], $0x80, v3, vm0, $0xb8;
	[tilespmem:$0x1E400] =	vst v63  }
0x75: {  	s9 =	simm.s32 $0x7C00  }
0x76: {  	[tilespmem:s9], [sflag:$0x1] =	stream.indirect_vreg.gather [hbm4b:s0+s3], $0x80, v3, vm0, $0xb8;
	[tilespmem:$0x1E400] =	vst v63  }
0x77: {  	s17 =	rddreg [dreg:$0x8];
	s20 =	simm.s32 $0x18400;
	s21 =	simm.s32 $0xB  }
0x78: {  	[tilespmem:s20], [sflag:$0x4] =	stream.linear.gather [hbm4b:s17+s3], $0x2000, $0x38;
	[tilespmem:$0x1E400] =	vst v63  }
0x79: {  	_ =	swait.ge [sflag:s21], $0x80  }
0x7a: {  	[sflag:s21] =	ssyncset.done $0x0  }
0x7b: {  	[sflag:s21] =	ssyncadd.s32 $0xFFFFFF80  }
0x7c: {  	v3 =	vld [tilespmem:$0x80];
	_ =	sdelay $0x4  }
0x7d: {  	v4 =	vshll.u32 v3, $0x3  }
0x7e: {  	v3 =	vand.u32 $0x7, v3;
	v4 =	vand.u32 $0xFFFFFFC0, v4  }
0x7f: {  	v3 =	vor.u32 v3, v4  }
0x80: {  	v4 =	vperm.xlane v3, v0;
	_ =	sdelay $0x1  }
0x81: {  	v4 =	vadd.s32 v1, v4;
	_ =	sdelay $0x4  }
0x82: {  	[tilespmem:s22], [sflag:$0x2] =	stream.indirect_vreg.gather [hbm4b:s1+s3], $0x80, v4, vm0, $0xb8;
	[tilespmem:$0x1E400] =	vst v63  }
0x83: {  	s23 =	simm.s32 $0x8C00;
	v3 =	vperm.xlane v3, v2  }
0x84: {  	[tilespmem:s23], [sflag:$0x2] =	stream.indirect_vreg.gather [hbm4b:s30+s3], $0x80, v4, vm0, $0xb8;
	[tilespmem:$0x1E400] =	vst v63  }
0x85: {  	s9 =	simm.s32 $0x9400;
	v3 =	vadd.s32 v1, v3  }
0x86: {  	[tilespmem:s9], [sflag:$0x2] =	stream.indirect_vreg.gather [hbm4b:s31+s3], $0x80, v4, vm0, $0xb8;
	[tilespmem:$0x1E400] =	vst v63  }
0x87: {  	s17 =	simm.s32 $0x9C00  }
0x88: {  	[tilespmem:s17], [sflag:$0x2] =	stream.indirect_vreg.gather [hbm4b:s0+s3], $0x80, v4, vm0, $0xb8;
	[tilespmem:$0x1E400] =	vst v63  }
0x89: {  	_ = 	snop  }
0x8a: {  	[tilespmem:s26], [sflag:$0x2] =	stream.indirect_vreg.gather [hbm4b:s1+s3], $0x80, v3, vm0, $0xb8;
	[tilespmem:$0x1E400] =	vst v63  }
0x8b: {  	s20 =	simm.s32 $0xAC00  }
0x8c: {  	[tilespmem:s20], [sflag:$0x2] =	stream.indirect_vreg.gather [hbm4b:s30+s3], $0x80, v3, vm0, $0xb8;
	[tilespmem:$0x1E400] =	vst v63  }
0x8d: {  	s21 =	simm.s32 $0xB400  }
0x8e: {  	[tilespmem:s21], [sflag:$0x2] =	stream.indirect_vreg.gather [hbm4b:s31+s3], $0x80, v3, vm0, $0xb8;
	[tilespmem:$0x1E400] =	vst v63  }
0x8f: {  	s23 =	simm.s32 $0xBC00  }
0x90: {  	[tilespmem:s23], [sflag:$0x2] =	stream.indirect_vreg.gather [hbm4b:s0+s3], $0x80, v3, vm0, $0xb8;
	[tilespmem:$0x1E400] =	vst v63  }
0x91: {  	v3 =	vld [tilespmem:$0x90];
	_ =	sdelay $0x4  }
0x92: {  	v4 =	vshll.u32 v3, $0x3  }
0x93: {  	v3 =	vand.u32 $0x7, v3;
	v4 =	vand.u32 $0xFFFFFFC0, v4  }
0x94: {  	v3 =	vor.u32 v3, v4  }
0x95: {  	v4 =	vperm.xlane v3, v0;
	_ =	sdelay $0x1  }
0x96: {  	v4 =	vadd.s32 v1, v4;
	_ =	sdelay $0x4  }
0x97: {  	[tilespmem:s5], [sflag:$0x2] =	stream.indirect_vreg.gather [hbm4b:s1+s3], $0x80, v4, vm0, $0xb8;
	[tilespmem:$0x1E400] =	vst v63  }
0x98: {  	s9 =	simm.s32 $0xCC00;
	v3 =	vperm.xlane v3, v2  }
0x99: {  	[tilespmem:s9], [sflag:$0x2] =	stream.indirect_vreg.gather [hbm4b:s30+s3], $0x80, v4, vm0, $0xb8;
	[tilespmem:$0x1E400] =	vst v63  }
0x9a: {  	s17 =	simm.s32 $0xD400;
	v3 =	vadd.s32 v1, v3  }
0x9b: {  	[tilespmem:s17], [sflag:$0x2] =	stream.indirect_vreg.gather [hbm4b:s31+s3], $0x80, v4, vm0, $0xb8;
	[tilespmem:$0x1E400] =	vst v63  }
0x9c: {  	s20 =	simm.s32 $0xDC00  }
0x9d: {  	[tilespmem:s20], [sflag:$0x2] =	stream.indirect_vreg.gather [hbm4b:s0+s3], $0x80, v4, vm0, $0xb8;
	[tilespmem:$0x1E400] =	vst v63  }
0x9e: {  	_ = 	snop  }
0x9f: {  	[tilespmem:s11], [sflag:$0x2] =	stream.indirect_vreg.gather [hbm4b:s1+s3], $0x80, v3, vm0, $0xb8;
	[tilespmem:$0x1E400] =	vst v63  }
0xa0: {  	s21 =	simm.s32 $0xEC00  }
0xa1: {  	[tilespmem:s21], [sflag:$0x2] =	stream.indirect_vreg.gather [hbm4b:s30+s3], $0x80, v3, vm0, $0xb8;
	[tilespmem:$0x1E400] =	vst v63  }
0xa2: {  	s23 =	simm.s32 $0xF400  }
0xa3: {  	[tilespmem:s23], [sflag:$0x2] =	stream.indirect_vreg.gather [hbm4b:s31+s3], $0x80, v3, vm0, $0xb8;
	[tilespmem:$0x1E400] =	vst v63  }
0xa4: {  	s9 =	simm.s32 $0xFC00  }
0xa5: {  	[tilespmem:s9], [sflag:$0x2] =	stream.indirect_vreg.gather [hbm4b:s0+s3], $0x80, v3, vm0, $0xb8;
	[tilespmem:$0x1E400] =	vst v63  }
0xa6: {  	s17 =	rddreg [dreg:$0x9];
	s20 =	simm.s32 $0x1A400  }
0xa7: {  	[tilespmem:s20], [sflag:$0x5] =	stream.linear.gather [hbm4b:s17+s3], $0x2000, $0x38;
	[tilespmem:$0x1E400] =	vst v63  }
0xa8: {  	_ =	swait.ge [sflag:s18], $0x8000  }
0xa9: {  	[sflag:s18] =	ssyncset.done $0x0  }
0xaa: {  	[sflag:s18] =	ssyncadd.s32 $0xFFFF8000  }
0xab: {  	s21 =	simm.s32 $0x0;
	_ =	swait.ge [sflag:s19], $0x2000  }
0xac: {  	s23 =	sand.u32 $0x1C00, s3;
	s17 =	sand.u32 $0xFFFFFF80, s21;
	[sflag:s19] =	ssyncset.done $0x0  }
0xad: {  	s20 =	sadd.s32 s23, s17;
	[sflag:s19] =	ssyncadd.s32 $0xFFFFE000  }
0xae: {  	v4 =	vld [tilespmem:s20+$0x470]  }
0xaf: {  	v5 =	vld [tilespmem:s20+$0x400]  }
0xb0: {  	v3 =	vld [tilespmem:s20+$0x18470]  }
0xb1: {  	v7 =	vld [tilespmem:s20+$0x410]  }
0xb2: {  	v8 =	vld [tilespmem:s20+$0x420]  }
0xb3: {  	v9 =	vld [tilespmem:s20+$0x430]  }
0xb4: {  	v10 =	vld [tilespmem:s20+$0x440]  }
0xb5: {  	v11 =	vld [tilespmem:s20+$0x450]  }
0xb6: {  	v13 =	vld [tilespmem:s20+$0x18400]  }
0xb7: {  	v12 =	vld [tilespmem:s20+$0x460];
	v4 =	vmul.f32 $3.200000000e+01, v4  }
0xb8: {  	v14 =	vld [tilespmem:s20+$0x18410]  }
0xb9: {  	v15 =	vld [tilespmem:s20+$0x18420];
	v5 =	vmul.f32 $3.200000000e+01, v5;
	v4 =	vadd.f32 v4, v3  }
0xba: {  	s6 =	sand.u32 $0x3FFFFF80, s21;
	v16 =	vld [tilespmem:s20+$0x18430]  }
0xbb: {  	s17 =	sadd.s32 s23, s6;
	v6 =	vld [tilespmem:s20+$0x18440];
	v17 =	vadd.f32 v5, v13;
	[tilespmem:s20+$0x470] =	vst v4  }
0xbc: {  	v7 =	vmul.f32 $3.200000000e+01, v7;
	v4 =	vld [tilespmem:s17+$0x6470]  }
0xbd: {  	v5 =	vld [tilespmem:s20+$0x18450];
	[tilespmem:s20+$0x400] =	vst v17  }
0xbe: {  	v8 =	vmul.f32 $3.200000000e+01, v8;
	v7 =	vadd.f32 v7, v14;
	v17 =	vld [tilespmem:s17+$0x2400]  }
0xbf: {  	v9 =	vmul.f32 $3.200000000e+01, v9;
	v19 =	vld [tilespmem:s17+$0x4400]  }
0xc0: {  	v8 =	vadd.f32 v8, v15;
	[tilespmem:s20+$0x410] =	vst v7;
	v7 =	vld [tilespmem:s17+$0x6400]  }
0xc1: {  	v10 =	vmul.f32 $3.200000000e+01, v10;
	v9 =	vadd.f32 v9, v16;
	v18 =	vmul.f32 $3.200000000e+01, v4;
	v4 =	vld [tilespmem:s20+$0x18460]  }
0xc2: {  	v11 =	vmul.f32 $3.200000000e+01, v11;
	[tilespmem:s20+$0x420] =	vst v8;
	v8 =	vld [tilespmem:s17+$0x4410]  }
0xc3: {  	v10 =	vadd.f32 v10, v6;
	[tilespmem:s20+$0x430] =	vst v9;
	v60 =	vld [tilespmem:s17+$0x2410];
	v9 =	vmul.f32 $3.200000000e+01, v17  }
0xc4: {  	v12 =	vmul.f32 $3.200000000e+01, v12;
	v61 =	vld [tilespmem:s17+$0x2420];
	v11 =	vadd.f32 v11, v5  }
0xc5: {  	[tilespmem:s20+$0x440] =	vst v10;
	v17 =	vld [tilespmem:s17+$0x6410];
	v7 =	vmul.f32 $3.200000000e+01, v7;
	v9 =	vadd.f32 v9, v13  }
0xc6: {  	[tilespmem:s20+$0x450] =	vst v11;
	v11 =	vld [tilespmem:s17+$0x4420];
	v10 =	vmul.f32 $3.200000000e+01, v19;
	v12 =	vadd.f32 v12, v4  }
0xc7: {  	v62 =	vld [tilespmem:s17+$0x6420];
	v8 =	vmul.f32 $3.200000000e+01, v8;
	v7 =	vadd.f32 v7, v13;
	[tilespmem:s17+$0x2400] =	vst v9  }
0xc8: {  	v10 =	vadd.f32 v10, v13;
	[tilespmem:s20+$0x460] =	vst v12;
	v12 =	vmul.f32 $3.200000000e+01, v60  }
0xc9: {  	v9 =	vld [tilespmem:s17+$0x2430];
	[tilespmem:s17+$0x6400] =	vst v7;
	v7 =	vadd.f32 v8, v14  }
0xca: {  	v13 =	vld [tilespmem:s17+$0x4430];
	[tilespmem:s17+$0x4400] =	vst v10;
	v8 =	vmul.f32 $3.200000000e+01, v61;
	v10 =	vadd.f32 v12, v14;
	v12 =	vmul.f32 $3.200000000e+01, v17  }
0xcb: {  	v18 =	vadd.f32 v18, v3;
	v11 =	vmul.f32 $3.200000000e+01, v11;
	[tilespmem:s17+$0x4410] =	vst v7;
	v17 =	vld [tilespmem:s17+$0x6430]  }
0xcc: {  	v7 =	vadd.f32 v8, v15;
	v8 =	vmul.f32 $3.200000000e+01, v62;
	[tilespmem:s17+$0x2410] =	vst v10;
	v10 =	vadd.f32 v12, v14;
	v12 =	vld [tilespmem:s17+$0x2440]  }
0xcd: {  	v63 =	vld [tilespmem:s17+$0x4440];
	[tilespmem:s17+$0x6470] =	vst v18  }
0xce: {  	[tilespmem:s17+$0x2420] =	vst v7;
	v7 =	vadd.f32 v8, v15;
	v9 =	vmul.f32 $3.200000000e+01, v9;
	v14 =	vadd.f32 v11, v15;
	v11 =	vld [tilespmem:s17+$0x6440]  }
0xcf: {  	v8 =	vmul.f32 $3.200000000e+01, v13;
	[tilespmem:s17+$0x6410] =	vst v10;
	v10 =	vld [tilespmem:s17+$0x2450]  }
0xd0: {  	[tilespmem:s17+$0x6420] =	vst v7;
	v13 =	vadd.f32 v9, v16;
	v9 =	vld [tilespmem:s17+$0x4450];
	v17 =	vmul.f32 $3.200000000e+01, v17  }
0xd1: {  	v7 =	vld [tilespmem:s17+$0x6450];
	[tilespmem:s17+$0x4420] =	vst v14;
	v14 =	vadd.f32 v8, v16;
	v15 =	vmul.f32 $3.200000000e+01, v12  }
0xd2: {  	s6 =	simm.s32 $0x0;
	s20 =	simm.s32 $0x0;
	[tilespmem:s17+$0x2430] =	vst v13;
	v13 =	vmul.f32 $3.200000000e+01, v63;
	v8 =	vld [tilespmem:s17+$0x2460];
	v12 =	vadd.f32 v17, v16  }
.LBB2_2:
0xd3: {  	s20 =	sadd.s32 $0x8, s20;
	[tilespmem:s17+$0x4430] =	vst v14;
	v14 =	vadd.f32 v15, v6;
	v11 =	vmul.f32 $3.200000000e+01, v11;
	v15 =	vld [tilespmem:s17+$0x4460]  }
0xd4: {  	s6 =	sadd.s32 $0x400, s6;
	s21 =	sshll.u32 s20, $0x1;
	p0 =	slt.u32 s20, $0x1F8;
	[tilespmem:s17+$0x6430] =	vst v12;
	v12 =	vadd.f32 v13, v6;
	v10 =	vmul.f32 $3.200000000e+01, v10;
	v13 =	vld [tilespmem:s17+$0x6460]  }
0xd5: {  	s23 =	sand.u32 $0x1C00, s6;
	s9 =	sand.u32 $0xFFFFFF80, s21;
	[tilespmem:s17+$0x2440] =	vst v14;
	v6 =	vadd.f32 v11, v6;
	v9 =	vmul.f32 $3.200000000e+01, v9;
	v11 =	vld [tilespmem:s17+$0x2470]  }
0xd6: {  	s9 =	sadd.s32 s23, s9;
	[tilespmem:s17+$0x4440] =	vst v12;
	v10 =	vadd.f32 v10, v5;
	v7 =	vmul.f32 $3.200000000e+01, v7;
	v12 =	vld [tilespmem:s17+$0x4470]  }
0xd7: {  	v14 =	vld [tilespmem:s9+$0x470];
	[tilespmem:s17+$0x6440] =	vst v6;
	v6 =	vadd.f32 v9, v5;
	v8 =	vmul.f32 $3.200000000e+01, v8  }
0xd8: {  	v9 =	vld [tilespmem:s9+$0x400];
	[tilespmem:s17+$0x2450] =	vst v10;
	v5 =	vadd.f32 v7, v5;
	v7 =	vmul.f32 $3.200000000e+01, v15  }
0xd9: {  	v10 =	vld [tilespmem:s9+$0x18470];
	[tilespmem:s17+$0x4450] =	vst v6;
	v6 =	vadd.f32 v8, v4;
	v8 =	vmul.f32 $3.200000000e+01, v13  }
0xda: {  	v13 =	vld [tilespmem:s9+$0x410];
	[tilespmem:s17+$0x6450] =	vst v5;
	v5 =	vadd.f32 v7, v4;
	v7 =	vmul.f32 $3.200000000e+01, v11  }
0xdb: {  	v11 =	vld [tilespmem:s9+$0x420];
	[tilespmem:s17+$0x2460] =	vst v6;
	v4 =	vadd.f32 v8, v4;
	v6 =	vmul.f32 $3.200000000e+01, v12  }
0xdc: {  	v8 =	vld [tilespmem:s9+$0x430];
	v12 =	vmul.f32 $3.200000000e+01, v14;
	[tilespmem:s17+$0x4460] =	vst v5;
	v5 =	vadd.f32 v7, v3  }
0xdd: {  	v7 =	vmul.f32 $3.200000000e+01, v9;
	v9 =	vld [tilespmem:s9+$0x440];
	[tilespmem:s17+$0x6460] =	vst v4;
	v4 =	vadd.f32 v6, v3  }
0xde: {  	v6 =	vld [tilespmem:s9+$0x450];
	v12 =	vadd.f32 v12, v10;
	[tilespmem:s17+$0x2470] =	vst v5;
	v3 =	vmov v10  }
0xdf: {  	s21 =	sand.u32 $0x3FFFFF80, s21;
	v10 =	vmul.f32 $3.200000000e+01, v13;
	v5 =	vld [tilespmem:s9+$0x460];
	[tilespmem:s17+$0x4470] =	vst v4  }
0xe0: {  	s17 =	sadd.s32 s23, s21;
	v13 =	vld [tilespmem:s9+$0x18400];
	v11 =	vmul.f32 $3.200000000e+01, v11;
	[tilespmem:s9+$0x470] =	vst v12  }
0xe1: {  	v8 =	vmul.f32 $3.200000000e+01, v8;
	v4 =	vld [tilespmem:s17+$0x6470]  }
0xe2: {  	v12 =	vld [tilespmem:s9+$0x18410];
	v9 =	vmul.f32 $3.200000000e+01, v9  }
0xe3: {  	v14 =	vld [tilespmem:s9+$0x18420];
	v15 =	vmul.f32 $3.200000000e+01, v6  }
0xe4: {  	v16 =	vld [tilespmem:s9+$0x18430];
	v17 =	vmul.f32 $3.200000000e+01, v5  }
0xe5: {  	v7 =	vadd.f32 v7, v13;
	v6 =	vld [tilespmem:s9+$0x18440]  }
0xe6: {  	v5 =	vld [tilespmem:s9+$0x18450];
	v18 =	vmul.f32 $3.200000000e+01, v4  }
0xe7: {  	[tilespmem:s9+$0x400] =	vst v7;
	v7 =	vadd.f32 v10, v12;
	v4 =	vld [tilespmem:s9+$0x18460]  }
0xe8: {  	v10 =	vld [tilespmem:s17+$0x2400];
	v11 =	vadd.f32 v11, v14;
	v18 =	vadd.f32 v18, v3  }
0xe9: {  	v19 =	vld [tilespmem:s17+$0x4400];
	[tilespmem:s9+$0x410] =	vst v7;
	v7 =	vadd.f32 v8, v16  }
0xea: {  	v8 =	vld [tilespmem:s17+$0x6400];
	v9 =	vadd.f32 v9, v6;
	[tilespmem:s17+$0x6470] =	vst v18  }
0xeb: {  	v18 =	vld [tilespmem:s17+$0x2410];
	[tilespmem:s9+$0x420] =	vst v11;
	v11 =	vadd.f32 v15, v5  }
0xec: {  	v15 =	vld [tilespmem:s17+$0x4410];
	[tilespmem:s9+$0x430] =	vst v7;
	v7 =	vadd.f32 v17, v4  }
0xed: {  	v10 =	vmul.f32 $3.200000000e+01, v10;
	v17 =	vld [tilespmem:s17+$0x6410];
	[tilespmem:s9+$0x440] =	vst v9  }
0xee: {  	v9 =	vmul.f32 $3.200000000e+01, v19;
	v19 =	vld [tilespmem:s17+$0x2420];
	[tilespmem:s9+$0x450] =	vst v11  }
0xef: {  	v10 =	vadd.f32 v10, v13;
	v8 =	vmul.f32 $3.200000000e+01, v8;
	v11 =	vld [tilespmem:s17+$0x4420];
	[tilespmem:s9+$0x460] =	vst v7  }
0xf0: {  	v7 =	vadd.f32 v9, v13;
	v9 =	vmul.f32 $3.200000000e+01, v18;
	v18 =	vld [tilespmem:s17+$0x6420]  }
0xf1: {  	[tilespmem:s17+$0x2400] =	vst v10;
	v8 =	vadd.f32 v8, v13;
	v10 =	vmul.f32 $3.200000000e+01, v15;
	v13 =	vld [tilespmem:s17+$0x2430]  }
0xf2: {  	[tilespmem:s17+$0x4400] =	vst v7;
	v7 =	vadd.f32 v9, v12;
	v9 =	vmul.f32 $3.200000000e+01, v17;
	v15 =	vld [tilespmem:s17+$0x4430]  }
0xf3: {  	[tilespmem:s17+$0x6400] =	vst v8;
	v8 =	vadd.f32 v10, v12;
	v10 =	vmul.f32 $3.200000000e+01, v19;
	v17 =	vld [tilespmem:s17+$0x6430]  }
0xf4: {  	[tilespmem:s17+$0x2410] =	vst v7;
	v7 =	vadd.f32 v9, v12;
	v9 =	vmul.f32 $3.200000000e+01, v11;
	v12 =	vld [tilespmem:s17+$0x2440]  }
0xf5: {  	[tilespmem:s17+$0x4410] =	vst v8;
	v8 =	vadd.f32 v10, v14;
	v10 =	vmul.f32 $3.200000000e+01, v18;
	v18 =	vld [tilespmem:s17+$0x4440]  }
.Ltmp0:
0xf6: {  	[tilespmem:s17+$0x6410] =	vst v7;
	v7 =	vadd.f32 v9, v14;
	v9 =	vmul.f32 $3.200000000e+01, v13;
	v11 =	vld [tilespmem:s17+$0x6440];
	(pc) =	sbr.rel @p0 .LBB2_2-.Ltmp0, $4  }
0xf7: {  	[tilespmem:s17+$0x2420] =	vst v8;
	v8 =	vadd.f32 v10, v14;
	v13 =	vmul.f32 $3.200000000e+01, v15;
	v10 =	vld [tilespmem:s17+$0x2450]  }
0xf8: {  	[tilespmem:s17+$0x4420] =	vst v7;
	v19 =	vadd.f32 v9, v16;
	v17 =	vmul.f32 $3.200000000e+01, v17;
	v9 =	vld [tilespmem:s17+$0x4450]  }
0xf9: {  	[tilespmem:s17+$0x6420] =	vst v8;
	v14 =	vadd.f32 v13, v16;
	v15 =	vmul.f32 $3.200000000e+01, v12;
	v7 =	vld [tilespmem:s17+$0x6450]  }
0xfa: {  	[tilespmem:s17+$0x2430] =	vst v19;
	v12 =	vadd.f32 v17, v16;
	v13 =	vmul.f32 $3.200000000e+01, v18;
	v8 =	vld [tilespmem:s17+$0x2460]  }
0xfb: {  	[tilespmem:s17+$0x4430] =	vst v14;
	v14 =	vadd.f32 v15, v6;
	v11 =	vmul.f32 $3.200000000e+01, v11;
	v15 =	vld [tilespmem:s17+$0x4460]  }
0xfc: {  	[tilespmem:s17+$0x6430] =	vst v12;
	v12 =	vadd.f32 v13, v6;
	v10 =	vmul.f32 $3.200000000e+01, v10;
	v13 =	vld [tilespmem:s17+$0x6460]  }
0xfd: {  	[tilespmem:s17+$0x2440] =	vst v14;
	v6 =	vadd.f32 v11, v6;
	v9 =	vmul.f32 $3.200000000e+01, v9;
	v11 =	vld [tilespmem:s17+$0x2470]  }
0xfe: {  	[tilespmem:s17+$0x4440] =	vst v12;
	v10 =	vadd.f32 v10, v5;
	v7 =	vmul.f32 $3.200000000e+01, v7;
	v12 =	vld [tilespmem:s17+$0x4470]  }
0xff: {  	[tilespmem:s17+$0x6440] =	vst v6;
	v6 =	vadd.f32 v9, v5;
	v8 =	vmul.f32 $3.200000000e+01, v8  }
0x100: {  	[tilespmem:s17+$0x2450] =	vst v10;
	v5 =	vadd.f32 v7, v5;
	v7 =	vmul.f32 $3.200000000e+01, v15  }
0x101: {  	[tilespmem:s17+$0x4450] =	vst v6;
	v6 =	vadd.f32 v8, v4;
	v8 =	vmul.f32 $3.200000000e+01, v13  }
0x102: {  	[tilespmem:s17+$0x6450] =	vst v5;
	v5 =	vadd.f32 v7, v4;
	v7 =	vmul.f32 $3.200000000e+01, v11  }
0x103: {  	[tilespmem:s17+$0x2460] =	vst v6;
	v4 =	vadd.f32 v8, v4;
	v6 =	vmul.f32 $3.200000000e+01, v12  }
0x104: {  	[tilespmem:s17+$0x4460] =	vst v5;
	v5 =	vadd.f32 v7, v3  }
0x105: {  	[tilespmem:s17+$0x6460] =	vst v4;
	v3 =	vadd.f32 v6, v3  }
0x106: {  	[tilespmem:s17+$0x2470] =	vst v5  }
0x107: {  	[tilespmem:s17+$0x4470] =	vst v3  }
0x108: {  	s6 =	rddreg [dreg:$0xa]  }
0x109: {  	s17 =	simm.s32 $0x0;
	s20 =	rddreg [dreg:$0x1e]  }
0x10a: {  	[hbm4b:s6+s17] =	stream.linear.scatter [tilespmem:s2], [sflag:$0x7], $0x2000, $0x38;
	[tilespmem:$0x1E400] =	vst v63  }
0x10b: {  	s21 =	rddreg [dreg:$0x1f]  }
0x10c: {  	[hbm4b:s20+s17] =	stream.linear.scatter [tilespmem:s7], [sflag:$0x7], $0x2000, $0x38;
	[tilespmem:$0x1E400] =	vst v63  }
0x10d: {  	s23 =	sld [smem:$0x7E8]  }
0x10e: {  	[hbm4b:s21+s17] =	stream.linear.scatter [tilespmem:s12], [sflag:$0x7], $0x2000, $0x38;
	[tilespmem:$0x1E400] =	vst v63  }
0x10f: {  	s9 =	simm.s32 $0xC  }
0x110: {  	[hbm4b:s23+s17] =	stream.linear.scatter [tilespmem:s16], [sflag:$0x7], $0x2000, $0x38;
	[tilespmem:$0x1E400] =	vst v63  }
0x111: {  	_ =	swait.ge [sflag:s9], $0x80  }
0x112: {  	[sflag:s9] =	ssyncset.done $0x0  }
0x113: {  	[sflag:s9] =	ssyncadd.s32 $0xFFFFFF80  }
0x114: {  	v3 =	vld [tilespmem:$0x100];
	_ =	sdelay $0x4  }
0x115: {  	v4 =	vshll.u32 v3, $0x3  }
0x116: {  	v3 =	vand.u32 $0x7, v3;
	v4 =	vand.u32 $0xFFFFFFC0, v4  }
0x117: {  	v3 =	vor.u32 v3, v4  }
0x118: {  	v4 =	vperm.xlane v3, v0;
	_ =	sdelay $0x1  }
0x119: {  	v4 =	vadd.s32 v1, v4;
	_ =	sdelay $0x3  }
0x11a: {  	s20 =	simm.s32 $0x10400  }
0x11b: {  	[tilespmem:s20], [sflag:$0x3] =	stream.indirect_vreg.gather [hbm4b:s1+s17], $0x80, v4, vm0, $0xb8;
	[tilespmem:$0x1E400] =	vst v63  }
0x11c: {  	s21 =	simm.s32 $0x10C00;
	v3 =	vperm.xlane v3, v2  }
0x11d: {  	[tilespmem:s21], [sflag:$0x3] =	stream.indirect_vreg.gather [hbm4b:s30+s17], $0x80, v4, vm0, $0xb8;
	[tilespmem:$0x1E400] =	vst v63  }
0x11e: {  	s23 =	simm.s32 $0x11400;
	v3 =	vadd.s32 v1, v3  }
0x11f: {  	[tilespmem:s23], [sflag:$0x3] =	stream.indirect_vreg.gather [hbm4b:s31+s17], $0x80, v4, vm0, $0xb8;
	[tilespmem:$0x1E400] =	vst v63  }
0x120: {  	s9 =	simm.s32 $0x11C00  }
0x121: {  	[tilespmem:s9], [sflag:$0x3] =	stream.indirect_vreg.gather [hbm4b:s0+s17], $0x80, v4, vm0, $0xb8;
	[tilespmem:$0x1E400] =	vst v63  }
0x122: {  	s20 =	simm.s32 $0x12400  }
0x123: {  	[tilespmem:s20], [sflag:$0x3] =	stream.indirect_vreg.gather [hbm4b:s1+s17], $0x80, v3, vm0, $0xb8;
	[tilespmem:$0x1E400] =	vst v63  }
0x124: {  	s21 =	simm.s32 $0x12C00  }
0x125: {  	[tilespmem:s21], [sflag:$0x3] =	stream.indirect_vreg.gather [hbm4b:s30+s17], $0x80, v3, vm0, $0xb8;
	[tilespmem:$0x1E400] =	vst v63  }
0x126: {  	s23 =	simm.s32 $0x13400  }
0x127: {  	[tilespmem:s23], [sflag:$0x3] =	stream.indirect_vreg.gather [hbm4b:s31+s17], $0x80, v3, vm0, $0xb8;
	[tilespmem:$0x1E400] =	vst v63  }
0x128: {  	s9 =	simm.s32 $0x13C00  }
0x129: {  	[tilespmem:s9], [sflag:$0x3] =	stream.indirect_vreg.gather [hbm4b:s0+s17], $0x80, v3, vm0, $0xb8;
	[tilespmem:$0x1E400] =	vst v63  }
0x12a: {  	v3 =	vld [tilespmem:$0x110];
	_ =	sdelay $0x4  }
0x12b: {  	v4 =	vshll.u32 v3, $0x3  }
0x12c: {  	v3 =	vand.u32 $0x7, v3;
	v4 =	vand.u32 $0xFFFFFFC0, v4  }
0x12d: {  	v3 =	vor.u32 v3, v4  }
0x12e: {  	v4 =	vperm.xlane v3, v0;
	_ =	sdelay $0x1  }
0x12f: {  	v4 =	vadd.s32 v1, v4;
	_ =	sdelay $0x4  }
0x130: {  	[tilespmem:s24], [sflag:$0x3] =	stream.indirect_vreg.gather [hbm4b:s1+s17], $0x80, v4, vm0, $0xb8;
	[tilespmem:$0x1E400] =	vst v63  }
0x131: {  	s20 =	simm.s32 $0x14C00;
	v3 =	vperm.xlane v3, v2  }
0x132: {  	[tilespmem:s20], [sflag:$0x3] =	stream.indirect_vreg.gather [hbm4b:s30+s17], $0x80, v4, vm0, $0xb8;
	[tilespmem:$0x1E400] =	vst v63  }
0x133: {  	s21 =	simm.s32 $0x15400;
	v3 =	vadd.s32 v1, v3  }
0x134: {  	[tilespmem:s21], [sflag:$0x3] =	stream.indirect_vreg.gather [hbm4b:s31+s17], $0x80, v4, vm0, $0xb8;
	[tilespmem:$0x1E400] =	vst v63  }
0x135: {  	s23 =	simm.s32 $0x15C00  }
0x136: {  	[tilespmem:s23], [sflag:$0x3] =	stream.indirect_vreg.gather [hbm4b:s0+s17], $0x80, v4, vm0, $0xb8;
	[tilespmem:$0x1E400] =	vst v63  }
0x137: {  	_ = 	snop  }
0x138: {  	[tilespmem:s25], [sflag:$0x3] =	stream.indirect_vreg.gather [hbm4b:s1+s17], $0x80, v3, vm0, $0xb8;
	[tilespmem:$0x1E400] =	vst v63  }
0x139: {  	s9 =	simm.s32 $0x16C00  }
0x13a: {  	[tilespmem:s9], [sflag:$0x3] =	stream.indirect_vreg.gather [hbm4b:s30+s17], $0x80, v3, vm0, $0xb8;
	[tilespmem:$0x1E400] =	vst v63  }
0x13b: {  	s20 =	simm.s32 $0x17400  }
0x13c: {  	[tilespmem:s20], [sflag:$0x3] =	stream.indirect_vreg.gather [hbm4b:s31+s17], $0x80, v3, vm0, $0xb8;
	[tilespmem:$0x1E400] =	vst v63  }
0x13d: {  	s21 =	simm.s32 $0x17C00  }
0x13e: {  	[tilespmem:s21], [sflag:$0x3] =	stream.indirect_vreg.gather [hbm4b:s0+s17], $0x80, v3, vm0, $0xb8;
	[tilespmem:$0x1E400] =	vst v63  }
0x13f: {  	s23 =	rddreg [dreg:$0xb];
	s9 =	simm.s32 $0x1C400  }
0x140: {  	[tilespmem:s9], [sflag:$0x6] =	stream.linear.gather [hbm4b:s23+s17], $0x2000, $0x38;
	[tilespmem:$0x1E400] =	vst v63  }
0x141: {  	_ =	swait.ge [sflag:s28], $0x8000  }
0x142: {  	[sflag:s28] =	ssyncset.done $0x0  }
0x143: {  	[sflag:s28] =	ssyncadd.s32 $0xFFFF8000  }
0x144: {  	s9 =	simm.s32 $0x0;
	_ =	swait.ge [sflag:s29], $0x2000  }
0x145: {  	s23 =	sand.u32 $0x1C00, s17;
	s20 =	sand.u32 $0xFFFFFF80, s9;
	[sflag:s29] =	ssyncset.done $0x0  }
0x146: {  	s21 =	sadd.s32 s23, s20;
	[sflag:s29] =	ssyncadd.s32 $0xFFFFE000  }
0x147: {  	v4 =	vld [tilespmem:s21+$0x8470]  }
0x148: {  	v5 =	vld [tilespmem:s21+$0x8400]  }
0x149: {  	v3 =	vld [tilespmem:s21+$0x1A470]  }
0x14a: {  	v7 =	vld [tilespmem:s21+$0x8410]  }
0x14b: {  	v8 =	vld [tilespmem:s21+$0x8420]  }
0x14c: {  	v9 =	vld [tilespmem:s21+$0x8430]  }
0x14d: {  	v10 =	vld [tilespmem:s21+$0x8440]  }
0x14e: {  	v11 =	vld [tilespmem:s21+$0x8450]  }
0x14f: {  	v13 =	vld [tilespmem:s21+$0x1A400]  }
0x150: {  	v12 =	vld [tilespmem:s21+$0x8460];
	v4 =	vmul.f32 $3.200000000e+01, v4  }
0x151: {  	v14 =	vld [tilespmem:s21+$0x1A410]  }
0x152: {  	v15 =	vld [tilespmem:s21+$0x1A420];
	v5 =	vmul.f32 $3.200000000e+01, v5;
	v4 =	vadd.f32 v4, v3  }
0x153: {  	s6 =	sand.u32 $0x3FFFFF80, s9;
	v16 =	vld [tilespmem:s21+$0x1A430]  }
0x154: {  	s20 =	sadd.s32 s23, s6;
	v6 =	vld [tilespmem:s21+$0x1A440];
	v17 =	vadd.f32 v5, v13;
	[tilespmem:s21+$0x8470] =	vst v4  }
0x155: {  	v7 =	vmul.f32 $3.200000000e+01, v7;
	v4 =	vld [tilespmem:s20+$0xE470]  }
0x156: {  	v5 =	vld [tilespmem:s21+$0x1A450];
	[tilespmem:s21+$0x8400] =	vst v17  }
0x157: {  	v8 =	vmul.f32 $3.200000000e+01, v8;
	v7 =	vadd.f32 v7, v14;
	v17 =	vld [tilespmem:s20+$0xA400]  }
0x158: {  	v9 =	vmul.f32 $3.200000000e+01, v9;
	v19 =	vld [tilespmem:s20+$0xC400]  }
0x159: {  	v8 =	vadd.f32 v8, v15;
	[tilespmem:s21+$0x8410] =	vst v7;
	v7 =	vld [tilespmem:s20+$0xE400]  }
0x15a: {  	v10 =	vmul.f32 $3.200000000e+01, v10;
	v9 =	vadd.f32 v9, v16;
	v18 =	vmul.f32 $3.200000000e+01, v4;
	v4 =	vld [tilespmem:s21+$0x1A460]  }
0x15b: {  	v11 =	vmul.f32 $3.200000000e+01, v11;
	[tilespmem:s21+$0x8420] =	vst v8;
	v8 =	vld [tilespmem:s20+$0xC410]  }
0x15c: {  	v10 =	vadd.f32 v10, v6;
	[tilespmem:s21+$0x8430] =	vst v9;
	v60 =	vld [tilespmem:s20+$0xA410];
	v9 =	vmul.f32 $3.200000000e+01, v17  }
0x15d: {  	v12 =	vmul.f32 $3.200000000e+01, v12;
	v61 =	vld [tilespmem:s20+$0xA420];
	v11 =	vadd.f32 v11, v5  }
0x15e: {  	[tilespmem:s21+$0x8440] =	vst v10;
	v17 =	vld [tilespmem:s20+$0xE410];
	v7 =	vmul.f32 $3.200000000e+01, v7;
	v9 =	vadd.f32 v9, v13  }
0x15f: {  	[tilespmem:s21+$0x8450] =	vst v11;
	v11 =	vld [tilespmem:s20+$0xC420];
	v10 =	vmul.f32 $3.200000000e+01, v19;
	v12 =	vadd.f32 v12, v4  }
0x160: {  	v62 =	vld [tilespmem:s20+$0xE420];
	v8 =	vmul.f32 $3.200000000e+01, v8;
	v7 =	vadd.f32 v7, v13;
	[tilespmem:s20+$0xA400] =	vst v9  }
0x161: {  	v10 =	vadd.f32 v10, v13;
	[tilespmem:s21+$0x8460] =	vst v12;
	v12 =	vmul.f32 $3.200000000e+01, v60  }
0x162: {  	v9 =	vld [tilespmem:s20+$0xA430];
	[tilespmem:s20+$0xE400] =	vst v7;
	v7 =	vadd.f32 v8, v14  }
0x163: {  	v13 =	vld [tilespmem:s20+$0xC430];
	[tilespmem:s20+$0xC400] =	vst v10;
	v8 =	vmul.f32 $3.200000000e+01, v61;
	v10 =	vadd.f32 v12, v14;
	v12 =	vmul.f32 $3.200000000e+01, v17  }
0x164: {  	v18 =	vadd.f32 v18, v3;
	v11 =	vmul.f32 $3.200000000e+01, v11;
	[tilespmem:s20+$0xC410] =	vst v7;
	v17 =	vld [tilespmem:s20+$0xE430]  }
0x165: {  	v7 =	vadd.f32 v8, v15;
	v8 =	vmul.f32 $3.200000000e+01, v62;
	[tilespmem:s20+$0xA410] =	vst v10;
	v10 =	vadd.f32 v12, v14;
	v12 =	vld [tilespmem:s20+$0xA440]  }
0x166: {  	v63 =	vld [tilespmem:s20+$0xC440];
	[tilespmem:s20+$0xE470] =	vst v18  }
0x167: {  	[tilespmem:s20+$0xA420] =	vst v7;
	v7 =	vadd.f32 v8, v15;
	v9 =	vmul.f32 $3.200000000e+01, v9;
	v14 =	vadd.f32 v11, v15;
	v11 =	vld [tilespmem:s20+$0xE440]  }
0x168: {  	v8 =	vmul.f32 $3.200000000e+01, v13;
	[tilespmem:s20+$0xE410] =	vst v10;
	v10 =	vld [tilespmem:s20+$0xA450]  }
0x169: {  	[tilespmem:s20+$0xE420] =	vst v7;
	v13 =	vadd.f32 v9, v16;
	v9 =	vld [tilespmem:s20+$0xC450];
	v17 =	vmul.f32 $3.200000000e+01, v17  }
0x16a: {  	v7 =	vld [tilespmem:s20+$0xE450];
	[tilespmem:s20+$0xC420] =	vst v14;
	v14 =	vadd.f32 v8, v16;
	v15 =	vmul.f32 $3.200000000e+01, v12  }
0x16b: {  	s6 =	simm.s32 $0x0;
	[tilespmem:s20+$0xA430] =	vst v13;
	v13 =	vmul.f32 $3.200000000e+01, v63;
	v8 =	vld [tilespmem:s20+$0xA460];
	v12 =	vadd.f32 v17, v16  }
.LBB2_4:
0x16c: {  	s6 =	sadd.s32 $0x8, s6;
	[tilespmem:s20+$0xC430] =	vst v14;
	v14 =	vadd.f32 v15, v6;
	v11 =	vmul.f32 $3.200000000e+01, v11;
	v15 =	vld [tilespmem:s20+$0xC460]  }
0x16d: {  	s17 =	sadd.s32 $0x400, s17;
	s21 =	sshll.u32 s6, $0x1;
	p0 =	slt.u32 s6, $0x1F8;
	[tilespmem:s20+$0xE430] =	vst v12;
	v12 =	vadd.f32 v13, v6;
	v10 =	vmul.f32 $3.200000000e+01, v10;
	v13 =	vld [tilespmem:s20+$0xE460]  }
0x16e: {  	s23 =	sand.u32 $0x1C00, s17;
	s9 =	sand.u32 $0xFFFFFF80, s21;
	[tilespmem:s20+$0xA440] =	vst v14;
	v6 =	vadd.f32 v11, v6;
	v9 =	vmul.f32 $3.200000000e+01, v9;
	v11 =	vld [tilespmem:s20+$0xA470]  }
0x16f: {  	s9 =	sadd.s32 s23, s9;
	[tilespmem:s20+$0xC440] =	vst v12;
	v10 =	vadd.f32 v10, v5;
	v7 =	vmul.f32 $3.200000000e+01, v7;
	v12 =	vld [tilespmem:s20+$0xC470]  }
0x170: {  	v14 =	vld [tilespmem:s9+$0x8470];
	[tilespmem:s20+$0xE440] =	vst v6;
	v6 =	vadd.f32 v9, v5;
	v8 =	vmul.f32 $3.200000000e+01, v8  }
0x171: {  	v9 =	vld [tilespmem:s9+$0x8400];
	[tilespmem:s20+$0xA450] =	vst v10;
	v5 =	vadd.f32 v7, v5;
	v7 =	vmul.f32 $3.200000000e+01, v15  }
0x172: {  	v10 =	vld [tilespmem:s9+$0x1A470];
	[tilespmem:s20+$0xC450] =	vst v6;
	v6 =	vadd.f32 v8, v4;
	v8 =	vmul.f32 $3.200000000e+01, v13  }
0x173: {  	v13 =	vld [tilespmem:s9+$0x8410];
	[tilespmem:s20+$0xE450] =	vst v5;
	v5 =	vadd.f32 v7, v4;
	v7 =	vmul.f32 $3.200000000e+01, v11  }
0x174: {  	v11 =	vld [tilespmem:s9+$0x8420];
	[tilespmem:s20+$0xA460] =	vst v6;
	v4 =	vadd.f32 v8, v4;
	v6 =	vmul.f32 $3.200000000e+01, v12  }
0x175: {  	v8 =	vld [tilespmem:s9+$0x8430];
	v12 =	vmul.f32 $3.200000000e+01, v14;
	[tilespmem:s20+$0xC460] =	vst v5;
	v5 =	vadd.f32 v7, v3  }
0x176: {  	v7 =	vmul.f32 $3.200000000e+01, v9;
	v9 =	vld [tilespmem:s9+$0x8440];
	[tilespmem:s20+$0xE460] =	vst v4;
	v4 =	vadd.f32 v6, v3  }
0x177: {  	v6 =	vld [tilespmem:s9+$0x8450];
	v12 =	vadd.f32 v12, v10;
	[tilespmem:s20+$0xA470] =	vst v5;
	v3 =	vmov v10  }
0x178: {  	s21 =	sand.u32 $0x3FFFFF80, s21;
	v10 =	vmul.f32 $3.200000000e+01, v13;
	v5 =	vld [tilespmem:s9+$0x8460];
	[tilespmem:s20+$0xC470] =	vst v4  }
0x179: {  	s20 =	sadd.s32 s23, s21;
	v13 =	vld [tilespmem:s9+$0x1A400];
	v11 =	vmul.f32 $3.200000000e+01, v11;
	[tilespmem:s9+$0x8470] =	vst v12  }
0x17a: {  	v8 =	vmul.f32 $3.200000000e+01, v8;
	v4 =	vld [tilespmem:s20+$0xE470]  }
0x17b: {  	v12 =	vld [tilespmem:s9+$0x1A410];
	v9 =	vmul.f32 $3.200000000e+01, v9  }
0x17c: {  	v14 =	vld [tilespmem:s9+$0x1A420];
	v15 =	vmul.f32 $3.200000000e+01, v6  }
0x17d: {  	v16 =	vld [tilespmem:s9+$0x1A430];
	v17 =	vmul.f32 $3.200000000e+01, v5  }
0x17e: {  	v7 =	vadd.f32 v7, v13;
	v6 =	vld [tilespmem:s9+$0x1A440]  }
0x17f: {  	v5 =	vld [tilespmem:s9+$0x1A450];
	v18 =	vmul.f32 $3.200000000e+01, v4  }
0x180: {  	[tilespmem:s9+$0x8400] =	vst v7;
	v7 =	vadd.f32 v10, v12;
	v4 =	vld [tilespmem:s9+$0x1A460]  }
0x181: {  	v10 =	vld [tilespmem:s20+$0xA400];
	v11 =	vadd.f32 v11, v14;
	v18 =	vadd.f32 v18, v3  }
0x182: {  	v19 =	vld [tilespmem:s20+$0xC400];
	[tilespmem:s9+$0x8410] =	vst v7;
	v7 =	vadd.f32 v8, v16  }
0x183: {  	v8 =	vld [tilespmem:s20+$0xE400];
	v9 =	vadd.f32 v9, v6;
	[tilespmem:s20+$0xE470] =	vst v18  }
0x184: {  	v18 =	vld [tilespmem:s20+$0xA410];
	[tilespmem:s9+$0x8420] =	vst v11;
	v11 =	vadd.f32 v15, v5  }
0x185: {  	v15 =	vld [tilespmem:s20+$0xC410];
	[tilespmem:s9+$0x8430] =	vst v7;
	v7 =	vadd.f32 v17, v4  }
0x186: {  	v10 =	vmul.f32 $3.200000000e+01, v10;
	v17 =	vld [tilespmem:s20+$0xE410];
	[tilespmem:s9+$0x8440] =	vst v9  }
0x187: {  	v9 =	vmul.f32 $3.200000000e+01, v19;
	v19 =	vld [tilespmem:s20+$0xA420];
	[tilespmem:s9+$0x8450] =	vst v11  }
0x188: {  	v10 =	vadd.f32 v10, v13;
	v8 =	vmul.f32 $3.200000000e+01, v8;
	v11 =	vld [tilespmem:s20+$0xC420];
	[tilespmem:s9+$0x8460] =	vst v7  }
0x189: {  	v7 =	vadd.f32 v9, v13;
	v9 =	vmul.f32 $3.200000000e+01, v18;
	v18 =	vld [tilespmem:s20+$0xE420]  }
0x18a: {  	[tilespmem:s20+$0xA400] =	vst v10;
	v8 =	vadd.f32 v8, v13;
	v10 =	vmul.f32 $3.200000000e+01, v15;
	v13 =	vld [tilespmem:s20+$0xA430]  }
0x18b: {  	[tilespmem:s20+$0xC400] =	vst v7;
	v7 =	vadd.f32 v9, v12;
	v9 =	vmul.f32 $3.200000000e+01, v17;
	v15 =	vld [tilespmem:s20+$0xC430]  }
0x18c: {  	[tilespmem:s20+$0xE400] =	vst v8;
	v8 =	vadd.f32 v10, v12;
	v10 =	vmul.f32 $3.200000000e+01, v19;
	v17 =	vld [tilespmem:s20+$0xE430]  }
0x18d: {  	[tilespmem:s20+$0xA410] =	vst v7;
	v7 =	vadd.f32 v9, v12;
	v9 =	vmul.f32 $3.200000000e+01, v11;
	v12 =	vld [tilespmem:s20+$0xA440]  }
0x18e: {  	[tilespmem:s20+$0xC410] =	vst v8;
	v8 =	vadd.f32 v10, v14;
	v10 =	vmul.f32 $3.200000000e+01, v18;
	v18 =	vld [tilespmem:s20+$0xC440]  }
.Ltmp1:
0x18f: {  	[tilespmem:s20+$0xE410] =	vst v7;
	v7 =	vadd.f32 v9, v14;
	v9 =	vmul.f32 $3.200000000e+01, v13;
	v11 =	vld [tilespmem:s20+$0xE440];
	(pc) =	sbr.rel @p0 .LBB2_4-.Ltmp1, $4  }
0x190: {  	[tilespmem:s20+$0xA420] =	vst v8;
	v8 =	vadd.f32 v10, v14;
	v13 =	vmul.f32 $3.200000000e+01, v15;
	v10 =	vld [tilespmem:s20+$0xA450]  }
0x191: {  	[tilespmem:s20+$0xC420] =	vst v7;
	v19 =	vadd.f32 v9, v16;
	v17 =	vmul.f32 $3.200000000e+01, v17;
	v9 =	vld [tilespmem:s20+$0xC450]  }
0x192: {  	[tilespmem:s20+$0xE420] =	vst v8;
	v14 =	vadd.f32 v13, v16;
	v15 =	vmul.f32 $3.200000000e+01, v12;
	v7 =	vld [tilespmem:s20+$0xE450]  }
0x193: {  	[tilespmem:s20+$0xA430] =	vst v19;
	v12 =	vadd.f32 v17, v16;
	v13 =	vmul.f32 $3.200000000e+01, v18;
	v8 =	vld [tilespmem:s20+$0xA460]  }
0x194: {  	[tilespmem:s20+$0xC430] =	vst v14;
	v14 =	vadd.f32 v15, v6;
	v11 =	vmul.f32 $3.200000000e+01, v11;
	v15 =	vld [tilespmem:s20+$0xC460]  }
0x195: {  	[tilespmem:s20+$0xE430] =	vst v12;
	v12 =	vadd.f32 v13, v6;
	v10 =	vmul.f32 $3.200000000e+01, v10;
	v13 =	vld [tilespmem:s20+$0xE460]  }
0x196: {  	[tilespmem:s20+$0xA440] =	vst v14;
	v6 =	vadd.f32 v11, v6;
	v9 =	vmul.f32 $3.200000000e+01, v9;
	v11 =	vld [tilespmem:s20+$0xA470]  }
0x197: {  	[tilespmem:s20+$0xC440] =	vst v12;
	v10 =	vadd.f32 v10, v5;
	v7 =	vmul.f32 $3.200000000e+01, v7;
	v12 =	vld [tilespmem:s20+$0xC470]  }
0x198: {  	[tilespmem:s20+$0xE440] =	vst v6;
	v6 =	vadd.f32 v9, v5;
	v8 =	vmul.f32 $3.200000000e+01, v8  }
0x199: {  	[tilespmem:s20+$0xA450] =	vst v10;
	v5 =	vadd.f32 v7, v5;
	v7 =	vmul.f32 $3.200000000e+01, v15  }
0x19a: {  	[tilespmem:s20+$0xC450] =	vst v6;
	v6 =	vadd.f32 v8, v4;
	v8 =	vmul.f32 $3.200000000e+01, v13  }
0x19b: {  	[tilespmem:s20+$0xE450] =	vst v5;
	v5 =	vadd.f32 v7, v4;
	v7 =	vmul.f32 $3.200000000e+01, v11  }
0x19c: {  	[tilespmem:s20+$0xA460] =	vst v6;
	v4 =	vadd.f32 v8, v4;
	v6 =	vmul.f32 $3.200000000e+01, v12  }
0x19d: {  	[tilespmem:s20+$0xC460] =	vst v5;
	v5 =	vadd.f32 v7, v3  }
0x19e: {  	[tilespmem:s20+$0xE460] =	vst v4;
	v3 =	vadd.f32 v6, v3  }
0x19f: {  	[tilespmem:s20+$0xA470] =	vst v5  }
0x1a0: {  	[tilespmem:s20+$0xC470] =	vst v3  }
0x1a1: {  	s6 =	rddreg [dreg:$0xc]  }
0x1a2: {  	s17 =	simm.s32 $0x0;
	s21 =	sld [smem:$0x7E9]  }
0x1a3: {  	[hbm4b:s6+s17] =	stream.linear.scatter [tilespmem:s22], [sflag:$0x8], $0x2000, $0x38;
	[tilespmem:$0x1E400] =	vst v63  }
0x1a4: {  	s23 =	sld [smem:$0x7EA]  }
0x1a5: {  	[hbm4b:s21+s17] =	stream.linear.scatter [tilespmem:s26], [sflag:$0x8], $0x2000, $0x38;
	[tilespmem:$0x1E400] =	vst v63  }
0x1a6: {  	s9 =	sld [smem:$0x7EB]  }
0x1a7: {  	[hbm4b:s23+s17] =	stream.linear.scatter [tilespmem:s5], [sflag:$0x8], $0x2000, $0x38;
	[tilespmem:$0x1E400] =	vst v63  }
0x1a8: {  	_ = 	snop  }
0x1a9: {  	[hbm4b:s9+s17] =	stream.linear.scatter [tilespmem:s11], [sflag:$0x8], $0x2000, $0x38;
	[tilespmem:$0x1E400] =	vst v63  }
0x1aa: {  	_ =	swait.ge [sflag:s4], $0x2000  }
0x1ab: {  	[sflag:s4] =	ssyncset.done $0x0  }
0x1ac: {  	[sflag:s4] =	ssyncadd.s32 $0xFFFFE000  }
0x1ad: {  	_ =	swait.ge [sflag:s4], $0x2000  }
0x1ae: {  	[sflag:s4] =	ssyncset.done $0x0  }
0x1af: {  	[sflag:s4] =	ssyncadd.s32 $0xFFFFE000  }
0x1b0: {  	_ =	swait.ge [sflag:s4], $0x2000  }
0x1b1: {  	[sflag:s4] =	ssyncset.done $0x0  }
0x1b2: {  	[sflag:s4] =	ssyncadd.s32 $0xFFFFE000  }
0x1b3: {  	_ =	swait.ge [sflag:s4], $0x2000  }
0x1b4: {  	[sflag:s4] =	ssyncset.done $0x0  }
0x1b5: {  	s20 =	simm.s32 $0xD;
	[sflag:s4] =	ssyncadd.s32 $0xFFFFE000  }
0x1b6: {  	_ =	swait.ge [sflag:s20], $0x80  }
0x1b7: {  	[sflag:s20] =	ssyncset.done $0x0  }
0x1b8: {  	[sflag:s20] =	ssyncadd.s32 $0xFFFFFF80  }
0x1b9: {  	v3 =	vld [tilespmem:$0x180];
	_ =	sdelay $0x4  }
0x1ba: {  	v4 =	vshll.u32 v3, $0x3  }
0x1bb: {  	v3 =	vand.u32 $0x7, v3;
	v4 =	vand.u32 $0xFFFFFFC0, v4  }
0x1bc: {  	v3 =	vor.u32 v3, v4  }
0x1bd: {  	v4 =	vperm.xlane v3, v0;
	_ =	sdelay $0x1  }
0x1be: {  	v4 =	vadd.s32 v1, v4;
	_ =	sdelay $0x4  }
0x1bf: {  	[tilespmem:s2], [sflag:$0x1] =	stream.indirect_vreg.gather [hbm4b:s1+s17], $0x80, v4, vm0, $0xb8;
	[tilespmem:$0x1E400] =	vst v63  }
0x1c0: {  	s21 =	simm.s32 $0xC00;
	v3 =	vperm.xlane v3, v2  }
0x1c1: {  	[tilespmem:s21], [sflag:$0x1] =	stream.indirect_vreg.gather [hbm4b:s30+s17], $0x80, v4, vm0, $0xb8;
	[tilespmem:$0x1E400] =	vst v63  }
0x1c2: {  	s23 =	simm.s32 $0x1400;
	v3 =	vadd.s32 v1, v3  }
0x1c3: {  	[tilespmem:s23], [sflag:$0x1] =	stream.indirect_vreg.gather [hbm4b:s31+s17], $0x80, v4, vm0, $0xb8;
	[tilespmem:$0x1E400] =	vst v63  }
0x1c4: {  	s9 =	simm.s32 $0x1C00  }
0x1c5: {  	[tilespmem:s9], [sflag:$0x1] =	stream.indirect_vreg.gather [hbm4b:s0+s17], $0x80, v4, vm0, $0xb8;
	[tilespmem:$0x1E400] =	vst v63  }
0x1c6: {  	_ = 	snop  }
0x1c7: {  	[tilespmem:s7], [sflag:$0x1] =	stream.indirect_vreg.gather [hbm4b:s1+s17], $0x80, v3, vm0, $0xb8;
	[tilespmem:$0x1E400] =	vst v63  }
0x1c8: {  	s20 =	simm.s32 $0x2C00  }
0x1c9: {  	[tilespmem:s20], [sflag:$0x1] =	stream.indirect_vreg.gather [hbm4b:s30+s17], $0x80, v3, vm0, $0xb8;
	[tilespmem:$0x1E400] =	vst v63  }
0x1ca: {  	s21 =	simm.s32 $0x3400  }
0x1cb: {  	[tilespmem:s21], [sflag:$0x1] =	stream.indirect_vreg.gather [hbm4b:s31+s17], $0x80, v3, vm0, $0xb8;
	[tilespmem:$0x1E400] =	vst v63  }
0x1cc: {  	s23 =	simm.s32 $0x3C00  }
0x1cd: {  	[tilespmem:s23], [sflag:$0x1] =	stream.indirect_vreg.gather [hbm4b:s0+s17], $0x80, v3, vm0, $0xb8;
	[tilespmem:$0x1E400] =	vst v63  }
0x1ce: {  	v3 =	vld [tilespmem:$0x190];
	_ =	sdelay $0x4  }
0x1cf: {  	v4 =	vshll.u32 v3, $0x3  }
0x1d0: {  	v3 =	vand.u32 $0x7, v3;
	v4 =	vand.u32 $0xFFFFFFC0, v4  }
0x1d1: {  	v3 =	vor.u32 v3, v4  }
0x1d2: {  	v4 =	vperm.xlane v3, v0;
	_ =	sdelay $0x1  }
0x1d3: {  	v4 =	vadd.s32 v1, v4;
	_ =	sdelay $0x4  }
0x1d4: {  	[tilespmem:s12], [sflag:$0x1] =	stream.indirect_vreg.gather [hbm4b:s1+s17], $0x80, v4, vm0, $0xb8;
	[tilespmem:$0x1E400] =	vst v63  }
0x1d5: {  	s9 =	simm.s32 $0x4C00;
	v3 =	vperm.xlane v3, v2  }
0x1d6: {  	[tilespmem:s9], [sflag:$0x1] =	stream.indirect_vreg.gather [hbm4b:s30+s17], $0x80, v4, vm0, $0xb8;
	[tilespmem:$0x1E400] =	vst v63  }
0x1d7: {  	s20 =	simm.s32 $0x5400;
	v3 =	vadd.s32 v1, v3  }
0x1d8: {  	[tilespmem:s20], [sflag:$0x1] =	stream.indirect_vreg.gather [hbm4b:s31+s17], $0x80, v4, vm0, $0xb8;
	[tilespmem:$0x1E400] =	vst v63  }
0x1d9: {  	s21 =	simm.s32 $0x5C00  }
0x1da: {  	[tilespmem:s21], [sflag:$0x1] =	stream.indirect_vreg.gather [hbm4b:s0+s17], $0x80, v4, vm0, $0xb8;
	[tilespmem:$0x1E400] =	vst v63  }
0x1db: {  	_ = 	snop  }
0x1dc: {  	[tilespmem:s16], [sflag:$0x1] =	stream.indirect_vreg.gather [hbm4b:s1+s17], $0x80, v3, vm0, $0xb8;
	[tilespmem:$0x1E400] =	vst v63  }
0x1dd: {  	s23 =	simm.s32 $0x6C00  }
0x1de: {  	[tilespmem:s23], [sflag:$0x1] =	stream.indirect_vreg.gather [hbm4b:s30+s17], $0x80, v3, vm0, $0xb8;
	[tilespmem:$0x1E400] =	vst v63  }
0x1df: {  	s9 =	simm.s32 $0x7400  }
0x1e0: {  	[tilespmem:s9], [sflag:$0x1] =	stream.indirect_vreg.gather [hbm4b:s31+s17], $0x80, v3, vm0, $0xb8;
	[tilespmem:$0x1E400] =	vst v63  }
0x1e1: {  	s20 =	simm.s32 $0x7C00  }
0x1e2: {  	[tilespmem:s20], [sflag:$0x1] =	stream.indirect_vreg.gather [hbm4b:s0+s17], $0x80, v3, vm0, $0xb8;
	[tilespmem:$0x1E400] =	vst v63  }
0x1e3: {  	s21 =	rddreg [dreg:$0xd];
	s9 =	simm.s32 $0x18400  }
0x1e4: {  	[tilespmem:s9], [sflag:$0x4] =	stream.linear.gather [hbm4b:s21+s17], $0x2000, $0x38;
	[tilespmem:$0x1E400] =	vst v63  }
0x1e5: {  	_ =	swait.ge [sflag:s8], $0x8000  }
0x1e6: {  	[sflag:s8] =	ssyncset.done $0x0  }
0x1e7: {  	[sflag:s8] =	ssyncadd.s32 $0xFFFF8000  }
0x1e8: {  	s6 =	simm.s32 $0x0;
	_ =	swait.ge [sflag:s10], $0x2000  }
0x1e9: {  	s23 =	sand.u32 $0xFFFFFF80, s6;
	s9 =	sand.u32 $0x1C00, s17;
	[sflag:s10] =	ssyncset.done $0x0  }
0x1ea: {  	s21 =	sadd.s32 s9, s23;
	[sflag:s10] =	ssyncadd.s32 $0xFFFFE000  }
0x1eb: {  	v4 =	vld [tilespmem:s21+$0x10470]  }
0x1ec: {  	v5 =	vld [tilespmem:s21+$0x10400]  }
0x1ed: {  	v3 =	vld [tilespmem:s21+$0x1C470]  }
0x1ee: {  	v7 =	vld [tilespmem:s21+$0x10410]  }
0x1ef: {  	v8 =	vld [tilespmem:s21+$0x10420]  }
0x1f0: {  	v9 =	vld [tilespmem:s21+$0x10430]  }
0x1f1: {  	v10 =	vld [tilespmem:s21+$0x10440]  }
0x1f2: {  	v11 =	vld [tilespmem:s21+$0x10450]  }
0x1f3: {  	v12 =	vld [tilespmem:s21+$0x10460];
	v4 =	vmul.f32 $3.200000000e+01, v4  }
0x1f4: {  	v13 =	vld [tilespmem:s21+$0x1C400]  }
0x1f5: {  	v15 =	vld [tilespmem:s21+$0x1C410];
	v4 =	vadd.f32 v4, v3  }
0x1f6: {  	v16 =	vld [tilespmem:s21+$0x1C420]  }
0x1f7: {  	s6 =	sand.u32 $0x3FFFFF80, s6;
	v17 =	vld [tilespmem:s21+$0x1C430];
	[tilespmem:s21+$0x10470] =	vst v4;
	v4 =	vmul.f32 $3.200000000e+01, v5  }
0x1f8: {  	s6 =	sadd.s32 s9, s6;
	v6 =	vld [tilespmem:s21+$0x1C440]  }
0x1f9: {  	s20 =	sadd.s32 $0x10400, s6;
	v5 =	vld [tilespmem:s21+$0x1C450];
	v4 =	vadd.f32 v4, v13  }
0x1fa: {  	v7 =	vmul.f32 $3.200000000e+01, v7;
	v14 =	vld [tilespmem:s20+$0x6070]  }
0x1fb: {  	v8 =	vmul.f32 $3.200000000e+01, v8;
	[tilespmem:s21+$0x10400] =	vst v4;
	v4 =	vld [tilespmem:s21+$0x1C460]  }
0x1fc: {  	v9 =	vmul.f32 $3.200000000e+01, v9;
	v7 =	vadd.f32 v7, v15;
	v18 =	vld [tilespmem:s6+$0x12400]  }
0x1fd: {  	v10 =	vmul.f32 $3.200000000e+01, v10;
	v8 =	vadd.f32 v8, v16;
	v19 =	vld [tilespmem:s6+$0x14400]  }
0x1fe: {  	v11 =	vmul.f32 $3.200000000e+01, v11;
	[tilespmem:s21+$0x10410] =	vst v7;
	v7 =	vadd.f32 v9, v17;
	v9 =	vld [tilespmem:s6+$0x16400]  }
0x1ff: {  	v12 =	vmul.f32 $3.200000000e+01, v12;
	v10 =	vadd.f32 v10, v6;
	[tilespmem:s21+$0x10420] =	vst v8;
	v8 =	vld [tilespmem:s20+$0x2010]  }
0x200: {  	[tilespmem:s21+$0x10430] =	vst v7;
	v7 =	vld [tilespmem:s20+$0x4010];
	v11 =	vadd.f32 v11, v5;
	v14 =	vmul.f32 $3.200000000e+01, v14  }
0x201: {  	[tilespmem:s21+$0x10440] =	vst v10;
	v10 =	vld [tilespmem:s20+$0x6010];
	v12 =	vadd.f32 v12, v4;
	v18 =	vmul.f32 $3.200000000e+01, v18  }
0x202: {  	[tilespmem:s21+$0x10450] =	vst v11;
	v11 =	vld [tilespmem:s20+$0x2020];
	v14 =	vadd.f32 v14, v3;
	v19 =	vmul.f32 $3.200000000e+01, v19  }
0x203: {  	v61 =	vld [tilespmem:s20+$0x4020];
	v9 =	vmul.f32 $3.200000000e+01, v9;
	[tilespmem:s21+$0x10460] =	vst v12;
	v12 =	vadd.f32 v18, v13  }
0x204: {  	v62 =	vld [tilespmem:s20+$0x6020];
	v8 =	vmul.f32 $3.200000000e+01, v8;
	[tilespmem:s20+$0x6070] =	vst v14;
	v14 =	vadd.f32 v19, v13  }
0x205: {  	v7 =	vmul.f32 $3.200000000e+01, v7;
	v9 =	vadd.f32 v9, v13;
	[tilespmem:s6+$0x12400] =	vst v12;
	v12 =	vld [tilespmem:s20+$0x2030]  }
0x206: {  	v10 =	vmul.f32 $3.200000000e+01, v10;
	v8 =	vadd.f32 v8, v15;
	v13 =	vld [tilespmem:s20+$0x4030];
	[tilespmem:s6+$0x14400] =	vst v14  }
0x207: {  	v7 =	vadd.f32 v7, v15;
	[tilespmem:s6+$0x16400] =	vst v9;
	v9 =	vmul.f32 $3.200000000e+01, v11;
	v14 =	vld [tilespmem:s20+$0x6030]  }
0x208: {  	[tilespmem:s20+$0x2010] =	vst v8;
	v8 =	vadd.f32 v10, v15;
	v10 =	vmul.f32 $3.200000000e+01, v61;
	v15 =	vld [tilespmem:s20+$0x2040]  }
0x209: {  	v63 =	vld [tilespmem:s20+$0x4040];
	[tilespmem:s20+$0x4010] =	vst v7;
	v7 =	vadd.f32 v9, v16;
	v9 =	vmul.f32 $3.200000000e+01, v62  }
0x20a: {  	[tilespmem:s20+$0x6010] =	vst v8;
	v8 =	vadd.f32 v10, v16;
	v11 =	vld [tilespmem:s20+$0x6040];
	v12 =	vmul.f32 $3.200000000e+01, v12  }
0x20b: {  	v10 =	vld [tilespmem:s20+$0x2050];
	v13 =	vmul.f32 $3.200000000e+01, v13;
	[tilespmem:s20+$0x2020] =	vst v7;
	v7 =	vadd.f32 v9, v16  }
0x20c: {  	[tilespmem:s20+$0x4020] =	vst v8;
	v9 =	vld [tilespmem:s20+$0x4050];
	v8 =	vadd.f32 v12, v17;
	v12 =	vmul.f32 $3.200000000e+01, v14  }
0x20d: {  	v15 =	vmul.f32 $3.200000000e+01, v15;
	[tilespmem:s20+$0x6020] =	vst v7;
	v7 =	vld [tilespmem:s20+$0x6050];
	v14 =	vadd.f32 v13, v17  }
0x20e: {  	s6 =	simm.s32 $0x0;
	v13 =	vmul.f32 $3.200000000e+01, v63;
	[tilespmem:s20+$0x2030] =	vst v8;
	v12 =	vadd.f32 v12, v17;
	v8 =	vld [tilespmem:s20+$0x2060]  }
.LBB2_6:
0x20f: {  	s6 =	sadd.s32 $0x8, s6;
	[tilespmem:s20+$0x4030] =	vst v14;
	v14 =	vadd.f32 v15, v6;
	v11 =	vmul.f32 $3.200000000e+01, v11;
	v15 =	vld [tilespmem:s20+$0x4060]  }
0x210: {  	s17 =	sadd.s32 $0x400, s17;
	s21 =	sshll.u32 s6, $0x1;
	p0 =	slt.u32 s6, $0x1F8;
	[tilespmem:s20+$0x6030] =	vst v12;
	v12 =	vadd.f32 v13, v6;
	v10 =	vmul.f32 $3.200000000e+01, v10;
	v13 =	vld [tilespmem:s20+$0x6060]  }
0x211: {  	s23 =	sand.u32 $0x1C00, s17;
	s9 =	sand.u32 $0xFFFFFF80, s21;
	[tilespmem:s20+$0x2040] =	vst v14;
	v6 =	vadd.f32 v11, v6;
	v9 =	vmul.f32 $3.200000000e+01, v9;
	v11 =	vld [tilespmem:s20+$0x2070]  }
0x212: {  	s9 =	sadd.s32 s23, s9;
	[tilespmem:s20+$0x4040] =	vst v12;
	v10 =	vadd.f32 v10, v5;
	v7 =	vmul.f32 $3.200000000e+01, v7;
	v12 =	vld [tilespmem:s20+$0x4070]  }
0x213: {  	v14 =	vld [tilespmem:s9+$0x10470];
	[tilespmem:s20+$0x6040] =	vst v6;
	v6 =	vadd.f32 v9, v5;
	v8 =	vmul.f32 $3.200000000e+01, v8  }
0x214: {  	v9 =	vld [tilespmem:s9+$0x10400];
	[tilespmem:s20+$0x2050] =	vst v10;
	v5 =	vadd.f32 v7, v5;
	v7 =	vmul.f32 $3.200000000e+01, v15  }
0x215: {  	v10 =	vld [tilespmem:s9+$0x1C470];
	[tilespmem:s20+$0x4050] =	vst v6;
	v6 =	vadd.f32 v8, v4;
	v8 =	vmul.f32 $3.200000000e+01, v13  }
0x216: {  	v13 =	vld [tilespmem:s9+$0x10410];
	[tilespmem:s20+$0x6050] =	vst v5;
	v5 =	vadd.f32 v7, v4;
	v7 =	vmul.f32 $3.200000000e+01, v11  }
0x217: {  	v11 =	vld [tilespmem:s9+$0x10420];
	[tilespmem:s20+$0x2060] =	vst v6;
	v4 =	vadd.f32 v8, v4;
	v6 =	vmul.f32 $3.200000000e+01, v12  }
0x218: {  	v8 =	vld [tilespmem:s9+$0x10430];
	v12 =	vmul.f32 $3.200000000e+01, v14;
	[tilespmem:s20+$0x4060] =	vst v5;
	v5 =	vadd.f32 v7, v3  }
0x219: {  	v7 =	vmul.f32 $3.200000000e+01, v9;
	v9 =	vld [tilespmem:s9+$0x10440];
	[tilespmem:s20+$0x6060] =	vst v4;
	v4 =	vadd.f32 v6, v3  }
0x21a: {  	s21 =	sand.u32 $0x3FFFFF80, s21;
	v6 =	vld [tilespmem:s9+$0x10450];
	v12 =	vadd.f32 v12, v10;
	[tilespmem:s20+$0x2070] =	vst v5;
	v3 =	vmov v10  }
0x21b: {  	s21 =	sadd.s32 s23, s21;
	v10 =	vmul.f32 $3.200000000e+01, v13;
	v5 =	vld [tilespmem:s9+$0x10460];
	[tilespmem:s20+$0x4070] =	vst v4  }
0x21c: {  	s20 =	sadd.s32 $0x10400, s21;
	v13 =	vld [tilespmem:s9+$0x1C400];
	v11 =	vmul.f32 $3.200000000e+01, v11;
	[tilespmem:s9+$0x10470] =	vst v12  }
0x21d: {  	v8 =	vmul.f32 $3.200000000e+01, v8;
	v4 =	vld [tilespmem:s20+$0x6070]  }
0x21e: {  	v12 =	vld [tilespmem:s9+$0x1C410];
	v9 =	vmul.f32 $3.200000000e+01, v9  }
0x21f: {  	v14 =	vld [tilespmem:s9+$0x1C420];
	v15 =	vmul.f32 $3.200000000e+01, v6  }
0x220: {  	v16 =	vld [tilespmem:s9+$0x1C430];
	v17 =	vmul.f32 $3.200000000e+01, v5  }
0x221: {  	v7 =	vadd.f32 v7, v13;
	v6 =	vld [tilespmem:s9+$0x1C440]  }
0x222: {  	v5 =	vld [tilespmem:s9+$0x1C450];
	v18 =	vmul.f32 $3.200000000e+01, v4  }
0x223: {  	[tilespmem:s9+$0x10400] =	vst v7;
	v7 =	vadd.f32 v10, v12;
	v4 =	vld [tilespmem:s9+$0x1C460]  }
0x224: {  	v10 =	vld [tilespmem:s21+$0x12400];
	v11 =	vadd.f32 v11, v14;
	v18 =	vadd.f32 v18, v3  }
0x225: {  	v19 =	vld [tilespmem:s21+$0x14400];
	[tilespmem:s9+$0x10410] =	vst v7;
	v7 =	vadd.f32 v8, v16  }
0x226: {  	v8 =	vld [tilespmem:s21+$0x16400];
	v9 =	vadd.f32 v9, v6;
	[tilespmem:s20+$0x6070] =	vst v18  }
0x227: {  	v18 =	vld [tilespmem:s20+$0x2010];
	[tilespmem:s9+$0x10420] =	vst v11;
	v11 =	vadd.f32 v15, v5  }
0x228: {  	v15 =	vld [tilespmem:s20+$0x4010];
	[tilespmem:s9+$0x10430] =	vst v7;
	v7 =	vadd.f32 v17, v4  }
0x229: {  	v10 =	vmul.f32 $3.200000000e+01, v10;
	v17 =	vld [tilespmem:s20+$0x6010];
	[tilespmem:s9+$0x10440] =	vst v9  }
0x22a: {  	v9 =	vmul.f32 $3.200000000e+01, v19;
	v19 =	vld [tilespmem:s20+$0x2020];
	[tilespmem:s9+$0x10450] =	vst v11  }
0x22b: {  	v10 =	vadd.f32 v10, v13;
	v8 =	vmul.f32 $3.200000000e+01, v8;
	v11 =	vld [tilespmem:s20+$0x4020];
	[tilespmem:s9+$0x10460] =	vst v7  }
0x22c: {  	v7 =	vadd.f32 v9, v13;
	v9 =	vmul.f32 $3.200000000e+01, v18;
	v18 =	vld [tilespmem:s20+$0x6020]  }
0x22d: {  	[tilespmem:s21+$0x12400] =	vst v10;
	v8 =	vadd.f32 v8, v13;
	v10 =	vmul.f32 $3.200000000e+01, v15;
	v13 =	vld [tilespmem:s20+$0x2030]  }
0x22e: {  	[tilespmem:s21+$0x14400] =	vst v7;
	v7 =	vadd.f32 v9, v12;
	v9 =	vmul.f32 $3.200000000e+01, v17;
	v15 =	vld [tilespmem:s20+$0x4030]  }
0x22f: {  	[tilespmem:s21+$0x16400] =	vst v8;
	v8 =	vadd.f32 v10, v12;
	v10 =	vmul.f32 $3.200000000e+01, v19;
	v17 =	vld [tilespmem:s20+$0x6030]  }
0x230: {  	[tilespmem:s20+$0x2010] =	vst v7;
	v7 =	vadd.f32 v9, v12;
	v9 =	vmul.f32 $3.200000000e+01, v11;
	v12 =	vld [tilespmem:s20+$0x2040]  }
0x231: {  	[tilespmem:s20+$0x4010] =	vst v8;
	v8 =	vadd.f32 v10, v14;
	v10 =	vmul.f32 $3.200000000e+01, v18;
	v18 =	vld [tilespmem:s20+$0x4040]  }
.Ltmp2:
0x232: {  	[tilespmem:s20+$0x6010] =	vst v7;
	v7 =	vadd.f32 v9, v14;
	v9 =	vmul.f32 $3.200000000e+01, v13;
	v11 =	vld [tilespmem:s20+$0x6040];
	(pc) =	sbr.rel @p0 .LBB2_6-.Ltmp2, $4  }
0x233: {  	[tilespmem:s20+$0x2020] =	vst v8;
	v8 =	vadd.f32 v10, v14;
	v13 =	vmul.f32 $3.200000000e+01, v15;
	v10 =	vld [tilespmem:s20+$0x2050]  }
0x234: {  	[tilespmem:s20+$0x4020] =	vst v7;
	v19 =	vadd.f32 v9, v16;
	v17 =	vmul.f32 $3.200000000e+01, v17;
	v9 =	vld [tilespmem:s20+$0x4050]  }
0x235: {  	[tilespmem:s20+$0x6020] =	vst v8;
	v14 =	vadd.f32 v13, v16;
	v15 =	vmul.f32 $3.200000000e+01, v12;
	v7 =	vld [tilespmem:s20+$0x6050]  }
0x236: {  	[tilespmem:s20+$0x2030] =	vst v19;
	v12 =	vadd.f32 v17, v16;
	v13 =	vmul.f32 $3.200000000e+01, v18;
	v8 =	vld [tilespmem:s20+$0x2060]  }
0x237: {  	[tilespmem:s20+$0x4030] =	vst v14;
	v14 =	vadd.f32 v15, v6;
	v11 =	vmul.f32 $3.200000000e+01, v11;
	v15 =	vld [tilespmem:s20+$0x4060]  }
0x238: {  	[tilespmem:s20+$0x6030] =	vst v12;
	v12 =	vadd.f32 v13, v6;
	v10 =	vmul.f32 $3.200000000e+01, v10;
	v13 =	vld [tilespmem:s20+$0x6060]  }
0x239: {  	[tilespmem:s20+$0x2040] =	vst v14;
	v6 =	vadd.f32 v11, v6;
	v9 =	vmul.f32 $3.200000000e+01, v9;
	v11 =	vld [tilespmem:s20+$0x2070]  }
0x23a: {  	[tilespmem:s20+$0x4040] =	vst v12;
	v10 =	vadd.f32 v10, v5;
	v7 =	vmul.f32 $3.200000000e+01, v7;
	v12 =	vld [tilespmem:s20+$0x4070]  }
0x23b: {  	[tilespmem:s20+$0x6040] =	vst v6;
	v6 =	vadd.f32 v9, v5;
	v8 =	vmul.f32 $3.200000000e+01, v8  }
0x23c: {  	[tilespmem:s20+$0x2050] =	vst v10;
	v5 =	vadd.f32 v7, v5;
	v7 =	vmul.f32 $3.200000000e+01, v15  }
0x23d: {  	[tilespmem:s20+$0x4050] =	vst v6;
	v6 =	vadd.f32 v8, v4;
	v8 =	vmul.f32 $3.200000000e+01, v13  }
0x23e: {  	[tilespmem:s20+$0x6050] =	vst v5;
	v5 =	vadd.f32 v7, v4;
	v7 =	vmul.f32 $3.200000000e+01, v11  }
0x23f: {  	[tilespmem:s20+$0x2060] =	vst v6;
	v4 =	vadd.f32 v8, v4;
	v6 =	vmul.f32 $3.200000000e+01, v12  }
0x240: {  	[tilespmem:s20+$0x4060] =	vst v5;
	v5 =	vadd.f32 v7, v3  }
0x241: {  	[tilespmem:s20+$0x6060] =	vst v4;
	v3 =	vadd.f32 v6, v3  }
0x242: {  	[tilespmem:s20+$0x2070] =	vst v5  }
0x243: {  	[tilespmem:s20+$0x4070] =	vst v3  }
0x244: {  	s17 =	simm.s32 $0x0;
	s9 =	simm.s32 $0x10400;
	s6 =	rddreg [dreg:$0xe]  }
0x245: {  	[hbm4b:s6+s17] =	stream.linear.scatter [tilespmem:s9], [sflag:$0x9], $0x2000, $0x38;
	[tilespmem:$0x1E400] =	vst v63  }
0x246: {  	s9 =	sld [smem:$0x7EC];
	_ =	sdelay $0x1  }
0x247: {  	s20 =	simm.s32 $0x12400;
	s21 =	sld [smem:$0x7ED]  }
0x248: {  	[hbm4b:s9+s17] =	stream.linear.scatter [tilespmem:s20], [sflag:$0x9], $0x2000, $0x38;
	[tilespmem:$0x1E400] =	vst v63  }
0x249: {  	s23 =	sld [smem:$0x7EE]  }
0x24a: {  	[hbm4b:s21+s17] =	stream.linear.scatter [tilespmem:s24], [sflag:$0x9], $0x2000, $0x38;
	[tilespmem:$0x1E400] =	vst v63  }
0x24b: {  	_ = 	snop  }
0x24c: {  	[hbm4b:s23+s17] =	stream.linear.scatter [tilespmem:s25], [sflag:$0x9], $0x2000, $0x38;
	[tilespmem:$0x1E400] =	vst v63  }
0x24d: {  	_ =	swait.ge [sflag:s13], $0x2000  }
0x24e: {  	[sflag:s13] =	ssyncset.done $0x0  }
0x24f: {  	[sflag:s13] =	ssyncadd.s32 $0xFFFFE000  }
0x250: {  	_ =	swait.ge [sflag:s13], $0x2000  }
0x251: {  	[sflag:s13] =	ssyncset.done $0x0  }
0x252: {  	[sflag:s13] =	ssyncadd.s32 $0xFFFFE000  }
0x253: {  	_ =	swait.ge [sflag:s13], $0x2000  }
0x254: {  	[sflag:s13] =	ssyncset.done $0x0  }
0x255: {  	[sflag:s13] =	ssyncadd.s32 $0xFFFFE000  }
0x256: {  	_ =	swait.ge [sflag:s13], $0x2000  }
0x257: {  	[sflag:s13] =	ssyncset.done $0x0  }
0x258: {  	s9 =	simm.s32 $0xE;
	[sflag:s13] =	ssyncadd.s32 $0xFFFFE000  }
0x259: {  	_ =	swait.ge [sflag:s9], $0x80  }
0x25a: {  	[sflag:s9] =	ssyncset.done $0x0  }
0x25b: {  	[sflag:s9] =	ssyncadd.s32 $0xFFFFFF80  }
0x25c: {  	v3 =	vld [tilespmem:$0x200];
	_ =	sdelay $0x4  }
0x25d: {  	v4 =	vshll.u32 v3, $0x3  }
0x25e: {  	v3 =	vand.u32 $0x7, v3;
	v4 =	vand.u32 $0xFFFFFFC0, v4  }
0x25f: {  	v3 =	vor.u32 v3, v4  }
0x260: {  	v4 =	vperm.xlane v3, v0;
	_ =	sdelay $0x1  }
0x261: {  	v4 =	vadd.s32 v1, v4;
	_ =	sdelay $0x4  }
0x262: {  	[tilespmem:s22], [sflag:$0x2] =	stream.indirect_vreg.gather [hbm4b:s1+s17], $0x80, v4, vm0, $0xb8;
	[tilespmem:$0x1E400] =	vst v63  }
0x263: {  	s20 =	simm.s32 $0x8C00;
	v3 =	vperm.xlane v3, v2  }
0x264: {  	[tilespmem:s20], [sflag:$0x2] =	stream.indirect_vreg.gather [hbm4b:s30+s17], $0x80, v4, vm0, $0xb8;
	[tilespmem:$0x1E400] =	vst v63  }
0x265: {  	s21 =	simm.s32 $0x9400;
	v3 =	vadd.s32 v1, v3  }
0x266: {  	[tilespmem:s21], [sflag:$0x2] =	stream.indirect_vreg.gather [hbm4b:s31+s17], $0x80, v4, vm0, $0xb8;
	[tilespmem:$0x1E400] =	vst v63  }
0x267: {  	s23 =	simm.s32 $0x9C00  }
0x268: {  	[tilespmem:s23], [sflag:$0x2] =	stream.indirect_vreg.gather [hbm4b:s0+s17], $0x80, v4, vm0, $0xb8;
	[tilespmem:$0x1E400] =	vst v63  }
0x269: {  	_ = 	snop  }
0x26a: {  	[tilespmem:s26], [sflag:$0x2] =	stream.indirect_vreg.gather [hbm4b:s1+s17], $0x80, v3, vm0, $0xb8;
	[tilespmem:$0x1E400] =	vst v63  }
0x26b: {  	s9 =	simm.s32 $0xAC00  }
0x26c: {  	[tilespmem:s9], [sflag:$0x2] =	stream.indirect_vreg.gather [hbm4b:s30+s17], $0x80, v3, vm0, $0xb8;
	[tilespmem:$0x1E400] =	vst v63  }
0x26d: {  	s20 =	simm.s32 $0xB400  }
0x26e: {  	[tilespmem:s20], [sflag:$0x2] =	stream.indirect_vreg.gather [hbm4b:s31+s17], $0x80, v3, vm0, $0xb8;
	[tilespmem:$0x1E400] =	vst v63  }
0x26f: {  	s21 =	simm.s32 $0xBC00  }
0x270: {  	[tilespmem:s21], [sflag:$0x2] =	stream.indirect_vreg.gather [hbm4b:s0+s17], $0x80, v3, vm0, $0xb8;
	[tilespmem:$0x1E400] =	vst v63  }
0x271: {  	v3 =	vld [tilespmem:$0x210];
	_ =	sdelay $0x4  }
0x272: {  	v4 =	vshll.u32 v3, $0x3  }
0x273: {  	v3 =	vand.u32 $0x7, v3;
	v4 =	vand.u32 $0xFFFFFFC0, v4  }
0x274: {  	v3 =	vor.u32 v3, v4  }
0x275: {  	v4 =	vperm.xlane v3, v0;
	_ =	sdelay $0x1  }
0x276: {  	v4 =	vadd.s32 v1, v4;
	_ =	sdelay $0x4  }
0x277: {  	[tilespmem:s5], [sflag:$0x2] =	stream.indirect_vreg.gather [hbm4b:s1+s17], $0x80, v4, vm0, $0xb8;
	[tilespmem:$0x1E400] =	vst v63  }
0x278: {  	s23 =	simm.s32 $0xCC00;
	v3 =	vperm.xlane v3, v2  }
0x279: {  	[tilespmem:s23], [sflag:$0x2] =	stream.indirect_vreg.gather [hbm4b:s30+s17], $0x80, v4, vm0, $0xb8;
	[tilespmem:$0x1E400] =	vst v63  }
0x27a: {  	s9 =	simm.s32 $0xD400;
	v3 =	vadd.s32 v1, v3  }
0x27b: {  	[tilespmem:s9], [sflag:$0x2] =	stream.indirect_vreg.gather [hbm4b:s31+s17], $0x80, v4, vm0, $0xb8;
	[tilespmem:$0x1E400] =	vst v63  }
0x27c: {  	s20 =	simm.s32 $0xDC00  }
0x27d: {  	[tilespmem:s20], [sflag:$0x2] =	stream.indirect_vreg.gather [hbm4b:s0+s17], $0x80, v4, vm0, $0xb8;
	[tilespmem:$0x1E400] =	vst v63  }
0x27e: {  	_ = 	snop  }
0x27f: {  	[tilespmem:s11], [sflag:$0x2] =	stream.indirect_vreg.gather [hbm4b:s1+s17], $0x80, v3, vm0, $0xb8;
	[tilespmem:$0x1E400] =	vst v63  }
0x280: {  	s21 =	simm.s32 $0xEC00  }
0x281: {  	[tilespmem:s21], [sflag:$0x2] =	stream.indirect_vreg.gather [hbm4b:s30+s17], $0x80, v3, vm0, $0xb8;
	[tilespmem:$0x1E400] =	vst v63  }
0x282: {  	s23 =	simm.s32 $0xF400  }
0x283: {  	[tilespmem:s23], [sflag:$0x2] =	stream.indirect_vreg.gather [hbm4b:s31+s17], $0x80, v3, vm0, $0xb8;
	[tilespmem:$0x1E400] =	vst v63  }
0x284: {  	s9 =	simm.s32 $0xFC00  }
0x285: {  	[tilespmem:s9], [sflag:$0x2] =	stream.indirect_vreg.gather [hbm4b:s0+s17], $0x80, v3, vm0, $0xb8;
	[tilespmem:$0x1E400] =	vst v63  }
0x286: {  	s20 =	rddreg [dreg:$0xf];
	s21 =	simm.s32 $0x1A400  }
0x287: {  	[tilespmem:s21], [sflag:$0x5] =	stream.linear.gather [hbm4b:s20+s17], $0x2000, $0x38;
	[tilespmem:$0x1E400] =	vst v63  }
0x288: {  	_ =	swait.ge [sflag:s18], $0x8000  }
0x289: {  	[sflag:s18] =	ssyncset.done $0x0  }
0x28a: {  	[sflag:s18] =	ssyncadd.s32 $0xFFFF8000  }
0x28b: {  	s6 =	simm.s32 $0x0;
	_ =	swait.ge [sflag:s19], $0x2000  }
0x28c: {  	s23 =	sand.u32 $0xFFFFFF80, s6;
	s9 =	sand.u32 $0x1C00, s17;
	[sflag:s19] =	ssyncset.done $0x0  }
0x28d: {  	s21 =	sadd.s32 s9, s23;
	[sflag:s19] =	ssyncadd.s32 $0xFFFFE000  }
0x28e: {  	v4 =	vld [tilespmem:s21+$0x470]  }
0x28f: {  	v5 =	vld [tilespmem:s21+$0x400]  }
0x290: {  	v3 =	vld [tilespmem:s21+$0x18470]  }
0x291: {  	v7 =	vld [tilespmem:s21+$0x410]  }
0x292: {  	v8 =	vld [tilespmem:s21+$0x420]  }
0x293: {  	v9 =	vld [tilespmem:s21+$0x430]  }
0x294: {  	v10 =	vld [tilespmem:s21+$0x440]  }
0x295: {  	v11 =	vld [tilespmem:s21+$0x450]  }
0x296: {  	v13 =	vld [tilespmem:s21+$0x18400]  }
0x297: {  	v12 =	vld [tilespmem:s21+$0x460];
	v4 =	vmul.f32 $3.200000000e+01, v4  }
0x298: {  	v14 =	vld [tilespmem:s21+$0x18410]  }
0x299: {  	v15 =	vld [tilespmem:s21+$0x18420];
	v5 =	vmul.f32 $3.200000000e+01, v5;
	v4 =	vadd.f32 v4, v3  }
0x29a: {  	s6 =	sand.u32 $0x3FFFFF80, s6;
	v16 =	vld [tilespmem:s21+$0x18430]  }
0x29b: {  	s20 =	sadd.s32 s9, s6;
	v6 =	vld [tilespmem:s21+$0x18440];
	v17 =	vadd.f32 v5, v13;
	[tilespmem:s21+$0x470] =	vst v4  }
0x29c: {  	v7 =	vmul.f32 $3.200000000e+01, v7;
	v4 =	vld [tilespmem:s20+$0x6470]  }
0x29d: {  	v5 =	vld [tilespmem:s21+$0x18450];
	[tilespmem:s21+$0x400] =	vst v17  }
0x29e: {  	v8 =	vmul.f32 $3.200000000e+01, v8;
	v7 =	vadd.f32 v7, v14;
	v17 =	vld [tilespmem:s20+$0x2400]  }
0x29f: {  	v9 =	vmul.f32 $3.200000000e+01, v9;
	v19 =	vld [tilespmem:s20+$0x4400]  }
0x2a0: {  	v8 =	vadd.f32 v8, v15;
	[tilespmem:s21+$0x410] =	vst v7;
	v7 =	vld [tilespmem:s20+$0x6400]  }
0x2a1: {  	v10 =	vmul.f32 $3.200000000e+01, v10;
	v9 =	vadd.f32 v9, v16;
	v18 =	vmul.f32 $3.200000000e+01, v4;
	v4 =	vld [tilespmem:s21+$0x18460]  }
0x2a2: {  	v11 =	vmul.f32 $3.200000000e+01, v11;
	[tilespmem:s21+$0x420] =	vst v8;
	v8 =	vld [tilespmem:s20+$0x4410]  }
0x2a3: {  	v10 =	vadd.f32 v10, v6;
	[tilespmem:s21+$0x430] =	vst v9;
	v60 =	vld [tilespmem:s20+$0x2410];
	v9 =	vmul.f32 $3.200000000e+01, v17  }
0x2a4: {  	v12 =	vmul.f32 $3.200000000e+01, v12;
	v61 =	vld [tilespmem:s20+$0x2420];
	v11 =	vadd.f32 v11, v5  }
0x2a5: {  	[tilespmem:s21+$0x440] =	vst v10;
	v17 =	vld [tilespmem:s20+$0x6410];
	v7 =	vmul.f32 $3.200000000e+01, v7;
	v9 =	vadd.f32 v9, v13  }
0x2a6: {  	[tilespmem:s21+$0x450] =	vst v11;
	v11 =	vld [tilespmem:s20+$0x4420];
	v10 =	vmul.f32 $3.200000000e+01, v19;
	v12 =	vadd.f32 v12, v4  }
0x2a7: {  	v62 =	vld [tilespmem:s20+$0x6420];
	v8 =	vmul.f32 $3.200000000e+01, v8;
	v7 =	vadd.f32 v7, v13;
	[tilespmem:s20+$0x2400] =	vst v9  }
0x2a8: {  	v10 =	vadd.f32 v10, v13;
	[tilespmem:s21+$0x460] =	vst v12;
	v12 =	vmul.f32 $3.200000000e+01, v60  }
0x2a9: {  	v9 =	vld [tilespmem:s20+$0x2430];
	[tilespmem:s20+$0x6400] =	vst v7;
	v7 =	vadd.f32 v8, v14  }
0x2aa: {  	v13 =	vld [tilespmem:s20+$0x4430];
	[tilespmem:s20+$0x4400] =	vst v10;
	v8 =	vmul.f32 $3.200000000e+01, v61;
	v10 =	vadd.f32 v12, v14;
	v12 =	vmul.f32 $3.200000000e+01, v17  }
0x2ab: {  	v18 =	vadd.f32 v18, v3;
	v11 =	vmul.f32 $3.200000000e+01, v11;
	[tilespmem:s20+$0x4410] =	vst v7;
	v17 =	vld [tilespmem:s20+$0x6430]  }
0x2ac: {  	v7 =	vadd.f32 v8, v15;
	v8 =	vmul.f32 $3.200000000e+01, v62;
	[tilespmem:s20+$0x2410] =	vst v10;
	v10 =	vadd.f32 v12, v14;
	v12 =	vld [tilespmem:s20+$0x2440]  }
0x2ad: {  	v63 =	vld [tilespmem:s20+$0x4440];
	[tilespmem:s20+$0x6470] =	vst v18  }
0x2ae: {  	[tilespmem:s20+$0x2420] =	vst v7;
	v7 =	vadd.f32 v8, v15;
	v9 =	vmul.f32 $3.200000000e+01, v9;
	v14 =	vadd.f32 v11, v15;
	v11 =	vld [tilespmem:s20+$0x6440]  }
0x2af: {  	v8 =	vmul.f32 $3.200000000e+01, v13;
	[tilespmem:s20+$0x6410] =	vst v10;
	v10 =	vld [tilespmem:s20+$0x2450]  }
0x2b0: {  	[tilespmem:s20+$0x6420] =	vst v7;
	v13 =	vadd.f32 v9, v16;
	v9 =	vld [tilespmem:s20+$0x4450];
	v17 =	vmul.f32 $3.200000000e+01, v17  }
0x2b1: {  	v7 =	vld [tilespmem:s20+$0x6450];
	[tilespmem:s20+$0x4420] =	vst v14;
	v14 =	vadd.f32 v8, v16;
	v15 =	vmul.f32 $3.200000000e+01, v12  }
0x2b2: {  	s6 =	simm.s32 $0x0;
	[tilespmem:s20+$0x2430] =	vst v13;
	v13 =	vmul.f32 $3.200000000e+01, v63;
	v8 =	vld [tilespmem:s20+$0x2460];
	v12 =	vadd.f32 v17, v16  }
.LBB2_8:
0x2b3: {  	s6 =	sadd.s32 $0x8, s6;
	[tilespmem:s20+$0x4430] =	vst v14;
	v14 =	vadd.f32 v15, v6;
	v11 =	vmul.f32 $3.200000000e+01, v11;
	v15 =	vld [tilespmem:s20+$0x4460]  }
0x2b4: {  	s17 =	sadd.s32 $0x400, s17;
	s21 =	sshll.u32 s6, $0x1;
	p0 =	slt.u32 s6, $0x1F8;
	[tilespmem:s20+$0x6430] =	vst v12;
	v12 =	vadd.f32 v13, v6;
	v10 =	vmul.f32 $3.200000000e+01, v10;
	v13 =	vld [tilespmem:s20+$0x6460]  }
0x2b5: {  	s23 =	sand.u32 $0x1C00, s17;
	s9 =	sand.u32 $0xFFFFFF80, s21;
	[tilespmem:s20+$0x2440] =	vst v14;
	v6 =	vadd.f32 v11, v6;
	v9 =	vmul.f32 $3.200000000e+01, v9;
	v11 =	vld [tilespmem:s20+$0x2470]  }
0x2b6: {  	s9 =	sadd.s32 s23, s9;
	[tilespmem:s20+$0x4440] =	vst v12;
	v10 =	vadd.f32 v10, v5;
	v7 =	vmul.f32 $3.200000000e+01, v7;
	v12 =	vld [tilespmem:s20+$0x4470]  }
0x2b7: {  	v14 =	vld [tilespmem:s9+$0x470];
	[tilespmem:s20+$0x6440] =	vst v6;
	v6 =	vadd.f32 v9, v5;
	v8 =	vmul.f32 $3.200000000e+01, v8  }
0x2b8: {  	v9 =	vld [tilespmem:s9+$0x400];
	[tilespmem:s20+$0x2450] =	vst v10;
	v5 =	vadd.f32 v7, v5;
	v7 =	vmul.f32 $3.200000000e+01, v15  }
0x2b9: {  	v10 =	vld [tilespmem:s9+$0x18470];
	[tilespmem:s20+$0x4450] =	vst v6;
	v6 =	vadd.f32 v8, v4;
	v8 =	vmul.f32 $3.200000000e+01, v13  }
0x2ba: {  	v13 =	vld [tilespmem:s9+$0x410];
	[tilespmem:s20+$0x6450] =	vst v5;
	v5 =	vadd.f32 v7, v4;
	v7 =	vmul.f32 $3.200000000e+01, v11  }
0x2bb: {  	v11 =	vld [tilespmem:s9+$0x420];
	[tilespmem:s20+$0x2460] =	vst v6;
	v4 =	vadd.f32 v8, v4;
	v6 =	vmul.f32 $3.200000000e+01, v12  }
0x2bc: {  	v8 =	vld [tilespmem:s9+$0x430];
	v12 =	vmul.f32 $3.200000000e+01, v14;
	[tilespmem:s20+$0x4460] =	vst v5;
	v5 =	vadd.f32 v7, v3  }
0x2bd: {  	v7 =	vmul.f32 $3.200000000e+01, v9;
	v9 =	vld [tilespmem:s9+$0x440];
	[tilespmem:s20+$0x6460] =	vst v4;
	v4 =	vadd.f32 v6, v3  }
0x2be: {  	v6 =	vld [tilespmem:s9+$0x450];
	v12 =	vadd.f32 v12, v10;
	[tilespmem:s20+$0x2470] =	vst v5;
	v3 =	vmov v10  }
0x2bf: {  	s21 =	sand.u32 $0x3FFFFF80, s21;
	v10 =	vmul.f32 $3.200000000e+01, v13;
	v5 =	vld [tilespmem:s9+$0x460];
	[tilespmem:s20+$0x4470] =	vst v4  }
0x2c0: {  	s20 =	sadd.s32 s23, s21;
	v13 =	vld [tilespmem:s9+$0x18400];
	v11 =	vmul.f32 $3.200000000e+01, v11;
	[tilespmem:s9+$0x470] =	vst v12  }
0x2c1: {  	v8 =	vmul.f32 $3.200000000e+01, v8;
	v4 =	vld [tilespmem:s20+$0x6470]  }
0x2c2: {  	v12 =	vld [tilespmem:s9+$0x18410];
	v9 =	vmul.f32 $3.200000000e+01, v9  }
0x2c3: {  	v14 =	vld [tilespmem:s9+$0x18420];
	v15 =	vmul.f32 $3.200000000e+01, v6  }
0x2c4: {  	v16 =	vld [tilespmem:s9+$0x18430];
	v17 =	vmul.f32 $3.200000000e+01, v5  }
0x2c5: {  	v7 =	vadd.f32 v7, v13;
	v6 =	vld [tilespmem:s9+$0x18440]  }
0x2c6: {  	v5 =	vld [tilespmem:s9+$0x18450];
	v18 =	vmul.f32 $3.200000000e+01, v4  }
0x2c7: {  	[tilespmem:s9+$0x400] =	vst v7;
	v7 =	vadd.f32 v10, v12;
	v4 =	vld [tilespmem:s9+$0x18460]  }
0x2c8: {  	v10 =	vld [tilespmem:s20+$0x2400];
	v11 =	vadd.f32 v11, v14;
	v18 =	vadd.f32 v18, v3  }
0x2c9: {  	v19 =	vld [tilespmem:s20+$0x4400];
	[tilespmem:s9+$0x410] =	vst v7;
	v7 =	vadd.f32 v8, v16  }
0x2ca: {  	v8 =	vld [tilespmem:s20+$0x6400];
	v9 =	vadd.f32 v9, v6;
	[tilespmem:s20+$0x6470] =	vst v18  }
0x2cb: {  	v18 =	vld [tilespmem:s20+$0x2410];
	[tilespmem:s9+$0x420] =	vst v11;
	v11 =	vadd.f32 v15, v5  }
0x2cc: {  	v15 =	vld [tilespmem:s20+$0x4410];
	[tilespmem:s9+$0x430] =	vst v7;
	v7 =	vadd.f32 v17, v4  }
0x2cd: {  	v10 =	vmul.f32 $3.200000000e+01, v10;
	v17 =	vld [tilespmem:s20+$0x6410];
	[tilespmem:s9+$0x440] =	vst v9  }
0x2ce: {  	v9 =	vmul.f32 $3.200000000e+01, v19;
	v19 =	vld [tilespmem:s20+$0x2420];
	[tilespmem:s9+$0x450] =	vst v11  }
0x2cf: {  	v10 =	vadd.f32 v10, v13;
	v8 =	vmul.f32 $3.200000000e+01, v8;
	v11 =	vld [tilespmem:s20+$0x4420];
	[tilespmem:s9+$0x460] =	vst v7  }
0x2d0: {  	v7 =	vadd.f32 v9, v13;
	v9 =	vmul.f32 $3.200000000e+01, v18;
	v18 =	vld [tilespmem:s20+$0x6420]  }
0x2d1: {  	[tilespmem:s20+$0x2400] =	vst v10;
	v8 =	vadd.f32 v8, v13;
	v10 =	vmul.f32 $3.200000000e+01, v15;
	v13 =	vld [tilespmem:s20+$0x2430]  }
0x2d2: {  	[tilespmem:s20+$0x4400] =	vst v7;
	v7 =	vadd.f32 v9, v12;
	v9 =	vmul.f32 $3.200000000e+01, v17;
	v15 =	vld [tilespmem:s20+$0x4430]  }
0x2d3: {  	[tilespmem:s20+$0x6400] =	vst v8;
	v8 =	vadd.f32 v10, v12;
	v10 =	vmul.f32 $3.200000000e+01, v19;
	v17 =	vld [tilespmem:s20+$0x6430]  }
0x2d4: {  	[tilespmem:s20+$0x2410] =	vst v7;
	v7 =	vadd.f32 v9, v12;
	v9 =	vmul.f32 $3.200000000e+01, v11;
	v12 =	vld [tilespmem:s20+$0x2440]  }
0x2d5: {  	[tilespmem:s20+$0x4410] =	vst v8;
	v8 =	vadd.f32 v10, v14;
	v10 =	vmul.f32 $3.200000000e+01, v18;
	v18 =	vld [tilespmem:s20+$0x4440]  }
.Ltmp3:
0x2d6: {  	[tilespmem:s20+$0x6410] =	vst v7;
	v7 =	vadd.f32 v9, v14;
	v9 =	vmul.f32 $3.200000000e+01, v13;
	v11 =	vld [tilespmem:s20+$0x6440];
	(pc) =	sbr.rel @p0 .LBB2_8-.Ltmp3, $4  }
0x2d7: {  	[tilespmem:s20+$0x2420] =	vst v8;
	v8 =	vadd.f32 v10, v14;
	v13 =	vmul.f32 $3.200000000e+01, v15;
	v10 =	vld [tilespmem:s20+$0x2450]  }
0x2d8: {  	[tilespmem:s20+$0x4420] =	vst v7;
	v19 =	vadd.f32 v9, v16;
	v17 =	vmul.f32 $3.200000000e+01, v17;
	v9 =	vld [tilespmem:s20+$0x4450]  }
0x2d9: {  	[tilespmem:s20+$0x6420] =	vst v8;
	v14 =	vadd.f32 v13, v16;
	v15 =	vmul.f32 $3.200000000e+01, v12;
	v7 =	vld [tilespmem:s20+$0x6450]  }
0x2da: {  	[tilespmem:s20+$0x2430] =	vst v19;
	v12 =	vadd.f32 v17, v16;
	v13 =	vmul.f32 $3.200000000e+01, v18;
	v8 =	vld [tilespmem:s20+$0x2460]  }
0x2db: {  	[tilespmem:s20+$0x4430] =	vst v14;
	v14 =	vadd.f32 v15, v6;
	v11 =	vmul.f32 $3.200000000e+01, v11;
	v15 =	vld [tilespmem:s20+$0x4460]  }
0x2dc: {  	[tilespmem:s20+$0x6430] =	vst v12;
	v12 =	vadd.f32 v13, v6;
	v10 =	vmul.f32 $3.200000000e+01, v10;
	v13 =	vld [tilespmem:s20+$0x6460]  }
0x2dd: {  	[tilespmem:s20+$0x2440] =	vst v14;
	v6 =	vadd.f32 v11, v6;
	v9 =	vmul.f32 $3.200000000e+01, v9;
	v11 =	vld [tilespmem:s20+$0x2470]  }
0x2de: {  	[tilespmem:s20+$0x4440] =	vst v12;
	v10 =	vadd.f32 v10, v5;
	v7 =	vmul.f32 $3.200000000e+01, v7;
	v12 =	vld [tilespmem:s20+$0x4470]  }
0x2df: {  	[tilespmem:s20+$0x6440] =	vst v6;
	v6 =	vadd.f32 v9, v5;
	v8 =	vmul.f32 $3.200000000e+01, v8  }
0x2e0: {  	[tilespmem:s20+$0x2450] =	vst v10;
	v5 =	vadd.f32 v7, v5;
	v7 =	vmul.f32 $3.200000000e+01, v15  }
0x2e1: {  	[tilespmem:s20+$0x4450] =	vst v6;
	v6 =	vadd.f32 v8, v4;
	v8 =	vmul.f32 $3.200000000e+01, v13  }
0x2e2: {  	[tilespmem:s20+$0x6450] =	vst v5;
	v5 =	vadd.f32 v7, v4;
	v7 =	vmul.f32 $3.200000000e+01, v11  }
0x2e3: {  	[tilespmem:s20+$0x2460] =	vst v6;
	v4 =	vadd.f32 v8, v4;
	v6 =	vmul.f32 $3.200000000e+01, v12  }
0x2e4: {  	[tilespmem:s20+$0x4460] =	vst v5;
	v5 =	vadd.f32 v7, v3  }
0x2e5: {  	[tilespmem:s20+$0x6460] =	vst v4;
	v3 =	vadd.f32 v6, v3  }
0x2e6: {  	[tilespmem:s20+$0x2470] =	vst v5  }
0x2e7: {  	[tilespmem:s20+$0x4470] =	vst v3  }
0x2e8: {  	s6 =	rddreg [dreg:$0x10]  }
0x2e9: {  	s17 =	simm.s32 $0x0;
	s9 =	sld [smem:$0x7EF]  }
0x2ea: {  	[hbm4b:s6+s17] =	stream.linear.scatter [tilespmem:s2], [sflag:$0x7], $0x2000, $0x38;
	[tilespmem:$0x1E400] =	vst v63  }
0x2eb: {  	s20 =	sld [smem:$0x7F0]  }
0x2ec: {  	[hbm4b:s9+s17] =	stream.linear.scatter [tilespmem:s7], [sflag:$0x7], $0x2000, $0x38;
	[tilespmem:$0x1E400] =	vst v63  }
0x2ed: {  	s21 =	sld [smem:$0x7F1]  }
0x2ee: {  	[hbm4b:s20+s17] =	stream.linear.scatter [tilespmem:s12], [sflag:$0x7], $0x2000, $0x38;
	[tilespmem:$0x1E400] =	vst v63  }
0x2ef: {  	_ = 	snop  }
0x2f0: {  	[hbm4b:s21+s17] =	stream.linear.scatter [tilespmem:s16], [sflag:$0x7], $0x2000, $0x38;
	[tilespmem:$0x1E400] =	vst v63  }
0x2f1: {  	_ =	swait.ge [sflag:s15], $0x2000  }
0x2f2: {  	[sflag:s15] =	ssyncset.done $0x0  }
0x2f3: {  	[sflag:s15] =	ssyncadd.s32 $0xFFFFE000  }
0x2f4: {  	_ =	swait.ge [sflag:s15], $0x2000  }
0x2f5: {  	[sflag:s15] =	ssyncset.done $0x0  }
0x2f6: {  	[sflag:s15] =	ssyncadd.s32 $0xFFFFE000  }
0x2f7: {  	_ =	swait.ge [sflag:s15], $0x2000  }
0x2f8: {  	[sflag:s15] =	ssyncset.done $0x0  }
0x2f9: {  	[sflag:s15] =	ssyncadd.s32 $0xFFFFE000  }
0x2fa: {  	_ =	swait.ge [sflag:s15], $0x2000  }
0x2fb: {  	[sflag:s15] =	ssyncset.done $0x0  }
0x2fc: {  	s23 =	simm.s32 $0xF;
	[sflag:s15] =	ssyncadd.s32 $0xFFFFE000  }
0x2fd: {  	_ =	swait.ge [sflag:s23], $0x80  }
0x2fe: {  	[sflag:s23] =	ssyncset.done $0x0  }
0x2ff: {  	[sflag:s23] =	ssyncadd.s32 $0xFFFFFF80  }
0x300: {  	v3 =	vld [tilespmem:$0x280];
	_ =	sdelay $0x4  }
0x301: {  	v4 =	vshll.u32 v3, $0x3  }
0x302: {  	v3 =	vand.u32 $0x7, v3;
	v4 =	vand.u32 $0xFFFFFFC0, v4  }
0x303: {  	v3 =	vor.u32 v3, v4  }
0x304: {  	v4 =	vperm.xlane v3, v0;
	_ =	sdelay $0x1  }
0x305: {  	v4 =	vadd.s32 v1, v4;
	_ =	sdelay $0x3  }
0x306: {  	s9 =	simm.s32 $0x10400  }
0x307: {  	[tilespmem:s9], [sflag:$0x3] =	stream.indirect_vreg.gather [hbm4b:s1+s17], $0x80, v4, vm0, $0xb8;
	[tilespmem:$0x1E400] =	vst v63  }
0x308: {  	s20 =	simm.s32 $0x10C00;
	v3 =	vperm.xlane v3, v2  }
0x309: {  	[tilespmem:s20], [sflag:$0x3] =	stream.indirect_vreg.gather [hbm4b:s30+s17], $0x80, v4, vm0, $0xb8;
	[tilespmem:$0x1E400] =	vst v63  }
0x30a: {  	s21 =	simm.s32 $0x11400;
	v3 =	vadd.s32 v1, v3  }
0x30b: {  	[tilespmem:s21], [sflag:$0x3] =	stream.indirect_vreg.gather [hbm4b:s31+s17], $0x80, v4, vm0, $0xb8;
	[tilespmem:$0x1E400] =	vst v63  }
0x30c: {  	s23 =	simm.s32 $0x11C00  }
0x30d: {  	[tilespmem:s23], [sflag:$0x3] =	stream.indirect_vreg.gather [hbm4b:s0+s17], $0x80, v4, vm0, $0xb8;
	[tilespmem:$0x1E400] =	vst v63  }
0x30e: {  	s9 =	simm.s32 $0x12400  }
0x30f: {  	[tilespmem:s9], [sflag:$0x3] =	stream.indirect_vreg.gather [hbm4b:s1+s17], $0x80, v3, vm0, $0xb8;
	[tilespmem:$0x1E400] =	vst v63  }
0x310: {  	s20 =	simm.s32 $0x12C00  }
0x311: {  	[tilespmem:s20], [sflag:$0x3] =	stream.indirect_vreg.gather [hbm4b:s30+s17], $0x80, v3, vm0, $0xb8;
	[tilespmem:$0x1E400] =	vst v63  }
0x312: {  	s21 =	simm.s32 $0x13400  }
0x313: {  	[tilespmem:s21], [sflag:$0x3] =	stream.indirect_vreg.gather [hbm4b:s31+s17], $0x80, v3, vm0, $0xb8;
	[tilespmem:$0x1E400] =	vst v63  }
0x314: {  	s23 =	simm.s32 $0x13C00  }
0x315: {  	[tilespmem:s23], [sflag:$0x3] =	stream.indirect_vreg.gather [hbm4b:s0+s17], $0x80, v3, vm0, $0xb8;
	[tilespmem:$0x1E400] =	vst v63  }
0x316: {  	v3 =	vld [tilespmem:$0x290];
	_ =	sdelay $0x4  }
0x317: {  	v4 =	vshll.u32 v3, $0x3  }
0x318: {  	v3 =	vand.u32 $0x7, v3;
	v4 =	vand.u32 $0xFFFFFFC0, v4  }
0x319: {  	v3 =	vor.u32 v3, v4  }
0x31a: {  	v4 =	vperm.xlane v3, v0;
	_ =	sdelay $0x1  }
0x31b: {  	v4 =	vadd.s32 v1, v4;
	_ =	sdelay $0x4  }
0x31c: {  	[tilespmem:s24], [sflag:$0x3] =	stream.indirect_vreg.gather [hbm4b:s1+s17], $0x80, v4, vm0, $0xb8;
	[tilespmem:$0x1E400] =	vst v63  }
0x31d: {  	s9 =	simm.s32 $0x14C00;
	v3 =	vperm.xlane v3, v2  }
0x31e: {  	[tilespmem:s9], [sflag:$0x3] =	stream.indirect_vreg.gather [hbm4b:s30+s17], $0x80, v4, vm0, $0xb8;
	[tilespmem:$0x1E400] =	vst v63  }
0x31f: {  	s20 =	simm.s32 $0x15400;
	v3 =	vadd.s32 v1, v3  }
0x320: {  	[tilespmem:s20], [sflag:$0x3] =	stream.indirect_vreg.gather [hbm4b:s31+s17], $0x80, v4, vm0, $0xb8;
	[tilespmem:$0x1E400] =	vst v63  }
0x321: {  	s21 =	simm.s32 $0x15C00  }
0x322: {  	[tilespmem:s21], [sflag:$0x3] =	stream.indirect_vreg.gather [hbm4b:s0+s17], $0x80, v4, vm0, $0xb8;
	[tilespmem:$0x1E400] =	vst v63  }
0x323: {  	_ = 	snop  }
0x324: {  	[tilespmem:s25], [sflag:$0x3] =	stream.indirect_vreg.gather [hbm4b:s1+s17], $0x80, v3, vm0, $0xb8;
	[tilespmem:$0x1E400] =	vst v63  }
0x325: {  	s23 =	simm.s32 $0x16C00  }
0x326: {  	[tilespmem:s23], [sflag:$0x3] =	stream.indirect_vreg.gather [hbm4b:s30+s17], $0x80, v3, vm0, $0xb8;
	[tilespmem:$0x1E400] =	vst v63  }
0x327: {  	s9 =	simm.s32 $0x17400  }
0x328: {  	[tilespmem:s9], [sflag:$0x3] =	stream.indirect_vreg.gather [hbm4b:s31+s17], $0x80, v3, vm0, $0xb8;
	[tilespmem:$0x1E400] =	vst v63  }
0x329: {  	s20 =	simm.s32 $0x17C00  }
0x32a: {  	[tilespmem:s20], [sflag:$0x3] =	stream.indirect_vreg.gather [hbm4b:s0+s17], $0x80, v3, vm0, $0xb8;
	[tilespmem:$0x1E400] =	vst v63  }
0x32b: {  	s21 =	rddreg [dreg:$0x11];
	s9 =	simm.s32 $0x1C400  }
0x32c: {  	[tilespmem:s9], [sflag:$0x6] =	stream.linear.gather [hbm4b:s21+s17], $0x2000, $0x38;
	[tilespmem:$0x1E400] =	vst v63  }
0x32d: {  	_ =	swait.ge [sflag:s28], $0x8000  }
0x32e: {  	[sflag:s28] =	ssyncset.done $0x0  }
0x32f: {  	[sflag:s28] =	ssyncadd.s32 $0xFFFF8000  }
0x330: {  	s6 =	simm.s32 $0x0;
	_ =	swait.ge [sflag:s29], $0x2000  }
0x331: {  	s23 =	sand.u32 $0xFFFFFF80, s6;
	s9 =	sand.u32 $0x1C00, s17;
	[sflag:s29] =	ssyncset.done $0x0  }
0x332: {  	s21 =	sadd.s32 s9, s23;
	[sflag:s29] =	ssyncadd.s32 $0xFFFFE000  }
0x333: {  	v4 =	vld [tilespmem:s21+$0x8470]  }
0x334: {  	v5 =	vld [tilespmem:s21+$0x8400]  }
0x335: {  	v3 =	vld [tilespmem:s21+$0x1A470]  }
0x336: {  	v7 =	vld [tilespmem:s21+$0x8410]  }
0x337: {  	v8 =	vld [tilespmem:s21+$0x8420]  }
0x338: {  	v9 =	vld [tilespmem:s21+$0x8430]  }
0x339: {  	v10 =	vld [tilespmem:s21+$0x8440]  }
0x33a: {  	v11 =	vld [tilespmem:s21+$0x8450]  }
0x33b: {  	v13 =	vld [tilespmem:s21+$0x1A400]  }
0x33c: {  	v12 =	vld [tilespmem:s21+$0x8460];
	v4 =	vmul.f32 $3.200000000e+01, v4  }
0x33d: {  	v14 =	vld [tilespmem:s21+$0x1A410]  }
0x33e: {  	v15 =	vld [tilespmem:s21+$0x1A420];
	v5 =	vmul.f32 $3.200000000e+01, v5;
	v4 =	vadd.f32 v4, v3  }
0x33f: {  	s6 =	sand.u32 $0x3FFFFF80, s6;
	v16 =	vld [tilespmem:s21+$0x1A430]  }
0x340: {  	s20 =	sadd.s32 s9, s6;
	v6 =	vld [tilespmem:s21+$0x1A440];
	v17 =	vadd.f32 v5, v13;
	[tilespmem:s21+$0x8470] =	vst v4  }
0x341: {  	v7 =	vmul.f32 $3.200000000e+01, v7;
	v4 =	vld [tilespmem:s20+$0xE470]  }
0x342: {  	v5 =	vld [tilespmem:s21+$0x1A450];
	[tilespmem:s21+$0x8400] =	vst v17  }
0x343: {  	v8 =	vmul.f32 $3.200000000e+01, v8;
	v7 =	vadd.f32 v7, v14;
	v17 =	vld [tilespmem:s20+$0xA400]  }
0x344: {  	v9 =	vmul.f32 $3.200000000e+01, v9;
	v19 =	vld [tilespmem:s20+$0xC400]  }
0x345: {  	v8 =	vadd.f32 v8, v15;
	[tilespmem:s21+$0x8410] =	vst v7;
	v7 =	vld [tilespmem:s20+$0xE400]  }
0x346: {  	v10 =	vmul.f32 $3.200000000e+01, v10;
	v9 =	vadd.f32 v9, v16;
	v18 =	vmul.f32 $3.200000000e+01, v4;
	v4 =	vld [tilespmem:s21+$0x1A460]  }
0x347: {  	v11 =	vmul.f32 $3.200000000e+01, v11;
	[tilespmem:s21+$0x8420] =	vst v8;
	v8 =	vld [tilespmem:s20+$0xC410]  }
0x348: {  	v10 =	vadd.f32 v10, v6;
	[tilespmem:s21+$0x8430] =	vst v9;
	v60 =	vld [tilespmem:s20+$0xA410];
	v9 =	vmul.f32 $3.200000000e+01, v17  }
0x349: {  	v12 =	vmul.f32 $3.200000000e+01, v12;
	v61 =	vld [tilespmem:s20+$0xA420];
	v11 =	vadd.f32 v11, v5  }
0x34a: {  	[tilespmem:s21+$0x8440] =	vst v10;
	v17 =	vld [tilespmem:s20+$0xE410];
	v7 =	vmul.f32 $3.200000000e+01, v7;
	v9 =	vadd.f32 v9, v13  }
0x34b: {  	[tilespmem:s21+$0x8450] =	vst v11;
	v11 =	vld [tilespmem:s20+$0xC420];
	v10 =	vmul.f32 $3.200000000e+01, v19;
	v12 =	vadd.f32 v12, v4  }
0x34c: {  	v62 =	vld [tilespmem:s20+$0xE420];
	v8 =	vmul.f32 $3.200000000e+01, v8;
	v7 =	vadd.f32 v7, v13;
	[tilespmem:s20+$0xA400] =	vst v9  }
0x34d: {  	v10 =	vadd.f32 v10, v13;
	[tilespmem:s21+$0x8460] =	vst v12;
	v12 =	vmul.f32 $3.200000000e+01, v60  }
0x34e: {  	v9 =	vld [tilespmem:s20+$0xA430];
	[tilespmem:s20+$0xE400] =	vst v7;
	v7 =	vadd.f32 v8, v14  }
0x34f: {  	v13 =	vld [tilespmem:s20+$0xC430];
	[tilespmem:s20+$0xC400] =	vst v10;
	v8 =	vmul.f32 $3.200000000e+01, v61;
	v10 =	vadd.f32 v12, v14;
	v12 =	vmul.f32 $3.200000000e+01, v17  }
0x350: {  	v18 =	vadd.f32 v18, v3;
	v11 =	vmul.f32 $3.200000000e+01, v11;
	[tilespmem:s20+$0xC410] =	vst v7;
	v17 =	vld [tilespmem:s20+$0xE430]  }
0x351: {  	v7 =	vadd.f32 v8, v15;
	v8 =	vmul.f32 $3.200000000e+01, v62;
	[tilespmem:s20+$0xA410] =	vst v10;
	v10 =	vadd.f32 v12, v14;
	v12 =	vld [tilespmem:s20+$0xA440]  }
0x352: {  	v63 =	vld [tilespmem:s20+$0xC440];
	[tilespmem:s20+$0xE470] =	vst v18  }
0x353: {  	[tilespmem:s20+$0xA420] =	vst v7;
	v7 =	vadd.f32 v8, v15;
	v9 =	vmul.f32 $3.200000000e+01, v9;
	v14 =	vadd.f32 v11, v15;
	v11 =	vld [tilespmem:s20+$0xE440]  }
0x354: {  	v8 =	vmul.f32 $3.200000000e+01, v13;
	[tilespmem:s20+$0xE410] =	vst v10;
	v10 =	vld [tilespmem:s20+$0xA450]  }
0x355: {  	[tilespmem:s20+$0xE420] =	vst v7;
	v13 =	vadd.f32 v9, v16;
	v9 =	vld [tilespmem:s20+$0xC450];
	v17 =	vmul.f32 $3.200000000e+01, v17  }
0x356: {  	v7 =	vld [tilespmem:s20+$0xE450];
	[tilespmem:s20+$0xC420] =	vst v14;
	v14 =	vadd.f32 v8, v16;
	v15 =	vmul.f32 $3.200000000e+01, v12  }
0x357: {  	s6 =	simm.s32 $0x0;
	[tilespmem:s20+$0xA430] =	vst v13;
	v13 =	vmul.f32 $3.200000000e+01, v63;
	v8 =	vld [tilespmem:s20+$0xA460];
	v12 =	vadd.f32 v17, v16  }
.LBB2_10:
0x358: {  	s6 =	sadd.s32 $0x8, s6;
	[tilespmem:s20+$0xC430] =	vst v14;
	v14 =	vadd.f32 v15, v6;
	v11 =	vmul.f32 $3.200000000e+01, v11;
	v15 =	vld [tilespmem:s20+$0xC460]  }
0x359: {  	s17 =	sadd.s32 $0x400, s17;
	s21 =	sshll.u32 s6, $0x1;
	p0 =	slt.u32 s6, $0x1F8;
	[tilespmem:s20+$0xE430] =	vst v12;
	v12 =	vadd.f32 v13, v6;
	v10 =	vmul.f32 $3.200000000e+01, v10;
	v13 =	vld [tilespmem:s20+$0xE460]  }
0x35a: {  	s23 =	sand.u32 $0x1C00, s17;
	s9 =	sand.u32 $0xFFFFFF80, s21;
	[tilespmem:s20+$0xA440] =	vst v14;
	v6 =	vadd.f32 v11, v6;
	v9 =	vmul.f32 $3.200000000e+01, v9;
	v11 =	vld [tilespmem:s20+$0xA470]  }
0x35b: {  	s9 =	sadd.s32 s23, s9;
	[tilespmem:s20+$0xC440] =	vst v12;
	v10 =	vadd.f32 v10, v5;
	v7 =	vmul.f32 $3.200000000e+01, v7;
	v12 =	vld [tilespmem:s20+$0xC470]  }
0x35c: {  	v14 =	vld [tilespmem:s9+$0x8470];
	[tilespmem:s20+$0xE440] =	vst v6;
	v6 =	vadd.f32 v9, v5;
	v8 =	vmul.f32 $3.200000000e+01, v8  }
0x35d: {  	v9 =	vld [tilespmem:s9+$0x8400];
	[tilespmem:s20+$0xA450] =	vst v10;
	v5 =	vadd.f32 v7, v5;
	v7 =	vmul.f32 $3.200000000e+01, v15  }
0x35e: {  	v10 =	vld [tilespmem:s9+$0x1A470];
	[tilespmem:s20+$0xC450] =	vst v6;
	v6 =	vadd.f32 v8, v4;
	v8 =	vmul.f32 $3.200000000e+01, v13  }
0x35f: {  	v13 =	vld [tilespmem:s9+$0x8410];
	[tilespmem:s20+$0xE450] =	vst v5;
	v5 =	vadd.f32 v7, v4;
	v7 =	vmul.f32 $3.200000000e+01, v11  }
0x360: {  	v11 =	vld [tilespmem:s9+$0x8420];
	[tilespmem:s20+$0xA460] =	vst v6;
	v4 =	vadd.f32 v8, v4;
	v6 =	vmul.f32 $3.200000000e+01, v12  }
0x361: {  	v8 =	vld [tilespmem:s9+$0x8430];
	v12 =	vmul.f32 $3.200000000e+01, v14;
	[tilespmem:s20+$0xC460] =	vst v5;
	v5 =	vadd.f32 v7, v3  }
0x362: {  	v7 =	vmul.f32 $3.200000000e+01, v9;
	v9 =	vld [tilespmem:s9+$0x8440];
	[tilespmem:s20+$0xE460] =	vst v4;
	v4 =	vadd.f32 v6, v3  }
0x363: {  	v6 =	vld [tilespmem:s9+$0x8450];
	v12 =	vadd.f32 v12, v10;
	[tilespmem:s20+$0xA470] =	vst v5;
	v3 =	vmov v10  }
0x364: {  	s21 =	sand.u32 $0x3FFFFF80, s21;
	v10 =	vmul.f32 $3.200000000e+01, v13;
	v5 =	vld [tilespmem:s9+$0x8460];
	[tilespmem:s20+$0xC470] =	vst v4  }
0x365: {  	s20 =	sadd.s32 s23, s21;
	v13 =	vld [tilespmem:s9+$0x1A400];
	v11 =	vmul.f32 $3.200000000e+01, v11;
	[tilespmem:s9+$0x8470] =	vst v12  }
0x366: {  	v8 =	vmul.f32 $3.200000000e+01, v8;
	v4 =	vld [tilespmem:s20+$0xE470]  }
0x367: {  	v12 =	vld [tilespmem:s9+$0x1A410];
	v9 =	vmul.f32 $3.200000000e+01, v9  }
0x368: {  	v14 =	vld [tilespmem:s9+$0x1A420];
	v15 =	vmul.f32 $3.200000000e+01, v6  }
0x369: {  	v16 =	vld [tilespmem:s9+$0x1A430];
	v17 =	vmul.f32 $3.200000000e+01, v5  }
0x36a: {  	v7 =	vadd.f32 v7, v13;
	v6 =	vld [tilespmem:s9+$0x1A440]  }
0x36b: {  	v5 =	vld [tilespmem:s9+$0x1A450];
	v18 =	vmul.f32 $3.200000000e+01, v4  }
0x36c: {  	[tilespmem:s9+$0x8400] =	vst v7;
	v7 =	vadd.f32 v10, v12;
	v4 =	vld [tilespmem:s9+$0x1A460]  }
0x36d: {  	v10 =	vld [tilespmem:s20+$0xA400];
	v11 =	vadd.f32 v11, v14;
	v18 =	vadd.f32 v18, v3  }
0x36e: {  	v19 =	vld [tilespmem:s20+$0xC400];
	[tilespmem:s9+$0x8410] =	vst v7;
	v7 =	vadd.f32 v8, v16  }
0x36f: {  	v8 =	vld [tilespmem:s20+$0xE400];
	v9 =	vadd.f32 v9, v6;
	[tilespmem:s20+$0xE470] =	vst v18  }
0x370: {  	v18 =	vld [tilespmem:s20+$0xA410];
	[tilespmem:s9+$0x8420] =	vst v11;
	v11 =	vadd.f32 v15, v5  }
0x371: {  	v15 =	vld [tilespmem:s20+$0xC410];
	[tilespmem:s9+$0x8430] =	vst v7;
	v7 =	vadd.f32 v17, v4  }
0x372: {  	v10 =	vmul.f32 $3.200000000e+01, v10;
	v17 =	vld [tilespmem:s20+$0xE410];
	[tilespmem:s9+$0x8440] =	vst v9  }
0x373: {  	v9 =	vmul.f32 $3.200000000e+01, v19;
	v19 =	vld [tilespmem:s20+$0xA420];
	[tilespmem:s9+$0x8450] =	vst v11  }
0x374: {  	v10 =	vadd.f32 v10, v13;
	v8 =	vmul.f32 $3.200000000e+01, v8;
	v11 =	vld [tilespmem:s20+$0xC420];
	[tilespmem:s9+$0x8460] =	vst v7  }
0x375: {  	v7 =	vadd.f32 v9, v13;
	v9 =	vmul.f32 $3.200000000e+01, v18;
	v18 =	vld [tilespmem:s20+$0xE420]  }
0x376: {  	[tilespmem:s20+$0xA400] =	vst v10;
	v8 =	vadd.f32 v8, v13;
	v10 =	vmul.f32 $3.200000000e+01, v15;
	v13 =	vld [tilespmem:s20+$0xA430]  }
0x377: {  	[tilespmem:s20+$0xC400] =	vst v7;
	v7 =	vadd.f32 v9, v12;
	v9 =	vmul.f32 $3.200000000e+01, v17;
	v15 =	vld [tilespmem:s20+$0xC430]  }
0x378: {  	[tilespmem:s20+$0xE400] =	vst v8;
	v8 =	vadd.f32 v10, v12;
	v10 =	vmul.f32 $3.200000000e+01, v19;
	v17 =	vld [tilespmem:s20+$0xE430]  }
0x379: {  	[tilespmem:s20+$0xA410] =	vst v7;
	v7 =	vadd.f32 v9, v12;
	v9 =	vmul.f32 $3.200000000e+01, v11;
	v12 =	vld [tilespmem:s20+$0xA440]  }
0x37a: {  	[tilespmem:s20+$0xC410] =	vst v8;
	v8 =	vadd.f32 v10, v14;
	v10 =	vmul.f32 $3.200000000e+01, v18;
	v18 =	vld [tilespmem:s20+$0xC440]  }
.Ltmp4:
0x37b: {  	[tilespmem:s20+$0xE410] =	vst v7;
	v7 =	vadd.f32 v9, v14;
	v9 =	vmul.f32 $3.200000000e+01, v13;
	v11 =	vld [tilespmem:s20+$0xE440];
	(pc) =	sbr.rel @p0 .LBB2_10-.Ltmp4, $4  }
0x37c: {  	[tilespmem:s20+$0xA420] =	vst v8;
	v8 =	vadd.f32 v10, v14;
	v13 =	vmul.f32 $3.200000000e+01, v15;
	v10 =	vld [tilespmem:s20+$0xA450]  }
0x37d: {  	[tilespmem:s20+$0xC420] =	vst v7;
	v19 =	vadd.f32 v9, v16;
	v17 =	vmul.f32 $3.200000000e+01, v17;
	v9 =	vld [tilespmem:s20+$0xC450]  }
0x37e: {  	[tilespmem:s20+$0xE420] =	vst v8;
	v14 =	vadd.f32 v13, v16;
	v15 =	vmul.f32 $3.200000000e+01, v12;
	v7 =	vld [tilespmem:s20+$0xE450]  }
0x37f: {  	[tilespmem:s20+$0xA430] =	vst v19;
	v12 =	vadd.f32 v17, v16;
	v13 =	vmul.f32 $3.200000000e+01, v18;
	v8 =	vld [tilespmem:s20+$0xA460]  }
0x380: {  	[tilespmem:s20+$0xC430] =	vst v14;
	v14 =	vadd.f32 v15, v6;
	v11 =	vmul.f32 $3.200000000e+01, v11;
	v15 =	vld [tilespmem:s20+$0xC460]  }
0x381: {  	[tilespmem:s20+$0xE430] =	vst v12;
	v12 =	vadd.f32 v13, v6;
	v10 =	vmul.f32 $3.200000000e+01, v10;
	v13 =	vld [tilespmem:s20+$0xE460]  }
0x382: {  	[tilespmem:s20+$0xA440] =	vst v14;
	v6 =	vadd.f32 v11, v6;
	v9 =	vmul.f32 $3.200000000e+01, v9;
	v11 =	vld [tilespmem:s20+$0xA470]  }
0x383: {  	[tilespmem:s20+$0xC440] =	vst v12;
	v10 =	vadd.f32 v10, v5;
	v7 =	vmul.f32 $3.200000000e+01, v7;
	v12 =	vld [tilespmem:s20+$0xC470]  }
0x384: {  	[tilespmem:s20+$0xE440] =	vst v6;
	v6 =	vadd.f32 v9, v5;
	v8 =	vmul.f32 $3.200000000e+01, v8  }
0x385: {  	[tilespmem:s20+$0xA450] =	vst v10;
	v5 =	vadd.f32 v7, v5;
	v7 =	vmul.f32 $3.200000000e+01, v15  }
0x386: {  	[tilespmem:s20+$0xC450] =	vst v6;
	v6 =	vadd.f32 v8, v4;
	v8 =	vmul.f32 $3.200000000e+01, v13  }
0x387: {  	[tilespmem:s20+$0xE450] =	vst v5;
	v5 =	vadd.f32 v7, v4;
	v7 =	vmul.f32 $3.200000000e+01, v11  }
0x388: {  	[tilespmem:s20+$0xA460] =	vst v6;
	v4 =	vadd.f32 v8, v4;
	v6 =	vmul.f32 $3.200000000e+01, v12  }
0x389: {  	[tilespmem:s20+$0xC460] =	vst v5;
	v5 =	vadd.f32 v7, v3  }
0x38a: {  	[tilespmem:s20+$0xE460] =	vst v4;
	v3 =	vadd.f32 v6, v3  }
0x38b: {  	[tilespmem:s20+$0xA470] =	vst v5  }
0x38c: {  	[tilespmem:s20+$0xC470] =	vst v3  }
0x38d: {  	s6 =	rddreg [dreg:$0x12]  }
0x38e: {  	s17 =	simm.s32 $0x0;
	s21 =	sld [smem:$0x7F2]  }
0x38f: {  	[hbm4b:s6+s17] =	stream.linear.scatter [tilespmem:s22], [sflag:$0x8], $0x2000, $0x38;
	[tilespmem:$0x1E400] =	vst v63  }
0x390: {  	s23 =	sld [smem:$0x7F3]  }
0x391: {  	[hbm4b:s21+s17] =	stream.linear.scatter [tilespmem:s26], [sflag:$0x8], $0x2000, $0x38;
	[tilespmem:$0x1E400] =	vst v63  }
0x392: {  	s9 =	sld [smem:$0x7F4]  }
0x393: {  	[hbm4b:s23+s17] =	stream.linear.scatter [tilespmem:s5], [sflag:$0x8], $0x2000, $0x38;
	[tilespmem:$0x1E400] =	vst v63  }
0x394: {  	_ = 	snop  }
0x395: {  	[hbm4b:s9+s17] =	stream.linear.scatter [tilespmem:s11], [sflag:$0x8], $0x2000, $0x38;
	[tilespmem:$0x1E400] =	vst v63  }
0x396: {  	_ =	swait.ge [sflag:s4], $0x2000  }
0x397: {  	[sflag:s4] =	ssyncset.done $0x0  }
0x398: {  	[sflag:s4] =	ssyncadd.s32 $0xFFFFE000  }
0x399: {  	_ =	swait.ge [sflag:s4], $0x2000  }
0x39a: {  	[sflag:s4] =	ssyncset.done $0x0  }
0x39b: {  	[sflag:s4] =	ssyncadd.s32 $0xFFFFE000  }
0x39c: {  	_ =	swait.ge [sflag:s4], $0x2000  }
0x39d: {  	[sflag:s4] =	ssyncset.done $0x0  }
0x39e: {  	[sflag:s4] =	ssyncadd.s32 $0xFFFFE000  }
0x39f: {  	_ =	swait.ge [sflag:s4], $0x2000  }
0x3a0: {  	[sflag:s4] =	ssyncset.done $0x0  }
0x3a1: {  	s20 =	simm.s32 $0x10;
	[sflag:s4] =	ssyncadd.s32 $0xFFFFE000  }
0x3a2: {  	_ =	swait.ge [sflag:s20], $0x80  }
0x3a3: {  	[sflag:s20] =	ssyncset.done $0x0  }
0x3a4: {  	[sflag:s20] =	ssyncadd.s32 $0xFFFFFF80  }
0x3a5: {  	v3 =	vld [tilespmem:$0x300];
	_ =	sdelay $0x4  }
0x3a6: {  	v4 =	vshll.u32 v3, $0x3  }
0x3a7: {  	v3 =	vand.u32 $0x7, v3;
	v4 =	vand.u32 $0xFFFFFFC0, v4  }
0x3a8: {  	v3 =	vor.u32 v3, v4  }
0x3a9: {  	v4 =	vperm.xlane v3, v0;
	_ =	sdelay $0x1  }
0x3aa: {  	v4 =	vadd.s32 v1, v4;
	_ =	sdelay $0x4  }
0x3ab: {  	[tilespmem:s2], [sflag:$0x1] =	stream.indirect_vreg.gather [hbm4b:s1+s17], $0x80, v4, vm0, $0xb8;
	[tilespmem:$0x1E400] =	vst v63  }
0x3ac: {  	s21 =	simm.s32 $0xC00;
	v3 =	vperm.xlane v3, v2  }
0x3ad: {  	[tilespmem:s21], [sflag:$0x1] =	stream.indirect_vreg.gather [hbm4b:s30+s17], $0x80, v4, vm0, $0xb8;
	[tilespmem:$0x1E400] =	vst v63  }
0x3ae: {  	s23 =	simm.s32 $0x1400;
	v3 =	vadd.s32 v1, v3  }
0x3af: {  	[tilespmem:s23], [sflag:$0x1] =	stream.indirect_vreg.gather [hbm4b:s31+s17], $0x80, v4, vm0, $0xb8;
	[tilespmem:$0x1E400] =	vst v63  }
0x3b0: {  	s9 =	simm.s32 $0x1C00  }
0x3b1: {  	[tilespmem:s9], [sflag:$0x1] =	stream.indirect_vreg.gather [hbm4b:s0+s17], $0x80, v4, vm0, $0xb8;
	[tilespmem:$0x1E400] =	vst v63  }
0x3b2: {  	_ = 	snop  }
0x3b3: {  	[tilespmem:s7], [sflag:$0x1] =	stream.indirect_vreg.gather [hbm4b:s1+s17], $0x80, v3, vm0, $0xb8;
	[tilespmem:$0x1E400] =	vst v63  }
0x3b4: {  	s20 =	simm.s32 $0x2C00  }
0x3b5: {  	[tilespmem:s20], [sflag:$0x1] =	stream.indirect_vreg.gather [hbm4b:s30+s17], $0x80, v3, vm0, $0xb8;
	[tilespmem:$0x1E400] =	vst v63  }
0x3b6: {  	s21 =	simm.s32 $0x3400  }
0x3b7: {  	[tilespmem:s21], [sflag:$0x1] =	stream.indirect_vreg.gather [hbm4b:s31+s17], $0x80, v3, vm0, $0xb8;
	[tilespmem:$0x1E400] =	vst v63  }
0x3b8: {  	s23 =	simm.s32 $0x3C00  }
0x3b9: {  	[tilespmem:s23], [sflag:$0x1] =	stream.indirect_vreg.gather [hbm4b:s0+s17], $0x80, v3, vm0, $0xb8;
	[tilespmem:$0x1E400] =	vst v63  }
0x3ba: {  	v3 =	vld [tilespmem:$0x310];
	_ =	sdelay $0x4  }
0x3bb: {  	v4 =	vshll.u32 v3, $0x3  }
0x3bc: {  	v3 =	vand.u32 $0x7, v3;
	v4 =	vand.u32 $0xFFFFFFC0, v4  }
0x3bd: {  	v3 =	vor.u32 v3, v4  }
0x3be: {  	v4 =	vperm.xlane v3, v0;
	_ =	sdelay $0x1  }
0x3bf: {  	v4 =	vadd.s32 v1, v4;
	_ =	sdelay $0x4  }
0x3c0: {  	[tilespmem:s12], [sflag:$0x1] =	stream.indirect_vreg.gather [hbm4b:s1+s17], $0x80, v4, vm0, $0xb8;
	[tilespmem:$0x1E400] =	vst v63  }
0x3c1: {  	s9 =	simm.s32 $0x4C00;
	v3 =	vperm.xlane v3, v2  }
0x3c2: {  	[tilespmem:s9], [sflag:$0x1] =	stream.indirect_vreg.gather [hbm4b:s30+s17], $0x80, v4, vm0, $0xb8;
	[tilespmem:$0x1E400] =	vst v63  }
0x3c3: {  	s20 =	simm.s32 $0x5400;
	v3 =	vadd.s32 v1, v3  }
0x3c4: {  	[tilespmem:s20], [sflag:$0x1] =	stream.indirect_vreg.gather [hbm4b:s31+s17], $0x80, v4, vm0, $0xb8;
	[tilespmem:$0x1E400] =	vst v63  }
0x3c5: {  	s21 =	simm.s32 $0x5C00  }
0x3c6: {  	[tilespmem:s21], [sflag:$0x1] =	stream.indirect_vreg.gather [hbm4b:s0+s17], $0x80, v4, vm0, $0xb8;
	[tilespmem:$0x1E400] =	vst v63  }
0x3c7: {  	_ = 	snop  }
0x3c8: {  	[tilespmem:s16], [sflag:$0x1] =	stream.indirect_vreg.gather [hbm4b:s1+s17], $0x80, v3, vm0, $0xb8;
	[tilespmem:$0x1E400] =	vst v63  }
0x3c9: {  	s23 =	simm.s32 $0x6C00  }
0x3ca: {  	[tilespmem:s23], [sflag:$0x1] =	stream.indirect_vreg.gather [hbm4b:s30+s17], $0x80, v3, vm0, $0xb8;
	[tilespmem:$0x1E400] =	vst v63  }
0x3cb: {  	s9 =	simm.s32 $0x7400  }
0x3cc: {  	[tilespmem:s9], [sflag:$0x1] =	stream.indirect_vreg.gather [hbm4b:s31+s17], $0x80, v3, vm0, $0xb8;
	[tilespmem:$0x1E400] =	vst v63  }
0x3cd: {  	s20 =	simm.s32 $0x7C00  }
0x3ce: {  	[tilespmem:s20], [sflag:$0x1] =	stream.indirect_vreg.gather [hbm4b:s0+s17], $0x80, v3, vm0, $0xb8;
	[tilespmem:$0x1E400] =	vst v63  }
0x3cf: {  	s21 =	rddreg [dreg:$0x13];
	s9 =	simm.s32 $0x18400  }
0x3d0: {  	[tilespmem:s9], [sflag:$0x4] =	stream.linear.gather [hbm4b:s21+s17], $0x2000, $0x38;
	[tilespmem:$0x1E400] =	vst v63  }
0x3d1: {  	_ =	swait.ge [sflag:s8], $0x8000  }
0x3d2: {  	[sflag:s8] =	ssyncset.done $0x0  }
0x3d3: {  	[sflag:s8] =	ssyncadd.s32 $0xFFFF8000  }
0x3d4: {  	s6 =	simm.s32 $0x0;
	_ =	swait.ge [sflag:s10], $0x2000  }
0x3d5: {  	s23 =	sand.u32 $0xFFFFFF80, s6;
	s9 =	sand.u32 $0x1C00, s17;
	[sflag:s10] =	ssyncset.done $0x0  }
0x3d6: {  	s21 =	sadd.s32 s9, s23;
	[sflag:s10] =	ssyncadd.s32 $0xFFFFE000  }
0x3d7: {  	v4 =	vld [tilespmem:s21+$0x10470]  }
0x3d8: {  	v5 =	vld [tilespmem:s21+$0x10400]  }
0x3d9: {  	v3 =	vld [tilespmem:s21+$0x1C470]  }
0x3da: {  	v7 =	vld [tilespmem:s21+$0x10410]  }
0x3db: {  	v8 =	vld [tilespmem:s21+$0x10420]  }
0x3dc: {  	v9 =	vld [tilespmem:s21+$0x10430]  }
0x3dd: {  	v10 =	vld [tilespmem:s21+$0x10440]  }
0x3de: {  	v11 =	vld [tilespmem:s21+$0x10450]  }
0x3df: {  	v12 =	vld [tilespmem:s21+$0x10460];
	v4 =	vmul.f32 $3.200000000e+01, v4  }
0x3e0: {  	v13 =	vld [tilespmem:s21+$0x1C400]  }
0x3e1: {  	v15 =	vld [tilespmem:s21+$0x1C410];
	v4 =	vadd.f32 v4, v3  }
0x3e2: {  	v16 =	vld [tilespmem:s21+$0x1C420]  }
0x3e3: {  	s6 =	sand.u32 $0x3FFFFF80, s6;
	v17 =	vld [tilespmem:s21+$0x1C430];
	[tilespmem:s21+$0x10470] =	vst v4;
	v4 =	vmul.f32 $3.200000000e+01, v5  }
0x3e4: {  	s6 =	sadd.s32 s9, s6;
	v6 =	vld [tilespmem:s21+$0x1C440]  }
0x3e5: {  	s20 =	sadd.s32 $0x10400, s6;
	v5 =	vld [tilespmem:s21+$0x1C450];
	v4 =	vadd.f32 v4, v13  }
0x3e6: {  	v7 =	vmul.f32 $3.200000000e+01, v7;
	v14 =	vld [tilespmem:s20+$0x6070]  }
0x3e7: {  	v8 =	vmul.f32 $3.200000000e+01, v8;
	[tilespmem:s21+$0x10400] =	vst v4;
	v4 =	vld [tilespmem:s21+$0x1C460]  }
0x3e8: {  	v9 =	vmul.f32 $3.200000000e+01, v9;
	v7 =	vadd.f32 v7, v15;
	v18 =	vld [tilespmem:s6+$0x12400]  }
0x3e9: {  	v10 =	vmul.f32 $3.200000000e+01, v10;
	v8 =	vadd.f32 v8, v16;
	v19 =	vld [tilespmem:s6+$0x14400]  }
0x3ea: {  	v11 =	vmul.f32 $3.200000000e+01, v11;
	[tilespmem:s21+$0x10410] =	vst v7;
	v7 =	vadd.f32 v9, v17;
	v9 =	vld [tilespmem:s6+$0x16400]  }
0x3eb: {  	v12 =	vmul.f32 $3.200000000e+01, v12;
	v10 =	vadd.f32 v10, v6;
	[tilespmem:s21+$0x10420] =	vst v8;
	v8 =	vld [tilespmem:s20+$0x2010]  }
0x3ec: {  	[tilespmem:s21+$0x10430] =	vst v7;
	v7 =	vld [tilespmem:s20+$0x4010];
	v11 =	vadd.f32 v11, v5;
	v14 =	vmul.f32 $3.200000000e+01, v14  }
0x3ed: {  	[tilespmem:s21+$0x10440] =	vst v10;
	v10 =	vld [tilespmem:s20+$0x6010];
	v12 =	vadd.f32 v12, v4;
	v18 =	vmul.f32 $3.200000000e+01, v18  }
0x3ee: {  	[tilespmem:s21+$0x10450] =	vst v11;
	v11 =	vld [tilespmem:s20+$0x2020];
	v14 =	vadd.f32 v14, v3;
	v19 =	vmul.f32 $3.200000000e+01, v19  }
0x3ef: {  	v61 =	vld [tilespmem:s20+$0x4020];
	v9 =	vmul.f32 $3.200000000e+01, v9;
	[tilespmem:s21+$0x10460] =	vst v12;
	v12 =	vadd.f32 v18, v13  }
0x3f0: {  	v62 =	vld [tilespmem:s20+$0x6020];
	v8 =	vmul.f32 $3.200000000e+01, v8;
	[tilespmem:s20+$0x6070] =	vst v14;
	v14 =	vadd.f32 v19, v13  }
0x3f1: {  	v7 =	vmul.f32 $3.200000000e+01, v7;
	v9 =	vadd.f32 v9, v13;
	[tilespmem:s6+$0x12400] =	vst v12;
	v12 =	vld [tilespmem:s20+$0x2030]  }
0x3f2: {  	v10 =	vmul.f32 $3.200000000e+01, v10;
	v8 =	vadd.f32 v8, v15;
	v13 =	vld [tilespmem:s20+$0x4030];
	[tilespmem:s6+$0x14400] =	vst v14  }
0x3f3: {  	v7 =	vadd.f32 v7, v15;
	[tilespmem:s6+$0x16400] =	vst v9;
	v9 =	vmul.f32 $3.200000000e+01, v11;
	v14 =	vld [tilespmem:s20+$0x6030]  }
0x3f4: {  	[tilespmem:s20+$0x2010] =	vst v8;
	v8 =	vadd.f32 v10, v15;
	v10 =	vmul.f32 $3.200000000e+01, v61;
	v15 =	vld [tilespmem:s20+$0x2040]  }
0x3f5: {  	v63 =	vld [tilespmem:s20+$0x4040];
	[tilespmem:s20+$0x4010] =	vst v7;
	v7 =	vadd.f32 v9, v16;
	v9 =	vmul.f32 $3.200000000e+01, v62  }
0x3f6: {  	[tilespmem:s20+$0x6010] =	vst v8;
	v8 =	vadd.f32 v10, v16;
	v11 =	vld [tilespmem:s20+$0x6040];
	v12 =	vmul.f32 $3.200000000e+01, v12  }
0x3f7: {  	v10 =	vld [tilespmem:s20+$0x2050];
	v13 =	vmul.f32 $3.200000000e+01, v13;
	[tilespmem:s20+$0x2020] =	vst v7;
	v7 =	vadd.f32 v9, v16  }
0x3f8: {  	[tilespmem:s20+$0x4020] =	vst v8;
	v9 =	vld [tilespmem:s20+$0x4050];
	v8 =	vadd.f32 v12, v17;
	v12 =	vmul.f32 $3.200000000e+01, v14  }
0x3f9: {  	v15 =	vmul.f32 $3.200000000e+01, v15;
	[tilespmem:s20+$0x6020] =	vst v7;
	v7 =	vld [tilespmem:s20+$0x6050];
	v14 =	vadd.f32 v13, v17  }
0x3fa: {  	s6 =	simm.s32 $0x0;
	v13 =	vmul.f32 $3.200000000e+01, v63;
	[tilespmem:s20+$0x2030] =	vst v8;
	v12 =	vadd.f32 v12, v17;
	v8 =	vld [tilespmem:s20+$0x2060]  }
.LBB2_12:
0x3fb: {  	s6 =	sadd.s32 $0x8, s6;
	[tilespmem:s20+$0x4030] =	vst v14;
	v14 =	vadd.f32 v15, v6;
	v11 =	vmul.f32 $3.200000000e+01, v11;
	v15 =	vld [tilespmem:s20+$0x4060]  }
0x3fc: {  	s17 =	sadd.s32 $0x400, s17;
	s21 =	sshll.u32 s6, $0x1;
	p0 =	slt.u32 s6, $0x1F8;
	[tilespmem:s20+$0x6030] =	vst v12;
	v12 =	vadd.f32 v13, v6;
	v10 =	vmul.f32 $3.200000000e+01, v10;
	v13 =	vld [tilespmem:s20+$0x6060]  }
0x3fd: {  	s23 =	sand.u32 $0x1C00, s17;
	s9 =	sand.u32 $0xFFFFFF80, s21;
	[tilespmem:s20+$0x2040] =	vst v14;
	v6 =	vadd.f32 v11, v6;
	v9 =	vmul.f32 $3.200000000e+01, v9;
	v11 =	vld [tilespmem:s20+$0x2070]  }
0x3fe: {  	s9 =	sadd.s32 s23, s9;
	[tilespmem:s20+$0x4040] =	vst v12;
	v10 =	vadd.f32 v10, v5;
	v7 =	vmul.f32 $3.200000000e+01, v7;
	v12 =	vld [tilespmem:s20+$0x4070]  }
0x3ff: {  	v14 =	vld [tilespmem:s9+$0x10470];
	[tilespmem:s20+$0x6040] =	vst v6;
	v6 =	vadd.f32 v9, v5;
	v8 =	vmul.f32 $3.200000000e+01, v8  }
0x400: {  	v9 =	vld [tilespmem:s9+$0x10400];
	[tilespmem:s20+$0x2050] =	vst v10;
	v5 =	vadd.f32 v7, v5;
	v7 =	vmul.f32 $3.200000000e+01, v15  }
0x401: {  	v10 =	vld [tilespmem:s9+$0x1C470];
	[tilespmem:s20+$0x4050] =	vst v6;
	v6 =	vadd.f32 v8, v4;
	v8 =	vmul.f32 $3.200000000e+01, v13  }
0x402: {  	v13 =	vld [tilespmem:s9+$0x10410];
	[tilespmem:s20+$0x6050] =	vst v5;
	v5 =	vadd.f32 v7, v4;
	v7 =	vmul.f32 $3.200000000e+01, v11  }
0x403: {  	v11 =	vld [tilespmem:s9+$0x10420];
	[tilespmem:s20+$0x2060] =	vst v6;
	v4 =	vadd.f32 v8, v4;
	v6 =	vmul.f32 $3.200000000e+01, v12  }
0x404: {  	v8 =	vld [tilespmem:s9+$0x10430];
	v12 =	vmul.f32 $3.200000000e+01, v14;
	[tilespmem:s20+$0x4060] =	vst v5;
	v5 =	vadd.f32 v7, v3  }
0x405: {  	v7 =	vmul.f32 $3.200000000e+01, v9;
	v9 =	vld [tilespmem:s9+$0x10440];
	[tilespmem:s20+$0x6060] =	vst v4;
	v4 =	vadd.f32 v6, v3  }
0x406: {  	s21 =	sand.u32 $0x3FFFFF80, s21;
	v6 =	vld [tilespmem:s9+$0x10450];
	v12 =	vadd.f32 v12, v10;
	[tilespmem:s20+$0x2070] =	vst v5;
	v3 =	vmov v10  }
0x407: {  	s21 =	sadd.s32 s23, s21;
	v10 =	vmul.f32 $3.200000000e+01, v13;
	v5 =	vld [tilespmem:s9+$0x10460];
	[tilespmem:s20+$0x4070] =	vst v4  }
0x408: {  	s20 =	sadd.s32 $0x10400, s21;
	v13 =	vld [tilespmem:s9+$0x1C400];
	v11 =	vmul.f32 $3.200000000e+01, v11;
	[tilespmem:s9+$0x10470] =	vst v12  }
0x409: {  	v8 =	vmul.f32 $3.200000000e+01, v8;
	v4 =	vld [tilespmem:s20+$0x6070]  }
0x40a: {  	v12 =	vld [tilespmem:s9+$0x1C410];
	v9 =	vmul.f32 $3.200000000e+01, v9  }
0x40b: {  	v14 =	vld [tilespmem:s9+$0x1C420];
	v15 =	vmul.f32 $3.200000000e+01, v6  }
0x40c: {  	v16 =	vld [tilespmem:s9+$0x1C430];
	v17 =	vmul.f32 $3.200000000e+01, v5  }
0x40d: {  	v7 =	vadd.f32 v7, v13;
	v6 =	vld [tilespmem:s9+$0x1C440]  }
0x40e: {  	v5 =	vld [tilespmem:s9+$0x1C450];
	v18 =	vmul.f32 $3.200000000e+01, v4  }
0x40f: {  	[tilespmem:s9+$0x10400] =	vst v7;
	v7 =	vadd.f32 v10, v12;
	v4 =	vld [tilespmem:s9+$0x1C460]  }
0x410: {  	v10 =	vld [tilespmem:s21+$0x12400];
	v11 =	vadd.f32 v11, v14;
	v18 =	vadd.f32 v18, v3  }
0x411: {  	v19 =	vld [tilespmem:s21+$0x14400];
	[tilespmem:s9+$0x10410] =	vst v7;
	v7 =	vadd.f32 v8, v16  }
0x412: {  	v8 =	vld [tilespmem:s21+$0x16400];
	v9 =	vadd.f32 v9, v6;
	[tilespmem:s20+$0x6070] =	vst v18  }
0x413: {  	v18 =	vld [tilespmem:s20+$0x2010];
	[tilespmem:s9+$0x10420] =	vst v11;
	v11 =	vadd.f32 v15, v5  }
0x414: {  	v15 =	vld [tilespmem:s20+$0x4010];
	[tilespmem:s9+$0x10430] =	vst v7;
	v7 =	vadd.f32 v17, v4  }
0x415: {  	v10 =	vmul.f32 $3.200000000e+01, v10;
	v17 =	vld [tilespmem:s20+$0x6010];
	[tilespmem:s9+$0x10440] =	vst v9  }
0x416: {  	v9 =	vmul.f32 $3.200000000e+01, v19;
	v19 =	vld [tilespmem:s20+$0x2020];
	[tilespmem:s9+$0x10450] =	vst v11  }
0x417: {  	v10 =	vadd.f32 v10, v13;
	v8 =	vmul.f32 $3.200000000e+01, v8;
	v11 =	vld [tilespmem:s20+$0x4020];
	[tilespmem:s9+$0x10460] =	vst v7  }
0x418: {  	v7 =	vadd.f32 v9, v13;
	v9 =	vmul.f32 $3.200000000e+01, v18;
	v18 =	vld [tilespmem:s20+$0x6020]  }
0x419: {  	[tilespmem:s21+$0x12400] =	vst v10;
	v8 =	vadd.f32 v8, v13;
	v10 =	vmul.f32 $3.200000000e+01, v15;
	v13 =	vld [tilespmem:s20+$0x2030]  }
0x41a: {  	[tilespmem:s21+$0x14400] =	vst v7;
	v7 =	vadd.f32 v9, v12;
	v9 =	vmul.f32 $3.200000000e+01, v17;
	v15 =	vld [tilespmem:s20+$0x4030]  }
0x41b: {  	[tilespmem:s21+$0x16400] =	vst v8;
	v8 =	vadd.f32 v10, v12;
	v10 =	vmul.f32 $3.200000000e+01, v19;
	v17 =	vld [tilespmem:s20+$0x6030]  }
0x41c: {  	[tilespmem:s20+$0x2010] =	vst v7;
	v7 =	vadd.f32 v9, v12;
	v9 =	vmul.f32 $3.200000000e+01, v11;
	v12 =	vld [tilespmem:s20+$0x2040]  }
0x41d: {  	[tilespmem:s20+$0x4010] =	vst v8;
	v8 =	vadd.f32 v10, v14;
	v10 =	vmul.f32 $3.200000000e+01, v18;
	v18 =	vld [tilespmem:s20+$0x4040]  }
.Ltmp5:
0x41e: {  	[tilespmem:s20+$0x6010] =	vst v7;
	v7 =	vadd.f32 v9, v14;
	v9 =	vmul.f32 $3.200000000e+01, v13;
	v11 =	vld [tilespmem:s20+$0x6040];
	(pc) =	sbr.rel @p0 .LBB2_12-.Ltmp5, $4  }
0x41f: {  	[tilespmem:s20+$0x2020] =	vst v8;
	v8 =	vadd.f32 v10, v14;
	v13 =	vmul.f32 $3.200000000e+01, v15;
	v10 =	vld [tilespmem:s20+$0x2050]  }
0x420: {  	[tilespmem:s20+$0x4020] =	vst v7;
	v19 =	vadd.f32 v9, v16;
	v17 =	vmul.f32 $3.200000000e+01, v17;
	v9 =	vld [tilespmem:s20+$0x4050]  }
0x421: {  	[tilespmem:s20+$0x6020] =	vst v8;
	v14 =	vadd.f32 v13, v16;
	v15 =	vmul.f32 $3.200000000e+01, v12;
	v7 =	vld [tilespmem:s20+$0x6050]  }
0x422: {  	[tilespmem:s20+$0x2030] =	vst v19;
	v12 =	vadd.f32 v17, v16;
	v13 =	vmul.f32 $3.200000000e+01, v18;
	v8 =	vld [tilespmem:s20+$0x2060]  }
0x423: {  	[tilespmem:s20+$0x4030] =	vst v14;
	v14 =	vadd.f32 v15, v6;
	v11 =	vmul.f32 $3.200000000e+01, v11;
	v15 =	vld [tilespmem:s20+$0x4060]  }
0x424: {  	[tilespmem:s20+$0x6030] =	vst v12;
	v12 =	vadd.f32 v13, v6;
	v10 =	vmul.f32 $3.200000000e+01, v10;
	v13 =	vld [tilespmem:s20+$0x6060]  }
0x425: {  	[tilespmem:s20+$0x2040] =	vst v14;
	v6 =	vadd.f32 v11, v6;
	v9 =	vmul.f32 $3.200000000e+01, v9;
	v11 =	vld [tilespmem:s20+$0x2070]  }
0x426: {  	[tilespmem:s20+$0x4040] =	vst v12;
	v10 =	vadd.f32 v10, v5;
	v7 =	vmul.f32 $3.200000000e+01, v7;
	v12 =	vld [tilespmem:s20+$0x4070]  }
0x427: {  	[tilespmem:s20+$0x6040] =	vst v6;
	v6 =	vadd.f32 v9, v5;
	v8 =	vmul.f32 $3.200000000e+01, v8  }
0x428: {  	[tilespmem:s20+$0x2050] =	vst v10;
	v5 =	vadd.f32 v7, v5;
	v7 =	vmul.f32 $3.200000000e+01, v15  }
0x429: {  	[tilespmem:s20+$0x4050] =	vst v6;
	v6 =	vadd.f32 v8, v4;
	v8 =	vmul.f32 $3.200000000e+01, v13  }
0x42a: {  	[tilespmem:s20+$0x6050] =	vst v5;
	v5 =	vadd.f32 v7, v4;
	v7 =	vmul.f32 $3.200000000e+01, v11  }
0x42b: {  	[tilespmem:s20+$0x2060] =	vst v6;
	v4 =	vadd.f32 v8, v4;
	v6 =	vmul.f32 $3.200000000e+01, v12  }
0x42c: {  	[tilespmem:s20+$0x4060] =	vst v5;
	v5 =	vadd.f32 v7, v3  }
0x42d: {  	[tilespmem:s20+$0x6060] =	vst v4;
	v3 =	vadd.f32 v6, v3  }
0x42e: {  	[tilespmem:s20+$0x2070] =	vst v5  }
0x42f: {  	[tilespmem:s20+$0x4070] =	vst v3  }
0x430: {  	s17 =	simm.s32 $0x0;
	s9 =	simm.s32 $0x10400;
	s6 =	rddreg [dreg:$0x14]  }
0x431: {  	[hbm4b:s6+s17] =	stream.linear.scatter [tilespmem:s9], [sflag:$0x9], $0x2000, $0x38;
	[tilespmem:$0x1E400] =	vst v63  }
0x432: {  	s9 =	sld [smem:$0x7F5];
	_ =	sdelay $0x1  }
0x433: {  	s20 =	simm.s32 $0x12400;
	s21 =	sld [smem:$0x7F6]  }
0x434: {  	[hbm4b:s9+s17] =	stream.linear.scatter [tilespmem:s20], [sflag:$0x9], $0x2000, $0x38;
	[tilespmem:$0x1E400] =	vst v63  }
0x435: {  	s23 =	sld [smem:$0x7F7]  }
0x436: {  	[hbm4b:s21+s17] =	stream.linear.scatter [tilespmem:s24], [sflag:$0x9], $0x2000, $0x38;
	[tilespmem:$0x1E400] =	vst v63  }
0x437: {  	_ = 	snop  }
0x438: {  	[hbm4b:s23+s17] =	stream.linear.scatter [tilespmem:s25], [sflag:$0x9], $0x2000, $0x38;
	[tilespmem:$0x1E400] =	vst v63  }
0x439: {  	_ =	swait.ge [sflag:s13], $0x2000  }
0x43a: {  	[sflag:s13] =	ssyncset.done $0x0  }
0x43b: {  	[sflag:s13] =	ssyncadd.s32 $0xFFFFE000  }
0x43c: {  	_ =	swait.ge [sflag:s13], $0x2000  }
0x43d: {  	[sflag:s13] =	ssyncset.done $0x0  }
0x43e: {  	[sflag:s13] =	ssyncadd.s32 $0xFFFFE000  }
0x43f: {  	_ =	swait.ge [sflag:s13], $0x2000  }
0x440: {  	[sflag:s13] =	ssyncset.done $0x0  }
0x441: {  	[sflag:s13] =	ssyncadd.s32 $0xFFFFE000  }
0x442: {  	_ =	swait.ge [sflag:s13], $0x2000  }
0x443: {  	[sflag:s13] =	ssyncset.done $0x0  }
0x444: {  	s9 =	simm.s32 $0x11;
	[sflag:s13] =	ssyncadd.s32 $0xFFFFE000  }
0x445: {  	_ =	swait.ge [sflag:s9], $0x80  }
0x446: {  	[sflag:s9] =	ssyncset.done $0x0  }
0x447: {  	[sflag:s9] =	ssyncadd.s32 $0xFFFFFF80  }
0x448: {  	v3 =	vld [tilespmem:$0x380];
	_ =	sdelay $0x4  }
0x449: {  	v4 =	vshll.u32 v3, $0x3  }
0x44a: {  	v3 =	vand.u32 $0x7, v3;
	v4 =	vand.u32 $0xFFFFFFC0, v4  }
0x44b: {  	v3 =	vor.u32 v3, v4  }
0x44c: {  	v4 =	vperm.xlane v3, v0;
	_ =	sdelay $0x1  }
0x44d: {  	v4 =	vadd.s32 v1, v4;
	_ =	sdelay $0x4  }
0x44e: {  	[tilespmem:s22], [sflag:$0x2] =	stream.indirect_vreg.gather [hbm4b:s1+s17], $0x80, v4, vm0, $0xb8;
	[tilespmem:$0x1E400] =	vst v63  }
0x44f: {  	s20 =	simm.s32 $0x8C00;
	v3 =	vperm.xlane v3, v2  }
0x450: {  	[tilespmem:s20], [sflag:$0x2] =	stream.indirect_vreg.gather [hbm4b:s30+s17], $0x80, v4, vm0, $0xb8;
	[tilespmem:$0x1E400] =	vst v63  }
0x451: {  	s21 =	simm.s32 $0x9400;
	v3 =	vadd.s32 v1, v3  }
0x452: {  	[tilespmem:s21], [sflag:$0x2] =	stream.indirect_vreg.gather [hbm4b:s31+s17], $0x80, v4, vm0, $0xb8;
	[tilespmem:$0x1E400] =	vst v63  }
0x453: {  	s23 =	simm.s32 $0x9C00  }
0x454: {  	[tilespmem:s23], [sflag:$0x2] =	stream.indirect_vreg.gather [hbm4b:s0+s17], $0x80, v4, vm0, $0xb8;
	[tilespmem:$0x1E400] =	vst v63  }
0x455: {  	_ = 	snop  }
0x456: {  	[tilespmem:s26], [sflag:$0x2] =	stream.indirect_vreg.gather [hbm4b:s1+s17], $0x80, v3, vm0, $0xb8;
	[tilespmem:$0x1E400] =	vst v63  }
0x457: {  	s9 =	simm.s32 $0xAC00  }
0x458: {  	[tilespmem:s9], [sflag:$0x2] =	stream.indirect_vreg.gather [hbm4b:s30+s17], $0x80, v3, vm0, $0xb8;
	[tilespmem:$0x1E400] =	vst v63  }
0x459: {  	s20 =	simm.s32 $0xB400  }
0x45a: {  	[tilespmem:s20], [sflag:$0x2] =	stream.indirect_vreg.gather [hbm4b:s31+s17], $0x80, v3, vm0, $0xb8;
	[tilespmem:$0x1E400] =	vst v63  }
0x45b: {  	s21 =	simm.s32 $0xBC00  }
0x45c: {  	[tilespmem:s21], [sflag:$0x2] =	stream.indirect_vreg.gather [hbm4b:s0+s17], $0x80, v3, vm0, $0xb8;
	[tilespmem:$0x1E400] =	vst v63  }
0x45d: {  	v3 =	vld [tilespmem:$0x390];
	_ =	sdelay $0x4  }
0x45e: {  	v4 =	vshll.u32 v3, $0x3  }
0x45f: {  	v3 =	vand.u32 $0x7, v3;
	v4 =	vand.u32 $0xFFFFFFC0, v4  }
0x460: {  	v3 =	vor.u32 v3, v4  }
0x461: {  	v4 =	vperm.xlane v3, v0;
	_ =	sdelay $0x1  }
0x462: {  	v4 =	vadd.s32 v1, v4;
	_ =	sdelay $0x4  }
0x463: {  	[tilespmem:s5], [sflag:$0x2] =	stream.indirect_vreg.gather [hbm4b:s1+s17], $0x80, v4, vm0, $0xb8;
	[tilespmem:$0x1E400] =	vst v63  }
0x464: {  	s23 =	simm.s32 $0xCC00;
	v3 =	vperm.xlane v3, v2  }
0x465: {  	[tilespmem:s23], [sflag:$0x2] =	stream.indirect_vreg.gather [hbm4b:s30+s17], $0x80, v4, vm0, $0xb8;
	[tilespmem:$0x1E400] =	vst v63  }
0x466: {  	s9 =	simm.s32 $0xD400;
	v3 =	vadd.s32 v1, v3  }
0x467: {  	[tilespmem:s9], [sflag:$0x2] =	stream.indirect_vreg.gather [hbm4b:s31+s17], $0x80, v4, vm0, $0xb8;
	[tilespmem:$0x1E400] =	vst v63  }
0x468: {  	s20 =	simm.s32 $0xDC00  }
0x469: {  	[tilespmem:s20], [sflag:$0x2] =	stream.indirect_vreg.gather [hbm4b:s0+s17], $0x80, v4, vm0, $0xb8;
	[tilespmem:$0x1E400] =	vst v63  }
0x46a: {  	_ = 	snop  }
0x46b: {  	[tilespmem:s11], [sflag:$0x2] =	stream.indirect_vreg.gather [hbm4b:s1+s17], $0x80, v3, vm0, $0xb8;
	[tilespmem:$0x1E400] =	vst v63  }
0x46c: {  	s21 =	simm.s32 $0xEC00  }
0x46d: {  	[tilespmem:s21], [sflag:$0x2] =	stream.indirect_vreg.gather [hbm4b:s30+s17], $0x80, v3, vm0, $0xb8;
	[tilespmem:$0x1E400] =	vst v63  }
0x46e: {  	s23 =	simm.s32 $0xF400  }
0x46f: {  	[tilespmem:s23], [sflag:$0x2] =	stream.indirect_vreg.gather [hbm4b:s31+s17], $0x80, v3, vm0, $0xb8;
	[tilespmem:$0x1E400] =	vst v63  }
0x470: {  	s9 =	simm.s32 $0xFC00  }
0x471: {  	[tilespmem:s9], [sflag:$0x2] =	stream.indirect_vreg.gather [hbm4b:s0+s17], $0x80, v3, vm0, $0xb8;
	[tilespmem:$0x1E400] =	vst v63  }
0x472: {  	s20 =	rddreg [dreg:$0x15];
	s21 =	simm.s32 $0x1A400  }
0x473: {  	[tilespmem:s21], [sflag:$0x5] =	stream.linear.gather [hbm4b:s20+s17], $0x2000, $0x38;
	[tilespmem:$0x1E400] =	vst v63  }
0x474: {  	_ =	swait.ge [sflag:s18], $0x8000  }
0x475: {  	[sflag:s18] =	ssyncset.done $0x0  }
0x476: {  	[sflag:s18] =	ssyncadd.s32 $0xFFFF8000  }
0x477: {  	s6 =	simm.s32 $0x0;
	_ =	swait.ge [sflag:s19], $0x2000  }
0x478: {  	s23 =	sand.u32 $0xFFFFFF80, s6;
	s9 =	sand.u32 $0x1C00, s17;
	[sflag:s19] =	ssyncset.done $0x0  }
0x479: {  	s21 =	sadd.s32 s9, s23;
	[sflag:s19] =	ssyncadd.s32 $0xFFFFE000  }
0x47a: {  	v4 =	vld [tilespmem:s21+$0x470]  }
0x47b: {  	v5 =	vld [tilespmem:s21+$0x400]  }
0x47c: {  	v3 =	vld [tilespmem:s21+$0x18470]  }
0x47d: {  	v7 =	vld [tilespmem:s21+$0x410]  }
0x47e: {  	v8 =	vld [tilespmem:s21+$0x420]  }
0x47f: {  	v9 =	vld [tilespmem:s21+$0x430]  }
0x480: {  	v10 =	vld [tilespmem:s21+$0x440]  }
0x481: {  	v11 =	vld [tilespmem:s21+$0x450]  }
0x482: {  	v13 =	vld [tilespmem:s21+$0x18400]  }
0x483: {  	v12 =	vld [tilespmem:s21+$0x460];
	v4 =	vmul.f32 $3.200000000e+01, v4  }
0x484: {  	v14 =	vld [tilespmem:s21+$0x18410]  }
0x485: {  	v15 =	vld [tilespmem:s21+$0x18420];
	v5 =	vmul.f32 $3.200000000e+01, v5;
	v4 =	vadd.f32 v4, v3  }
0x486: {  	s6 =	sand.u32 $0x3FFFFF80, s6;
	v16 =	vld [tilespmem:s21+$0x18430]  }
0x487: {  	s20 =	sadd.s32 s9, s6;
	v6 =	vld [tilespmem:s21+$0x18440];
	v17 =	vadd.f32 v5, v13;
	[tilespmem:s21+$0x470] =	vst v4  }
0x488: {  	v7 =	vmul.f32 $3.200000000e+01, v7;
	v4 =	vld [tilespmem:s20+$0x6470]  }
0x489: {  	v5 =	vld [tilespmem:s21+$0x18450];
	[tilespmem:s21+$0x400] =	vst v17  }
0x48a: {  	v8 =	vmul.f32 $3.200000000e+01, v8;
	v7 =	vadd.f32 v7, v14;
	v17 =	vld [tilespmem:s20+$0x2400]  }
0x48b: {  	v9 =	vmul.f32 $3.200000000e+01, v9;
	v19 =	vld [tilespmem:s20+$0x4400]  }
0x48c: {  	v8 =	vadd.f32 v8, v15;
	[tilespmem:s21+$0x410] =	vst v7;
	v7 =	vld [tilespmem:s20+$0x6400]  }
0x48d: {  	v10 =	vmul.f32 $3.200000000e+01, v10;
	v9 =	vadd.f32 v9, v16;
	v18 =	vmul.f32 $3.200000000e+01, v4;
	v4 =	vld [tilespmem:s21+$0x18460]  }
0x48e: {  	v11 =	vmul.f32 $3.200000000e+01, v11;
	[tilespmem:s21+$0x420] =	vst v8;
	v8 =	vld [tilespmem:s20+$0x4410]  }
0x48f: {  	v10 =	vadd.f32 v10, v6;
	[tilespmem:s21+$0x430] =	vst v9;
	v60 =	vld [tilespmem:s20+$0x2410];
	v9 =	vmul.f32 $3.200000000e+01, v17  }
0x490: {  	v12 =	vmul.f32 $3.200000000e+01, v12;
	v61 =	vld [tilespmem:s20+$0x2420];
	v11 =	vadd.f32 v11, v5  }
0x491: {  	[tilespmem:s21+$0x440] =	vst v10;
	v17 =	vld [tilespmem:s20+$0x6410];
	v7 =	vmul.f32 $3.200000000e+01, v7;
	v9 =	vadd.f32 v9, v13  }
0x492: {  	[tilespmem:s21+$0x450] =	vst v11;
	v11 =	vld [tilespmem:s20+$0x4420];
	v10 =	vmul.f32 $3.200000000e+01, v19;
	v12 =	vadd.f32 v12, v4  }
0x493: {  	v62 =	vld [tilespmem:s20+$0x6420];
	v8 =	vmul.f32 $3.200000000e+01, v8;
	v7 =	vadd.f32 v7, v13;
	[tilespmem:s20+$0x2400] =	vst v9  }
0x494: {  	v10 =	vadd.f32 v10, v13;
	[tilespmem:s21+$0x460] =	vst v12;
	v12 =	vmul.f32 $3.200000000e+01, v60  }
0x495: {  	v9 =	vld [tilespmem:s20+$0x2430];
	[tilespmem:s20+$0x6400] =	vst v7;
	v7 =	vadd.f32 v8, v14  }
0x496: {  	v13 =	vld [tilespmem:s20+$0x4430];
	[tilespmem:s20+$0x4400] =	vst v10;
	v8 =	vmul.f32 $3.200000000e+01, v61;
	v10 =	vadd.f32 v12, v14;
	v12 =	vmul.f32 $3.200000000e+01, v17  }
0x497: {  	v18 =	vadd.f32 v18, v3;
	v11 =	vmul.f32 $3.200000000e+01, v11;
	[tilespmem:s20+$0x4410] =	vst v7;
	v17 =	vld [tilespmem:s20+$0x6430]  }
0x498: {  	v7 =	vadd.f32 v8, v15;
	v8 =	vmul.f32 $3.200000000e+01, v62;
	[tilespmem:s20+$0x2410] =	vst v10;
	v10 =	vadd.f32 v12, v14;
	v12 =	vld [tilespmem:s20+$0x2440]  }
0x499: {  	v63 =	vld [tilespmem:s20+$0x4440];
	[tilespmem:s20+$0x6470] =	vst v18  }
0x49a: {  	[tilespmem:s20+$0x2420] =	vst v7;
	v7 =	vadd.f32 v8, v15;
	v9 =	vmul.f32 $3.200000000e+01, v9;
	v14 =	vadd.f32 v11, v15;
	v11 =	vld [tilespmem:s20+$0x6440]  }
0x49b: {  	v8 =	vmul.f32 $3.200000000e+01, v13;
	[tilespmem:s20+$0x6410] =	vst v10;
	v10 =	vld [tilespmem:s20+$0x2450]  }
0x49c: {  	[tilespmem:s20+$0x6420] =	vst v7;
	v13 =	vadd.f32 v9, v16;
	v9 =	vld [tilespmem:s20+$0x4450];
	v17 =	vmul.f32 $3.200000000e+01, v17  }
0x49d: {  	v7 =	vld [tilespmem:s20+$0x6450];
	[tilespmem:s20+$0x4420] =	vst v14;
	v14 =	vadd.f32 v8, v16;
	v15 =	vmul.f32 $3.200000000e+01, v12  }
0x49e: {  	s6 =	simm.s32 $0x0;
	[tilespmem:s20+$0x2430] =	vst v13;
	v13 =	vmul.f32 $3.200000000e+01, v63;
	v8 =	vld [tilespmem:s20+$0x2460];
	v12 =	vadd.f32 v17, v16  }
.LBB2_14:
0x49f: {  	s6 =	sadd.s32 $0x8, s6;
	[tilespmem:s20+$0x4430] =	vst v14;
	v14 =	vadd.f32 v15, v6;
	v11 =	vmul.f32 $3.200000000e+01, v11;
	v15 =	vld [tilespmem:s20+$0x4460]  }
0x4a0: {  	s17 =	sadd.s32 $0x400, s17;
	s21 =	sshll.u32 s6, $0x1;
	p0 =	slt.u32 s6, $0x1F8;
	[tilespmem:s20+$0x6430] =	vst v12;
	v12 =	vadd.f32 v13, v6;
	v10 =	vmul.f32 $3.200000000e+01, v10;
	v13 =	vld [tilespmem:s20+$0x6460]  }
0x4a1: {  	s23 =	sand.u32 $0x1C00, s17;
	s9 =	sand.u32 $0xFFFFFF80, s21;
	[tilespmem:s20+$0x2440] =	vst v14;
	v6 =	vadd.f32 v11, v6;
	v9 =	vmul.f32 $3.200000000e+01, v9;
	v11 =	vld [tilespmem:s20+$0x2470]  }
0x4a2: {  	s9 =	sadd.s32 s23, s9;
	[tilespmem:s20+$0x4440] =	vst v12;
	v10 =	vadd.f32 v10, v5;
	v7 =	vmul.f32 $3.200000000e+01, v7;
	v12 =	vld [tilespmem:s20+$0x4470]  }
0x4a3: {  	v14 =	vld [tilespmem:s9+$0x470];
	[tilespmem:s20+$0x6440] =	vst v6;
	v6 =	vadd.f32 v9, v5;
	v8 =	vmul.f32 $3.200000000e+01, v8  }
0x4a4: {  	v9 =	vld [tilespmem:s9+$0x400];
	[tilespmem:s20+$0x2450] =	vst v10;
	v5 =	vadd.f32 v7, v5;
	v7 =	vmul.f32 $3.200000000e+01, v15  }
0x4a5: {  	v10 =	vld [tilespmem:s9+$0x18470];
	[tilespmem:s20+$0x4450] =	vst v6;
	v6 =	vadd.f32 v8, v4;
	v8 =	vmul.f32 $3.200000000e+01, v13  }
0x4a6: {  	v13 =	vld [tilespmem:s9+$0x410];
	[tilespmem:s20+$0x6450] =	vst v5;
	v5 =	vadd.f32 v7, v4;
	v7 =	vmul.f32 $3.200000000e+01, v11  }
0x4a7: {  	v11 =	vld [tilespmem:s9+$0x420];
	[tilespmem:s20+$0x2460] =	vst v6;
	v4 =	vadd.f32 v8, v4;
	v6 =	vmul.f32 $3.200000000e+01, v12  }
0x4a8: {  	v8 =	vld [tilespmem:s9+$0x430];
	v12 =	vmul.f32 $3.200000000e+01, v14;
	[tilespmem:s20+$0x4460] =	vst v5;
	v5 =	vadd.f32 v7, v3  }
0x4a9: {  	v7 =	vmul.f32 $3.200000000e+01, v9;
	v9 =	vld [tilespmem:s9+$0x440];
	[tilespmem:s20+$0x6460] =	vst v4;
	v4 =	vadd.f32 v6, v3  }
0x4aa: {  	v6 =	vld [tilespmem:s9+$0x450];
	v12 =	vadd.f32 v12, v10;
	[tilespmem:s20+$0x2470] =	vst v5;
	v3 =	vmov v10  }
0x4ab: {  	s21 =	sand.u32 $0x3FFFFF80, s21;
	v10 =	vmul.f32 $3.200000000e+01, v13;
	v5 =	vld [tilespmem:s9+$0x460];
	[tilespmem:s20+$0x4470] =	vst v4  }
0x4ac: {  	s20 =	sadd.s32 s23, s21;
	v13 =	vld [tilespmem:s9+$0x18400];
	v11 =	vmul.f32 $3.200000000e+01, v11;
	[tilespmem:s9+$0x470] =	vst v12  }
0x4ad: {  	v8 =	vmul.f32 $3.200000000e+01, v8;
	v4 =	vld [tilespmem:s20+$0x6470]  }
0x4ae: {  	v12 =	vld [tilespmem:s9+$0x18410];
	v9 =	vmul.f32 $3.200000000e+01, v9  }
0x4af: {  	v14 =	vld [tilespmem:s9+$0x18420];
	v15 =	vmul.f32 $3.200000000e+01, v6  }
0x4b0: {  	v16 =	vld [tilespmem:s9+$0x18430];
	v17 =	vmul.f32 $3.200000000e+01, v5  }
0x4b1: {  	v7 =	vadd.f32 v7, v13;
	v6 =	vld [tilespmem:s9+$0x18440]  }
0x4b2: {  	v5 =	vld [tilespmem:s9+$0x18450];
	v18 =	vmul.f32 $3.200000000e+01, v4  }
0x4b3: {  	[tilespmem:s9+$0x400] =	vst v7;
	v7 =	vadd.f32 v10, v12;
	v4 =	vld [tilespmem:s9+$0x18460]  }
0x4b4: {  	v10 =	vld [tilespmem:s20+$0x2400];
	v11 =	vadd.f32 v11, v14;
	v18 =	vadd.f32 v18, v3  }
0x4b5: {  	v19 =	vld [tilespmem:s20+$0x4400];
	[tilespmem:s9+$0x410] =	vst v7;
	v7 =	vadd.f32 v8, v16  }
0x4b6: {  	v8 =	vld [tilespmem:s20+$0x6400];
	v9 =	vadd.f32 v9, v6;
	[tilespmem:s20+$0x6470] =	vst v18  }
0x4b7: {  	v18 =	vld [tilespmem:s20+$0x2410];
	[tilespmem:s9+$0x420] =	vst v11;
	v11 =	vadd.f32 v15, v5  }
0x4b8: {  	v15 =	vld [tilespmem:s20+$0x4410];
	[tilespmem:s9+$0x430] =	vst v7;
	v7 =	vadd.f32 v17, v4  }
0x4b9: {  	v10 =	vmul.f32 $3.200000000e+01, v10;
	v17 =	vld [tilespmem:s20+$0x6410];
	[tilespmem:s9+$0x440] =	vst v9  }
0x4ba: {  	v9 =	vmul.f32 $3.200000000e+01, v19;
	v19 =	vld [tilespmem:s20+$0x2420];
	[tilespmem:s9+$0x450] =	vst v11  }
0x4bb: {  	v10 =	vadd.f32 v10, v13;
	v8 =	vmul.f32 $3.200000000e+01, v8;
	v11 =	vld [tilespmem:s20+$0x4420];
	[tilespmem:s9+$0x460] =	vst v7  }
0x4bc: {  	v7 =	vadd.f32 v9, v13;
	v9 =	vmul.f32 $3.200000000e+01, v18;
	v18 =	vld [tilespmem:s20+$0x6420]  }
0x4bd: {  	[tilespmem:s20+$0x2400] =	vst v10;
	v8 =	vadd.f32 v8, v13;
	v10 =	vmul.f32 $3.200000000e+01, v15;
	v13 =	vld [tilespmem:s20+$0x2430]  }
0x4be: {  	[tilespmem:s20+$0x4400] =	vst v7;
	v7 =	vadd.f32 v9, v12;
	v9 =	vmul.f32 $3.200000000e+01, v17;
	v15 =	vld [tilespmem:s20+$0x4430]  }
0x4bf: {  	[tilespmem:s20+$0x6400] =	vst v8;
	v8 =	vadd.f32 v10, v12;
	v10 =	vmul.f32 $3.200000000e+01, v19;
	v17 =	vld [tilespmem:s20+$0x6430]  }
0x4c0: {  	[tilespmem:s20+$0x2410] =	vst v7;
	v7 =	vadd.f32 v9, v12;
	v9 =	vmul.f32 $3.200000000e+01, v11;
	v12 =	vld [tilespmem:s20+$0x2440]  }
0x4c1: {  	[tilespmem:s20+$0x4410] =	vst v8;
	v8 =	vadd.f32 v10, v14;
	v10 =	vmul.f32 $3.200000000e+01, v18;
	v18 =	vld [tilespmem:s20+$0x4440]  }
.Ltmp6:
0x4c2: {  	[tilespmem:s20+$0x6410] =	vst v7;
	v7 =	vadd.f32 v9, v14;
	v9 =	vmul.f32 $3.200000000e+01, v13;
	v11 =	vld [tilespmem:s20+$0x6440];
	(pc) =	sbr.rel @p0 .LBB2_14-.Ltmp6, $4  }
0x4c3: {  	[tilespmem:s20+$0x2420] =	vst v8;
	v8 =	vadd.f32 v10, v14;
	v13 =	vmul.f32 $3.200000000e+01, v15;
	v10 =	vld [tilespmem:s20+$0x2450]  }
0x4c4: {  	[tilespmem:s20+$0x4420] =	vst v7;
	v19 =	vadd.f32 v9, v16;
	v17 =	vmul.f32 $3.200000000e+01, v17;
	v9 =	vld [tilespmem:s20+$0x4450]  }
0x4c5: {  	[tilespmem:s20+$0x6420] =	vst v8;
	v14 =	vadd.f32 v13, v16;
	v15 =	vmul.f32 $3.200000000e+01, v12;
	v7 =	vld [tilespmem:s20+$0x6450]  }
0x4c6: {  	[tilespmem:s20+$0x2430] =	vst v19;
	v12 =	vadd.f32 v17, v16;
	v13 =	vmul.f32 $3.200000000e+01, v18;
	v8 =	vld [tilespmem:s20+$0x2460]  }
0x4c7: {  	[tilespmem:s20+$0x4430] =	vst v14;
	v14 =	vadd.f32 v15, v6;
	v11 =	vmul.f32 $3.200000000e+01, v11;
	v15 =	vld [tilespmem:s20+$0x4460]  }
0x4c8: {  	[tilespmem:s20+$0x6430] =	vst v12;
	v12 =	vadd.f32 v13, v6;
	v10 =	vmul.f32 $3.200000000e+01, v10;
	v13 =	vld [tilespmem:s20+$0x6460]  }
0x4c9: {  	[tilespmem:s20+$0x2440] =	vst v14;
	v6 =	vadd.f32 v11, v6;
	v9 =	vmul.f32 $3.200000000e+01, v9;
	v11 =	vld [tilespmem:s20+$0x2470]  }
0x4ca: {  	[tilespmem:s20+$0x4440] =	vst v12;
	v10 =	vadd.f32 v10, v5;
	v7 =	vmul.f32 $3.200000000e+01, v7;
	v12 =	vld [tilespmem:s20+$0x4470]  }
0x4cb: {  	[tilespmem:s20+$0x6440] =	vst v6;
	v6 =	vadd.f32 v9, v5;
	v8 =	vmul.f32 $3.200000000e+01, v8  }
0x4cc: {  	[tilespmem:s20+$0x2450] =	vst v10;
	v5 =	vadd.f32 v7, v5;
	v7 =	vmul.f32 $3.200000000e+01, v15  }
0x4cd: {  	[tilespmem:s20+$0x4450] =	vst v6;
	v6 =	vadd.f32 v8, v4;
	v8 =	vmul.f32 $3.200000000e+01, v13  }
0x4ce: {  	[tilespmem:s20+$0x6450] =	vst v5;
	v5 =	vadd.f32 v7, v4;
	v7 =	vmul.f32 $3.200000000e+01, v11  }
0x4cf: {  	[tilespmem:s20+$0x2460] =	vst v6;
	v4 =	vadd.f32 v8, v4;
	v6 =	vmul.f32 $3.200000000e+01, v12  }
0x4d0: {  	[tilespmem:s20+$0x4460] =	vst v5;
	v5 =	vadd.f32 v7, v3  }
0x4d1: {  	[tilespmem:s20+$0x6460] =	vst v4;
	v3 =	vadd.f32 v6, v3  }
0x4d2: {  	[tilespmem:s20+$0x2470] =	vst v5  }
0x4d3: {  	[tilespmem:s20+$0x4470] =	vst v3  }
0x4d4: {  	s6 =	rddreg [dreg:$0x16]  }
0x4d5: {  	s20 =	simm.s32 $0x0;
	s9 =	sld [smem:$0x7F8]  }
0x4d6: {  	[hbm4b:s6+s20] =	stream.linear.scatter [tilespmem:s2], [sflag:$0x7], $0x2000, $0x38;
	[tilespmem:$0x1E400] =	vst v63  }
0x4d7: {  	s17 =	sld [smem:$0x7F9]  }
0x4d8: {  	[hbm4b:s9+s20] =	stream.linear.scatter [tilespmem:s7], [sflag:$0x7], $0x2000, $0x38;
	[tilespmem:$0x1E400] =	vst v63  }
0x4d9: {  	s21 =	sld [smem:$0x7FA]  }
0x4da: {  	[hbm4b:s17+s20] =	stream.linear.scatter [tilespmem:s12], [sflag:$0x7], $0x2000, $0x38;
	[tilespmem:$0x1E400] =	vst v63  }
0x4db: {  	_ = 	snop  }
0x4dc: {  	[hbm4b:s21+s20] =	stream.linear.scatter [tilespmem:s16], [sflag:$0x7], $0x2000, $0x38;
	[tilespmem:$0x1E400] =	vst v63  }
0x4dd: {  	_ =	swait.ge [sflag:s28], $0x8000  }
0x4de: {  	[sflag:s28] =	ssyncset.done $0x0  }
0x4df: {  	[sflag:s28] =	ssyncadd.s32 $0xFFFF8000  }
0x4e0: {  	s23 =	simm.s32 $0x0;
	_ =	swait.ge [sflag:s29], $0x2000  }
0x4e1: {  	s9 =	sand.u32 $0x1C00, s20;
	s17 =	sand.u32 $0xFFFFFF80, s23;
	[sflag:s29] =	ssyncset.done $0x0  }
0x4e2: {  	s21 =	sadd.s32 s9, s17;
	[sflag:s29] =	ssyncadd.s32 $0xFFFFE000  }
0x4e3: {  	v4 =	vld [tilespmem:s21+$0x8470]  }
0x4e4: {  	v5 =	vld [tilespmem:s21+$0x8400]  }
0x4e5: {  	v3 =	vld [tilespmem:s21+$0x1A470]  }
0x4e6: {  	v7 =	vld [tilespmem:s21+$0x8410]  }
0x4e7: {  	v8 =	vld [tilespmem:s21+$0x8420]  }
0x4e8: {  	v9 =	vld [tilespmem:s21+$0x8430]  }
0x4e9: {  	v10 =	vld [tilespmem:s21+$0x8440]  }
0x4ea: {  	v11 =	vld [tilespmem:s21+$0x8450]  }
0x4eb: {  	v13 =	vld [tilespmem:s21+$0x1A400]  }
0x4ec: {  	v12 =	vld [tilespmem:s21+$0x8460];
	v4 =	vmul.f32 $3.200000000e+01, v4  }
0x4ed: {  	v14 =	vld [tilespmem:s21+$0x1A410]  }
0x4ee: {  	v15 =	vld [tilespmem:s21+$0x1A420];
	v5 =	vmul.f32 $3.200000000e+01, v5;
	v4 =	vadd.f32 v4, v3  }
0x4ef: {  	s6 =	sand.u32 $0x3FFFFF80, s23;
	v16 =	vld [tilespmem:s21+$0x1A430]  }
0x4f0: {  	s17 =	sadd.s32 s9, s6;
	v6 =	vld [tilespmem:s21+$0x1A440];
	v17 =	vadd.f32 v5, v13;
	[tilespmem:s21+$0x8470] =	vst v4  }
0x4f1: {  	v7 =	vmul.f32 $3.200000000e+01, v7;
	v4 =	vld [tilespmem:s17+$0xE470]  }
0x4f2: {  	v5 =	vld [tilespmem:s21+$0x1A450];
	[tilespmem:s21+$0x8400] =	vst v17  }
0x4f3: {  	v8 =	vmul.f32 $3.200000000e+01, v8;
	v7 =	vadd.f32 v7, v14;
	v17 =	vld [tilespmem:s17+$0xA400]  }
0x4f4: {  	v9 =	vmul.f32 $3.200000000e+01, v9;
	v19 =	vld [tilespmem:s17+$0xC400]  }
0x4f5: {  	v8 =	vadd.f32 v8, v15;
	[tilespmem:s21+$0x8410] =	vst v7;
	v7 =	vld [tilespmem:s17+$0xE400]  }
0x4f6: {  	v10 =	vmul.f32 $3.200000000e+01, v10;
	v9 =	vadd.f32 v9, v16;
	v18 =	vmul.f32 $3.200000000e+01, v4;
	v4 =	vld [tilespmem:s21+$0x1A460]  }
0x4f7: {  	v11 =	vmul.f32 $3.200000000e+01, v11;
	[tilespmem:s21+$0x8420] =	vst v8;
	v8 =	vld [tilespmem:s17+$0xC410]  }
0x4f8: {  	v10 =	vadd.f32 v10, v6;
	[tilespmem:s21+$0x8430] =	vst v9;
	v60 =	vld [tilespmem:s17+$0xA410];
	v9 =	vmul.f32 $3.200000000e+01, v17  }
0x4f9: {  	v12 =	vmul.f32 $3.200000000e+01, v12;
	v61 =	vld [tilespmem:s17+$0xA420];
	v11 =	vadd.f32 v11, v5  }
0x4fa: {  	[tilespmem:s21+$0x8440] =	vst v10;
	v17 =	vld [tilespmem:s17+$0xE410];
	v7 =	vmul.f32 $3.200000000e+01, v7;
	v9 =	vadd.f32 v9, v13  }
0x4fb: {  	[tilespmem:s21+$0x8450] =	vst v11;
	v11 =	vld [tilespmem:s17+$0xC420];
	v10 =	vmul.f32 $3.200000000e+01, v19;
	v12 =	vadd.f32 v12, v4  }
0x4fc: {  	v62 =	vld [tilespmem:s17+$0xE420];
	v8 =	vmul.f32 $3.200000000e+01, v8;
	v7 =	vadd.f32 v7, v13;
	[tilespmem:s17+$0xA400] =	vst v9  }
0x4fd: {  	v10 =	vadd.f32 v10, v13;
	[tilespmem:s21+$0x8460] =	vst v12;
	v12 =	vmul.f32 $3.200000000e+01, v60  }
0x4fe: {  	v9 =	vld [tilespmem:s17+$0xA430];
	[tilespmem:s17+$0xE400] =	vst v7;
	v7 =	vadd.f32 v8, v14  }
0x4ff: {  	v13 =	vld [tilespmem:s17+$0xC430];
	[tilespmem:s17+$0xC400] =	vst v10;
	v8 =	vmul.f32 $3.200000000e+01, v61;
	v10 =	vadd.f32 v12, v14;
	v12 =	vmul.f32 $3.200000000e+01, v17  }
0x500: {  	v18 =	vadd.f32 v18, v3;
	v11 =	vmul.f32 $3.200000000e+01, v11;
	[tilespmem:s17+$0xC410] =	vst v7;
	v17 =	vld [tilespmem:s17+$0xE430]  }
0x501: {  	v7 =	vadd.f32 v8, v15;
	v8 =	vmul.f32 $3.200000000e+01, v62;
	[tilespmem:s17+$0xA410] =	vst v10;
	v10 =	vadd.f32 v12, v14;
	v12 =	vld [tilespmem:s17+$0xA440]  }
0x502: {  	v63 =	vld [tilespmem:s17+$0xC440];
	[tilespmem:s17+$0xE470] =	vst v18  }
0x503: {  	[tilespmem:s17+$0xA420] =	vst v7;
	v7 =	vadd.f32 v8, v15;
	v9 =	vmul.f32 $3.200000000e+01, v9;
	v14 =	vadd.f32 v11, v15;
	v11 =	vld [tilespmem:s17+$0xE440]  }
0x504: {  	v8 =	vmul.f32 $3.200000000e+01, v13;
	[tilespmem:s17+$0xE410] =	vst v10;
	v10 =	vld [tilespmem:s17+$0xA450]  }
0x505: {  	[tilespmem:s17+$0xE420] =	vst v7;
	v13 =	vadd.f32 v9, v16;
	v9 =	vld [tilespmem:s17+$0xC450];
	v17 =	vmul.f32 $3.200000000e+01, v17  }
0x506: {  	v7 =	vld [tilespmem:s17+$0xE450];
	[tilespmem:s17+$0xC420] =	vst v14;
	v14 =	vadd.f32 v8, v16;
	v15 =	vmul.f32 $3.200000000e+01, v12  }
0x507: {  	s6 =	simm.s32 $0x0;
	[tilespmem:s17+$0xA430] =	vst v13;
	v13 =	vmul.f32 $3.200000000e+01, v63;
	v8 =	vld [tilespmem:s17+$0xA460];
	v12 =	vadd.f32 v17, v16  }
.LBB2_16:
0x508: {  	s6 =	sadd.s32 $0x8, s6;
	[tilespmem:s17+$0xC430] =	vst v14;
	v14 =	vadd.f32 v15, v6;
	v11 =	vmul.f32 $3.200000000e+01, v11;
	v15 =	vld [tilespmem:s17+$0xC460]  }
0x509: {  	s20 =	sadd.s32 $0x400, s20;
	s21 =	sshll.u32 s6, $0x1;
	p0 =	slt.u32 s6, $0x1F8;
	[tilespmem:s17+$0xE430] =	vst v12;
	v12 =	vadd.f32 v13, v6;
	v10 =	vmul.f32 $3.200000000e+01, v10;
	v13 =	vld [tilespmem:s17+$0xE460]  }
0x50a: {  	s23 =	sand.u32 $0x1C00, s20;
	s9 =	sand.u32 $0xFFFFFF80, s21;
	[tilespmem:s17+$0xA440] =	vst v14;
	v6 =	vadd.f32 v11, v6;
	v9 =	vmul.f32 $3.200000000e+01, v9;
	v11 =	vld [tilespmem:s17+$0xA470]  }
0x50b: {  	s9 =	sadd.s32 s23, s9;
	[tilespmem:s17+$0xC440] =	vst v12;
	v10 =	vadd.f32 v10, v5;
	v7 =	vmul.f32 $3.200000000e+01, v7;
	v12 =	vld [tilespmem:s17+$0xC470]  }
0x50c: {  	v14 =	vld [tilespmem:s9+$0x8470];
	[tilespmem:s17+$0xE440] =	vst v6;
	v6 =	vadd.f32 v9, v5;
	v8 =	vmul.f32 $3.200000000e+01, v8  }
0x50d: {  	v9 =	vld [tilespmem:s9+$0x8400];
	[tilespmem:s17+$0xA450] =	vst v10;
	v5 =	vadd.f32 v7, v5;
	v7 =	vmul.f32 $3.200000000e+01, v15  }
0x50e: {  	v10 =	vld [tilespmem:s9+$0x1A470];
	[tilespmem:s17+$0xC450] =	vst v6;
	v6 =	vadd.f32 v8, v4;
	v8 =	vmul.f32 $3.200000000e+01, v13  }
0x50f: {  	v13 =	vld [tilespmem:s9+$0x8410];
	[tilespmem:s17+$0xE450] =	vst v5;
	v5 =	vadd.f32 v7, v4;
	v7 =	vmul.f32 $3.200000000e+01, v11  }
0x510: {  	v11 =	vld [tilespmem:s9+$0x8420];
	[tilespmem:s17+$0xA460] =	vst v6;
	v4 =	vadd.f32 v8, v4;
	v6 =	vmul.f32 $3.200000000e+01, v12  }
0x511: {  	v8 =	vld [tilespmem:s9+$0x8430];
	v12 =	vmul.f32 $3.200000000e+01, v14;
	[tilespmem:s17+$0xC460] =	vst v5;
	v5 =	vadd.f32 v7, v3  }
0x512: {  	v7 =	vmul.f32 $3.200000000e+01, v9;
	v9 =	vld [tilespmem:s9+$0x8440];
	[tilespmem:s17+$0xE460] =	vst v4;
	v4 =	vadd.f32 v6, v3  }
0x513: {  	v6 =	vld [tilespmem:s9+$0x8450];
	v12 =	vadd.f32 v12, v10;
	[tilespmem:s17+$0xA470] =	vst v5;
	v3 =	vmov v10  }
0x514: {  	s21 =	sand.u32 $0x3FFFFF80, s21;
	v10 =	vmul.f32 $3.200000000e+01, v13;
	v5 =	vld [tilespmem:s9+$0x8460];
	[tilespmem:s17+$0xC470] =	vst v4  }
0x515: {  	s17 =	sadd.s32 s23, s21;
	v13 =	vld [tilespmem:s9+$0x1A400];
	v11 =	vmul.f32 $3.200000000e+01, v11;
	[tilespmem:s9+$0x8470] =	vst v12  }
0x516: {  	v8 =	vmul.f32 $3.200000000e+01, v8;
	v4 =	vld [tilespmem:s17+$0xE470]  }
0x517: {  	v12 =	vld [tilespmem:s9+$0x1A410];
	v9 =	vmul.f32 $3.200000000e+01, v9  }
0x518: {  	v14 =	vld [tilespmem:s9+$0x1A420];
	v15 =	vmul.f32 $3.200000000e+01, v6  }
0x519: {  	v16 =	vld [tilespmem:s9+$0x1A430];
	v17 =	vmul.f32 $3.200000000e+01, v5  }
0x51a: {  	v7 =	vadd.f32 v7, v13;
	v6 =	vld [tilespmem:s9+$0x1A440]  }
0x51b: {  	v5 =	vld [tilespmem:s9+$0x1A450];
	v18 =	vmul.f32 $3.200000000e+01, v4  }
0x51c: {  	[tilespmem:s9+$0x8400] =	vst v7;
	v7 =	vadd.f32 v10, v12;
	v4 =	vld [tilespmem:s9+$0x1A460]  }
0x51d: {  	v10 =	vld [tilespmem:s17+$0xA400];
	v11 =	vadd.f32 v11, v14;
	v18 =	vadd.f32 v18, v3  }
0x51e: {  	v19 =	vld [tilespmem:s17+$0xC400];
	[tilespmem:s9+$0x8410] =	vst v7;
	v7 =	vadd.f32 v8, v16  }
0x51f: {  	v8 =	vld [tilespmem:s17+$0xE400];
	v9 =	vadd.f32 v9, v6;
	[tilespmem:s17+$0xE470] =	vst v18  }
0x520: {  	v18 =	vld [tilespmem:s17+$0xA410];
	[tilespmem:s9+$0x8420] =	vst v11;
	v11 =	vadd.f32 v15, v5  }
0x521: {  	v15 =	vld [tilespmem:s17+$0xC410];
	[tilespmem:s9+$0x8430] =	vst v7;
	v7 =	vadd.f32 v17, v4  }
0x522: {  	v10 =	vmul.f32 $3.200000000e+01, v10;
	v17 =	vld [tilespmem:s17+$0xE410];
	[tilespmem:s9+$0x8440] =	vst v9  }
0x523: {  	v9 =	vmul.f32 $3.200000000e+01, v19;
	v19 =	vld [tilespmem:s17+$0xA420];
	[tilespmem:s9+$0x8450] =	vst v11  }
0x524: {  	v10 =	vadd.f32 v10, v13;
	v8 =	vmul.f32 $3.200000000e+01, v8;
	v11 =	vld [tilespmem:s17+$0xC420];
	[tilespmem:s9+$0x8460] =	vst v7  }
0x525: {  	v7 =	vadd.f32 v9, v13;
	v9 =	vmul.f32 $3.200000000e+01, v18;
	v18 =	vld [tilespmem:s17+$0xE420]  }
0x526: {  	[tilespmem:s17+$0xA400] =	vst v10;
	v8 =	vadd.f32 v8, v13;
	v10 =	vmul.f32 $3.200000000e+01, v15;
	v13 =	vld [tilespmem:s17+$0xA430]  }
0x527: {  	[tilespmem:s17+$0xC400] =	vst v7;
	v7 =	vadd.f32 v9, v12;
	v9 =	vmul.f32 $3.200000000e+01, v17;
	v15 =	vld [tilespmem:s17+$0xC430]  }
0x528: {  	[tilespmem:s17+$0xE400] =	vst v8;
	v8 =	vadd.f32 v10, v12;
	v10 =	vmul.f32 $3.200000000e+01, v19;
	v17 =	vld [tilespmem:s17+$0xE430]  }
0x529: {  	[tilespmem:s17+$0xA410] =	vst v7;
	v7 =	vadd.f32 v9, v12;
	v9 =	vmul.f32 $3.200000000e+01, v11;
	v12 =	vld [tilespmem:s17+$0xA440]  }
0x52a: {  	[tilespmem:s17+$0xC410] =	vst v8;
	v8 =	vadd.f32 v10, v14;
	v10 =	vmul.f32 $3.200000000e+01, v18;
	v18 =	vld [tilespmem:s17+$0xC440]  }
.Ltmp7:
0x52b: {  	[tilespmem:s17+$0xE410] =	vst v7;
	v7 =	vadd.f32 v9, v14;
	v9 =	vmul.f32 $3.200000000e+01, v13;
	v11 =	vld [tilespmem:s17+$0xE440];
	(pc) =	sbr.rel @p0 .LBB2_16-.Ltmp7, $4  }
0x52c: {  	[tilespmem:s17+$0xA420] =	vst v8;
	v8 =	vadd.f32 v10, v14;
	v13 =	vmul.f32 $3.200000000e+01, v15;
	v10 =	vld [tilespmem:s17+$0xA450]  }
0x52d: {  	[tilespmem:s17+$0xC420] =	vst v7;
	v19 =	vadd.f32 v9, v16;
	v17 =	vmul.f32 $3.200000000e+01, v17;
	v9 =	vld [tilespmem:s17+$0xC450]  }
0x52e: {  	[tilespmem:s17+$0xE420] =	vst v8;
	v14 =	vadd.f32 v13, v16;
	v15 =	vmul.f32 $3.200000000e+01, v12;
	v7 =	vld [tilespmem:s17+$0xE450]  }
0x52f: {  	[tilespmem:s17+$0xA430] =	vst v19;
	v12 =	vadd.f32 v17, v16;
	v13 =	vmul.f32 $3.200000000e+01, v18;
	v8 =	vld [tilespmem:s17+$0xA460]  }
0x530: {  	[tilespmem:s17+$0xC430] =	vst v14;
	v47 =	vadd.f32 v15, v6;
	v11 =	vmul.f32 $3.200000000e+01, v11;
	v48 =	vld [tilespmem:s17+$0xC460]  }
0x531: {  	v50 =	vld [tilespmem:s17+$0xE460];
	[tilespmem:s17+$0xE430] =	vst v12;
	v49 =	vadd.f32 v13, v6;
	v10 =	vmul.f32 $3.200000000e+01, v10  }
0x532: {  	v52 =	vld [tilespmem:s17+$0xA470];
	[tilespmem:s17+$0xA440] =	vst v47;
	v51 =	vadd.f32 v11, v6;
	v9 =	vmul.f32 $3.200000000e+01, v9  }
0x533: {  	v53 =	vld [tilespmem:s17+$0xC470];
	[tilespmem:s17+$0xC440] =	vst v49;
	v10 =	vadd.f32 v10, v5;
	v7 =	vmul.f32 $3.200000000e+01, v7  }
0x534: {  	[tilespmem:s17+$0xE440] =	vst v51;
	v54 =	vadd.f32 v9, v5;
	v8 =	vmul.f32 $3.200000000e+01, v8  }
0x535: {  	[tilespmem:s17+$0xA450] =	vst v10;
	v55 =	vadd.f32 v7, v5;
	v56 =	vmul.f32 $3.200000000e+01, v48  }
0x536: {  	v58 =	vmul.f32 $3.200000000e+01, v50;
	[tilespmem:s17+$0xC450] =	vst v54;
	v57 =	vadd.f32 v8, v4  }
0x537: {  	v60 =	vmul.f32 $3.200000000e+01, v52;
	[tilespmem:s17+$0xE450] =	vst v55;
	v59 =	vadd.f32 v56, v4  }
0x538: {  	v62 =	vmul.f32 $3.200000000e+01, v53;
	v61 =	vadd.f32 v58, v4;
	[tilespmem:s17+$0xA460] =	vst v57  }
0x539: {  	v63 =	vadd.f32 v60, v3;
	[tilespmem:s17+$0xC460] =	vst v59  }
0x53a: {  	v3 =	vadd.f32 v62, v3;
	[tilespmem:s17+$0xE460] =	vst v61  }
0x53b: {  	[tilespmem:s17+$0xA470] =	vst v63  }
0x53c: {  	[tilespmem:s17+$0xC470] =	vst v3  }
0x53d: {  	s6 =	rddreg [dreg:$0x17]  }
0x53e: {  	s17 =	sld [smem:$0x7FB]  }
0x53f: {  	[hbm4b:s6+s3] =	stream.linear.scatter [tilespmem:s22], [sflag:$0x8], $0x2000, $0x38;
	[tilespmem:$0x1E400] =	vst v63  }
0x540: {  	s20 =	sld [smem:$0x7FC]  }
0x541: {  	[hbm4b:s17+s3] =	stream.linear.scatter [tilespmem:s26], [sflag:$0x8], $0x2000, $0x38;
	[tilespmem:$0x1E400] =	vst v63  }
0x542: {  	s21 =	sld [smem:$0x7FD]  }
0x543: {  	[hbm4b:s20+s3] =	stream.linear.scatter [tilespmem:s5], [sflag:$0x8], $0x2000, $0x38;
	[tilespmem:$0x1E400] =	vst v63  }
0x544: {  	_ = 	snop  }
0x545: {  	[hbm4b:s21+s3] =	stream.linear.scatter [tilespmem:s11], [sflag:$0x8], $0x2000, $0x38;
	[tilespmem:$0x1E400] =	vst v63  }
0x546: {  	_ =	swait.ge [sflag:s15], $0x2000  }
0x547: {  	[sflag:s15] =	ssyncset.done $0x0  }
0x548: {  	[sflag:s15] =	ssyncadd.s32 $0xFFFFE000  }
0x549: {  	_ =	swait.ge [sflag:s15], $0x2000  }
0x54a: {  	[sflag:s15] =	ssyncset.done $0x0  }
0x54b: {  	[sflag:s15] =	ssyncadd.s32 $0xFFFFE000  }
0x54c: {  	_ =	swait.ge [sflag:s15], $0x2000  }
0x54d: {  	[sflag:s15] =	ssyncset.done $0x0  }
0x54e: {  	[sflag:s15] =	ssyncadd.s32 $0xFFFFE000  }
0x54f: {  	_ =	swait.ge [sflag:s15], $0x2000  }
0x550: {  	[sflag:s15] =	ssyncset.done $0x0  }
0x551: {  	[sflag:s15] =	ssyncadd.s32 $0xFFFFE000  }
0x552: {  	_ =	swait.ge [sflag:s4], $0x2000  }
0x553: {  	[sflag:s4] =	ssyncset.done $0x0  }
0x554: {  	[sflag:s4] =	ssyncadd.s32 $0xFFFFE000  }
0x555: {  	_ =	swait.ge [sflag:s4], $0x2000  }
0x556: {  	[sflag:s4] =	ssyncset.done $0x0  }
0x557: {  	[sflag:s4] =	ssyncadd.s32 $0xFFFFE000  }
0x558: {  	_ =	swait.ge [sflag:s4], $0x2000  }
0x559: {  	[sflag:s4] =	ssyncset.done $0x0  }
0x55a: {  	[sflag:s4] =	ssyncadd.s32 $0xFFFFE000  }
0x55b: {  	_ =	swait.ge [sflag:s4], $0x2000  }
0x55c: {  	[sflag:s4] =	ssyncset.done $0x0  }
0x55d: {  	[sflag:s4] =	ssyncadd.s32 $0xFFFFE000  }
0x55e: {  	_ =	swait.ge [sflag:s13], $0x2000  }
0x55f: {  	[sflag:s13] =	ssyncset.done $0x0  }
0x560: {  	[sflag:s13] =	ssyncadd.s32 $0xFFFFE000  }
0x561: {  	_ =	swait.ge [sflag:s13], $0x2000  }
0x562: {  	[sflag:s13] =	ssyncset.done $0x0  }
0x563: {  	[sflag:s13] =	ssyncadd.s32 $0xFFFFE000  }
0x564: {  	_ =	swait.ge [sflag:s13], $0x2000  }
0x565: {  	[sflag:s13] =	ssyncset.done $0x0  }
0x566: {  	[sflag:s13] =	ssyncadd.s32 $0xFFFFE000  }
0x567: {  	_ =	swait.ge [sflag:s13], $0x2000  }
0x568: {  	s14 =	sadd.s32 $0x1, s14;
	s23 =	rddreg [dreg:$0x1d]  }
0x569: {  	p0 =	sne.s32 s14, s23  }
.Ltmp8:
0x56a: {  	_ = 	snop;
	(pc) =	sbr.rel @p0 .LBB2_1-.Ltmp8, $3  }
0x56b: {  	_ =	sdelay $0x1  }
0x56c: {  	[sflag:s13] =	ssyncset.done $0x0  }
0x56d: {  	[sflag:s13] =	ssyncadd.s32 $0xFFFFE000  }
0x56e: {  	_ =	sfence.sel $0x180000  }
0x56f: {  	[bflag:$0x0] =	sbarrier.arrive $0xFFFF  }
0x570: {  	_ =	strace $0x90000047  }
0x571: {  	s0 =	stileid.u32;
	[bflag:$0x2] =	sbarrier.arrive $0xFFFF  }
0x572: {  	p0 =	sne.s32 s0, $0x0;
	s0 =	rddreg [dreg:$0x4]  }
0x573: {  	s0 =	sadd.s32 @!p0 $0x100000, s0  }
0x574: {  	[sflag:s0] =	ssyncadd.tile.s32 @!p0 $0x1;
	_ =	shalt  }
.Lfunc_end2:
_tile_overlayer_lowered:
.L_overlay_start_2:
0x575: {  	(tag) =	ssettag $0x2  }
0x576: {  	s0 =	rddreg [dreg:$0x0];
	s2 =	stileid.u32  }
0x577: {  	s1 =	rddreg [dreg:$0x1];
	p0 =	sne.s32 s2, $0x0  }
0x578: {  	s3 =	rddreg [dreg:$0x2];
	[bflag:$0x3] =	sbarrier.arrive $0xFFFF;
	s2 =	simm.s32 @!p0 $0x1C12  }
0x579: {  	[timem:s3], [sflag:s2] =	dma.local @!p0 [hbm:s0], s1  }
0x57a: {  	s0 =	simm.s32 @!p0 $0x12  }
0x57b: {  	_ =	swait.ge @!p0 [sflag:s0], s1  }
0x57c: {  	s1 =	ssub.s32 @!p0 $0x0, s1;
	[sflag:s0] =	ssyncset.done @!p0 $0x0  }
0x57d: {  	[sflag:s0] =	ssyncadd.s32 @!p0 s1  }
0x57e: {  	[bflag:$0x3] =	sbarrier.arrive $0xFFFF  }
0x57f: {  	_ =	shalt  }

</sc_bundles>
